<compile_context>
chip_gen: v7x
topology: tpu7x:2x2x1
jax: 0.10.2.dev20260603
libtpu: 0.0.44.dev20260713+nightly
codegen_flags: <defaults>
</compile_context>

<pallas_src>
import functools

import jax
import jax.numpy as jnp
from jax import lax
from jax.experimental import pallas as pl
from jax.experimental.pallas import tpu as pltpu
from jax.experimental.pallas import tpu_sc as plsc

N_NODES = 10000
N_EDGES = 320000
N_GRAPHS = 16
D = 128

NW = 32
RPT = 320
NPAD = NW * RPT
CHUNK = 8000
NCHUNK = N_EDGES // CHUNK
SUB = 128
BR = 1000
NEG_INF = float("-inf")


def _segmax_body(x_hbm, src_hbm, dst_hbm, out_hbm,
                 src_stage, dst_stage, msrc, mdst, rows_buf, acc, sem):
    wid = lax.axis_index("s") * 2 + lax.axis_index("c")
    lo = wid * RPT

    def init_row(r, carry):
        for k in range(D // 16):
            acc[r, pl.ds(k * 16, 16)] = jnp.full((16,), NEG_INF, jnp.float32)
        return carry
    lax.fori_loop(0, RPT + 1, init_row, 0)

    lane = jnp.arange(16, dtype=jnp.int32)
    lov = jnp.broadcast_to(lo, (16,))
    hiv = jnp.broadcast_to(lo + RPT, (16,))

    def chunk_body(c, carry):
        base = pl.multiple_of(c * CHUNK, 256)
        pltpu.sync_copy(src_hbm.at[pl.ds(base, CHUNK)], src_stage)
        pltpu.sync_copy(dst_hbm.at[pl.ds(base, CHUNK)], dst_stage)

        def scan_body(j, cnt):
            s = src_stage[pl.ds(j * 16, 16)]
            d = dst_stage[pl.ds(j * 16, 16)]
            m = (d >= lov) & (d < hiv)
            mi = jnp.where(m, jnp.full((16,), 1, jnp.int32),
                           jnp.zeros((16,), jnp.int32))
            pos = jnp.broadcast_to(cnt - 1, (16,)) + plsc.cumsum(mi)
            plsc.store_scatter(msrc, [pos], s, mask=m)
            plsc.store_scatter(mdst, [pos], d - lov, mask=m)
            return cnt + jnp.sum(mi)
        cnt = lax.fori_loop(0, CHUNK // 16, scan_body, jnp.int32(0))

        npad = (SUB - cnt % SUB) % SUB
        total = cnt + npad

        def pad_body(p, carry):
            idxs = jnp.broadcast_to(cnt + p * 16, (16,)) + lane
            pm = idxs < jnp.broadcast_to(total, (16,))
            plsc.store_scatter(msrc, [idxs],
                               jnp.zeros((16,), jnp.int32), mask=pm)
            plsc.store_scatter(mdst, [idxs],
                               jnp.full((16,), RPT, jnp.int32), mask=pm)
            return carry
        lax.fori_loop(0, (npad + 15) // 16, pad_body, 0)

        def sub_body(si, carry):
            sbase = pl.multiple_of(si * SUB, SUB)
            pltpu.async_copy(x_hbm.at[msrc.at[pl.ds(sbase, SUB)]],
                             rows_buf, sem).wait()

            def grp_body(g, carry2):
                dv = mdst[pl.ds(sbase + g * 16, 16)]
                for e in range(16):
                    dl = dv[e]
                    r = g * 16 + e
                    for k in range(D // 16):
                        v = rows_buf[r, pl.ds(k * 16, 16)]
                        a = acc[dl, pl.ds(k * 16, 16)]
                        acc[dl, pl.ds(k * 16, 16)] = jnp.maximum(a, v)
                return carry2
            lax.fori_loop(0, SUB // 16, grp_body, 0)
            return carry
        lax.fori_loop(0, total // SUB, sub_body, 0)
        return carry

    lax.fori_loop(0, NCHUNK, chunk_body, 0)

    def fin_body(r, carry):
        for k in range(D // 16):
            a = acc[r, pl.ds(k * 16, 16)]
            acc[r, pl.ds(k * 16, 16)] = jnp.where(a == NEG_INF, 0.0, a)
        return carry
    lax.fori_loop(0, RPT, fin_body, 0)
    pltpu.sync_copy(acc.at[pl.ds(0, RPT)], out_hbm.at[pl.ds(lo, RPT)])


@jax.jit
def _segmax_call(x, src, dst):
    mesh = plsc.VectorSubcoreMesh(core_axis_name="c", subcore_axis_name="s",
                                  num_cores=2, num_subcores=16)
    out = pl.kernel(
        _segmax_body,
        out_type=jax.ShapeDtypeStruct((NPAD, D), jnp.float32),
        mesh=mesh,
        compiler_params=pltpu.CompilerParams(needs_layout_passes=False),
        scratch_types=[
            pltpu.VMEM((CHUNK,), jnp.int32),
            pltpu.VMEM((CHUNK,), jnp.int32),
            pltpu.VMEM((CHUNK,), jnp.int32),
            pltpu.VMEM((CHUNK,), jnp.int32),
            pltpu.VMEM((SUB, D), jnp.float32),
            pltpu.VMEM((RPT + 1, D), jnp.float32),
            pltpu.SemaphoreType.DMA,
        ],
    )(x, src, dst)
    return out[:N_NODES]


def _silu(v):
    return v / (1.0 + jnp.exp(-v))


def _stage_a_kernel(agg_ref, x_ref, wlt_ref, bl_ref, wrt_ref, y_ref):
    z = jnp.dot(agg_ref[...], wlt_ref[...], preferred_element_type=jnp.float32)
    z += jnp.dot(x_ref[...], wrt_ref[...], preferred_element_type=jnp.float32)
    z += bl_ref[...]
    y_ref[...] = _silu(z)


def _stage_a_call(agg, x, WlT, bl2, WrT):
    block_rows = BR
    grid = (N_NODES // block_rows,)
    full = lambda i: (0, 0)
    return pl.pallas_call(
        _stage_a_kernel,
        grid=grid,
        in_specs=[
            pl.BlockSpec((block_rows, D), lambda i: (i, 0)),
            pl.BlockSpec((block_rows, D), lambda i: (i, 0)),
            pl.BlockSpec((D, D), full),
            pl.BlockSpec((1, D), full),
            pl.BlockSpec((D, D), full),
        ],
        out_specs=pl.BlockSpec((block_rows, D), lambda i: (i, 0)),
        out_shape=jax.ShapeDtypeStruct((N_NODES, D), jnp.float32),
    )(agg, x, WlT, bl2, WrT)


def _stage_b_kernel(agg2_ref, y1_ref, x_ref, batch_ref,
                    wlt_ref, bl_ref, wrt_ref,
                    w1t_ref, b1_ref, gamma_ref, beta_ref,
                    w2t_ref, b2_ref, wrot_ref, bro_ref,
                    out_ref, sums_ref, counts_ref, maxs_ref):
    i = pl.program_id(0)
    nsteps = pl.num_programs(0)

    x2 = jnp.dot(agg2_ref[...], wlt_ref[...], preferred_element_type=jnp.float32)
    x2 += jnp.dot(y1_ref[...], wrt_ref[...], preferred_element_type=jnp.float32)
    x2 += bl_ref[...]
    h_in = jnp.concatenate([_silu(x2), y1_ref[...], x_ref[...]], axis=1)
    h = _silu(jnp.dot(h_in, w1t_ref[...], preferred_element_type=jnp.float32)
              + b1_ref[...])
    mu = jnp.mean(h, axis=-1, keepdims=True)
    var = jnp.mean((h - mu) ** 2, axis=-1, keepdims=True)
    h = (h - mu) / jnp.sqrt(var + 1e-5) * gamma_ref[...] + beta_ref[...]
    o = jnp.dot(h, w2t_ref[...], preferred_element_type=jnp.float32) + b2_ref[...]

    bb = batch_ref[...]
    br = bb.shape[0]
    g_ids = lax.broadcasted_iota(jnp.int32, (br, N_GRAPHS), 1)
    ohb = bb == g_ids
    ohf = ohb.astype(jnp.float32)

    @pl.when(i == 0)
    def _():
        sums_ref[...] = jnp.zeros_like(sums_ref)
        counts_ref[...] = jnp.zeros_like(counts_ref)
        maxs_ref[...] = jnp.full_like(maxs_ref, NEG_INF)
        out_ref[...] = jnp.zeros_like(out_ref)

    dn = (((0,), (0,)), ((), ()))
    sums_ref[...] += lax.dot_general(ohf, o, dn,
                                     preferred_element_type=jnp.float32)
    counts_ref[...] += lax.dot_general(
        ohf, jnp.ones((br, D), jnp.float32), dn,
        preferred_element_type=jnp.float32)
    for g in range(N_GRAPHS):
        mg = jnp.max(jnp.where(ohb[:, g:g + 1], o, NEG_INF),
                     axis=0, keepdims=True)
        maxs_ref[pl.ds(g, 1), :] = jnp.maximum(maxs_ref[pl.ds(g, 1), :], mg)

    @pl.when(i == nsteps - 1)
    def _():
        mean_p = sums_ref[...] / jnp.maximum(counts_ref[...], 1.0)
        maxs = maxs_ref[...]
        max_p = jnp.where(maxs == NEG_INF, 0.0, maxs)
        pooled = jnp.concatenate([mean_p, max_p], axis=1)
        out_ref[...] = (jnp.dot(pooled, wrot_ref[...],
                                preferred_element_type=jnp.float32)
                        + bro_ref[...])


def _stage_b_call(agg2, y1, x, batch2, WlT, bl2, WrT, W1T, b12, gamma2, beta2,
                  W2T, b22, WroTp, brop):
    block_rows = BR
    grid = (N_NODES // block_rows,)
    full = lambda i: (0, 0)
    return pl.pallas_call(
        _stage_b_kernel,
        grid=grid,
        in_specs=[
            pl.BlockSpec((block_rows, D), lambda i: (i, 0)),
            pl.BlockSpec((block_rows, D), lambda i: (i, 0)),
            pl.BlockSpec((block_rows, D), lambda i: (i, 0)),
            pl.BlockSpec((block_rows, 1), lambda i: (i, 0)),
            pl.BlockSpec((D, D), full),
            pl.BlockSpec((1, D), full),
            pl.BlockSpec((D, D), full),
            pl.BlockSpec((3 * D, D), full),
            pl.BlockSpec((1, D), full),
            pl.BlockSpec((1, D), full),
            pl.BlockSpec((1, D), full),
            pl.BlockSpec((D, D), full),
            pl.BlockSpec((1, D), full),
            pl.BlockSpec((2 * D, D), full),
            pl.BlockSpec((1, D), full),
        ],
        out_specs=pl.BlockSpec((N_GRAPHS, D), full),
        out_shape=jax.ShapeDtypeStruct((N_GRAPHS, D), jnp.float32),
        scratch_shapes=[
            pltpu.VMEM((N_GRAPHS, D), jnp.float32),
            pltpu.VMEM((N_GRAPHS, D), jnp.float32),
            pltpu.VMEM((N_GRAPHS, D), jnp.float32),
        ],
    )(agg2, y1, x, batch2, WlT, bl2, WrT, W1T, b12, gamma2, beta2,
      W2T, b22, WroTp, brop)


def kernel(x, edge_index, batch, Wl1, bl1, Wr1, Wl2, bl2, Wr2,
           W1, b1, gamma, beta, W2, b2, Wro, bro):
    src = edge_index[0]
    dst = edge_index[1]

    agg1 = _segmax_call(x, src, dst)
    y1 = _stage_a_call(agg1, x, Wl1.T, bl1.reshape(1, D), Wr1.T)
    agg2 = _segmax_call(y1, src, dst)

    WroTp = jnp.zeros((2 * D, D), jnp.float32).at[:, :2].set(Wro.T)
    brop = jnp.zeros((1, D), jnp.float32).at[0, :2].set(bro)
    outp = _stage_b_call(
        agg2, y1, x, batch.reshape(N_NODES, 1),
        Wl2.T, bl2.reshape(1, D), Wr2.T,
        W1.T, b1.reshape(1, D), gamma.reshape(1, D), beta.reshape(1, D),
        W2.T, b2.reshape(1, D), WroTp, brop)
    return outp[:, :2]

# --- scband reference (transcript-rebuilt; emitter-appended) ---
"""Pipeline reference for scband-sagegraph-conv-net-3264175145761 (READ-ONLY COPY).

The authoritative reference and input builder live on the scoring server;
editing this copy changes nothing except your own understanding.
"""

import jax, jax.numpy as jnp
import numpy as np

N, E, G = 10000, 320000, 16
D_IN, D_H, N_OUT = 128, 128, 1

def setup_inputs(seed: int = 0) -> dict:
    key = jax.random.key(seed)
    ks = jax.random.split(key, 20)
    x = jax.random.normal(ks[0], (N, D_IN), dtype=jnp.float32)
    edge_index = jax.random.randint(ks[1], (2, E), 0, N, dtype=jnp.int32)
    batch = jnp.sort(jax.random.randint(ks[2], (N,), 0, G, dtype=jnp.int32))
    def lin(k, fan_out, fan_in):
        s = 1.0 / np.sqrt(fan_in)
        return jax.random.uniform(k, (fan_out, fan_in), jnp.float32, -s, s)
    return {
        'x': x, 'edge_index': edge_index, 'batch': batch,
        'Wl1': lin(ks[3], D_H, D_IN), 'bl1': jnp.zeros((D_H,), jnp.float32), 'Wr1': lin(ks[4], D_H, D_IN),
        'Wl2': lin(ks[5], D_H, D_H), 'bl2': jnp.zeros((D_H,), jnp.float32), 'Wr2': lin(ks[6], D_H, D_H),
        'W1': lin(ks[7], D_H, D_IN + 2 * D_H), 'b1': jnp.zeros((D_H,), jnp.float32),
        'gamma': jnp.ones((D_H,), jnp.float32), 'beta': jnp.zeros((D_H,), jnp.float32),
        'W2': lin(ks[8], D_H, D_H), 'b2': jnp.zeros((D_H,), jnp.float32),
        'Wro': lin(ks[9], 2 * N_OUT, 2 * D_H), 'bro': jnp.zeros((2 * N_OUT,), jnp.float32),
    }

def _silu(v):
    return v * jax.nn.sigmoid(v)

def _sage_conv(x, edge_index, Wl, bl, Wr):
    # PyG SAGEConv, aggr='max': out = lin_l(max-aggregated neighbor feats) + lin_r(x)
    src, dst = edge_index[0], edge_index[1]
    msg = jnp.take(x, src, axis=0)
    agg = jax.ops.segment_max(msg, dst, num_segments=N)
    agg = jnp.where(jnp.isfinite(agg), agg, 0.0)
    return agg @ Wl.T + bl + x @ Wr.T

def _layernorm(v, gamma, beta, eps=1e-5):
    mu = jnp.mean(v, axis=-1, keepdims=True)
    var = jnp.mean((v - mu) ** 2, axis=-1, keepdims=True)
    return (v - mu) / jnp.sqrt(var + eps) * gamma + beta

def reference(x, edge_index, batch, Wl1, bl1, Wr1, Wl2, bl2, Wr2, W1, b1, gamma, beta, W2, b2, Wro, bro):
    x1 = _sage_conv(x, edge_index, Wl1, bl1, Wr1)
    x2 = _sage_conv(_silu(x1), edge_index, Wl2, bl2, Wr2)
    h = jnp.concatenate([_silu(x2), _silu(x1), x], axis=-1)
    h = _silu(h @ W1.T + b1)
    h = _layernorm(h, gamma, beta)
    out = h @ W2.T + b2
    sums = jax.ops.segment_sum(out, batch, num_segments=G)
    counts = jax.ops.segment_sum(jnp.ones((N, 1), jnp.float32), batch, num_segments=G)
    mean_p = sums / jnp.maximum(counts, 1.0)
    max_p = jax.ops.segment_max(out, batch, num_segments=G)
    max_p = jnp.where(jnp.isfinite(max_p), max_p, 0.0)
    pooled = jnp.concatenate([mean_p, max_p], axis=1)
    return pooled @ Wro.T + bro

if __name__ == "__main__":
    import jax
    _d = setup_inputs()
    print(jax.jit(kernel)(*tuple(_d.values())))

</pallas_src>

<mosaic_0001>
#map = affine_map<(d0, d1) -> (0, 0)>
#map1 = affine_map<(d0, d1) -> (0)>
module attributes {stable_mosaic.version = 14 : i64} {
  func.func @_segmax_body(%arg0: i32, %arg1: i32, %arg2: memref<10000x128xf32, #tpu.memory_space<hbm>>, %arg3: memref<320000xi32, #tpu.memory_space<hbm>>, %arg4: memref<320000xi32, #tpu.memory_space<hbm>>, %arg5: memref<10240x128xf32, #tpu.memory_space<hbm>>, %arg6: memref<8000xi32, #tpu.memory_space<vmem>>, %arg7: memref<8000xi32, #tpu.memory_space<vmem>>, %arg8: memref<8000xi32, #tpu.memory_space<vmem>>, %arg9: memref<8000xi32, #tpu.memory_space<vmem>>, %arg10: memref<128x128xf32, #tpu.memory_space<vmem>>, %arg11: memref<321x128xf32, #tpu.memory_space<vmem>>, %arg12: memref<!tpu.dma_semaphore, #tpu.memory_space<semaphore_mem>>) attributes {dimension_semantics = [#tpu.dimension_semantics<core_parallel>, #tpu.dimension_semantics<subcore_parallel>], iteration_bounds = array<i64: 2, 16>, scalar_prefetch = 0 : i64, scratch_operands = 7 : i64, tpu.core_type = #tpu.core_type<sc_vector_subcore>, window_params = [{transform_indices = #map}, {transform_indices = #map1}, {transform_indices = #map1}, {transform_indices = #map}]} {
    %mul3A = arith.constant 2 : i32
    %mul3A_0 = arith.muli %arg1, %mul3A : i32
    %add3A = arith.addi %mul3A_0, %arg0 : i32
    %mul3A_1 = arith.constant 320 : i32
    %mul3A_2 = arith.muli %add3A, %mul3A_1 : i32
    %scan3A = arith.constant 0 : i32
    %scan3A_3 = arith.constant 0 : i32
    %scan3A_4 = arith.constant 321 : i32
    %scan3A_5 = arith.addi %scan3A_3, %scan3A_4 : i32
    %scan3A_6 = arith.constant 1 : i32
    scf.for %scan3A_23 = %scan3A_3 to %scan3A_5 step %scan3A_6  : i32 {
      %broadcast_in_dim3A_24 = arith.constant 0xFF800000 : f32
      %broadcast_in_dim3A_25 = vector.broadcast %broadcast_in_dim3A_24 : f32 to vector<16xf32>
      %swap3A = arith.index_cast %scan3A_23 : i32 to index
      %swap3A_26 = arith.constant 0 : index
      %swap3A_27 = tpu.vector_load %arg11[%swap3A, %swap3A_26] {strides = array<i32>} : memref<321x128xf32, #tpu.memory_space<vmem>>, vector<16xf32>,
      tpu.vector_store %arg11[%swap3A, %swap3A_26], %broadcast_in_dim3A_25 {strides = array<i32>} : memref<321x128xf32, #tpu.memory_space<vmem>>, vector<16xf32>,
      %broadcast_in_dim3A_28 = arith.constant 0xFF800000 : f32
      %broadcast_in_dim3A_29 = vector.broadcast %broadcast_in_dim3A_28 : f32 to vector<16xf32>
      %swap3A_30 = arith.index_cast %scan3A_23 : i32 to index
      %swap3A_31 = arith.constant 16 : index
      %swap3A_32 = tpu.vector_load %arg11[%swap3A_30, %swap3A_31] {strides = array<i32>} : memref<321x128xf32, #tpu.memory_space<vmem>>, vector<16xf32>,
      tpu.vector_store %arg11[%swap3A_30, %swap3A_31], %broadcast_in_dim3A_29 {strides = array<i32>} : memref<321x128xf32, #tpu.memory_space<vmem>>, vector<16xf32>,
      %broadcast_in_dim3A_33 = arith.constant 0xFF800000 : f32
      %broadcast_in_dim3A_34 = vector.broadcast %broadcast_in_dim3A_33 : f32 to vector<16xf32>
      %swap3A_35 = arith.index_cast %scan3A_23 : i32 to index
      %swap3A_36 = arith.constant 32 : index
      %swap3A_37 = tpu.vector_load %arg11[%swap3A_35, %swap3A_36] {strides = array<i32>} : memref<321x128xf32, #tpu.memory_space<vmem>>, vector<16xf32>,
      tpu.vector_store %arg11[%swap3A_35, %swap3A_36], %broadcast_in_dim3A_34 {strides = array<i32>} : memref<321x128xf32, #tpu.memory_space<vmem>>, vector<16xf32>,
      %broadcast_in_dim3A_38 = arith.constant 0xFF800000 : f32
      %broadcast_in_dim3A_39 = vector.broadcast %broadcast_in_dim3A_38 : f32 to vector<16xf32>
      %swap3A_40 = arith.index_cast %scan3A_23 : i32 to index
      %swap3A_41 = arith.constant 48 : index
      %swap3A_42 = tpu.vector_load %arg11[%swap3A_40, %swap3A_41] {strides = array<i32>} : memref<321x128xf32, #tpu.memory_space<vmem>>, vector<16xf32>,
      tpu.vector_store %arg11[%swap3A_40, %swap3A_41], %broadcast_in_dim3A_39 {strides = array<i32>} : memref<321x128xf32, #tpu.memory_space<vmem>>, vector<16xf32>,
      %broadcast_in_dim3A_43 = arith.constant 0xFF800000 : f32
      %broadcast_in_dim3A_44 = vector.broadcast %broadcast_in_dim3A_43 : f32 to vector<16xf32>
      %swap3A_45 = arith.index_cast %scan3A_23 : i32 to index
      %swap3A_46 = arith.constant 64 : index
      %swap3A_47 = tpu.vector_load %arg11[%swap3A_45, %swap3A_46] {strides = array<i32>} : memref<321x128xf32, #tpu.memory_space<vmem>>, vector<16xf32>,
      tpu.vector_store %arg11[%swap3A_45, %swap3A_46], %broadcast_in_dim3A_44 {strides = array<i32>} : memref<321x128xf32, #tpu.memory_space<vmem>>, vector<16xf32>,
      %broadcast_in_dim3A_48 = arith.constant 0xFF800000 : f32
      %broadcast_in_dim3A_49 = vector.broadcast %broadcast_in_dim3A_48 : f32 to vector<16xf32>
      %swap3A_50 = arith.index_cast %scan3A_23 : i32 to index
      %swap3A_51 = arith.constant 80 : index
      %swap3A_52 = tpu.vector_load %arg11[%swap3A_50, %swap3A_51] {strides = array<i32>} : memref<321x128xf32, #tpu.memory_space<vmem>>, vector<16xf32>,
      tpu.vector_store %arg11[%swap3A_50, %swap3A_51], %broadcast_in_dim3A_49 {strides = array<i32>} : memref<321x128xf32, #tpu.memory_space<vmem>>, vector<16xf32>,
      %broadcast_in_dim3A_53 = arith.constant 0xFF800000 : f32
      %broadcast_in_dim3A_54 = vector.broadcast %broadcast_in_dim3A_53 : f32 to vector<16xf32>
      %swap3A_55 = arith.index_cast %scan3A_23 : i32 to index
      %swap3A_56 = arith.constant 96 : index
      %swap3A_57 = tpu.vector_load %arg11[%swap3A_55, %swap3A_56] {strides = array<i32>} : memref<321x128xf32, #tpu.memory_space<vmem>>, vector<16xf32>,
      tpu.vector_store %arg11[%swap3A_55, %swap3A_56], %broadcast_in_dim3A_54 {strides = array<i32>} : memref<321x128xf32, #tpu.memory_space<vmem>>, vector<16xf32>,
      %broadcast_in_dim3A_58 = arith.constant 0xFF800000 : f32
      %broadcast_in_dim3A_59 = vector.broadcast %broadcast_in_dim3A_58 : f32 to vector<16xf32>
      %swap3A_60 = arith.index_cast %scan3A_23 : i32 to index
      %swap3A_61 = arith.constant 112 : index
      %swap3A_62 = tpu.vector_load %arg11[%swap3A_60, %swap3A_61] {strides = array<i32>} : memref<321x128xf32, #tpu.memory_space<vmem>>, vector<16xf32>,
      tpu.vector_store %arg11[%swap3A_60, %swap3A_61], %broadcast_in_dim3A_59 {strides = array<i32>} : memref<321x128xf32, #tpu.memory_space<vmem>>, vector<16xf32>,
    }
    %scan3A_7 = arith.constant 321 : i32
    %iota3A = tpu.iota {dimensions = array<i32: 0>} : vector<16xi32>
    %broadcast_in_dim3A = vector.broadcast %mul3A_2 : i32 to vector<16xi32>
    %add3A_8 = arith.constant 320 : i32
    %add3A_9 = arith.addi %mul3A_2, %add3A_8 : i32
    %broadcast_in_dim3A_10 = vector.broadcast %add3A_9 : i32 to vector<16xi32>
    %scan3A_11 = arith.constant 0 : i32
    %scan3A_12 = arith.constant 0 : i32
    %scan3A_13 = arith.constant 40 : i32
    %scan3A_14 = arith.addi %scan3A_12, %scan3A_13 : i32
    %scan3A_15 = arith.constant 1 : i32
    scf.for %scan3A_23 = %scan3A_12 to %scan3A_14 step %scan3A_15  : i32 {
      %mul3A_24 = arith.constant 8000 : i32
      %mul3A_25 = arith.muli %scan3A_23, %mul3A_24 : i32
      %multiple_of3A = tpu.assume_multiple %mul3A_25, 256 : i32
      "tpu.region"() ({
        %run_scoped3A = tpu.sem_alloc : memref<!tpu.dma_semaphore, #tpu.memory_space<semaphore_mem>>
        %dma_start3A = tpu.memref_slice %arg3[%multiple_of3A] : memref<320000xi32, #tpu.memory_space<hbm>> -> memref<8000xi32, #tpu.memory_space<hbm>>
        %dma_start3A_127 = tpu.memref_slice %arg3[%multiple_of3A] : memref<320000xi32, #tpu.memory_space<hbm>> -> memref<8000xi32, #tpu.memory_space<hbm>>
        tpu.enqueue_dma source(%dma_start3A_127 : memref<8000xi32, #tpu.memory_space<hbm>>) target(%arg6 : memref<8000xi32, #tpu.memory_space<vmem>>) target_semaphore(%run_scoped3A : memref<!tpu.dma_semaphore, #tpu.memory_space<semaphore_mem>>)
        %dma_wait3A = tpu.memref_slice %arg3[%multiple_of3A] : memref<320000xi32, #tpu.memory_space<hbm>> -> memref<8000xi32, #tpu.memory_space<hbm>>
        %dma_wait3A_128 = tpu.memref_slice %arg3[%multiple_of3A] : memref<320000xi32, #tpu.memory_space<hbm>> -> memref<8000xi32, #tpu.memory_space<hbm>>
        tpu.wait_dma2 semaphore(%run_scoped3A : memref<!tpu.dma_semaphore, #tpu.memory_space<semaphore_mem>>) src(%dma_wait3A_128 : memref<8000xi32, #tpu.memory_space<hbm>>) dst(%arg6 : memref<8000xi32, #tpu.memory_space<vmem>>)
        tpu.yield
      }) : () -> ()
      "tpu.region"() ({
        %run_scoped3A = tpu.sem_alloc : memref<!tpu.dma_semaphore, #tpu.memory_space<semaphore_mem>>
        %dma_start3A = tpu.memref_slice %arg4[%multiple_of3A] : memref<320000xi32, #tpu.memory_space<hbm>> -> memref<8000xi32, #tpu.memory_space<hbm>>
        %dma_start3A_127 = tpu.memref_slice %arg4[%multiple_of3A] : memref<320000xi32, #tpu.memory_space<hbm>> -> memref<8000xi32, #tpu.memory_space<hbm>>
        tpu.enqueue_dma source(%dma_start3A_127 : memref<8000xi32, #tpu.memory_space<hbm>>) target(%arg7 : memref<8000xi32, #tpu.memory_space<vmem>>) target_semaphore(%run_scoped3A : memref<!tpu.dma_semaphore, #tpu.memory_space<semaphore_mem>>)
        %dma_wait3A = tpu.memref_slice %arg4[%multiple_of3A] : memref<320000xi32, #tpu.memory_space<hbm>> -> memref<8000xi32, #tpu.memory_space<hbm>>
        %dma_wait3A_128 = tpu.memref_slice %arg4[%multiple_of3A] : memref<320000xi32, #tpu.memory_space<hbm>> -> memref<8000xi32, #tpu.memory_space<hbm>>
        tpu.wait_dma2 semaphore(%run_scoped3A : memref<!tpu.dma_semaphore, #tpu.memory_space<semaphore_mem>>) src(%dma_wait3A_128 : memref<8000xi32, #tpu.memory_space<hbm>>) dst(%arg7 : memref<8000xi32, #tpu.memory_space<vmem>>)
        tpu.yield
      }) : () -> ()
      %scan3A_26 = arith.constant 0 : i32
      %scan3A_27 = arith.constant 0 : i32
      %scan3A_28 = arith.constant 500 : i32
      %scan3A_29 = arith.addi %scan3A_27, %scan3A_28 : i32
      %scan3A_30 = arith.constant 1 : i32
      %scan3A_31 = scf.for %scan3A_127 = %scan3A_27 to %scan3A_29 step %scan3A_30 iter_args(%scan3A_128 = %scan3A_26) -> (i32)  : i32 {
        %mul3A_129 = arith.constant 16 : i32
        %mul3A_130 = arith.muli %scan3A_127, %mul3A_129 : i32
        %get3A = arith.index_cast %mul3A_130 : i32 to index
        %get3A_131 = tpu.vector_load %arg6[%get3A] {strides = array<i32>} : memref<8000xi32, #tpu.memory_space<vmem>>, vector<16xi32>,
        %mul3A_132 = arith.constant 16 : i32
        %mul3A_133 = arith.muli %scan3A_127, %mul3A_132 : i32
        %get3A_134 = arith.index_cast %mul3A_133 : i32 to index
        %get3A_135 = tpu.vector_load %arg7[%get3A_134] {strides = array<i32>} : memref<8000xi32, #tpu.memory_space<vmem>>, vector<16xi32>,
        %ge3A = arith.cmpi sge, %get3A_135, %broadcast_in_dim3A : vector<16xi32>
        %lt3A_136 = arith.cmpi slt, %get3A_135, %broadcast_in_dim3A_10 : vector<16xi32>
        %and3A_137 = arith.andi %ge3A, %lt3A_136 : vector<16xi1>
        %broadcast_in_dim3A_138 = arith.constant 1 : i32
        %broadcast_in_dim3A_139 = vector.broadcast %broadcast_in_dim3A_138 : i32 to vector<16xi32>
        %broadcast_in_dim3A_140 = arith.constant 0 : i32
        %broadcast_in_dim3A_141 = vector.broadcast %broadcast_in_dim3A_140 : i32 to vector<16xi32>
        %select_n3A_142 = arith.select %and3A_137, %broadcast_in_dim3A_139, %broadcast_in_dim3A_141 : vector<16xi1>, vector<16xi32>
        %sub3A_143 = arith.constant 1 : i32
        %sub3A_144 = arith.subi %scan3A_128, %sub3A_143 : i32
        %broadcast_in_dim3A_145 = vector.broadcast %sub3A_144 : i32 to vector<16xi32>
        %broadcast_in_dim3A_146 = arith.constant true
        %broadcast_in_dim3A_147 = vector.broadcast %broadcast_in_dim3A_146 : i1 to vector<16xi1>
        %masked_cumsum3A = tpu.scan <sum>, %select_n3A_142 masked %broadcast_in_dim3A_147 : vector<16xi32>, vector<16xi1> -> vector<16xi32>
        %add3A_148 = arith.addi %broadcast_in_dim3A_145, %masked_cumsum3A : vector<16xi32>
        tpu.vector_store_idx %arg8[%add3A_148], %get3A_131 masked %and3A_137 : memref<8000xi32, #tpu.memory_space<vmem>>[vector<16xi32>], vector<16xi32>, vector<16xi1>
        %sub3A_149 = arith.subi %get3A_135, %broadcast_in_dim3A : vector<16xi32>
        tpu.vector_store_idx %arg9[%add3A_148], %sub3A_149 masked %and3A_137 : memref<8000xi32, #tpu.memory_space<vmem>>[vector<16xi32>], vector<16xi32>, vector<16xi1>
        %reduce_sum3A = arith.constant true
        %reduce_sum3A_150 = vector.broadcast %reduce_sum3A : i1 to vector<16xi1>
        %reduce_sum3A_151 = tpu.scan <sum>, %select_n3A_142 masked %reduce_sum3A_150 : vector<16xi32>, vector<16xi1> -> vector<16xi32>
        %reduce_sum3A_152 = vector.extract %reduce_sum3A_151[15] : i32 from vector<16xi32>
        %add3A_153 = arith.addi %scan3A_128, %reduce_sum3A_152 : i32
        scf.yield %add3A_153 : i32
      }
      %scan3A_32 = arith.constant 500 : i32
      %jit3A = arith.constant 128 : i32
      %eq3A = arith.constant 0 : i32
      %eq3A_33 = arith.cmpi eq, %jit3A, %eq3A : i32
      %jit3A_34 = arith.constant 1 : i32
      %select_n3A = arith.select %eq3A_33, %jit3A_34, %jit3A : i32
      %rem3A = arith.remsi %scan3A_31, %select_n3A : i32
      %ne3A = arith.constant 0 : i32
      %ne3A_35 = arith.cmpi ne, %rem3A, %ne3A : i32
      %lt3A = arith.constant 0 : i32
      %lt3A_36 = arith.cmpi slt, %rem3A, %lt3A : i32
      %lt3A_37 = arith.constant 0 : i32
      %lt3A_38 = arith.cmpi slt, %select_n3A, %lt3A_37 : i32
      %ne3A_39 = arith.xori %lt3A_36, %lt3A_38 : i1
      %and3A = arith.andi %ne3A_39, %ne3A_35 : i1
      %add3A_40 = arith.addi %rem3A, %select_n3A : i32
      %select_n3A_41 = arith.select %and3A, %add3A_40, %rem3A : i32
      %sub3A = arith.constant 128 : i32
      %sub3A_42 = arith.subi %sub3A, %select_n3A_41 : i32
      %jit3A_43 = arith.constant 128 : i32
      %eq3A_44 = arith.constant 0 : i32
      %eq3A_45 = arith.cmpi eq, %jit3A_43, %eq3A_44 : i32
      %jit3A_46 = arith.constant 1 : i32
      %select_n3A_47 = arith.select %eq3A_45, %jit3A_46, %jit3A_43 : i32
      %rem3A_48 = arith.remsi %sub3A_42, %select_n3A_47 : i32
      %ne3A_49 = arith.constant 0 : i32
      %ne3A_50 = arith.cmpi ne, %rem3A_48, %ne3A_49 : i32
      %lt3A_51 = arith.constant 0 : i32
      %lt3A_52 = arith.cmpi slt, %rem3A_48, %lt3A_51 : i32
      %lt3A_53 = arith.constant 0 : i32
      %lt3A_54 = arith.cmpi slt, %select_n3A_47, %lt3A_53 : i32
      %ne3A_55 = arith.xori %lt3A_52, %lt3A_54 : i1
      %and3A_56 = arith.andi %ne3A_55, %ne3A_50 : i1
      %add3A_57 = arith.addi %rem3A_48, %select_n3A_47 : i32
      %select_n3A_58 = arith.select %and3A_56, %add3A_57, %rem3A_48 : i32
      %add3A_59 = arith.addi %scan3A_31, %select_n3A_58 : i32
      %add3A_60 = arith.constant 15 : i32
      %add3A_61 = arith.addi %select_n3A_58, %add3A_60 : i32
      %jit3A_62 = arith.constant 16 : i32
      %div3A = arith.divsi %add3A_61, %jit3A_62 : i32
      %sign3A = arith.constant 0 : i32
      %sign3A_63 = arith.cmpi sgt, %add3A_61, %sign3A : i32
      %sign3A_64 = arith.extui %sign3A_63 : i1 to i32
      %sign3A_65 = arith.constant 0 : i32
      %sign3A_66 = arith.cmpi slt, %add3A_61, %sign3A_65 : i32
      %sign3A_67 = arith.extui %sign3A_66 : i1 to i32
      %sign3A_68 = arith.subi %sign3A_64, %sign3A_67 : i32
      %sign3A_69 = arith.constant 0 : i32
      %sign3A_70 = arith.cmpi sgt, %jit3A_62, %sign3A_69 : i32
      %sign3A_71 = arith.extui %sign3A_70 : i1 to i32
      %sign3A_72 = arith.constant 0 : i32
      %sign3A_73 = arith.cmpi slt, %jit3A_62, %sign3A_72 : i32
      %sign3A_74 = arith.extui %sign3A_73 : i1 to i32
      %sign3A_75 = arith.subi %sign3A_71, %sign3A_74 : i32
      %ne3A_76 = arith.cmpi ne, %sign3A_68, %sign3A_75 : i32
      %rem3A_77 = arith.remsi %add3A_61, %jit3A_62 : i32
      %ne3A_78 = arith.constant 0 : i32
      %ne3A_79 = arith.cmpi ne, %rem3A_77, %ne3A_78 : i32
      %and3A_80 = arith.andi %ne3A_76, %ne3A_79 : i1
      %sub3A_81 = arith.constant 1 : i32
      %sub3A_82 = arith.subi %div3A, %sub3A_81 : i32
      %select_n3A_83 = arith.select %and3A_80, %sub3A_82, %div3A : i32
      %while3A = arith.constant 0 : i32
      %while3A_84 = arith.constant 0 : i32
      %while3A_85 = arith.subi %select_n3A_83, %while3A_84 : i32
      %while3A_86 = arith.addi %while3A_84, %while3A_85 : i32
      %while3A_87 = arith.constant 1 : i32
      %while3A_88 = arith.divsi %while3A_85, %while3A_87 : i32
      %while3A_89 = arith.muli %while3A_88, %while3A_87 : i32
      %while3A_90 = arith.addi %while3A_84, %while3A_89 : i32
      %while3A_91 = arith.constant 1 : i32
      scf.for %while3A_127 = %while3A_84 to %while3A_90 step %while3A_91  : i32 {
        %mul3A_128 = arith.constant 16 : i32
        %mul3A_129 = arith.muli %while3A_127, %mul3A_128 : i32
        %add3A_130 = arith.addi %scan3A_31, %mul3A_129 : i32
        %broadcast_in_dim3A_131 = vector.broadcast %add3A_130 : i32 to vector<16xi32>
        %add3A_132 = arith.addi %broadcast_in_dim3A_131, %iota3A : vector<16xi32>
        %broadcast_in_dim3A_133 = vector.broadcast %add3A_59 : i32 to vector<16xi32>
        %lt3A_134 = arith.cmpi slt, %add3A_132, %broadcast_in_dim3A_133 : vector<16xi32>
        %broadcast_in_dim3A_135 = arith.constant 0 : i32
        %broadcast_in_dim3A_136 = vector.broadcast %broadcast_in_dim3A_135 : i32 to vector<16xi32>
        tpu.vector_store_idx %arg8[%add3A_132], %broadcast_in_dim3A_136 masked %lt3A_134 : memref<8000xi32, #tpu.memory_space<vmem>>[vector<16xi32>], vector<16xi32>, vector<16xi1>
        %broadcast_in_dim3A_137 = arith.constant 320 : i32
        %broadcast_in_dim3A_138 = vector.broadcast %broadcast_in_dim3A_137 : i32 to vector<16xi32>
        tpu.vector_store_idx %arg9[%add3A_132], %broadcast_in_dim3A_138 masked %lt3A_134 : memref<8000xi32, #tpu.memory_space<vmem>>[vector<16xi32>], vector<16xi32>, vector<16xi1>
      }
      %while3A_92 = arith.constant 1 : i32
      scf.for %while3A_127 = %while3A_90 to %while3A_86 step %while3A_92  : i32 {
        %mul3A_128 = arith.constant 16 : i32
        %mul3A_129 = arith.muli %while3A_127, %mul3A_128 : i32
        %add3A_130 = arith.addi %scan3A_31, %mul3A_129 : i32
        %broadcast_in_dim3A_131 = vector.broadcast %add3A_130 : i32 to vector<16xi32>
        %add3A_132 = arith.addi %broadcast_in_dim3A_131, %iota3A : vector<16xi32>
        %broadcast_in_dim3A_133 = vector.broadcast %add3A_59 : i32 to vector<16xi32>
        %lt3A_134 = arith.cmpi slt, %add3A_132, %broadcast_in_dim3A_133 : vector<16xi32>
        %broadcast_in_dim3A_135 = arith.constant 0 : i32
        %broadcast_in_dim3A_136 = vector.broadcast %broadcast_in_dim3A_135 : i32 to vector<16xi32>
        tpu.vector_store_idx %arg8[%add3A_132], %broadcast_in_dim3A_136 masked %lt3A_134 : memref<8000xi32, #tpu.memory_space<vmem>>[vector<16xi32>], vector<16xi32>, vector<16xi1>
        %broadcast_in_dim3A_137 = arith.constant 320 : i32
        %broadcast_in_dim3A_138 = vector.broadcast %broadcast_in_dim3A_137 : i32 to vector<16xi32>
        tpu.vector_store_idx %arg9[%add3A_132], %broadcast_in_dim3A_138 masked %lt3A_134 : memref<8000xi32, #tpu.memory_space<vmem>>[vector<16xi32>], vector<16xi32>, vector<16xi1>
      }
      %jit3A_93 = arith.constant 128 : i32
      %div3A_94 = arith.divsi %add3A_59, %jit3A_93 : i32
      %sign3A_95 = arith.constant 0 : i32
      %sign3A_96 = arith.cmpi sgt, %add3A_59, %sign3A_95 : i32
      %sign3A_97 = arith.extui %sign3A_96 : i1 to i32
      %sign3A_98 = arith.constant 0 : i32
      %sign3A_99 = arith.cmpi slt, %add3A_59, %sign3A_98 : i32
      %sign3A_100 = arith.extui %sign3A_99 : i1 to i32
      %sign3A_101 = arith.subi %sign3A_97, %sign3A_100 : i32
      %sign3A_102 = arith.constant 0 : i32
      %sign3A_103 = arith.cmpi sgt, %jit3A_93, %sign3A_102 : i32
      %sign3A_104 = arith.extui %sign3A_103 : i1 to i32
      %sign3A_105 = arith.constant 0 : i32
      %sign3A_106 = arith.cmpi slt, %jit3A_93, %sign3A_105 : i32
      %sign3A_107 = arith.extui %sign3A_106 : i1 to i32
      %sign3A_108 = arith.subi %sign3A_104, %sign3A_107 : i32
      %ne3A_109 = arith.cmpi ne, %sign3A_101, %sign3A_108 : i32
      %rem3A_110 = arith.remsi %add3A_59, %jit3A_93 : i32
      %ne3A_111 = arith.constant 0 : i32
      %ne3A_112 = arith.cmpi ne, %rem3A_110, %ne3A_111 : i32
      %and3A_113 = arith.andi %ne3A_109, %ne3A_112 : i1
      %sub3A_114 = arith.constant 1 : i32
      %sub3A_115 = arith.subi %div3A_94, %sub3A_114 : i32
      %select_n3A_116 = arith.select %and3A_113, %sub3A_115, %div3A_94 : i32
      %while3A_117 = arith.constant 0 : i32
      %while3A_118 = arith.constant 0 : i32
      %while3A_119 = arith.subi %select_n3A_116, %while3A_118 : i32
      %while3A_120 = arith.addi %while3A_118, %while3A_119 : i32
      %while3A_121 = arith.constant 1 : i32
      %while3A_122 = arith.divsi %while3A_119, %while3A_121 : i32
      %while3A_123 = arith.muli %while3A_122, %while3A_121 : i32
      %while3A_124 = arith.addi %while3A_118, %while3A_123 : i32
      %while3A_125 = arith.constant 1 : i32
      scf.for %while3A_127 = %while3A_118 to %while3A_124 step %while3A_125  : i32 {
        %mul3A_128 = arith.constant 128 : i32
        %mul3A_129 = arith.muli %while3A_127, %mul3A_128 : i32
        %multiple_of3A_130 = tpu.assume_multiple %mul3A_129, 128 : i32
        %dma_start3A = tpu.memref_slice %arg8[%multiple_of3A_130] : memref<8000xi32, #tpu.memory_space<vmem>> -> memref<128xi32, #tpu.memory_space<vmem>>
        %dma_start3A_131 = arith.constant 0 : i32
        %dma_start3A_132 = arith.constant 0 : i32
        %dma_start3A_133 = tpu.memref_slice %arg2[%dma_start3A_131, %dma_start3A_132] : memref<10000x128xf32, #tpu.memory_space<hbm>> -> memref<10000x128xf32, #tpu.memory_space<hbm>>
        tpu.enqueue_indirect_dma source(%dma_start3A_133 : memref<10000x128xf32, #tpu.memory_space<hbm>>) target(%arg10 : memref<128x128xf32, #tpu.memory_space<vmem>>) offsets(%dma_start3A : memref<128xi32, #tpu.memory_space<vmem>>) semaphore(%arg12 : memref<!tpu.dma_semaphore, #tpu.memory_space<semaphore_mem>>)
        %dma_wait3A = tpu.memref_slice %arg8[%multiple_of3A_130] : memref<8000xi32, #tpu.memory_space<vmem>> -> memref<128xi32, #tpu.memory_space<vmem>>
        %dma_wait3A_134 = arith.constant 0 : i32
        %dma_wait3A_135 = arith.constant 0 : i32
        %dma_wait3A_136 = tpu.memref_slice %arg2[%dma_wait3A_134, %dma_wait3A_135] : memref<10000x128xf32, #tpu.memory_space<hbm>> -> memref<10000x128xf32, #tpu.memory_space<hbm>>
        tpu.wait_indirect_dma semaphore(%arg12 : memref<!tpu.dma_semaphore, #tpu.memory_space<semaphore_mem>>) src(%dma_wait3A_136 : memref<10000x128xf32, #tpu.memory_space<hbm>>) dst(%arg10 : memref<128x128xf32, #tpu.memory_space<vmem>>)
        %scan3A_137 = arith.constant 0 : i32
        %scan3A_138 = arith.constant 0 : i32
        %scan3A_139 = arith.constant 8 : i32
        %scan3A_140 = arith.addi %scan3A_138, %scan3A_139 : i32
        %scan3A_141 = arith.constant 1 : i32
        scf.for %scan3A_143 = %scan3A_138 to %scan3A_140 step %scan3A_141  : i32 {
          %mul3A_144 = arith.constant 16 : i32
          %mul3A_145 = arith.muli %scan3A_143, %mul3A_144 : i32
          %add3A_146 = arith.addi %multiple_of3A_130, %mul3A_145 : i32
          %get3A = arith.index_cast %add3A_146 : i32 to index
          %get3A_147 = tpu.vector_load %arg9[%get3A] {strides = array<i32>} : memref<8000xi32, #tpu.memory_space<vmem>>, vector<16xi32>,
          %slice3A = vector.extract_strided_slice %get3A_147 {offsets = [0], sizes = [1], strides = [1]} : vector<16xi32> to vector<1xi32>
          %squeeze3A = vector.extract %slice3A[0] : i32 from vector<1xi32>
          %mul3A_148 = arith.constant 16 : i32
          %mul3A_149 = arith.muli %scan3A_143, %mul3A_148 : i32
          %add3A_150 = arith.constant 0 : i32
          %add3A_151 = arith.addi %mul3A_149, %add3A_150 : i32
          %get3A_152 = arith.index_cast %add3A_151 : i32 to index
          %get3A_153 = arith.constant 0 : index
          %get3A_154 = tpu.vector_load %arg10[%get3A_152, %get3A_153] {strides = array<i32>} : memref<128x128xf32, #tpu.memory_space<vmem>>, vector<16xf32>,
          %get3A_155 = arith.index_cast %squeeze3A : i32 to index
          %get3A_156 = arith.constant 0 : index
          %get3A_157 = tpu.vector_load %arg11[%get3A_155, %get3A_156] {strides = array<i32>} : memref<321x128xf32, #tpu.memory_space<vmem>>, vector<16xf32>,
          %max3A = arith.maximumf %get3A_157, %get3A_154 : vector<16xf32>
          %swap3A = arith.index_cast %squeeze3A : i32 to index
          %swap3A_158 = arith.constant 0 : index
          %swap3A_159 = tpu.vector_load %arg11[%swap3A, %swap3A_158] {strides = array<i32>} : memref<321x128xf32, #tpu.memory_space<vmem>>, vector<16xf32>,
          tpu.vector_store %arg11[%swap3A, %swap3A_158], %max3A {strides = array<i32>} : memref<321x128xf32, #tpu.memory_space<vmem>>, vector<16xf32>,
          %get3A_160 = arith.index_cast %add3A_151 : i32 to index
          %get3A_161 = arith.constant 16 : index
          %get3A_162 = tpu.vector_load %arg10[%get3A_160, %get3A_161] {strides = array<i32>} : memref<128x128xf32, #tpu.memory_space<vmem>>, vector<16xf32>,
          %get3A_163 = arith.index_cast %squeeze3A : i32 to index
          %get3A_164 = arith.constant 16 : index
          %get3A_165 = tpu.vector_load %arg11[%get3A_163, %get3A_164] {strides = array<i32>} : memref<321x128xf32, #tpu.memory_space<vmem>>, vector<16xf32>,
          %max3A_166 = arith.maximumf %get3A_165, %get3A_162 : vector<16xf32>
          %swap3A_167 = arith.index_cast %squeeze3A : i32 to index
          %swap3A_168 = arith.constant 16 : index
          %swap3A_169 = tpu.vector_load %arg11[%swap3A_167, %swap3A_168] {strides = array<i32>} : memref<321x128xf32, #tpu.memory_space<vmem>>, vector<16xf32>,
          tpu.vector_store %arg11[%swap3A_167, %swap3A_168], %max3A_166 {strides = array<i32>} : memref<321x128xf32, #tpu.memory_space<vmem>>, vector<16xf32>,
          %get3A_170 = arith.index_cast %add3A_151 : i32 to index
          %get3A_171 = arith.constant 32 : index
          %get3A_172 = tpu.vector_load %arg10[%get3A_170, %get3A_171] {strides = array<i32>} : memref<128x128xf32, #tpu.memory_space<vmem>>, vector<16xf32>,
          %get3A_173 = arith.index_cast %squeeze3A : i32 to index
          %get3A_174 = arith.constant 32 : index
          %get3A_175 = tpu.vector_load %arg11[%get3A_173, %get3A_174] {strides = array<i32>} : memref<321x128xf32, #tpu.memory_space<vmem>>, vector<16xf32>,
          %max3A_176 = arith.maximumf %get3A_175, %get3A_172 : vector<16xf32>
          %swap3A_177 = arith.index_cast %squeeze3A : i32 to index
          %swap3A_178 = arith.constant 32 : index
          %swap3A_179 = tpu.vector_load %arg11[%swap3A_177, %swap3A_178] {strides = array<i32>} : memref<321x128xf32, #tpu.memory_space<vmem>>, vector<16xf32>,
          tpu.vector_store %arg11[%swap3A_177, %swap3A_178], %max3A_176 {strides = array<i32>} : memref<321x128xf32, #tpu.memory_space<vmem>>, vector<16xf32>,
          %get3A_180 = arith.index_cast %add3A_151 : i32 to index
          %get3A_181 = arith.constant 48 : index
          %get3A_182 = tpu.vector_load %arg10[%get3A_180, %get3A_181] {strides = array<i32>} : memref<128x128xf32, #tpu.memory_space<vmem>>, vector<16xf32>,
          %get3A_183 = arith.index_cast %squeeze3A : i32 to index
          %get3A_184 = arith.constant 48 : index
          %get3A_185 = tpu.vector_load %arg11[%get3A_183, %get3A_184] {strides = array<i32>} : memref<321x128xf32, #tpu.memory_space<vmem>>, vector<16xf32>,
          %max3A_186 = arith.maximumf %get3A_185, %get3A_182 : vector<16xf32>
          %swap3A_187 = arith.index_cast %squeeze3A : i32 to index
          %swap3A_188 = arith.constant 48 : index
          %swap3A_189 = tpu.vector_load %arg11[%swap3A_187, %swap3A_188] {strides = array<i32>} : memref<321x128xf32, #tpu.memory_space<vmem>>, vector<16xf32>,
          tpu.vector_store %arg11[%swap3A_187, %swap3A_188], %max3A_186 {strides = array<i32>} : memref<321x128xf32, #tpu.memory_space<vmem>>, vector<16xf32>,
          %get3A_190 = arith.index_cast %add3A_151 : i32 to index
          %get3A_191 = arith.constant 64 : index
          %get3A_192 = tpu.vector_load %arg10[%get3A_190, %get3A_191] {strides = array<i32>} : memref<128x128xf32, #tpu.memory_space<vmem>>, vector<16xf32>,
          %get3A_193 = arith.index_cast %squeeze3A : i32 to index
          %get3A_194 = arith.constant 64 : index
          %get3A_195 = tpu.vector_load %arg11[%get3A_193, %get3A_194] {strides = array<i32>} : memref<321x128xf32, #tpu.memory_space<vmem>>, vector<16xf32>,
          %max3A_196 = arith.maximumf %get3A_195, %get3A_192 : vector<16xf32>
          %swap3A_197 = arith.index_cast %squeeze3A : i32 to index
          %swap3A_198 = arith.constant 64 : index
          %swap3A_199 = tpu.vector_load %arg11[%swap3A_197, %swap3A_198] {strides = array<i32>} : memref<321x128xf32, #tpu.memory_space<vmem>>, vector<16xf32>,
          tpu.vector_store %arg11[%swap3A_197, %swap3A_198], %max3A_196 {strides = array<i32>} : memref<321x128xf32, #tpu.memory_space<vmem>>, vector<16xf32>,
          %get3A_200 = arith.index_cast %add3A_151 : i32 to index
          %get3A_201 = arith.constant 80 : index
          %get3A_202 = tpu.vector_load %arg10[%get3A_200, %get3A_201] {strides = array<i32>} : memref<128x128xf32, #tpu.memory_space<vmem>>, vector<16xf32>,
          %get3A_203 = arith.index_cast %squeeze3A : i32 to index
          %get3A_204 = arith.constant 80 : index
          %get3A_205 = tpu.vector_load %arg11[%get3A_203, %get3A_204] {strides = array<i32>} : memref<321x128xf32, #tpu.memory_space<vmem>>, vector<16xf32>,
          %max3A_206 = arith.maximumf %get3A_205, %get3A_202 : vector<16xf32>
          %swap3A_207 = arith.index_cast %squeeze3A : i32 to index
          %swap3A_208 = arith.constant 80 : index
          %swap3A_209 = tpu.vector_load %arg11[%swap3A_207, %swap3A_208] {strides = array<i32>} : memref<321x128xf32, #tpu.memory_space<vmem>>, vector<16xf32>,
          tpu.vector_store %arg11[%swap3A_207, %swap3A_208], %max3A_206 {strides = array<i32>} : memref<321x128xf32, #tpu.memory_space<vmem>>, vector<16xf32>,
          %get3A_210 = arith.index_cast %add3A_151 : i32 to index
          %get3A_211 = arith.constant 96 : index
          %get3A_212 = tpu.vector_load %arg10[%get3A_210, %get3A_211] {strides = array<i32>} : memref<128x128xf32, #tpu.memory_space<vmem>>, vector<16xf32>,
          %get3A_213 = arith.index_cast %squeeze3A : i32 to index
          %get3A_214 = arith.constant 96 : index
          %get3A_215 = tpu.vector_load %arg11[%get3A_213, %get3A_214] {strides = array<i32>} : memref<321x128xf32, #tpu.memory_space<vmem>>, vector<16xf32>,
          %max3A_216 = arith.maximumf %get3A_215, %get3A_212 : vector<16xf32>
          %swap3A_217 = arith.index_cast %squeeze3A : i32 to index
          %swap3A_218 = arith.constant 96 : index
          %swap3A_219 = tpu.vector_load %arg11[%swap3A_217, %swap3A_218] {strides = array<i32>} : memref<321x128xf32, #tpu.memory_space<vmem>>, vector<16xf32>,
          tpu.vector_store %arg11[%swap3A_217, %swap3A_218], %max3A_216 {strides = array<i32>} : memref<321x128xf32, #tpu.memory_space<vmem>>, vector<16xf32>,
          %get3A_220 = arith.index_cast %add3A_151 : i32 to index
          %get3A_221 = arith.constant 112 : index
          %get3A_222 = tpu.vector_load %arg10[%get3A_220, %get3A_221] {strides = array<i32>} : memref<128x128xf32, #tpu.memory_space<vmem>>, vector<16xf32>,
          %get3A_223 = arith.index_cast %squeeze3A : i32 to index
          %get3A_224 = arith.constant 112 : index
          %get3A_225 = tpu.vector_load %arg11[%get3A_223, %get3A_224] {strides = array<i32>} : memref<321x128xf32, #tpu.memory_space<vmem>>, vector<16xf32>,
          %max3A_226 = arith.maximumf %get3A_225, %get3A_222 : vector<16xf32>
          %swap3A_227 = arith.index_cast %squeeze3A : i32 to index
          %swap3A_228 = arith.constant 112 : index
          %swap3A_229 = tpu.vector_load %arg11[%swap3A_227, %swap3A_228] {strides = array<i32>} : memref<321x128xf32, #tpu.memory_space<vmem>>, vector<16xf32>,
          tpu.vector_store %arg11[%swap3A_227, %swap3A_228], %max3A_226 {strides = array<i32>} : memref<321x128xf32, #tpu.memory_space<vmem>>, vector<16xf32>,
          %slice3A_230 = vector.extract_strided_slice %get3A_147 {offsets = [1], sizes = [1], strides = [1]} : vector<16xi32> to vector<1xi32>
          %squeeze3A_231 = vector.extract %slice3A_230[0] : i32 from vector<1xi32>
          %mul3A_232 = arith.constant 16 : i32
          %mul3A_233 = arith.muli %scan3A_143, %mul3A_232 : i32
          %add3A_234 = arith.constant 1 : i32
          %add3A_235 = arith.addi %mul3A_233, %add3A_234 : i32
          %get3A_236 = arith.index_cast %add3A_235 : i32 to index
          %get3A_237 = arith.constant 0 : index
          %get3A_238 = tpu.vector_load %arg10[%get3A_236, %get3A_237] {strides = array<i32>} : memref<128x128xf32, #tpu.memory_space<vmem>>, vector<16xf32>,
          %get3A_239 = arith.index_cast %squeeze3A_231 : i32 to index
          %get3A_240 = arith.constant 0 : index
          %get3A_241 = tpu.vector_load %arg11[%get3A_239, %get3A_240] {strides = array<i32>} : memref<321x128xf32, #tpu.memory_space<vmem>>, vector<16xf32>,
          %max3A_242 = arith.maximumf %get3A_241, %get3A_238 : vector<16xf32>
          %swap3A_243 = arith.index_cast %squeeze3A_231 : i32 to index
          %swap3A_244 = arith.constant 0 : index
          %swap3A_245 = tpu.vector_load %arg11[%swap3A_243, %swap3A_244] {strides = array<i32>} : memref<321x128xf32, #tpu.memory_space<vmem>>, vector<16xf32>,
          tpu.vector_store %arg11[%swap3A_243, %swap3A_244], %max3A_242 {strides = array<i32>} : memref<321x128xf32, #tpu.memory_space<vmem>>, vector<16xf32>,
          %get3A_246 = arith.index_cast %add3A_235 : i32 to index
          %get3A_247 = arith.constant 16 : index
          %get3A_248 = tpu.vector_load %arg10[%get3A_246, %get3A_247] {strides = array<i32>} : memref<128x128xf32, #tpu.memory_space<vmem>>, vector<16xf32>,
          %get3A_249 = arith.index_cast %squeeze3A_231 : i32 to index
          %get3A_250 = arith.constant 16 : index
          %get3A_251 = tpu.vector_load %arg11[%get3A_249, %get3A_250] {strides = array<i32>} : memref<321x128xf32, #tpu.memory_space<vmem>>, vector<16xf32>,
          %max3A_252 = arith.maximumf %get3A_251, %get3A_248 : vector<16xf32>
          %swap3A_253 = arith.index_cast %squeeze3A_231 : i32 to index
          %swap3A_254 = arith.constant 16 : index
          %swap3A_255 = tpu.vector_load %arg11[%swap3A_253, %swap3A_254] {strides = array<i32>} : memref<321x128xf32, #tpu.memory_space<vmem>>, vector<16xf32>,
          tpu.vector_store %arg11[%swap3A_253, %swap3A_254], %max3A_252 {strides = array<i32>} : memref<321x128xf32, #tpu.memory_space<vmem>>, vector<16xf32>,
          %get3A_256 = arith.index_cast %add3A_235 : i32 to index
          %get3A_257 = arith.constant 32 : index
          %get3A_258 = tpu.vector_load %arg10[%get3A_256, %get3A_257] {strides = array<i32>} : memref<128x128xf32, #tpu.memory_space<vmem>>, vector<16xf32>,
          %get3A_259 = arith.index_cast %squeeze3A_231 : i32 to index
          %get3A_260 = arith.constant 32 : index
          %get3A_261 = tpu.vector_load %arg11[%get3A_259, %get3A_260] {strides = array<i32>} : memref<321x128xf32, #tpu.memory_space<vmem>>, vector<16xf32>,
          %max3A_262 = arith.maximumf %get3A_261, %get3A_258 : vector<16xf32>
          %swap3A_263 = arith.index_cast %squeeze3A_231 : i32 to index
          %swap3A_264 = arith.constant 32 : index
          %swap3A_265 = tpu.vector_load %arg11[%swap3A_263, %swap3A_264] {strides = array<i32>} : memref<321x128xf32, #tpu.memory_space<vmem>>, vector<16xf32>,
          tpu.vector_store %arg11[%swap3A_263, %swap3A_264], %max3A_262 {strides = array<i32>} : memref<321x128xf32, #tpu.memory_space<vmem>>, vector<16xf32>,
          %get3A_266 = arith.index_cast %add3A_235 : i32 to index
          %get3A_267 = arith.constant 48 : index
          %get3A_268 = tpu.vector_load %arg10[%get3A_266, %get3A_267] {strides = array<i32>} : memref<128x128xf32, #tpu.memory_space<vmem>>, vector<16xf32>,
          %get3A_269 = arith.index_cast %squeeze3A_231 : i32 to index
          %get3A_270 = arith.constant 48 : index
          %get3A_271 = tpu.vector_load %arg11[%get3A_269, %get3A_270] {strides = array<i32>} : memref<321x128xf32, #tpu.memory_space<vmem>>, vector<16xf32>,
          %max3A_272 = arith.maximumf %get3A_271, %get3A_268 : vector<16xf32>
          %swap3A_273 = arith.index_cast %squeeze3A_231 : i32 to index
          %swap3A_274 = arith.constant 48 : index
          %swap3A_275 = tpu.vector_load %arg11[%swap3A_273, %swap3A_274] {strides = array<i32>} : memref<321x128xf32, #tpu.memory_space<vmem>>, vector<16xf32>,
          tpu.vector_store %arg11[%swap3A_273, %swap3A_274], %max3A_272 {strides = array<i32>} : memref<321x128xf32, #tpu.memory_space<vmem>>, vector<16xf32>,
          %get3A_276 = arith.index_cast %add3A_235 : i32 to index
          %get3A_277 = arith.constant 64 : index
          %get3A_278 = tpu.vector_load %arg10[%get3A_276, %get3A_277] {strides = array<i32>} : memref<128x128xf32, #tpu.memory_space<vmem>>, vector<16xf32>,
          %get3A_279 = arith.index_cast %squeeze3A_231 : i32 to index
          %get3A_280 = arith.constant 64 : index
          %get3A_281 = tpu.vector_load %arg11[%get3A_279, %get3A_280] {strides = array<i32>} : memref<321x128xf32, #tpu.memory_space<vmem>>, vector<16xf32>,
          %max3A_282 = arith.maximumf %get3A_281, %get3A_278 : vector<16xf32>
          %swap3A_283 = arith.index_cast %squeeze3A_231 : i32 to index
          %swap3A_284 = arith.constant 64 : index
          %swap3A_285 = tpu.vector_load %arg11[%swap3A_283, %swap3A_284] {strides = array<i32>} : memref<321x128xf32, #tpu.memory_space<vmem>>, vector<16xf32>,
          tpu.vector_store %arg11[%swap3A_283, %swap3A_284], %max3A_282 {strides = array<i32>} : memref<321x128xf32, #tpu.memory_space<vmem>>, vector<16xf32>,
          %get3A_286 = arith.index_cast %add3A_235 : i32 to index
          %get3A_287 = arith.constant 80 : index
          %get3A_288 = tpu.vector_load %arg10[%get3A_286, %get3A_287] {strides = array<i32>} : memref<128x128xf32, #tpu.memory_space<vmem>>, vector<16xf32>,
          %get3A_289 = arith.index_cast %squeeze3A_231 : i32 to index
          %get3A_290 = arith.constant 80 : index
          %get3A_291 = tpu.vector_load %arg11[%get3A_289, %get3A_290] {strides = array<i32>} : memref<321x128xf32, #tpu.memory_space<vmem>>, vector<16xf32>,
          %max3A_292 = arith.maximumf %get3A_291, %get3A_288 : vector<16xf32>
          %swap3A_293 = arith.index_cast %squeeze3A_231 : i32 to index
          %swap3A_294 = arith.constant 80 : index
          %swap3A_295 = tpu.vector_load %arg11[%swap3A_293, %swap3A_294] {strides = array<i32>} : memref<321x128xf32, #tpu.memory_space<vmem>>, vector<16xf32>,
          tpu.vector_store %arg11[%swap3A_293, %swap3A_294], %max3A_292 {strides = array<i32>} : memref<321x128xf32, #tpu.memory_space<vmem>>, vector<16xf32>,
          %get3A_296 = arith.index_cast %add3A_235 : i32 to index
          %get3A_297 = arith.constant 96 : index
          %get3A_298 = tpu.vector_load %arg10[%get3A_296, %get3A_297] {strides = array<i32>} : memref<128x128xf32, #tpu.memory_space<vmem>>, vector<16xf32>,
          %get3A_299 = arith.index_cast %squeeze3A_231 : i32 to index
          %get3A_300 = arith.constant 96 : index
          %get3A_301 = tpu.vector_load %arg11[%get3A_299, %get3A_300] {strides = array<i32>} : memref<321x128xf32, #tpu.memory_space<vmem>>, vector<16xf32>,
          %max3A_302 = arith.maximumf %get3A_301, %get3A_298 : vector<16xf32>
          %swap3A_303 = arith.index_cast %squeeze3A_231 : i32 to index
          %swap3A_304 = arith.constant 96 : index
          %swap3A_305 = tpu.vector_load %arg11[%swap3A_303, %swap3A_304] {strides = array<i32>} : memref<321x128xf32, #tpu.memory_space<vmem>>, vector<16xf32>,
          tpu.vector_store %arg11[%swap3A_303, %swap3A_304], %max3A_302 {strides = array<i32>} : memref<321x128xf32, #tpu.memory_space<vmem>>, vector<16xf32>,
          %get3A_306 = arith.index_cast %add3A_235 : i32 to index
          %get3A_307 = arith.constant 112 : index
          %get3A_308 = tpu.vector_load %arg10[%get3A_306, %get3A_307] {strides = array<i32>} : memref<128x128xf32, #tpu.memory_space<vmem>>, vector<16xf32>,
          %get3A_309 = arith.index_cast %squeeze3A_231 : i32 to index
          %get3A_310 = arith.constant 112 : index
          %get3A_311 = tpu.vector_load %arg11[%get3A_309, %get3A_310] {strides = array<i32>} : memref<321x128xf32, #tpu.memory_space<vmem>>, vector<16xf32>,
          %max3A_312 = arith.maximumf %get3A_311, %get3A_308 : vector<16xf32>
          %swap3A_313 = arith.index_cast %squeeze3A_231 : i32 to index
          %swap3A_314 = arith.constant 112 : index
          %swap3A_315 = tpu.vector_load %arg11[%swap3A_313, %swap3A_314] {strides = array<i32>} : memref<321x128xf32, #tpu.memory_space<vmem>>, vector<16xf32>,
          tpu.vector_store %arg11[%swap3A_313, %swap3A_314], %max3A_312 {strides = array<i32>} : memref<321x128xf32, #tpu.memory_space<vmem>>, vector<16xf32>,
          %slice3A_316 = vector.extract_strided_slice %get3A_147 {offsets = [2], sizes = [1], strides = [1]} : vector<16xi32> to vector<1xi32>
          %squeeze3A_317 = vector.extract %slice3A_316[0] : i32 from vector<1xi32>
          %mul3A_318 = arith.constant 16 : i32
          %mul3A_319 = arith.muli %scan3A_143, %mul3A_318 : i32
          %add3A_320 = arith.constant 2 : i32
          %add3A_321 = arith.addi %mul3A_319, %add3A_320 : i32
          %get3A_322 = arith.index_cast %add3A_321 : i32 to index
          %get3A_323 = arith.constant 0 : index
          %get3A_324 = tpu.vector_load %arg10[%get3A_322, %get3A_323] {strides = array<i32>} : memref<128x128xf32, #tpu.memory_space<vmem>>, vector<16xf32>,
          %get3A_325 = arith.index_cast %squeeze3A_317 : i32 to index
          %get3A_326 = arith.constant 0 : index
          %get3A_327 = tpu.vector_load %arg11[%get3A_325, %get3A_326] {strides = array<i32>} : memref<321x128xf32, #tpu.memory_space<vmem>>, vector<16xf32>,
          %max3A_328 = arith.maximumf %get3A_327, %get3A_324 : vector<16xf32>
          %swap3A_329 = arith.index_cast %squeeze3A_317 : i32 to index
          %swap3A_330 = arith.constant 0 : index
          %swap3A_331 = tpu.vector_load %arg11[%swap3A_329, %swap3A_330] {strides = array<i32>} : memref<321x128xf32, #tpu.memory_space<vmem>>, vector<16xf32>,
          tpu.vector_store %arg11[%swap3A_329, %swap3A_330], %max3A_328 {strides = array<i32>} : memref<321x128xf32, #tpu.memory_space<vmem>>, vector<16xf32>,
          %get3A_332 = arith.index_cast %add3A_321 : i32 to index
          %get3A_333 = arith.constant 16 : index
          %get3A_334 = tpu.vector_load %arg10[%get3A_332, %get3A_333] {strides = array<i32>} : memref<128x128xf32, #tpu.memory_space<vmem>>, vector<16xf32>,
          %get3A_335 = arith.index_cast %squeeze3A_317 : i32 to index
          %get3A_336 = arith.constant 16 : index
          %get3A_337 = tpu.vector_load %arg11[%get3A_335, %get3A_336] {strides = array<i32>} : memref<321x128xf32, #tpu.memory_space<vmem>>, vector<16xf32>,
          %max3A_338 = arith.maximumf %get3A_337, %get3A_334 : vector<16xf32>
          %swap3A_339 = arith.index_cast %squeeze3A_317 : i32 to index
          %swap3A_340 = arith.constant 16 : index
          %swap3A_341 = tpu.vector_load %arg11[%swap3A_339, %swap3A_340] {strides = array<i32>} : memref<321x128xf32, #tpu.memory_space<vmem>>, vector<16xf32>,
          tpu.vector_store %arg11[%swap3A_339, %swap3A_340], %max3A_338 {strides = array<i32>} : memref<321x128xf32, #tpu.memory_space<vmem>>, vector<16xf32>,
          %get3A_342 = arith.index_cast %add3A_321 : i32 to index
          %get3A_343 = arith.constant 32 : index
          %get3A_344 = tpu.vector_load %arg10[%get3A_342, %get3A_343] {strides = array<i32>} : memref<128x128xf32, #tpu.memory_space<vmem>>, vector<16xf32>,
          %get3A_345 = arith.index_cast %squeeze3A_317 : i32 to index
          %get3A_346 = arith.constant 32 : index
          %get3A_347 = tpu.vector_load %arg11[%get3A_345, %get3A_346] {strides = array<i32>} : memref<321x128xf32, #tpu.memory_space<vmem>>, vector<16xf32>,
          %max3A_348 = arith.maximumf %get3A_347, %get3A_344 : vector<16xf32>
          %swap3A_349 = arith.index_cast %squeeze3A_317 : i32 to index
          %swap3A_350 = arith.constant 32 : index
          %swap3A_351 = tpu.vector_load %arg11[%swap3A_349, %swap3A_350] {strides = array<i32>} : memref<321x128xf32, #tpu.memory_space<vmem>>, vector<16xf32>,
          tpu.vector_store %arg11[%swap3A_349, %swap3A_350], %max3A_348 {strides = array<i32>} : memref<321x128xf32, #tpu.memory_space<vmem>>, vector<16xf32>,
          %get3A_352 = arith.index_cast %add3A_321 : i32 to index
          %get3A_353 = arith.constant 48 : index
          %get3A_354 = tpu.vector_load %arg10[%get3A_352, %get3A_353] {strides = array<i32>} : memref<128x128xf32, #tpu.memory_space<vmem>>, vector<16xf32>,
          %get3A_355 = arith.index_cast %squeeze3A_317 : i32 to index
          %get3A_356 = arith.constant 48 : index
          %get3A_357 = tpu.vector_load %arg11[%get3A_355, %get3A_356] {strides = array<i32>} : memref<321x128xf32, #tpu.memory_space<vmem>>, vector<16xf32>,
          %max3A_358 = arith.maximumf %get3A_357, %get3A_354 : vector<16xf32>
          %swap3A_359 = arith.index_cast %squeeze3A_317 : i32 to index
          %swap3A_360 = arith.constant 48 : index
          %swap3A_361 = tpu.vector_load %arg11[%swap3A_359, %swap3A_360] {strides = array<i32>} : memref<321x128xf32, #tpu.memory_space<vmem>>, vector<16xf32>,
          tpu.vector_store %arg11[%swap3A_359, %swap3A_360], %max3A_358 {strides = array<i32>} : memref<321x128xf32, #tpu.memory_space<vmem>>, vector<16xf32>,
          %get3A_362 = arith.index_cast %add3A_321 : i32 to index
          %get3A_363 = arith.constant 64 : index
          %get3A_364 = tpu.vector_load %arg10[%get3A_362, %get3A_363] {strides = array<i32>} : memref<128x128xf32, #tpu.memory_space<vmem>>, vector<16xf32>,
          %get3A_365 = arith.index_cast %squeeze3A_317 : i32 to index
          %get3A_366 = arith.constant 64 : index
          %get3A_367 = tpu.vector_load %arg11[%get3A_365, %get3A_366] {strides = array<i32>} : memref<321x128xf32, #tpu.memory_space<vmem>>, vector<16xf32>,
          %max3A_368 = arith.maximumf %get3A_367, %get3A_364 : vector<16xf32>
          %swap3A_369 = arith.index_cast %squeeze3A_317 : i32 to index
          %swap3A_370 = arith.constant 64 : index
          %swap3A_371 = tpu.vector_load %arg11[%swap3A_369, %swap3A_370] {strides = array<i32>} : memref<321x128xf32, #tpu.memory_space<vmem>>, vector<16xf32>,
          tpu.vector_store %arg11[%swap3A_369, %swap3A_370], %max3A_368 {strides = array<i32>} : memref<321x128xf32, #tpu.memory_space<vmem>>, vector<16xf32>,
          %get3A_372 = arith.index_cast %add3A_321 : i32 to index
          %get3A_373 = arith.constant 80 : index
          %get3A_374 = tpu.vector_load %arg10[%get3A_372, %get3A_373] {strides = array<i32>} : memref<128x128xf32, #tpu.memory_space<vmem>>, vector<16xf32>,
          %get3A_375 = arith.index_cast %squeeze3A_317 : i32 to index
          %get3A_376 = arith.constant 80 : index
          %get3A_377 = tpu.vector_load %arg11[%get3A_375, %get3A_376] {strides = array<i32>} : memref<321x128xf32, #tpu.memory_space<vmem>>, vector<16xf32>,
          %max3A_378 = arith.maximumf %get3A_377, %get3A_374 : vector<16xf32>
          %swap3A_379 = arith.index_cast %squeeze3A_317 : i32 to index
          %swap3A_380 = arith.constant 80 : index
          %swap3A_381 = tpu.vector_load %arg11[%swap3A_379, %swap3A_380] {strides = array<i32>} : memref<321x128xf32, #tpu.memory_space<vmem>>, vector<16xf32>,
          tpu.vector_store %arg11[%swap3A_379, %swap3A_380], %max3A_378 {strides = array<i32>} : memref<321x128xf32, #tpu.memory_space<vmem>>, vector<16xf32>,
          %get3A_382 = arith.index_cast %add3A_321 : i32 to index
          %get3A_383 = arith.constant 96 : index
          %get3A_384 = tpu.vector_load %arg10[%get3A_382, %get3A_383] {strides = array<i32>} : memref<128x128xf32, #tpu.memory_space<vmem>>, vector<16xf32>,
          %get3A_385 = arith.index_cast %squeeze3A_317 : i32 to index
          %get3A_386 = arith.constant 96 : index
          %get3A_387 = tpu.vector_load %arg11[%get3A_385, %get3A_386] {strides = array<i32>} : memref<321x128xf32, #tpu.memory_space<vmem>>, vector<16xf32>,
          %max3A_388 = arith.maximumf %get3A_387, %get3A_384 : vector<16xf32>
          %swap3A_389 = arith.index_cast %squeeze3A_317 : i32 to index
          %swap3A_390 = arith.constant 96 : index
          %swap3A_391 = tpu.vector_load %arg11[%swap3A_389, %swap3A_390] {strides = array<i32>} : memref<321x128xf32, #tpu.memory_space<vmem>>, vector<16xf32>,
          tpu.vector_store %arg11[%swap3A_389, %swap3A_390], %max3A_388 {strides = array<i32>} : memref<321x128xf32, #tpu.memory_space<vmem>>, vector<16xf32>,
          %get3A_392 = arith.index_cast %add3A_321 : i32 to index
          %get3A_393 = arith.constant 112 : index
          %get3A_394 = tpu.vector_load %arg10[%get3A_392, %get3A_393] {strides = array<i32>} : memref<128x128xf32, #tpu.memory_space<vmem>>, vector<16xf32>,
          %get3A_395 = arith.index_cast %squeeze3A_317 : i32 to index
          %get3A_396 = arith.constant 112 : index
          %get3A_397 = tpu.vector_load %arg11[%get3A_395, %get3A_396] {strides = array<i32>} : memref<321x128xf32, #tpu.memory_space<vmem>>, vector<16xf32>,
          %max3A_398 = arith.maximumf %get3A_397, %get3A_394 : vector<16xf32>
          %swap3A_399 = arith.index_cast %squeeze3A_317 : i32 to index
          %swap3A_400 = arith.constant 112 : index
          %swap3A_401 = tpu.vector_load %arg11[%swap3A_399, %swap3A_400] {strides = array<i32>} : memref<321x128xf32, #tpu.memory_space<vmem>>, vector<16xf32>,
          tpu.vector_store %arg11[%swap3A_399, %swap3A_400], %max3A_398 {strides = array<i32>} : memref<321x128xf32, #tpu.memory_space<vmem>>, vector<16xf32>,
          %slice3A_402 = vector.extract_strided_slice %get3A_147 {offsets = [3], sizes = [1], strides = [1]} : vector<16xi32> to vector<1xi32>
          %squeeze3A_403 = vector.extract %slice3A_402[0] : i32 from vector<1xi32>
          %mul3A_404 = arith.constant 16 : i32
          %mul3A_405 = arith.muli %scan3A_143, %mul3A_404 : i32
          %add3A_406 = arith.constant 3 : i32
          %add3A_407 = arith.addi %mul3A_405, %add3A_406 : i32
          %get3A_408 = arith.index_cast %add3A_407 : i32 to index
          %get3A_409 = arith.constant 0 : index
          %get3A_410 = tpu.vector_load %arg10[%get3A_408, %get3A_409] {strides = array<i32>} : memref<128x128xf32, #tpu.memory_space<vmem>>, vector<16xf32>,
          %get3A_411 = arith.index_cast %squeeze3A_403 : i32 to index
          %get3A_412 = arith.constant 0 : index
          %get3A_413 = tpu.vector_load %arg11[%get3A_411, %get3A_412] {strides = array<i32>} : memref<321x128xf32, #tpu.memory_space<vmem>>, vector<16xf32>,
          %max3A_414 = arith.maximumf %get3A_413, %get3A_410 : vector<16xf32>
          %swap3A_415 = arith.index_cast %squeeze3A_403 : i32 to index
          %swap3A_416 = arith.constant 0 : index
          %swap3A_417 = tpu.vector_load %arg11[%swap3A_415, %swap3A_416] {strides = array<i32>} : memref<321x128xf32, #tpu.memory_space<vmem>>, vector<16xf32>,
          tpu.vector_store %arg11[%swap3A_415, %swap3A_416], %max3A_414 {strides = array<i32>} : memref<321x128xf32, #tpu.memory_space<vmem>>, vector<16xf32>,
          %get3A_418 = arith.index_cast %add3A_407 : i32 to index
          %get3A_419 = arith.constant 16 : index
          %get3A_420 = tpu.vector_load %arg10[%get3A_418, %get3A_419] {strides = array<i32>} : memref<128x128xf32, #tpu.memory_space<vmem>>, vector<16xf32>,
          %get3A_421 = arith.index_cast %squeeze3A_403 : i32 to index
          %get3A_422 = arith.constant 16 : index
          %get3A_423 = tpu.vector_load %arg11[%get3A_421, %get3A_422] {strides = array<i32>} : memref<321x128xf32, #tpu.memory_space<vmem>>, vector<16xf32>,
          %max3A_424 = arith.maximumf %get3A_423, %get3A_420 : vector<16xf32>
          %swap3A_425 = arith.index_cast %squeeze3A_403 : i32 to index
          %swap3A_426 = arith.constant 16 : index
          %swap3A_427 = tpu.vector_load %arg11[%swap3A_425, %swap3A_426] {strides = array<i32>} : memref<321x128xf32, #tpu.memory_space<vmem>>, vector<16xf32>,
          tpu.vector_store %arg11[%swap3A_425, %swap3A_426], %max3A_424 {strides = array<i32>} : memref<321x128xf32, #tpu.memory_space<vmem>>, vector<16xf32>,
          %get3A_428 = arith.index_cast %add3A_407 : i32 to index
          %get3A_429 = arith.constant 32 : index
          %get3A_430 = tpu.vector_load %arg10[%get3A_428, %get3A_429] {strides = array<i32>} : memref<128x128xf32, #tpu.memory_space<vmem>>, vector<16xf32>,
          %get3A_431 = arith.index_cast %squeeze3A_403 : i32 to index
          %get3A_432 = arith.constant 32 : index
          %get3A_433 = tpu.vector_load %arg11[%get3A_431, %get3A_432] {strides = array<i32>} : memref<321x128xf32, #tpu.memory_space<vmem>>, vector<16xf32>,
          %max3A_434 = arith.maximumf %get3A_433, %get3A_430 : vector<16xf32>
          %swap3A_435 = arith.index_cast %squeeze3A_403 : i32 to index
          %swap3A_436 = arith.constant 32 : index
          %swap3A_437 = tpu.vector_load %arg11[%swap3A_435, %swap3A_436] {strides = array<i32>} : memref<321x128xf32, #tpu.memory_space<vmem>>, vector<16xf32>,
          tpu.vector_store %arg11[%swap3A_435, %swap3A_436], %max3A_434 {strides = array<i32>} : memref<321x128xf32, #tpu.memory_space<vmem>>, vector<16xf32>,
          %get3A_438 = arith.index_cast %add3A_407 : i32 to index
          %get3A_439 = arith.constant 48 : index
          %get3A_440 = tpu.vector_load %arg10[%get3A_438, %get3A_439] {strides = array<i32>} : memref<128x128xf32, #tpu.memory_space<vmem>>, vector<16xf32>,
          %get3A_441 = arith.index_cast %squeeze3A_403 : i32 to index
          %get3A_442 = arith.constant 48 : index
          %get3A_443 = tpu.vector_load %arg11[%get3A_441, %get3A_442] {strides = array<i32>} : memref<321x128xf32, #tpu.memory_space<vmem>>, vector<16xf32>,
          %max3A_444 = arith.maximumf %get3A_443, %get3A_440 : vector<16xf32>
          %swap3A_445 = arith.index_cast %squeeze3A_403 : i32 to index
          %swap3A_446 = arith.constant 48 : index
          %swap3A_447 = tpu.vector_load %arg11[%swap3A_445, %swap3A_446] {strides = array<i32>} : memref<321x128xf32, #tpu.memory_space<vmem>>, vector<16xf32>,
          tpu.vector_store %arg11[%swap3A_445, %swap3A_446], %max3A_444 {strides = array<i32>} : memref<321x128xf32, #tpu.memory_space<vmem>>, vector<16xf32>,
          %get3A_448 = arith.index_cast %add3A_407 : i32 to index
          %get3A_449 = arith.constant 64 : index
          %get3A_450 = tpu.vector_load %arg10[%get3A_448, %get3A_449] {strides = array<i32>} : memref<128x128xf32, #tpu.memory_space<vmem>>, vector<16xf32>,
          %get3A_451 = arith.index_cast %squeeze3A_403 : i32 to index
          %get3A_452 = arith.constant 64 : index
          %get3A_453 = tpu.vector_load %arg11[%get3A_451, %get3A_452] {strides = array<i32>} : memref<321x128xf32, #tpu.memory_space<vmem>>, vector<16xf32>,
          %max3A_454 = arith.maximumf %get3A_453, %get3A_450 : vector<16xf32>
          %swap3A_455 = arith.index_cast %squeeze3A_403 : i32 to index
          %swap3A_456 = arith.constant 64 : index
          %swap3A_457 = tpu.vector_load %arg11[%swap3A_455, %swap3A_456] {strides = array<i32>} : memref<321x128xf32, #tpu.memory_space<vmem>>, vector<16xf32>,
          tpu.vector_store %arg11[%swap3A_455, %swap3A_456], %max3A_454 {strides = array<i32>} : memref<321x128xf32, #tpu.memory_space<vmem>>, vector<16xf32>,
          %get3A_458 = arith.index_cast %add3A_407 : i32 to index
          %get3A_459 = arith.constant 80 : index
          %get3A_460 = tpu.vector_load %arg10[%get3A_458, %get3A_459] {strides = array<i32>} : memref<128x128xf32, #tpu.memory_space<vmem>>, vector<16xf32>,
          %get3A_461 = arith.index_cast %squeeze3A_403 : i32 to index
          %get3A_462 = arith.constant 80 : index
          %get3A_463 = tpu.vector_load %arg11[%get3A_461, %get3A_462] {strides = array<i32>} : memref<321x128xf32, #tpu.memory_space<vmem>>, vector<16xf32>,
          %max3A_464 = arith.maximumf %get3A_463, %get3A_460 : vector<16xf32>
          %swap3A_465 = arith.index_cast %squeeze3A_403 : i32 to index
          %swap3A_466 = arith.constant 80 : index
          %swap3A_467 = tpu.vector_load %arg11[%swap3A_465, %swap3A_466] {strides = array<i32>} : memref<321x128xf32, #tpu.memory_space<vmem>>, vector<16xf32>,
          tpu.vector_store %arg11[%swap3A_465, %swap3A_466], %max3A_464 {strides = array<i32>} : memref<321x128xf32, #tpu.memory_space<vmem>>, vector<16xf32>,
          %get3A_468 = arith.index_cast %add3A_407 : i32 to index
          %get3A_469 = arith.constant 96 : index
          %get3A_470 = tpu.vector_load %arg10[%get3A_468, %get3A_469] {strides = array<i32>} : memref<128x128xf32, #tpu.memory_space<vmem>>, vector<16xf32>,
          %get3A_471 = arith.index_cast %squeeze3A_403 : i32 to index
          %get3A_472 = arith.constant 96 : index
          %get3A_473 = tpu.vector_load %arg11[%get3A_471, %get3A_472] {strides = array<i32>} : memref<321x128xf32, #tpu.memory_space<vmem>>, vector<16xf32>,
          %max3A_474 = arith.maximumf %get3A_473, %get3A_470 : vector<16xf32>
          %swap3A_475 = arith.index_cast %squeeze3A_403 : i32 to index
          %swap3A_476 = arith.constant 96 : index
          %swap3A_477 = tpu.vector_load %arg11[%swap3A_475, %swap3A_476] {strides = array<i32>} : memref<321x128xf32, #tpu.memory_space<vmem>>, vector<16xf32>,
          tpu.vector_store %arg11[%swap3A_475, %swap3A_476], %max3A_474 {strides = array<i32>} : memref<321x128xf32, #tpu.memory_space<vmem>>, vector<16xf32>,
          %get3A_478 = arith.index_cast %add3A_407 : i32 to index
          %get3A_479 = arith.constant 112 : index
          %get3A_480 = tpu.vector_load %arg10[%get3A_478, %get3A_479] {strides = array<i32>} : memref<128x128xf32, #tpu.memory_space<vmem>>, vector<16xf32>,
          %get3A_481 = arith.index_cast %squeeze3A_403 : i32 to index
          %get3A_482 = arith.constant 112 : index
          %get3A_483 = tpu.vector_load %arg11[%get3A_481, %get3A_482] {strides = array<i32>} : memref<321x128xf32, #tpu.memory_space<vmem>>, vector<16xf32>,
          %max3A_484 = arith.maximumf %get3A_483, %get3A_480 : vector<16xf32>
          %swap3A_485 = arith.index_cast %squeeze3A_403 : i32 to index
          %swap3A_486 = arith.constant 112 : index
          %swap3A_487 = tpu.vector_load %arg11[%swap3A_485, %swap3A_486] {strides = array<i32>} : memref<321x128xf32, #tpu.memory_space<vmem>>, vector<16xf32>,
          tpu.vector_store %arg11[%swap3A_485, %swap3A_486], %max3A_484 {strides = array<i32>} : memref<321x128xf32, #tpu.memory_space<vmem>>, vector<16xf32>,
          %slice3A_488 = vector.extract_strided_slice %get3A_147 {offsets = [4], sizes = [1], strides = [1]} : vector<16xi32> to vector<1xi32>
          %squeeze3A_489 = vector.extract %slice3A_488[0] : i32 from vector<1xi32>
          %mul3A_490 = arith.constant 16 : i32
          %mul3A_491 = arith.muli %scan3A_143, %mul3A_490 : i32
          %add3A_492 = arith.constant 4 : i32
          %add3A_493 = arith.addi %mul3A_491, %add3A_492 : i32
          %get3A_494 = arith.index_cast %add3A_493 : i32 to index
          %get3A_495 = arith.constant 0 : index
          %get3A_496 = tpu.vector_load %arg10[%get3A_494, %get3A_495] {strides = array<i32>} : memref<128x128xf32, #tpu.memory_space<vmem>>, vector<16xf32>,
          %get3A_497 = arith.index_cast %squeeze3A_489 : i32 to index
          %get3A_498 = arith.constant 0 : index
          %get3A_499 = tpu.vector_load %arg11[%get3A_497, %get3A_498] {strides = array<i32>} : memref<321x128xf32, #tpu.memory_space<vmem>>, vector<16xf32>,
          %max3A_500 = arith.maximumf %get3A_499, %get3A_496 : vector<16xf32>
          %swap3A_501 = arith.index_cast %squeeze3A_489 : i32 to index
          %swap3A_502 = arith.constant 0 : index
          %swap3A_503 = tpu.vector_load %arg11[%swap3A_501, %swap3A_502] {strides = array<i32>} : memref<321x128xf32, #tpu.memory_space<vmem>>, vector<16xf32>,
          tpu.vector_store %arg11[%swap3A_501, %swap3A_502], %max3A_500 {strides = array<i32>} : memref<321x128xf32, #tpu.memory_space<vmem>>, vector<16xf32>,
          %get3A_504 = arith.index_cast %add3A_493 : i32 to index
          %get3A_505 = arith.constant 16 : index
          %get3A_506 = tpu.vector_load %arg10[%get3A_504, %get3A_505] {strides = array<i32>} : memref<128x128xf32, #tpu.memory_space<vmem>>, vector<16xf32>,
          %get3A_507 = arith.index_cast %squeeze3A_489 : i32 to index
          %get3A_508 = arith.constant 16 : index
          %get3A_509 = tpu.vector_load %arg11[%get3A_507, %get3A_508] {strides = array<i32>} : memref<321x128xf32, #tpu.memory_space<vmem>>, vector<16xf32>,
          %max3A_510 = arith.maximumf %get3A_509, %get3A_506 : vector<16xf32>
          %swap3A_511 = arith.index_cast %squeeze3A_489 : i32 to index
          %swap3A_512 = arith.constant 16 : index
          %swap3A_513 = tpu.vector_load %arg11[%swap3A_511, %swap3A_512] {strides = array<i32>} : memref<321x128xf32, #tpu.memory_space<vmem>>, vector<16xf32>,
          tpu.vector_store %arg11[%swap3A_511, %swap3A_512], %max3A_510 {strides = array<i32>} : memref<321x128xf32, #tpu.memory_space<vmem>>, vector<16xf32>,
          %get3A_514 = arith.index_cast %add3A_493 : i32 to index
          %get3A_515 = arith.constant 32 : index
          %get3A_516 = tpu.vector_load %arg10[%get3A_514, %get3A_515] {strides = array<i32>} : memref<128x128xf32, #tpu.memory_space<vmem>>, vector<16xf32>,
          %get3A_517 = arith.index_cast %squeeze3A_489 : i32 to index
          %get3A_518 = arith.constant 32 : index
          %get3A_519 = tpu.vector_load %arg11[%get3A_517, %get3A_518] {strides = array<i32>} : memref<321x128xf32, #tpu.memory_space<vmem>>, vector<16xf32>,
          %max3A_520 = arith.maximumf %get3A_519, %get3A_516 : vector<16xf32>
          %swap3A_521 = arith.index_cast %squeeze3A_489 : i32 to index
          %swap3A_522 = arith.constant 32 : index
          %swap3A_523 = tpu.vector_load %arg11[%swap3A_521, %swap3A_522] {strides = array<i32>} : memref<321x128xf32, #tpu.memory_space<vmem>>, vector<16xf32>,
          tpu.vector_store %arg11[%swap3A_521, %swap3A_522], %max3A_520 {strides = array<i32>} : memref<321x128xf32, #tpu.memory_space<vmem>>, vector<16xf32>,
          %get3A_524 = arith.index_cast %add3A_493 : i32 to index
          %get3A_525 = arith.constant 48 : index
          %get3A_526 = tpu.vector_load %arg10[%get3A_524, %get3A_525] {strides = array<i32>} : memref<128x128xf32, #tpu.memory_space<vmem>>, vector<16xf32>,
          %get3A_527 = arith.index_cast %squeeze3A_489 : i32 to index
          %get3A_528 = arith.constant 48 : index
          %get3A_529 = tpu.vector_load %arg11[%get3A_527, %get3A_528] {strides = array<i32>} : memref<321x128xf32, #tpu.memory_space<vmem>>, vector<16xf32>,
          %max3A_530 = arith.maximumf %get3A_529, %get3A_526 : vector<16xf32>
          %swap3A_531 = arith.index_cast %squeeze3A_489 : i32 to index
          %swap3A_532 = arith.constant 48 : index
          %swap3A_533 = tpu.vector_load %arg11[%swap3A_531, %swap3A_532] {strides = array<i32>} : memref<321x128xf32, #tpu.memory_space<vmem>>, vector<16xf32>,
          tpu.vector_store %arg11[%swap3A_531, %swap3A_532], %max3A_530 {strides = array<i32>} : memref<321x128xf32, #tpu.memory_space<vmem>>, vector<16xf32>,
          %get3A_534 = arith.index_cast %add3A_493 : i32 to index
          %get3A_535 = arith.constant 64 : index
          %get3A_536 = tpu.vector_load %arg10[%get3A_534, %get3A_535] {strides = array<i32>} : memref<128x128xf32, #tpu.memory_space<vmem>>, vector<16xf32>,
          %get3A_537 = arith.index_cast %squeeze3A_489 : i32 to index
          %get3A_538 = arith.constant 64 : index
          %get3A_539 = tpu.vector_load %arg11[%get3A_537, %get3A_538] {strides = array<i32>} : memref<321x128xf32, #tpu.memory_space<vmem>>, vector<16xf32>,
          %max3A_540 = arith.maximumf %get3A_539, %get3A_536 : vector<16xf32>
          %swap3A_541 = arith.index_cast %squeeze3A_489 : i32 to index
          %swap3A_542 = arith.constant 64 : index
          %swap3A_543 = tpu.vector_load %arg11[%swap3A_541, %swap3A_542] {strides = array<i32>} : memref<321x128xf32, #tpu.memory_space<vmem>>, vector<16xf32>,
          tpu.vector_store %arg11[%swap3A_541, %swap3A_542], %max3A_540 {strides = array<i32>} : memref<321x128xf32, #tpu.memory_space<vmem>>, vector<16xf32>,
          %get3A_544 = arith.index_cast %add3A_493 : i32 to index
          %get3A_545 = arith.constant 80 : index
          %get3A_546 = tpu.vector_load %arg10[%get3A_544, %get3A_545] {strides = array<i32>} : memref<128x128xf32, #tpu.memory_space<vmem>>, vector<16xf32>,
          %get3A_547 = arith.index_cast %squeeze3A_489 : i32 to index
          %get3A_548 = arith.constant 80 : index
          %get3A_549 = tpu.vector_load %arg11[%get3A_547, %get3A_548] {strides = array<i32>} : memref<321x128xf32, #tpu.memory_space<vmem>>, vector<16xf32>,
          %max3A_550 = arith.maximumf %get3A_549, %get3A_546 : vector<16xf32>
          %swap3A_551 = arith.index_cast %squeeze3A_489 : i32 to index
          %swap3A_552 = arith.constant 80 : index
          %swap3A_553 = tpu.vector_load %arg11[%swap3A_551, %swap3A_552] {strides = array<i32>} : memref<321x128xf32, #tpu.memory_space<vmem>>, vector<16xf32>,
          tpu.vector_store %arg11[%swap3A_551, %swap3A_552], %max3A_550 {strides = array<i32>} : memref<321x128xf32, #tpu.memory_space<vmem>>, vector<16xf32>,
          %get3A_554 = arith.index_cast %add3A_493 : i32 to index
          %get3A_555 = arith.constant 96 : index
          %get3A_556 = tpu.vector_load %arg10[%get3A_554, %get3A_555] {strides = array<i32>} : memref<128x128xf32, #tpu.memory_space<vmem>>, vector<16xf32>,
          %get3A_557 = arith.index_cast %squeeze3A_489 : i32 to index
          %get3A_558 = arith.constant 96 : index
          %get3A_559 = tpu.vector_load %arg11[%get3A_557, %get3A_558] {strides = array<i32>} : memref<321x128xf32, #tpu.memory_space<vmem>>, vector<16xf32>,
          %max3A_560 = arith.maximumf %get3A_559, %get3A_556 : vector<16xf32>
          %swap3A_561 = arith.index_cast %squeeze3A_489 : i32 to index
          %swap3A_562 = arith.constant 96 : index
          %swap3A_563 = tpu.vector_load %arg11[%swap3A_561, %swap3A_562] {strides = array<i32>} : memref<321x128xf32, #tpu.memory_space<vmem>>, vector<16xf32>,
          tpu.vector_store %arg11[%swap3A_561, %swap3A_562], %max3A_560 {strides = array<i32>} : memref<321x128xf32, #tpu.memory_space<vmem>>, vector<16xf32>,
          %get3A_564 = arith.index_cast %add3A_493 : i32 to index
          %get3A_565 = arith.constant 112 : index
          %get3A_566 = tpu.vector_load %arg10[%get3A_564, %get3A_565] {strides = array<i32>} : memref<128x128xf32, #tpu.memory_space<vmem>>, vector<16xf32>,
          %get3A_567 = arith.index_cast %squeeze3A_489 : i32 to index
          %get3A_568 = arith.constant 112 : index
          %get3A_569 = tpu.vector_load %arg11[%get3A_567, %get3A_568] {strides = array<i32>} : memref<321x128xf32, #tpu.memory_space<vmem>>, vector<16xf32>,
          %max3A_570 = arith.maximumf %get3A_569, %get3A_566 : vector<16xf32>
          %swap3A_571 = arith.index_cast %squeeze3A_489 : i32 to index
          %swap3A_572 = arith.constant 112 : index
          %swap3A_573 = tpu.vector_load %arg11[%swap3A_571, %swap3A_572] {strides = array<i32>} : memref<321x128xf32, #tpu.memory_space<vmem>>, vector<16xf32>,
          tpu.vector_store %arg11[%swap3A_571, %swap3A_572], %max3A_570 {strides = array<i32>} : memref<321x128xf32, #tpu.memory_space<vmem>>, vector<16xf32>,
          %slice3A_574 = vector.extract_strided_slice %get3A_147 {offsets = [5], sizes = [1], strides = [1]} : vector<16xi32> to vector<1xi32>
          %squeeze3A_575 = vector.extract %slice3A_574[0] : i32 from vector<1xi32>
          %mul3A_576 = arith.constant 16 : i32
          %mul3A_577 = arith.muli %scan3A_143, %mul3A_576 : i32
          %add3A_578 = arith.constant 5 : i32
          %add3A_579 = arith.addi %mul3A_577, %add3A_578 : i32
          %get3A_580 = arith.index_cast %add3A_579 : i32 to index
          %get3A_581 = arith.constant 0 : index
          %get3A_582 = tpu.vector_load %arg10[%get3A_580, %get3A_581] {strides = array<i32>} : memref<128x128xf32, #tpu.memory_space<vmem>>, vector<16xf32>,
          %get3A_583 = arith.index_cast %squeeze3A_575 : i32 to index
          %get3A_584 = arith.constant 0 : index
          %get3A_585 = tpu.vector_load %arg11[%get3A_583, %get3A_584] {strides = array<i32>} : memref<321x128xf32, #tpu.memory_space<vmem>>, vector<16xf32>,
          %max3A_586 = arith.maximumf %get3A_585, %get3A_582 : vector<16xf32>
          %swap3A_587 = arith.index_cast %squeeze3A_575 : i32 to index
          %swap3A_588 = arith.constant 0 : index
          %swap3A_589 = tpu.vector_load %arg11[%swap3A_587, %swap3A_588] {strides = array<i32>} : memref<321x128xf32, #tpu.memory_space<vmem>>, vector<16xf32>,
          tpu.vector_store %arg11[%swap3A_587, %swap3A_588], %max3A_586 {strides = array<i32>} : memref<321x128xf32, #tpu.memory_space<vmem>>, vector<16xf32>,
          %get3A_590 = arith.index_cast %add3A_579 : i32 to index
          %get3A_591 = arith.constant 16 : index
          %get3A_592 = tpu.vector_load %arg10[%get3A_590, %get3A_591] {strides = array<i32>} : memref<128x128xf32, #tpu.memory_space<vmem>>, vector<16xf32>,
          %get3A_593 = arith.index_cast %squeeze3A_575 : i32 to index
          %get3A_594 = arith.constant 16 : index
          %get3A_595 = tpu.vector_load %arg11[%get3A_593, %get3A_594] {strides = array<i32>} : memref<321x128xf32, #tpu.memory_space<vmem>>, vector<16xf32>,
          %max3A_596 = arith.maximumf %get3A_595, %get3A_592 : vector<16xf32>
          %swap3A_597 = arith.index_cast %squeeze3A_575 : i32 to index
          %swap3A_598 = arith.constant 16 : index
          %swap3A_599 = tpu.vector_load %arg11[%swap3A_597, %swap3A_598] {strides = array<i32>} : memref<321x128xf32, #tpu.memory_space<vmem>>, vector<16xf32>,
          tpu.vector_store %arg11[%swap3A_597, %swap3A_598], %max3A_596 {strides = array<i32>} : memref<321x128xf32, #tpu.memory_space<vmem>>, vector<16xf32>,
          %get3A_600 = arith.index_cast %add3A_579 : i32 to index
          %get3A_601 = arith.constant 32 : index
          %get3A_602 = tpu.vector_load %arg10[%get3A_600, %get3A_601] {strides = array<i32>} : memref<128x128xf32, #tpu.memory_space<vmem>>, vector<16xf32>,
          %get3A_603 = arith.index_cast %squeeze3A_575 : i32 to index
          %get3A_604 = arith.constant 32 : index
          %get3A_605 = tpu.vector_load %arg11[%get3A_603, %get3A_604] {strides = array<i32>} : memref<321x128xf32, #tpu.memory_space<vmem>>, vector<16xf32>,
          %max3A_606 = arith.maximumf %get3A_605, %get3A_602 : vector<16xf32>
          %swap3A_607 = arith.index_cast %squeeze3A_575 : i32 to index
          %swap3A_608 = arith.constant 32 : index
          %swap3A_609 = tpu.vector_load %arg11[%swap3A_607, %swap3A_608] {strides = array<i32>} : memref<321x128xf32, #tpu.memory_space<vmem>>, vector<16xf32>,
          tpu.vector_store %arg11[%swap3A_607, %swap3A_608], %max3A_606 {strides = array<i32>} : memref<321x128xf32, #tpu.memory_space<vmem>>, vector<16xf32>,
          %get3A_610 = arith.index_cast %add3A_579 : i32 to index
          %get3A_611 = arith.constant 48 : index
          %get3A_612 = tpu.vector_load %arg10[%get3A_610, %get3A_611] {strides = array<i32>} : memref<128x128xf32, #tpu.memory_space<vmem>>, vector<16xf32>,
          %get3A_613 = arith.index_cast %squeeze3A_575 : i32 to index
          %get3A_614 = arith.constant 48 : index
          %get3A_615 = tpu.vector_load %arg11[%get3A_613, %get3A_614] {strides = array<i32>} : memref<321x128xf32, #tpu.memory_space<vmem>>, vector<16xf32>,
          %max3A_616 = arith.maximumf %get3A_615, %get3A_612 : vector<16xf32>
          %swap3A_617 = arith.index_cast %squeeze3A_575 : i32 to index
          %swap3A_618 = arith.constant 48 : index
          %swap3A_619 = tpu.vector_load %arg11[%swap3A_617, %swap3A_618] {strides = array<i32>} : memref<321x128xf32, #tpu.memory_space<vmem>>, vector<16xf32>,
          tpu.vector_store %arg11[%swap3A_617, %swap3A_618], %max3A_616 {strides = array<i32>} : memref<321x128xf32, #tpu.memory_space<vmem>>, vector<16xf32>,
          %get3A_620 = arith.index_cast %add3A_579 : i32 to index
          %get3A_621 = arith.constant 64 : index
          %get3A_622 = tpu.vector_load %arg10[%get3A_620, %get3A_621] {strides = array<i32>} : memref<128x128xf32, #tpu.memory_space<vmem>>, vector<16xf32>,
          %get3A_623 = arith.index_cast %squeeze3A_575 : i32 to index
          %get3A_624 = arith.constant 64 : index
          %get3A_625 = tpu.vector_load %arg11[%get3A_623, %get3A_624] {strides = array<i32>} : memref<321x128xf32, #tpu.memory_space<vmem>>, vector<16xf32>,
          %max3A_626 = arith.maximumf %get3A_625, %get3A_622 : vector<16xf32>
          %swap3A_627 = arith.index_cast %squeeze3A_575 : i32 to index
          %swap3A_628 = arith.constant 64 : index
          %swap3A_629 = tpu.vector_load %arg11[%swap3A_627, %swap3A_628] {strides = array<i32>} : memref<321x128xf32, #tpu.memory_space<vmem>>, vector<16xf32>,
          tpu.vector_store %arg11[%swap3A_627, %swap3A_628], %max3A_626 {strides = array<i32>} : memref<321x128xf32, #tpu.memory_space<vmem>>, vector<16xf32>,
          %get3A_630 = arith.index_cast %add3A_579 : i32 to index
          %get3A_631 = arith.constant 80 : index
          %get3A_632 = tpu.vector_load %arg10[%get3A_630, %get3A_631] {strides = array<i32>} : memref<128x128xf32, #tpu.memory_space<vmem>>, vector<16xf32>,
          %get3A_633 = arith.index_cast %squeeze3A_575 : i32 to index
          %get3A_634 = arith.constant 80 : index
          %get3A_635 = tpu.vector_load %arg11[%get3A_633, %get3A_634] {strides = array<i32>} : memref<321x128xf32, #tpu.memory_space<vmem>>, vector<16xf32>,
          %max3A_636 = arith.maximumf %get3A_635, %get3A_632 : vector<16xf32>
          %swap3A_637 = arith.index_cast %squeeze3A_575 : i32 to index
          %swap3A_638 = arith.constant 80 : index
          %swap3A_639 = tpu.vector_load %arg11[%swap3A_637, %swap3A_638] {strides = array<i32>} : memref<321x128xf32, #tpu.memory_space<vmem>>, vector<16xf32>,
          tpu.vector_store %arg11[%swap3A_637, %swap3A_638], %max3A_636 {strides = array<i32>} : memref<321x128xf32, #tpu.memory_space<vmem>>, vector<16xf32>,
          %get3A_640 = arith.index_cast %add3A_579 : i32 to index
          %get3A_641 = arith.constant 96 : index
          %get3A_642 = tpu.vector_load %arg10[%get3A_640, %get3A_641] {strides = array<i32>} : memref<128x128xf32, #tpu.memory_space<vmem>>, vector<16xf32>,
          %get3A_643 = arith.index_cast %squeeze3A_575 : i32 to index
          %get3A_644 = arith.constant 96 : index
          %get3A_645 = tpu.vector_load %arg11[%get3A_643, %get3A_644] {strides = array<i32>} : memref<321x128xf32, #tpu.memory_space<vmem>>, vector<16xf32>,
          %max3A_646 = arith.maximumf %get3A_645, %get3A_642 : vector<16xf32>
          %swap3A_647 = arith.index_cast %squeeze3A_575 : i32 to index
          %swap3A_648 = arith.constant 96 : index
          %swap3A_649 = tpu.vector_load %arg11[%swap3A_647, %swap3A_648] {strides = array<i32>} : memref<321x128xf32, #tpu.memory_space<vmem>>, vector<16xf32>,
          tpu.vector_store %arg11[%swap3A_647, %swap3A_648], %max3A_646 {strides = array<i32>} : memref<321x128xf32, #tpu.memory_space<vmem>>, vector<16xf32>,
          %get3A_650 = arith.index_cast %add3A_579 : i32 to index
          %get3A_651 = arith.constant 112 : index
          %get3A_652 = tpu.vector_load %arg10[%get3A_650, %get3A_651] {strides = array<i32>} : memref<128x128xf32, #tpu.memory_space<vmem>>, vector<16xf32>,
          %get3A_653 = arith.index_cast %squeeze3A_575 : i32 to index
          %get3A_654 = arith.constant 112 : index
          %get3A_655 = tpu.vector_load %arg11[%get3A_653, %get3A_654] {strides = array<i32>} : memref<321x128xf32, #tpu.memory_space<vmem>>, vector<16xf32>,
          %max3A_656 = arith.maximumf %get3A_655, %get3A_652 : vector<16xf32>
          %swap3A_657 = arith.index_cast %squeeze3A_575 : i32 to index
          %swap3A_658 = arith.constant 112 : index
          %swap3A_659 = tpu.vector_load %arg11[%swap3A_657, %swap3A_658] {strides = array<i32>} : memref<321x128xf32, #tpu.memory_space<vmem>>, vector<16xf32>,
          tpu.vector_store %arg11[%swap3A_657, %swap3A_658], %max3A_656 {strides = array<i32>} : memref<321x128xf32, #tpu.memory_space<vmem>>, vector<16xf32>,
          %slice3A_660 = vector.extract_strided_slice %get3A_147 {offsets = [6], sizes = [1], strides = [1]} : vector<16xi32> to vector<1xi32>
          %squeeze3A_661 = vector.extract %slice3A_660[0] : i32 from vector<1xi32>
          %mul3A_662 = arith.constant 16 : i32
          %mul3A_663 = arith.muli %scan3A_143, %mul3A_662 : i32
          %add3A_664 = arith.constant 6 : i32
          %add3A_665 = arith.addi %mul3A_663, %add3A_664 : i32
          %get3A_666 = arith.index_cast %add3A_665 : i32 to index
          %get3A_667 = arith.constant 0 : index
          %get3A_668 = tpu.vector_load %arg10[%get3A_666, %get3A_667] {strides = array<i32>} : memref<128x128xf32, #tpu.memory_space<vmem>>, vector<16xf32>,
          %get3A_669 = arith.index_cast %squeeze3A_661 : i32 to index
          %get3A_670 = arith.constant 0 : index
          %get3A_671 = tpu.vector_load %arg11[%get3A_669, %get3A_670] {strides = array<i32>} : memref<321x128xf32, #tpu.memory_space<vmem>>, vector<16xf32>,
          %max3A_672 = arith.maximumf %get3A_671, %get3A_668 : vector<16xf32>
          %swap3A_673 = arith.index_cast %squeeze3A_661 : i32 to index
          %swap3A_674 = arith.constant 0 : index
          %swap3A_675 = tpu.vector_load %arg11[%swap3A_673, %swap3A_674] {strides = array<i32>} : memref<321x128xf32, #tpu.memory_space<vmem>>, vector<16xf32>,
          tpu.vector_store %arg11[%swap3A_673, %swap3A_674], %max3A_672 {strides = array<i32>} : memref<321x128xf32, #tpu.memory_space<vmem>>, vector<16xf32>,
          %get3A_676 = arith.index_cast %add3A_665 : i32 to index
          %get3A_677 = arith.constant 16 : index
          %get3A_678 = tpu.vector_load %arg10[%get3A_676, %get3A_677] {strides = array<i32>} : memref<128x128xf32, #tpu.memory_space<vmem>>, vector<16xf32>,
          %get3A_679 = arith.index_cast %squeeze3A_661 : i32 to index
          %get3A_680 = arith.constant 16 : index
          %get3A_681 = tpu.vector_load %arg11[%get3A_679, %get3A_680] {strides = array<i32>} : memref<321x128xf32, #tpu.memory_space<vmem>>, vector<16xf32>,
          %max3A_682 = arith.maximumf %get3A_681, %get3A_678 : vector<16xf32>
          %swap3A_683 = arith.index_cast %squeeze3A_661 : i32 to index
          %swap3A_684 = arith.constant 16 : index
          %swap3A_685 = tpu.vector_load %arg11[%swap3A_683, %swap3A_684] {strides = array<i32>} : memref<321x128xf32, #tpu.memory_space<vmem>>, vector<16xf32>,
          tpu.vector_store %arg11[%swap3A_683, %swap3A_684], %max3A_682 {strides = array<i32>} : memref<321x128xf32, #tpu.memory_space<vmem>>, vector<16xf32>,
          %get3A_686 = arith.index_cast %add3A_665 : i32 to index
          %get3A_687 = arith.constant 32 : index
          %get3A_688 = tpu.vector_load %arg10[%get3A_686, %get3A_687] {strides = array<i32>} : memref<128x128xf32, #tpu.memory_space<vmem>>, vector<16xf32>,
          %get3A_689 = arith.index_cast %squeeze3A_661 : i32 to index
          %get3A_690 = arith.constant 32 : index
          %get3A_691 = tpu.vector_load %arg11[%get3A_689, %get3A_690] {strides = array<i32>} : memref<321x128xf32, #tpu.memory_space<vmem>>, vector<16xf32>,
          %max3A_692 = arith.maximumf %get3A_691, %get3A_688 : vector<16xf32>
          %swap3A_693 = arith.index_cast %squeeze3A_661 : i32 to index
          %swap3A_694 = arith.constant 32 : index
          %swap3A_695 = tpu.vector_load %arg11[%swap3A_693, %swap3A_694] {strides = array<i32>} : memref<321x128xf32, #tpu.memory_space<vmem>>, vector<16xf32>,
          tpu.vector_store %arg11[%swap3A_693, %swap3A_694], %max3A_692 {strides = array<i32>} : memref<321x128xf32, #tpu.memory_space<vmem>>, vector<16xf32>,
          %get3A_696 = arith.index_cast %add3A_665 : i32 to index
          %get3A_697 = arith.constant 48 : index
          %get3A_698 = tpu.vector_load %arg10[%get3A_696, %get3A_697] {strides = array<i32>} : memref<128x128xf32, #tpu.memory_space<vmem>>, vector<16xf32>,
          %get3A_699 = arith.index_cast %squeeze3A_661 : i32 to index
          %get3A_700 = arith.constant 48 : index
          %get3A_701 = tpu.vector_load %arg11[%get3A_699, %get3A_700] {strides = array<i32>} : memref<321x128xf32, #tpu.memory_space<vmem>>, vector<16xf32>,
          %max3A_702 = arith.maximumf %get3A_701, %get3A_698 : vector<16xf32>
          %swap3A_703 = arith.index_cast %squeeze3A_661 : i32 to index
          %swap3A_704 = arith.constant 48 : index
          %swap3A_705 = tpu.vector_load %arg11[%swap3A_703, %swap3A_704] {strides = array<i32>} : memref<321x128xf32, #tpu.memory_space<vmem>>, vector<16xf32>,
          tpu.vector_store %arg11[%swap3A_703, %swap3A_704], %max3A_702 {strides = array<i32>} : memref<321x128xf32, #tpu.memory_space<vmem>>, vector<16xf32>,
          %get3A_706 = arith.index_cast %add3A_665 : i32 to index
          %get3A_707 = arith.constant 64 : index
          %get3A_708 = tpu.vector_load %arg10[%get3A_706, %get3A_707] {strides = array<i32>} : memref<128x128xf32, #tpu.memory_space<vmem>>, vector<16xf32>,
          %get3A_709 = arith.index_cast %squeeze3A_661 : i32 to index
          %get3A_710 = arith.constant 64 : index
          %get3A_711 = tpu.vector_load %arg11[%get3A_709, %get3A_710] {strides = array<i32>} : memref<321x128xf32, #tpu.memory_space<vmem>>, vector<16xf32>,
          %max3A_712 = arith.maximumf %get3A_711, %get3A_708 : vector<16xf32>
          %swap3A_713 = arith.index_cast %squeeze3A_661 : i32 to index
          %swap3A_714 = arith.constant 64 : index
          %swap3A_715 = tpu.vector_load %arg11[%swap3A_713, %swap3A_714] {strides = array<i32>} : memref<321x128xf32, #tpu.memory_space<vmem>>, vector<16xf32>,
          tpu.vector_store %arg11[%swap3A_713, %swap3A_714], %max3A_712 {strides = array<i32>} : memref<321x128xf32, #tpu.memory_space<vmem>>, vector<16xf32>,
          %get3A_716 = arith.index_cast %add3A_665 : i32 to index
          %get3A_717 = arith.constant 80 : index
          %get3A_718 = tpu.vector_load %arg10[%get3A_716, %get3A_717] {strides = array<i32>} : memref<128x128xf32, #tpu.memory_space<vmem>>, vector<16xf32>,
          %get3A_719 = arith.index_cast %squeeze3A_661 : i32 to index
          %get3A_720 = arith.constant 80 : index
          %get3A_721 = tpu.vector_load %arg11[%get3A_719, %get3A_720] {strides = array<i32>} : memref<321x128xf32, #tpu.memory_space<vmem>>, vector<16xf32>,
          %max3A_722 = arith.maximumf %get3A_721, %get3A_718 : vector<16xf32>
          %swap3A_723 = arith.index_cast %squeeze3A_661 : i32 to index
          %swap3A_724 = arith.constant 80 : index
          %swap3A_725 = tpu.vector_load %arg11[%swap3A_723, %swap3A_724] {strides = array<i32>} : memref<321x128xf32, #tpu.memory_space<vmem>>, vector<16xf32>,
          tpu.vector_store %arg11[%swap3A_723, %swap3A_724], %max3A_722 {strides = array<i32>} : memref<321x128xf32, #tpu.memory_space<vmem>>, vector<16xf32>,
          %get3A_726 = arith.index_cast %add3A_665 : i32 to index
          %get3A_727 = arith.constant 96 : index
          %get3A_728 = tpu.vector_load %arg10[%get3A_726, %get3A_727] {strides = array<i32>} : memref<128x128xf32, #tpu.memory_space<vmem>>, vector<16xf32>,
          %get3A_729 = arith.index_cast %squeeze3A_661 : i32 to index
          %get3A_730 = arith.constant 96 : index
          %get3A_731 = tpu.vector_load %arg11[%get3A_729, %get3A_730] {strides = array<i32>} : memref<321x128xf32, #tpu.memory_space<vmem>>, vector<16xf32>,
          %max3A_732 = arith.maximumf %get3A_731, %get3A_728 : vector<16xf32>
          %swap3A_733 = arith.index_cast %squeeze3A_661 : i32 to index
          %swap3A_734 = arith.constant 96 : index
          %swap3A_735 = tpu.vector_load %arg11[%swap3A_733, %swap3A_734] {strides = array<i32>} : memref<321x128xf32, #tpu.memory_space<vmem>>, vector<16xf32>,
          tpu.vector_store %arg11[%swap3A_733, %swap3A_734], %max3A_732 {strides = array<i32>} : memref<321x128xf32, #tpu.memory_space<vmem>>, vector<16xf32>,
          %get3A_736 = arith.index_cast %add3A_665 : i32 to index
          %get3A_737 = arith.constant 112 : index
          %get3A_738 = tpu.vector_load %arg10[%get3A_736, %get3A_737] {strides = array<i32>} : memref<128x128xf32, #tpu.memory_space<vmem>>, vector<16xf32>,
          %get3A_739 = arith.index_cast %squeeze3A_661 : i32 to index
          %get3A_740 = arith.constant 112 : index
          %get3A_741 = tpu.vector_load %arg11[%get3A_739, %get3A_740] {strides = array<i32>} : memref<321x128xf32, #tpu.memory_space<vmem>>, vector<16xf32>,
          %max3A_742 = arith.maximumf %get3A_741, %get3A_738 : vector<16xf32>
          %swap3A_743 = arith.index_cast %squeeze3A_661 : i32 to index
          %swap3A_744 = arith.constant 112 : index
          %swap3A_745 = tpu.vector_load %arg11[%swap3A_743, %swap3A_744] {strides = array<i32>} : memref<321x128xf32, #tpu.memory_space<vmem>>, vector<16xf32>,
          tpu.vector_store %arg11[%swap3A_743, %swap3A_744], %max3A_742 {strides = array<i32>} : memref<321x128xf32, #tpu.memory_space<vmem>>, vector<16xf32>,
          %slice3A_746 = vector.extract_strided_slice %get3A_147 {offsets = [7], sizes = [1], strides = [1]} : vector<16xi32> to vector<1xi32>
          %squeeze3A_747 = vector.extract %slice3A_746[0] : i32 from vector<1xi32>
          %mul3A_748 = arith.constant 16 : i32
          %mul3A_749 = arith.muli %scan3A_143, %mul3A_748 : i32
          %add3A_750 = arith.constant 7 : i32
          %add3A_751 = arith.addi %mul3A_749, %add3A_750 : i32
          %get3A_752 = arith.index_cast %add3A_751 : i32 to index
          %get3A_753 = arith.constant 0 : index
          %get3A_754 = tpu.vector_load %arg10[%get3A_752, %get3A_753] {strides = array<i32>} : memref<128x128xf32, #tpu.memory_space<vmem>>, vector<16xf32>,
          %get3A_755 = arith.index_cast %squeeze3A_747 : i32 to index
          %get3A_756 = arith.constant 0 : index
          %get3A_757 = tpu.vector_load %arg11[%get3A_755, %get3A_756] {strides = array<i32>} : memref<321x128xf32, #tpu.memory_space<vmem>>, vector<16xf32>,
          %max3A_758 = arith.maximumf %get3A_757, %get3A_754 : vector<16xf32>
          %swap3A_759 = arith.index_cast %squeeze3A_747 : i32 to index
          %swap3A_760 = arith.constant 0 : index
          %swap3A_761 = tpu.vector_load %arg11[%swap3A_759, %swap3A_760] {strides = array<i32>} : memref<321x128xf32, #tpu.memory_space<vmem>>, vector<16xf32>,
          tpu.vector_store %arg11[%swap3A_759, %swap3A_760], %max3A_758 {strides = array<i32>} : memref<321x128xf32, #tpu.memory_space<vmem>>, vector<16xf32>,
          %get3A_762 = arith.index_cast %add3A_751 : i32 to index
          %get3A_763 = arith.constant 16 : index
          %get3A_764 = tpu.vector_load %arg10[%get3A_762, %get3A_763] {strides = array<i32>} : memref<128x128xf32, #tpu.memory_space<vmem>>, vector<16xf32>,
          %get3A_765 = arith.index_cast %squeeze3A_747 : i32 to index
          %get3A_766 = arith.constant 16 : index
          %get3A_767 = tpu.vector_load %arg11[%get3A_765, %get3A_766] {strides = array<i32>} : memref<321x128xf32, #tpu.memory_space<vmem>>, vector<16xf32>,
          %max3A_768 = arith.maximumf %get3A_767, %get3A_764 : vector<16xf32>
          %swap3A_769 = arith.index_cast %squeeze3A_747 : i32 to index
          %swap3A_770 = arith.constant 16 : index
          %swap3A_771 = tpu.vector_load %arg11[%swap3A_769, %swap3A_770] {strides = array<i32>} : memref<321x128xf32, #tpu.memory_space<vmem>>, vector<16xf32>,
          tpu.vector_store %arg11[%swap3A_769, %swap3A_770], %max3A_768 {strides = array<i32>} : memref<321x128xf32, #tpu.memory_space<vmem>>, vector<16xf32>,
          %get3A_772 = arith.index_cast %add3A_751 : i32 to index
          %get3A_773 = arith.constant 32 : index
          %get3A_774 = tpu.vector_load %arg10[%get3A_772, %get3A_773] {strides = array<i32>} : memref<128x128xf32, #tpu.memory_space<vmem>>, vector<16xf32>,
          %get3A_775 = arith.index_cast %squeeze3A_747 : i32 to index
          %get3A_776 = arith.constant 32 : index
          %get3A_777 = tpu.vector_load %arg11[%get3A_775, %get3A_776] {strides = array<i32>} : memref<321x128xf32, #tpu.memory_space<vmem>>, vector<16xf32>,
          %max3A_778 = arith.maximumf %get3A_777, %get3A_774 : vector<16xf32>
          %swap3A_779 = arith.index_cast %squeeze3A_747 : i32 to index
          %swap3A_780 = arith.constant 32 : index
          %swap3A_781 = tpu.vector_load %arg11[%swap3A_779, %swap3A_780] {strides = array<i32>} : memref<321x128xf32, #tpu.memory_space<vmem>>, vector<16xf32>,
          tpu.vector_store %arg11[%swap3A_779, %swap3A_780], %max3A_778 {strides = array<i32>} : memref<321x128xf32, #tpu.memory_space<vmem>>, vector<16xf32>,
          %get3A_782 = arith.index_cast %add3A_751 : i32 to index
          %get3A_783 = arith.constant 48 : index
          %get3A_784 = tpu.vector_load %arg10[%get3A_782, %get3A_783] {strides = array<i32>} : memref<128x128xf32, #tpu.memory_space<vmem>>, vector<16xf32>,
          %get3A_785 = arith.index_cast %squeeze3A_747 : i32 to index
          %get3A_786 = arith.constant 48 : index
          %get3A_787 = tpu.vector_load %arg11[%get3A_785, %get3A_786] {strides = array<i32>} : memref<321x128xf32, #tpu.memory_space<vmem>>, vector<16xf32>,
          %max3A_788 = arith.maximumf %get3A_787, %get3A_784 : vector<16xf32>
          %swap3A_789 = arith.index_cast %squeeze3A_747 : i32 to index
          %swap3A_790 = arith.constant 48 : index
          %swap3A_791 = tpu.vector_load %arg11[%swap3A_789, %swap3A_790] {strides = array<i32>} : memref<321x128xf32, #tpu.memory_space<vmem>>, vector<16xf32>,
          tpu.vector_store %arg11[%swap3A_789, %swap3A_790], %max3A_788 {strides = array<i32>} : memref<321x128xf32, #tpu.memory_space<vmem>>, vector<16xf32>,
          %get3A_792 = arith.index_cast %add3A_751 : i32 to index
          %get3A_793 = arith.constant 64 : index
          %get3A_794 = tpu.vector_load %arg10[%get3A_792, %get3A_793] {strides = array<i32>} : memref<128x128xf32, #tpu.memory_space<vmem>>, vector<16xf32>,
          %get3A_795 = arith.index_cast %squeeze3A_747 : i32 to index
          %get3A_796 = arith.constant 64 : index
          %get3A_797 = tpu.vector_load %arg11[%get3A_795, %get3A_796] {strides = array<i32>} : memref<321x128xf32, #tpu.memory_space<vmem>>, vector<16xf32>,
          %max3A_798 = arith.maximumf %get3A_797, %get3A_794 : vector<16xf32>
          %swap3A_799 = arith.index_cast %squeeze3A_747 : i32 to index
          %swap3A_800 = arith.constant 64 : index
          %swap3A_801 = tpu.vector_load %arg11[%swap3A_799, %swap3A_800] {strides = array<i32>} : memref<321x128xf32, #tpu.memory_space<vmem>>, vector<16xf32>,
          tpu.vector_store %arg11[%swap3A_799, %swap3A_800], %max3A_798 {strides = array<i32>} : memref<321x128xf32, #tpu.memory_space<vmem>>, vector<16xf32>,
          %get3A_802 = arith.index_cast %add3A_751 : i32 to index
          %get3A_803 = arith.constant 80 : index
          %get3A_804 = tpu.vector_load %arg10[%get3A_802, %get3A_803] {strides = array<i32>} : memref<128x128xf32, #tpu.memory_space<vmem>>, vector<16xf32>,
          %get3A_805 = arith.index_cast %squeeze3A_747 : i32 to index
          %get3A_806 = arith.constant 80 : index
          %get3A_807 = tpu.vector_load %arg11[%get3A_805, %get3A_806] {strides = array<i32>} : memref<321x128xf32, #tpu.memory_space<vmem>>, vector<16xf32>,
          %max3A_808 = arith.maximumf %get3A_807, %get3A_804 : vector<16xf32>
          %swap3A_809 = arith.index_cast %squeeze3A_747 : i32 to index
          %swap3A_810 = arith.constant 80 : index
          %swap3A_811 = tpu.vector_load %arg11[%swap3A_809, %swap3A_810] {strides = array<i32>} : memref<321x128xf32, #tpu.memory_space<vmem>>, vector<16xf32>,
          tpu.vector_store %arg11[%swap3A_809, %swap3A_810], %max3A_808 {strides = array<i32>} : memref<321x128xf32, #tpu.memory_space<vmem>>, vector<16xf32>,
          %get3A_812 = arith.index_cast %add3A_751 : i32 to index
          %get3A_813 = arith.constant 96 : index
          %get3A_814 = tpu.vector_load %arg10[%get3A_812, %get3A_813] {strides = array<i32>} : memref<128x128xf32, #tpu.memory_space<vmem>>, vector<16xf32>,
          %get3A_815 = arith.index_cast %squeeze3A_747 : i32 to index
          %get3A_816 = arith.constant 96 : index
          %get3A_817 = tpu.vector_load %arg11[%get3A_815, %get3A_816] {strides = array<i32>} : memref<321x128xf32, #tpu.memory_space<vmem>>, vector<16xf32>,
          %max3A_818 = arith.maximumf %get3A_817, %get3A_814 : vector<16xf32>
          %swap3A_819 = arith.index_cast %squeeze3A_747 : i32 to index
          %swap3A_820 = arith.constant 96 : index
          %swap3A_821 = tpu.vector_load %arg11[%swap3A_819, %swap3A_820] {strides = array<i32>} : memref<321x128xf32, #tpu.memory_space<vmem>>, vector<16xf32>,
          tpu.vector_store %arg11[%swap3A_819, %swap3A_820], %max3A_818 {strides = array<i32>} : memref<321x128xf32, #tpu.memory_space<vmem>>, vector<16xf32>,
          %get3A_822 = arith.index_cast %add3A_751 : i32 to index
          %get3A_823 = arith.constant 112 : index
          %get3A_824 = tpu.vector_load %arg10[%get3A_822, %get3A_823] {strides = array<i32>} : memref<128x128xf32, #tpu.memory_space<vmem>>, vector<16xf32>,
          %get3A_825 = arith.index_cast %squeeze3A_747 : i32 to index
          %get3A_826 = arith.constant 112 : index
          %get3A_827 = tpu.vector_load %arg11[%get3A_825, %get3A_826] {strides = array<i32>} : memref<321x128xf32, #tpu.memory_space<vmem>>, vector<16xf32>,
          %max3A_828 = arith.maximumf %get3A_827, %get3A_824 : vector<16xf32>
          %swap3A_829 = arith.index_cast %squeeze3A_747 : i32 to index
          %swap3A_830 = arith.constant 112 : index
          %swap3A_831 = tpu.vector_load %arg11[%swap3A_829, %swap3A_830] {strides = array<i32>} : memref<321x128xf32, #tpu.memory_space<vmem>>, vector<16xf32>,
          tpu.vector_store %arg11[%swap3A_829, %swap3A_830], %max3A_828 {strides = array<i32>} : memref<321x128xf32, #tpu.memory_space<vmem>>, vector<16xf32>,
          %slice3A_832 = vector.extract_strided_slice %get3A_147 {offsets = [8], sizes = [1], strides = [1]} : vector<16xi32> to vector<1xi32>
          %squeeze3A_833 = vector.extract %slice3A_832[0] : i32 from vector<1xi32>
          %mul3A_834 = arith.constant 16 : i32
          %mul3A_835 = arith.muli %scan3A_143, %mul3A_834 : i32
          %add3A_836 = arith.constant 8 : i32
          %add3A_837 = arith.addi %mul3A_835, %add3A_836 : i32
          %get3A_838 = arith.index_cast %add3A_837 : i32 to index
          %get3A_839 = arith.constant 0 : index
          %get3A_840 = tpu.vector_load %arg10[%get3A_838, %get3A_839] {strides = array<i32>} : memref<128x128xf32, #tpu.memory_space<vmem>>, vector<16xf32>,
          %get3A_841 = arith.index_cast %squeeze3A_833 : i32 to index
          %get3A_842 = arith.constant 0 : index
          %get3A_843 = tpu.vector_load %arg11[%get3A_841, %get3A_842] {strides = array<i32>} : memref<321x128xf32, #tpu.memory_space<vmem>>, vector<16xf32>,
          %max3A_844 = arith.maximumf %get3A_843, %get3A_840 : vector<16xf32>
          %swap3A_845 = arith.index_cast %squeeze3A_833 : i32 to index
          %swap3A_846 = arith.constant 0 : index
          %swap3A_847 = tpu.vector_load %arg11[%swap3A_845, %swap3A_846] {strides = array<i32>} : memref<321x128xf32, #tpu.memory_space<vmem>>, vector<16xf32>,
          tpu.vector_store %arg11[%swap3A_845, %swap3A_846], %max3A_844 {strides = array<i32>} : memref<321x128xf32, #tpu.memory_space<vmem>>, vector<16xf32>,
          %get3A_848 = arith.index_cast %add3A_837 : i32 to index
          %get3A_849 = arith.constant 16 : index
          %get3A_850 = tpu.vector_load %arg10[%get3A_848, %get3A_849] {strides = array<i32>} : memref<128x128xf32, #tpu.memory_space<vmem>>, vector<16xf32>,
          %get3A_851 = arith.index_cast %squeeze3A_833 : i32 to index
          %get3A_852 = arith.constant 16 : index
          %get3A_853 = tpu.vector_load %arg11[%get3A_851, %get3A_852] {strides = array<i32>} : memref<321x128xf32, #tpu.memory_space<vmem>>, vector<16xf32>,
          %max3A_854 = arith.maximumf %get3A_853, %get3A_850 : vector<16xf32>
          %swap3A_855 = arith.index_cast %squeeze3A_833 : i32 to index
          %swap3A_856 = arith.constant 16 : index
          %swap3A_857 = tpu.vector_load %arg11[%swap3A_855, %swap3A_856] {strides = array<i32>} : memref<321x128xf32, #tpu.memory_space<vmem>>, vector<16xf32>,
          tpu.vector_store %arg11[%swap3A_855, %swap3A_856], %max3A_854 {strides = array<i32>} : memref<321x128xf32, #tpu.memory_space<vmem>>, vector<16xf32>,
          %get3A_858 = arith.index_cast %add3A_837 : i32 to index
          %get3A_859 = arith.constant 32 : index
          %get3A_860 = tpu.vector_load %arg10[%get3A_858, %get3A_859] {strides = array<i32>} : memref<128x128xf32, #tpu.memory_space<vmem>>, vector<16xf32>,
          %get3A_861 = arith.index_cast %squeeze3A_833 : i32 to index
          %get3A_862 = arith.constant 32 : index
          %get3A_863 = tpu.vector_load %arg11[%get3A_861, %get3A_862] {strides = array<i32>} : memref<321x128xf32, #tpu.memory_space<vmem>>, vector<16xf32>,
          %max3A_864 = arith.maximumf %get3A_863, %get3A_860 : vector<16xf32>
          %swap3A_865 = arith.index_cast %squeeze3A_833 : i32 to index
          %swap3A_866 = arith.constant 32 : index
          %swap3A_867 = tpu.vector_load %arg11[%swap3A_865, %swap3A_866] {strides = array<i32>} : memref<321x128xf32, #tpu.memory_space<vmem>>, vector<16xf32>,
          tpu.vector_store %arg11[%swap3A_865, %swap3A_866], %max3A_864 {strides = array<i32>} : memref<321x128xf32, #tpu.memory_space<vmem>>, vector<16xf32>,
          %get3A_868 = arith.index_cast %add3A_837 : i32 to index
          %get3A_869 = arith.constant 48 : index
          %get3A_870 = tpu.vector_load %arg10[%get3A_868, %get3A_869] {strides = array<i32>} : memref<128x128xf32, #tpu.memory_space<vmem>>, vector<16xf32>,
          %get3A_871 = arith.index_cast %squeeze3A_833 : i32 to index
          %get3A_872 = arith.constant 48 : index
          %get3A_873 = tpu.vector_load %arg11[%get3A_871, %get3A_872] {strides = array<i32>} : memref<321x128xf32, #tpu.memory_space<vmem>>, vector<16xf32>,
          %max3A_874 = arith.maximumf %get3A_873, %get3A_870 : vector<16xf32>
          %swap3A_875 = arith.index_cast %squeeze3A_833 : i32 to index
          %swap3A_876 = arith.constant 48 : index
          %swap3A_877 = tpu.vector_load %arg11[%swap3A_875, %swap3A_876] {strides = array<i32>} : memref<321x128xf32, #tpu.memory_space<vmem>>, vector<16xf32>,
          tpu.vector_store %arg11[%swap3A_875, %swap3A_876], %max3A_874 {strides = array<i32>} : memref<321x128xf32, #tpu.memory_space<vmem>>, vector<16xf32>,
          %get3A_878 = arith.index_cast %add3A_837 : i32 to index
          %get3A_879 = arith.constant 64 : index
          %get3A_880 = tpu.vector_load %arg10[%get3A_878, %get3A_879] {strides = array<i32>} : memref<128x128xf32, #tpu.memory_space<vmem>>, vector<16xf32>,
          %get3A_881 = arith.index_cast %squeeze3A_833 : i32 to index
          %get3A_882 = arith.constant 64 : index
          %get3A_883 = tpu.vector_load %arg11[%get3A_881, %get3A_882] {strides = array<i32>} : memref<321x128xf32, #tpu.memory_space<vmem>>, vector<16xf32>,
          %max3A_884 = arith.maximumf %get3A_883, %get3A_880 : vector<16xf32>
          %swap3A_885 = arith.index_cast %squeeze3A_833 : i32 to index
          %swap3A_886 = arith.constant 64 : index
          %swap3A_887 = tpu.vector_load %arg11[%swap3A_885, %swap3A_886] {strides = array<i32>} : memref<321x128xf32, #tpu.memory_space<vmem>>, vector<16xf32>,
          tpu.vector_store %arg11[%swap3A_885, %swap3A_886], %max3A_884 {strides = array<i32>} : memref<321x128xf32, #tpu.memory_space<vmem>>, vector<16xf32>,
          %get3A_888 = arith.index_cast %add3A_837 : i32 to index
          %get3A_889 = arith.constant 80 : index
          %get3A_890 = tpu.vector_load %arg10[%get3A_888, %get3A_889] {strides = array<i32>} : memref<128x128xf32, #tpu.memory_space<vmem>>, vector<16xf32>,
          %get3A_891 = arith.index_cast %squeeze3A_833 : i32 to index
          %get3A_892 = arith.constant 80 : index
          %get3A_893 = tpu.vector_load %arg11[%get3A_891, %get3A_892] {strides = array<i32>} : memref<321x128xf32, #tpu.memory_space<vmem>>, vector<16xf32>,
          %max3A_894 = arith.maximumf %get3A_893, %get3A_890 : vector<16xf32>
          %swap3A_895 = arith.index_cast %squeeze3A_833 : i32 to index
          %swap3A_896 = arith.constant 80 : index
          %swap3A_897 = tpu.vector_load %arg11[%swap3A_895, %swap3A_896] {strides = array<i32>} : memref<321x128xf32, #tpu.memory_space<vmem>>, vector<16xf32>,
          tpu.vector_store %arg11[%swap3A_895, %swap3A_896], %max3A_894 {strides = array<i32>} : memref<321x128xf32, #tpu.memory_space<vmem>>, vector<16xf32>,
          %get3A_898 = arith.index_cast %add3A_837 : i32 to index
          %get3A_899 = arith.constant 96 : index
          %get3A_900 = tpu.vector_load %arg10[%get3A_898, %get3A_899] {strides = array<i32>} : memref<128x128xf32, #tpu.memory_space<vmem>>, vector<16xf32>,
          %get3A_901 = arith.index_cast %squeeze3A_833 : i32 to index
          %get3A_902 = arith.constant 96 : index
          %get3A_903 = tpu.vector_load %arg11[%get3A_901, %get3A_902] {strides = array<i32>} : memref<321x128xf32, #tpu.memory_space<vmem>>, vector<16xf32>,
          %max3A_904 = arith.maximumf %get3A_903, %get3A_900 : vector<16xf32>
          %swap3A_905 = arith.index_cast %squeeze3A_833 : i32 to index
          %swap3A_906 = arith.constant 96 : index
          %swap3A_907 = tpu.vector_load %arg11[%swap3A_905, %swap3A_906] {strides = array<i32>} : memref<321x128xf32, #tpu.memory_space<vmem>>, vector<16xf32>,
          tpu.vector_store %arg11[%swap3A_905, %swap3A_906], %max3A_904 {strides = array<i32>} : memref<321x128xf32, #tpu.memory_space<vmem>>, vector<16xf32>,
          %get3A_908 = arith.index_cast %add3A_837 : i32 to index
          %get3A_909 = arith.constant 112 : index
          %get3A_910 = tpu.vector_load %arg10[%get3A_908, %get3A_909] {strides = array<i32>} : memref<128x128xf32, #tpu.memory_space<vmem>>, vector<16xf32>,
          %get3A_911 = arith.index_cast %squeeze3A_833 : i32 to index
          %get3A_912 = arith.constant 112 : index
          %get3A_913 = tpu.vector_load %arg11[%get3A_911, %get3A_912] {strides = array<i32>} : memref<321x128xf32, #tpu.memory_space<vmem>>, vector<16xf32>,
          %max3A_914 = arith.maximumf %get3A_913, %get3A_910 : vector<16xf32>
          %swap3A_915 = arith.index_cast %squeeze3A_833 : i32 to index
          %swap3A_916 = arith.constant 112 : index
          %swap3A_917 = tpu.vector_load %arg11[%swap3A_915, %swap3A_916] {strides = array<i32>} : memref<321x128xf32, #tpu.memory_space<vmem>>, vector<16xf32>,
          tpu.vector_store %arg11[%swap3A_915, %swap3A_916], %max3A_914 {strides = array<i32>} : memref<321x128xf32, #tpu.memory_space<vmem>>, vector<16xf32>,
          %slice3A_918 = vector.extract_strided_slice %get3A_147 {offsets = [9], sizes = [1], strides = [1]} : vector<16xi32> to vector<1xi32>
          %squeeze3A_919 = vector.extract %slice3A_918[0] : i32 from vector<1xi32>
          %mul3A_920 = arith.constant 16 : i32
          %mul3A_921 = arith.muli %scan3A_143, %mul3A_920 : i32
          %add3A_922 = arith.constant 9 : i32
          %add3A_923 = arith.addi %mul3A_921, %add3A_922 : i32
          %get3A_924 = arith.index_cast %add3A_923 : i32 to index
          %get3A_925 = arith.constant 0 : index
          %get3A_926 = tpu.vector_load %arg10[%get3A_924, %get3A_925] {strides = array<i32>} : memref<128x128xf32, #tpu.memory_space<vmem>>, vector<16xf32>,
          %get3A_927 = arith.index_cast %squeeze3A_919 : i32 to index
          %get3A_928 = arith.constant 0 : index
          %get3A_929 = tpu.vector_load %arg11[%get3A_927, %get3A_928] {strides = array<i32>} : memref<321x128xf32, #tpu.memory_space<vmem>>, vector<16xf32>,
          %max3A_930 = arith.maximumf %get3A_929, %get3A_926 : vector<16xf32>
          %swap3A_931 = arith.index_cast %squeeze3A_919 : i32 to index
          %swap3A_932 = arith.constant 0 : index
          %swap3A_933 = tpu.vector_load %arg11[%swap3A_931, %swap3A_932] {strides = array<i32>} : memref<321x128xf32, #tpu.memory_space<vmem>>, vector<16xf32>,
          tpu.vector_store %arg11[%swap3A_931, %swap3A_932], %max3A_930 {strides = array<i32>} : memref<321x128xf32, #tpu.memory_space<vmem>>, vector<16xf32>,
          %get3A_934 = arith.index_cast %add3A_923 : i32 to index
          %get3A_935 = arith.constant 16 : index
          %get3A_936 = tpu.vector_load %arg10[%get3A_934, %get3A_935] {strides = array<i32>} : memref<128x128xf32, #tpu.memory_space<vmem>>, vector<16xf32>,
          %get3A_937 = arith.index_cast %squeeze3A_919 : i32 to index
          %get3A_938 = arith.constant 16 : index
          %get3A_939 = tpu.vector_load %arg11[%get3A_937, %get3A_938] {strides = array<i32>} : memref<321x128xf32, #tpu.memory_space<vmem>>, vector<16xf32>,
          %max3A_940 = arith.maximumf %get3A_939, %get3A_936 : vector<16xf32>
          %swap3A_941 = arith.index_cast %squeeze3A_919 : i32 to index
          %swap3A_942 = arith.constant 16 : index
          %swap3A_943 = tpu.vector_load %arg11[%swap3A_941, %swap3A_942] {strides = array<i32>} : memref<321x128xf32, #tpu.memory_space<vmem>>, vector<16xf32>,
          tpu.vector_store %arg11[%swap3A_941, %swap3A_942], %max3A_940 {strides = array<i32>} : memref<321x128xf32, #tpu.memory_space<vmem>>, vector<16xf32>,
          %get3A_944 = arith.index_cast %add3A_923 : i32 to index
          %get3A_945 = arith.constant 32 : index
          %get3A_946 = tpu.vector_load %arg10[%get3A_944, %get3A_945] {strides = array<i32>} : memref<128x128xf32, #tpu.memory_space<vmem>>, vector<16xf32>,
          %get3A_947 = arith.index_cast %squeeze3A_919 : i32 to index
          %get3A_948 = arith.constant 32 : index
          %get3A_949 = tpu.vector_load %arg11[%get3A_947, %get3A_948] {strides = array<i32>} : memref<321x128xf32, #tpu.memory_space<vmem>>, vector<16xf32>,
          %max3A_950 = arith.maximumf %get3A_949, %get3A_946 : vector<16xf32>
          %swap3A_951 = arith.index_cast %squeeze3A_919 : i32 to index
          %swap3A_952 = arith.constant 32 : index
          %swap3A_953 = tpu.vector_load %arg11[%swap3A_951, %swap3A_952] {strides = array<i32>} : memref<321x128xf32, #tpu.memory_space<vmem>>, vector<16xf32>,
          tpu.vector_store %arg11[%swap3A_951, %swap3A_952], %max3A_950 {strides = array<i32>} : memref<321x128xf32, #tpu.memory_space<vmem>>, vector<16xf32>,
          %get3A_954 = arith.index_cast %add3A_923 : i32 to index
          %get3A_955 = arith.constant 48 : index
          %get3A_956 = tpu.vector_load %arg10[%get3A_954, %get3A_955] {strides = array<i32>} : memref<128x128xf32, #tpu.memory_space<vmem>>, vector<16xf32>,
          %get3A_957 = arith.index_cast %squeeze3A_919 : i32 to index
          %get3A_958 = arith.constant 48 : index
          %get3A_959 = tpu.vector_load %arg11[%get3A_957, %get3A_958] {strides = array<i32>} : memref<321x128xf32, #tpu.memory_space<vmem>>, vector<16xf32>,
          %max3A_960 = arith.maximumf %get3A_959, %get3A_956 : vector<16xf32>
          %swap3A_961 = arith.index_cast %squeeze3A_919 : i32 to index
          %swap3A_962 = arith.constant 48 : index
          %swap3A_963 = tpu.vector_load %arg11[%swap3A_961, %swap3A_962] {strides = array<i32>} : memref<321x128xf32, #tpu.memory_space<vmem>>, vector<16xf32>,
          tpu.vector_store %arg11[%swap3A_961, %swap3A_962], %max3A_960 {strides = array<i32>} : memref<321x128xf32, #tpu.memory_space<vmem>>, vector<16xf32>,
          %get3A_964 = arith.index_cast %add3A_923 : i32 to index
          %get3A_965 = arith.constant 64 : index
          %get3A_966 = tpu.vector_load %arg10[%get3A_964, %get3A_965] {strides = array<i32>} : memref<128x128xf32, #tpu.memory_space<vmem>>, vector<16xf32>,
          %get3A_967 = arith.index_cast %squeeze3A_919 : i32 to index
          %get3A_968 = arith.constant 64 : index
          %get3A_969 = tpu.vector_load %arg11[%get3A_967, %get3A_968] {strides = array<i32>} : memref<321x128xf32, #tpu.memory_space<vmem>>, vector<16xf32>,
          %max3A_970 = arith.maximumf %get3A_969, %get3A_966 : vector<16xf32>
          %swap3A_971 = arith.index_cast %squeeze3A_919 : i32 to index
          %swap3A_972 = arith.constant 64 : index
          %swap3A_973 = tpu.vector_load %arg11[%swap3A_971, %swap3A_972] {strides = array<i32>} : memref<321x128xf32, #tpu.memory_space<vmem>>, vector<16xf32>,
          tpu.vector_store %arg11[%swap3A_971, %swap3A_972], %max3A_970 {strides = array<i32>} : memref<321x128xf32, #tpu.memory_space<vmem>>, vector<16xf32>,
          %get3A_974 = arith.index_cast %add3A_923 : i32 to index
          %get3A_975 = arith.constant 80 : index
          %get3A_976 = tpu.vector_load %arg10[%get3A_974, %get3A_975] {strides = array<i32>} : memref<128x128xf32, #tpu.memory_space<vmem>>, vector<16xf32>,
          %get3A_977 = arith.index_cast %squeeze3A_919 : i32 to index
          %get3A_978 = arith.constant 80 : index
          %get3A_979 = tpu.vector_load %arg11[%get3A_977, %get3A_978] {strides = array<i32>} : memref<321x128xf32, #tpu.memory_space<vmem>>, vector<16xf32>,
          %max3A_980 = arith.maximumf %get3A_979, %get3A_976 : vector<16xf32>
          %swap3A_981 = arith.index_cast %squeeze3A_919 : i32 to index
          %swap3A_982 = arith.constant 80 : index
          %swap3A_983 = tpu.vector_load %arg11[%swap3A_981, %swap3A_982] {strides = array<i32>} : memref<321x128xf32, #tpu.memory_space<vmem>>, vector<16xf32>,
          tpu.vector_store %arg11[%swap3A_981, %swap3A_982], %max3A_980 {strides = array<i32>} : memref<321x128xf32, #tpu.memory_space<vmem>>, vector<16xf32>,
          %get3A_984 = arith.index_cast %add3A_923 : i32 to index
          %get3A_985 = arith.constant 96 : index
          %get3A_986 = tpu.vector_load %arg10[%get3A_984, %get3A_985] {strides = array<i32>} : memref<128x128xf32, #tpu.memory_space<vmem>>, vector<16xf32>,
          %get3A_987 = arith.index_cast %squeeze3A_919 : i32 to index
          %get3A_988 = arith.constant 96 : index
          %get3A_989 = tpu.vector_load %arg11[%get3A_987, %get3A_988] {strides = array<i32>} : memref<321x128xf32, #tpu.memory_space<vmem>>, vector<16xf32>,
          %max3A_990 = arith.maximumf %get3A_989, %get3A_986 : vector<16xf32>
          %swap3A_991 = arith.index_cast %squeeze3A_919 : i32 to index
          %swap3A_992 = arith.constant 96 : index
          %swap3A_993 = tpu.vector_load %arg11[%swap3A_991, %swap3A_992] {strides = array<i32>} : memref<321x128xf32, #tpu.memory_space<vmem>>, vector<16xf32>,
          tpu.vector_store %arg11[%swap3A_991, %swap3A_992], %max3A_990 {strides = array<i32>} : memref<321x128xf32, #tpu.memory_space<vmem>>, vector<16xf32>,
          %get3A_994 = arith.index_cast %add3A_923 : i32 to index
          %get3A_995 = arith.constant 112 : index
          %get3A_996 = tpu.vector_load %arg10[%get3A_994, %get3A_995] {strides = array<i32>} : memref<128x128xf32, #tpu.memory_space<vmem>>, vector<16xf32>,
          %get3A_997 = arith.index_cast %squeeze3A_919 : i32 to index
          %get3A_998 = arith.constant 112 : index
          %get3A_999 = tpu.vector_load %arg11[%get3A_997, %get3A_998] {strides = array<i32>} : memref<321x128xf32, #tpu.memory_space<vmem>>, vector<16xf32>,
          %max3A_1000 = arith.maximumf %get3A_999, %get3A_996 : vector<16xf32>
          %swap3A_1001 = arith.index_cast %squeeze3A_919 : i32 to index
          %swap3A_1002 = arith.constant 112 : index
          %swap3A_1003 = tpu.vector_load %arg11[%swap3A_1001, %swap3A_1002] {strides = array<i32>} : memref<321x128xf32, #tpu.memory_space<vmem>>, vector<16xf32>,
          tpu.vector_store %arg11[%swap3A_1001, %swap3A_1002], %max3A_1000 {strides = array<i32>} : memref<321x128xf32, #tpu.memory_space<vmem>>, vector<16xf32>,
          %slice3A_1004 = vector.extract_strided_slice %get3A_147 {offsets = [10], sizes = [1], strides = [1]} : vector<16xi32> to vector<1xi32>
          %squeeze3A_1005 = vector.extract %slice3A_1004[0] : i32 from vector<1xi32>
          %mul3A_1006 = arith.constant 16 : i32
          %mul3A_1007 = arith.muli %scan3A_143, %mul3A_1006 : i32
          %add3A_1008 = arith.constant 10 : i32
          %add3A_1009 = arith.addi %mul3A_1007, %add3A_1008 : i32
          %get3A_1010 = arith.index_cast %add3A_1009 : i32 to index
          %get3A_1011 = arith.constant 0 : index
          %get3A_1012 = tpu.vector_load %arg10[%get3A_1010, %get3A_1011] {strides = array<i32>} : memref<128x128xf32, #tpu.memory_space<vmem>>, vector<16xf32>,
          %get3A_1013 = arith.index_cast %squeeze3A_1005 : i32 to index
          %get3A_1014 = arith.constant 0 : index
          %get3A_1015 = tpu.vector_load %arg11[%get3A_1013, %get3A_1014] {strides = array<i32>} : memref<321x128xf32, #tpu.memory_space<vmem>>, vector<16xf32>,
          %max3A_1016 = arith.maximumf %get3A_1015, %get3A_1012 : vector<16xf32>
          %swap3A_1017 = arith.index_cast %squeeze3A_1005 : i32 to index
          %swap3A_1018 = arith.constant 0 : index
          %swap3A_1019 = tpu.vector_load %arg11[%swap3A_1017, %swap3A_1018] {strides = array<i32>} : memref<321x128xf32, #tpu.memory_space<vmem>>, vector<16xf32>,
          tpu.vector_store %arg11[%swap3A_1017, %swap3A_1018], %max3A_1016 {strides = array<i32>} : memref<321x128xf32, #tpu.memory_space<vmem>>, vector<16xf32>,
          %get3A_1020 = arith.index_cast %add3A_1009 : i32 to index
          %get3A_1021 = arith.constant 16 : index
          %get3A_1022 = tpu.vector_load %arg10[%get3A_1020, %get3A_1021] {strides = array<i32>} : memref<128x128xf32, #tpu.memory_space<vmem>>, vector<16xf32>,
          %get3A_1023 = arith.index_cast %squeeze3A_1005 : i32 to index
          %get3A_1024 = arith.constant 16 : index
          %get3A_1025 = tpu.vector_load %arg11[%get3A_1023, %get3A_1024] {strides = array<i32>} : memref<321x128xf32, #tpu.memory_space<vmem>>, vector<16xf32>,
          %max3A_1026 = arith.maximumf %get3A_1025, %get3A_1022 : vector<16xf32>
          %swap3A_1027 = arith.index_cast %squeeze3A_1005 : i32 to index
          %swap3A_1028 = arith.constant 16 : index
          %swap3A_1029 = tpu.vector_load %arg11[%swap3A_1027, %swap3A_1028] {strides = array<i32>} : memref<321x128xf32, #tpu.memory_space<vmem>>, vector<16xf32>,
          tpu.vector_store %arg11[%swap3A_1027, %swap3A_1028], %max3A_1026 {strides = array<i32>} : memref<321x128xf32, #tpu.memory_space<vmem>>, vector<16xf32>,
          %get3A_1030 = arith.index_cast %add3A_1009 : i32 to index
          %get3A_1031 = arith.constant 32 : index
          %get3A_1032 = tpu.vector_load %arg10[%get3A_1030, %get3A_1031] {strides = array<i32>} : memref<128x128xf32, #tpu.memory_space<vmem>>, vector<16xf32>,
          %get3A_1033 = arith.index_cast %squeeze3A_1005 : i32 to index
          %get3A_1034 = arith.constant 32 : index
          %get3A_1035 = tpu.vector_load %arg11[%get3A_1033, %get3A_1034] {strides = array<i32>} : memref<321x128xf32, #tpu.memory_space<vmem>>, vector<16xf32>,
          %max3A_1036 = arith.maximumf %get3A_1035, %get3A_1032 : vector<16xf32>
          %swap3A_1037 = arith.index_cast %squeeze3A_1005 : i32 to index
          %swap3A_1038 = arith.constant 32 : index
          %swap3A_1039 = tpu.vector_load %arg11[%swap3A_1037, %swap3A_1038] {strides = array<i32>} : memref<321x128xf32, #tpu.memory_space<vmem>>, vector<16xf32>,
          tpu.vector_store %arg11[%swap3A_1037, %swap3A_1038], %max3A_1036 {strides = array<i32>} : memref<321x128xf32, #tpu.memory_space<vmem>>, vector<16xf32>,
          %get3A_1040 = arith.index_cast %add3A_1009 : i32 to index
          %get3A_1041 = arith.constant 48 : index
          %get3A_1042 = tpu.vector_load %arg10[%get3A_1040, %get3A_1041] {strides = array<i32>} : memref<128x128xf32, #tpu.memory_space<vmem>>, vector<16xf32>,
          %get3A_1043 = arith.index_cast %squeeze3A_1005 : i32 to index
          %get3A_1044 = arith.constant 48 : index
          %get3A_1045 = tpu.vector_load %arg11[%get3A_1043, %get3A_1044] {strides = array<i32>} : memref<321x128xf32, #tpu.memory_space<vmem>>, vector<16xf32>,
          %max3A_1046 = arith.maximumf %get3A_1045, %get3A_1042 : vector<16xf32>
          %swap3A_1047 = arith.index_cast %squeeze3A_1005 : i32 to index
          %swap3A_1048 = arith.constant 48 : index
          %swap3A_1049 = tpu.vector_load %arg11[%swap3A_1047, %swap3A_1048] {strides = array<i32>} : memref<321x128xf32, #tpu.memory_space<vmem>>, vector<16xf32>,
          tpu.vector_store %arg11[%swap3A_1047, %swap3A_1048], %max3A_1046 {strides = array<i32>} : memref<321x128xf32, #tpu.memory_space<vmem>>, vector<16xf32>,
          %get3A_1050 = arith.index_cast %add3A_1009 : i32 to index
          %get3A_1051 = arith.constant 64 : index
          %get3A_1052 = tpu.vector_load %arg10[%get3A_1050, %get3A_1051] {strides = array<i32>} : memref<128x128xf32, #tpu.memory_space<vmem>>, vector<16xf32>,
          %get3A_1053 = arith.index_cast %squeeze3A_1005 : i32 to index
          %get3A_1054 = arith.constant 64 : index
          %get3A_1055 = tpu.vector_load %arg11[%get3A_1053, %get3A_1054] {strides = array<i32>} : memref<321x128xf32, #tpu.memory_space<vmem>>, vector<16xf32>,
          %max3A_1056 = arith.maximumf %get3A_1055, %get3A_1052 : vector<16xf32>
          %swap3A_1057 = arith.index_cast %squeeze3A_1005 : i32 to index
          %swap3A_1058 = arith.constant 64 : index
          %swap3A_1059 = tpu.vector_load %arg11[%swap3A_1057, %swap3A_1058] {strides = array<i32>} : memref<321x128xf32, #tpu.memory_space<vmem>>, vector<16xf32>,
          tpu.vector_store %arg11[%swap3A_1057, %swap3A_1058], %max3A_1056 {strides = array<i32>} : memref<321x128xf32, #tpu.memory_space<vmem>>, vector<16xf32>,
          %get3A_1060 = arith.index_cast %add3A_1009 : i32 to index
          %get3A_1061 = arith.constant 80 : index
          %get3A_1062 = tpu.vector_load %arg10[%get3A_1060, %get3A_1061] {strides = array<i32>} : memref<128x128xf32, #tpu.memory_space<vmem>>, vector<16xf32>,
          %get3A_1063 = arith.index_cast %squeeze3A_1005 : i32 to index
          %get3A_1064 = arith.constant 80 : index
          %get3A_1065 = tpu.vector_load %arg11[%get3A_1063, %get3A_1064] {strides = array<i32>} : memref<321x128xf32, #tpu.memory_space<vmem>>, vector<16xf32>,
          %max3A_1066 = arith.maximumf %get3A_1065, %get3A_1062 : vector<16xf32>
          %swap3A_1067 = arith.index_cast %squeeze3A_1005 : i32 to index
          %swap3A_1068 = arith.constant 80 : index
          %swap3A_1069 = tpu.vector_load %arg11[%swap3A_1067, %swap3A_1068] {strides = array<i32>} : memref<321x128xf32, #tpu.memory_space<vmem>>, vector<16xf32>,
          tpu.vector_store %arg11[%swap3A_1067, %swap3A_1068], %max3A_1066 {strides = array<i32>} : memref<321x128xf32, #tpu.memory_space<vmem>>, vector<16xf32>,
          %get3A_1070 = arith.index_cast %add3A_1009 : i32 to index
          %get3A_1071 = arith.constant 96 : index
          %get3A_1072 = tpu.vector_load %arg10[%get3A_1070, %get3A_1071] {strides = array<i32>} : memref<128x128xf32, #tpu.memory_space<vmem>>, vector<16xf32>,
          %get3A_1073 = arith.index_cast %squeeze3A_1005 : i32 to index
          %get3A_1074 = arith.constant 96 : index
          %get3A_1075 = tpu.vector_load %arg11[%get3A_1073, %get3A_1074] {strides = array<i32>} : memref<321x128xf32, #tpu.memory_space<vmem>>, vector<16xf32>,
          %max3A_1076 = arith.maximumf %get3A_1075, %get3A_1072 : vector<16xf32>
          %swap3A_1077 = arith.index_cast %squeeze3A_1005 : i32 to index
          %swap3A_1078 = arith.constant 96 : index
          %swap3A_1079 = tpu.vector_load %arg11[%swap3A_1077, %swap3A_1078] {strides = array<i32>} : memref<321x128xf32, #tpu.memory_space<vmem>>, vector<16xf32>,
          tpu.vector_store %arg11[%swap3A_1077, %swap3A_1078], %max3A_1076 {strides = array<i32>} : memref<321x128xf32, #tpu.memory_space<vmem>>, vector<16xf32>,
          %get3A_1080 = arith.index_cast %add3A_1009 : i32 to index
          %get3A_1081 = arith.constant 112 : index
          %get3A_1082 = tpu.vector_load %arg10[%get3A_1080, %get3A_1081] {strides = array<i32>} : memref<128x128xf32, #tpu.memory_space<vmem>>, vector<16xf32>,
          %get3A_1083 = arith.index_cast %squeeze3A_1005 : i32 to index
          %get3A_1084 = arith.constant 112 : index
          %get3A_1085 = tpu.vector_load %arg11[%get3A_1083, %get3A_1084] {strides = array<i32>} : memref<321x128xf32, #tpu.memory_space<vmem>>, vector<16xf32>,
          %max3A_1086 = arith.maximumf %get3A_1085, %get3A_1082 : vector<16xf32>
          %swap3A_1087 = arith.index_cast %squeeze3A_1005 : i32 to index
          %swap3A_1088 = arith.constant 112 : index
          %swap3A_1089 = tpu.vector_load %arg11[%swap3A_1087, %swap3A_1088] {strides = array<i32>} : memref<321x128xf32, #tpu.memory_space<vmem>>, vector<16xf32>,
          tpu.vector_store %arg11[%swap3A_1087, %swap3A_1088], %max3A_1086 {strides = array<i32>} : memref<321x128xf32, #tpu.memory_space<vmem>>, vector<16xf32>,
          %slice3A_1090 = vector.extract_strided_slice %get3A_147 {offsets = [11], sizes = [1], strides = [1]} : vector<16xi32> to vector<1xi32>
          %squeeze3A_1091 = vector.extract %slice3A_1090[0] : i32 from vector<1xi32>
          %mul3A_1092 = arith.constant 16 : i32
          %mul3A_1093 = arith.muli %scan3A_143, %mul3A_1092 : i32
          %add3A_1094 = arith.constant 11 : i32
          %add3A_1095 = arith.addi %mul3A_1093, %add3A_1094 : i32
          %get3A_1096 = arith.index_cast %add3A_1095 : i32 to index
          %get3A_1097 = arith.constant 0 : index
          %get3A_1098 = tpu.vector_load %arg10[%get3A_1096, %get3A_1097] {strides = array<i32>} : memref<128x128xf32, #tpu.memory_space<vmem>>, vector<16xf32>,
          %get3A_1099 = arith.index_cast %squeeze3A_1091 : i32 to index
          %get3A_1100 = arith.constant 0 : index
          %get3A_1101 = tpu.vector_load %arg11[%get3A_1099, %get3A_1100] {strides = array<i32>} : memref<321x128xf32, #tpu.memory_space<vmem>>, vector<16xf32>,
          %max3A_1102 = arith.maximumf %get3A_1101, %get3A_1098 : vector<16xf32>
          %swap3A_1103 = arith.index_cast %squeeze3A_1091 : i32 to index
          %swap3A_1104 = arith.constant 0 : index
          %swap3A_1105 = tpu.vector_load %arg11[%swap3A_1103, %swap3A_1104] {strides = array<i32>} : memref<321x128xf32, #tpu.memory_space<vmem>>, vector<16xf32>,
          tpu.vector_store %arg11[%swap3A_1103, %swap3A_1104], %max3A_1102 {strides = array<i32>} : memref<321x128xf32, #tpu.memory_space<vmem>>, vector<16xf32>,
          %get3A_1106 = arith.index_cast %add3A_1095 : i32 to index
          %get3A_1107 = arith.constant 16 : index
          %get3A_1108 = tpu.vector_load %arg10[%get3A_1106, %get3A_1107] {strides = array<i32>} : memref<128x128xf32, #tpu.memory_space<vmem>>, vector<16xf32>,
          %get3A_1109 = arith.index_cast %squeeze3A_1091 : i32 to index
          %get3A_1110 = arith.constant 16 : index
          %get3A_1111 = tpu.vector_load %arg11[%get3A_1109, %get3A_1110] {strides = array<i32>} : memref<321x128xf32, #tpu.memory_space<vmem>>, vector<16xf32>,
          %max3A_1112 = arith.maximumf %get3A_1111, %get3A_1108 : vector<16xf32>
          %swap3A_1113 = arith.index_cast %squeeze3A_1091 : i32 to index
          %swap3A_1114 = arith.constant 16 : index
          %swap3A_1115 = tpu.vector_load %arg11[%swap3A_1113, %swap3A_1114] {strides = array<i32>} : memref<321x128xf32, #tpu.memory_space<vmem>>, vector<16xf32>,
          tpu.vector_store %arg11[%swap3A_1113, %swap3A_1114], %max3A_1112 {strides = array<i32>} : memref<321x128xf32, #tpu.memory_space<vmem>>, vector<16xf32>,
          %get3A_1116 = arith.index_cast %add3A_1095 : i32 to index
          %get3A_1117 = arith.constant 32 : index
          %get3A_1118 = tpu.vector_load %arg10[%get3A_1116, %get3A_1117] {strides = array<i32>} : memref<128x128xf32, #tpu.memory_space<vmem>>, vector<16xf32>,
          %get3A_1119 = arith.index_cast %squeeze3A_1091 : i32 to index
          %get3A_1120 = arith.constant 32 : index
          %get3A_1121 = tpu.vector_load %arg11[%get3A_1119, %get3A_1120] {strides = array<i32>} : memref<321x128xf32, #tpu.memory_space<vmem>>, vector<16xf32>,
          %max3A_1122 = arith.maximumf %get3A_1121, %get3A_1118 : vector<16xf32>
          %swap3A_1123 = arith.index_cast %squeeze3A_1091 : i32 to index
          %swap3A_1124 = arith.constant 32 : index
          %swap3A_1125 = tpu.vector_load %arg11[%swap3A_1123, %swap3A_1124] {strides = array<i32>} : memref<321x128xf32, #tpu.memory_space<vmem>>, vector<16xf32>,
          tpu.vector_store %arg11[%swap3A_1123, %swap3A_1124], %max3A_1122 {strides = array<i32>} : memref<321x128xf32, #tpu.memory_space<vmem>>, vector<16xf32>,
          %get3A_1126 = arith.index_cast %add3A_1095 : i32 to index
          %get3A_1127 = arith.constant 48 : index
          %get3A_1128 = tpu.vector_load %arg10[%get3A_1126, %get3A_1127] {strides = array<i32>} : memref<128x128xf32, #tpu.memory_space<vmem>>, vector<16xf32>,
          %get3A_1129 = arith.index_cast %squeeze3A_1091 : i32 to index
          %get3A_1130 = arith.constant 48 : index
          %get3A_1131 = tpu.vector_load %arg11[%get3A_1129, %get3A_1130] {strides = array<i32>} : memref<321x128xf32, #tpu.memory_space<vmem>>, vector<16xf32>,
          %max3A_1132 = arith.maximumf %get3A_1131, %get3A_1128 : vector<16xf32>
          %swap3A_1133 = arith.index_cast %squeeze3A_1091 : i32 to index
          %swap3A_1134 = arith.constant 48 : index
          %swap3A_1135 = tpu.vector_load %arg11[%swap3A_1133, %swap3A_1134] {strides = array<i32>} : memref<321x128xf32, #tpu.memory_space<vmem>>, vector<16xf32>,
          tpu.vector_store %arg11[%swap3A_1133, %swap3A_1134], %max3A_1132 {strides = array<i32>} : memref<321x128xf32, #tpu.memory_space<vmem>>, vector<16xf32>,
          %get3A_1136 = arith.index_cast %add3A_1095 : i32 to index
          %get3A_1137 = arith.constant 64 : index
          %get3A_1138 = tpu.vector_load %arg10[%get3A_1136, %get3A_1137] {strides = array<i32>} : memref<128x128xf32, #tpu.memory_space<vmem>>, vector<16xf32>,
          %get3A_1139 = arith.index_cast %squeeze3A_1091 : i32 to index
          %get3A_1140 = arith.constant 64 : index
          %get3A_1141 = tpu.vector_load %arg11[%get3A_1139, %get3A_1140] {strides = array<i32>} : memref<321x128xf32, #tpu.memory_space<vmem>>, vector<16xf32>,
          %max3A_1142 = arith.maximumf %get3A_1141, %get3A_1138 : vector<16xf32>
          %swap3A_1143 = arith.index_cast %squeeze3A_1091 : i32 to index
          %swap3A_1144 = arith.constant 64 : index
          %swap3A_1145 = tpu.vector_load %arg11[%swap3A_1143, %swap3A_1144] {strides = array<i32>} : memref<321x128xf32, #tpu.memory_space<vmem>>, vector<16xf32>,
          tpu.vector_store %arg11[%swap3A_1143, %swap3A_1144], %max3A_1142 {strides = array<i32>} : memref<321x128xf32, #tpu.memory_space<vmem>>, vector<16xf32>,
          %get3A_1146 = arith.index_cast %add3A_1095 : i32 to index
          %get3A_1147 = arith.constant 80 : index
          %get3A_1148 = tpu.vector_load %arg10[%get3A_1146, %get3A_1147] {strides = array<i32>} : memref<128x128xf32, #tpu.memory_space<vmem>>, vector<16xf32>,
          %get3A_1149 = arith.index_cast %squeeze3A_1091 : i32 to index
          %get3A_1150 = arith.constant 80 : index
          %get3A_1151 = tpu.vector_load %arg11[%get3A_1149, %get3A_1150] {strides = array<i32>} : memref<321x128xf32, #tpu.memory_space<vmem>>, vector<16xf32>,
          %max3A_1152 = arith.maximumf %get3A_1151, %get3A_1148 : vector<16xf32>
          %swap3A_1153 = arith.index_cast %squeeze3A_1091 : i32 to index
          %swap3A_1154 = arith.constant 80 : index
          %swap3A_1155 = tpu.vector_load %arg11[%swap3A_1153, %swap3A_1154] {strides = array<i32>} : memref<321x128xf32, #tpu.memory_space<vmem>>, vector<16xf32>,
          tpu.vector_store %arg11[%swap3A_1153, %swap3A_1154], %max3A_1152 {strides = array<i32>} : memref<321x128xf32, #tpu.memory_space<vmem>>, vector<16xf32>,
          %get3A_1156 = arith.index_cast %add3A_1095 : i32 to index
          %get3A_1157 = arith.constant 96 : index
          %get3A_1158 = tpu.vector_load %arg10[%get3A_1156, %get3A_1157] {strides = array<i32>} : memref<128x128xf32, #tpu.memory_space<vmem>>, vector<16xf32>,
          %get3A_1159 = arith.index_cast %squeeze3A_1091 : i32 to index
          %get3A_1160 = arith.constant 96 : index
          %get3A_1161 = tpu.vector_load %arg11[%get3A_1159, %get3A_1160] {strides = array<i32>} : memref<321x128xf32, #tpu.memory_space<vmem>>, vector<16xf32>,
          %max3A_1162 = arith.maximumf %get3A_1161, %get3A_1158 : vector<16xf32>
          %swap3A_1163 = arith.index_cast %squeeze3A_1091 : i32 to index
          %swap3A_1164 = arith.constant 96 : index
          %swap3A_1165 = tpu.vector_load %arg11[%swap3A_1163, %swap3A_1164] {strides = array<i32>} : memref<321x128xf32, #tpu.memory_space<vmem>>, vector<16xf32>,
          tpu.vector_store %arg11[%swap3A_1163, %swap3A_1164], %max3A_1162 {strides = array<i32>} : memref<321x128xf32, #tpu.memory_space<vmem>>, vector<16xf32>,
          %get3A_1166 = arith.index_cast %add3A_1095 : i32 to index
          %get3A_1167 = arith.constant 112 : index
          %get3A_1168 = tpu.vector_load %arg10[%get3A_1166, %get3A_1167] {strides = array<i32>} : memref<128x128xf32, #tpu.memory_space<vmem>>, vector<16xf32>,
          %get3A_1169 = arith.index_cast %squeeze3A_1091 : i32 to index
          %get3A_1170 = arith.constant 112 : index
          %get3A_1171 = tpu.vector_load %arg11[%get3A_1169, %get3A_1170] {strides = array<i32>} : memref<321x128xf32, #tpu.memory_space<vmem>>, vector<16xf32>,
          %max3A_1172 = arith.maximumf %get3A_1171, %get3A_1168 : vector<16xf32>
          %swap3A_1173 = arith.index_cast %squeeze3A_1091 : i32 to index
          %swap3A_1174 = arith.constant 112 : index
          %swap3A_1175 = tpu.vector_load %arg11[%swap3A_1173, %swap3A_1174] {strides = array<i32>} : memref<321x128xf32, #tpu.memory_space<vmem>>, vector<16xf32>,
          tpu.vector_store %arg11[%swap3A_1173, %swap3A_1174], %max3A_1172 {strides = array<i32>} : memref<321x128xf32, #tpu.memory_space<vmem>>, vector<16xf32>,
          %slice3A_1176 = vector.extract_strided_slice %get3A_147 {offsets = [12], sizes = [1], strides = [1]} : vector<16xi32> to vector<1xi32>
          %squeeze3A_1177 = vector.extract %slice3A_1176[0] : i32 from vector<1xi32>
          %mul3A_1178 = arith.constant 16 : i32
          %mul3A_1179 = arith.muli %scan3A_143, %mul3A_1178 : i32
          %add3A_1180 = arith.constant 12 : i32
          %add3A_1181 = arith.addi %mul3A_1179, %add3A_1180 : i32
          %get3A_1182 = arith.index_cast %add3A_1181 : i32 to index
          %get3A_1183 = arith.constant 0 : index
          %get3A_1184 = tpu.vector_load %arg10[%get3A_1182, %get3A_1183] {strides = array<i32>} : memref<128x128xf32, #tpu.memory_space<vmem>>, vector<16xf32>,
          %get3A_1185 = arith.index_cast %squeeze3A_1177 : i32 to index
          %get3A_1186 = arith.constant 0 : index
          %get3A_1187 = tpu.vector_load %arg11[%get3A_1185, %get3A_1186] {strides = array<i32>} : memref<321x128xf32, #tpu.memory_space<vmem>>, vector<16xf32>,
          %max3A_1188 = arith.maximumf %get3A_1187, %get3A_1184 : vector<16xf32>
          %swap3A_1189 = arith.index_cast %squeeze3A_1177 : i32 to index
          %swap3A_1190 = arith.constant 0 : index
          %swap3A_1191 = tpu.vector_load %arg11[%swap3A_1189, %swap3A_1190] {strides = array<i32>} : memref<321x128xf32, #tpu.memory_space<vmem>>, vector<16xf32>,
          tpu.vector_store %arg11[%swap3A_1189, %swap3A_1190], %max3A_1188 {strides = array<i32>} : memref<321x128xf32, #tpu.memory_space<vmem>>, vector<16xf32>,
          %get3A_1192 = arith.index_cast %add3A_1181 : i32 to index
          %get3A_1193 = arith.constant 16 : index
          %get3A_1194 = tpu.vector_load %arg10[%get3A_1192, %get3A_1193] {strides = array<i32>} : memref<128x128xf32, #tpu.memory_space<vmem>>, vector<16xf32>,
          %get3A_1195 = arith.index_cast %squeeze3A_1177 : i32 to index
          %get3A_1196 = arith.constant 16 : index
          %get3A_1197 = tpu.vector_load %arg11[%get3A_1195, %get3A_1196] {strides = array<i32>} : memref<321x128xf32, #tpu.memory_space<vmem>>, vector<16xf32>,
          %max3A_1198 = arith.maximumf %get3A_1197, %get3A_1194 : vector<16xf32>
          %swap3A_1199 = arith.index_cast %squeeze3A_1177 : i32 to index
          %swap3A_1200 = arith.constant 16 : index
          %swap3A_1201 = tpu.vector_load %arg11[%swap3A_1199, %swap3A_1200] {strides = array<i32>} : memref<321x128xf32, #tpu.memory_space<vmem>>, vector<16xf32>,
          tpu.vector_store %arg11[%swap3A_1199, %swap3A_1200], %max3A_1198 {strides = array<i32>} : memref<321x128xf32, #tpu.memory_space<vmem>>, vector<16xf32>,
          %get3A_1202 = arith.index_cast %add3A_1181 : i32 to index
          %get3A_1203 = arith.constant 32 : index
          %get3A_1204 = tpu.vector_load %arg10[%get3A_1202, %get3A_1203] {strides = array<i32>} : memref<128x128xf32, #tpu.memory_space<vmem>>, vector<16xf32>,
          %get3A_1205 = arith.index_cast %squeeze3A_1177 : i32 to index
          %get3A_1206 = arith.constant 32 : index
          %get3A_1207 = tpu.vector_load %arg11[%get3A_1205, %get3A_1206] {strides = array<i32>} : memref<321x128xf32, #tpu.memory_space<vmem>>, vector<16xf32>,
          %max3A_1208 = arith.maximumf %get3A_1207, %get3A_1204 : vector<16xf32>
          %swap3A_1209 = arith.index_cast %squeeze3A_1177 : i32 to index
          %swap3A_1210 = arith.constant 32 : index
          %swap3A_1211 = tpu.vector_load %arg11[%swap3A_1209, %swap3A_1210] {strides = array<i32>} : memref<321x128xf32, #tpu.memory_space<vmem>>, vector<16xf32>,
          tpu.vector_store %arg11[%swap3A_1209, %swap3A_1210], %max3A_1208 {strides = array<i32>} : memref<321x128xf32, #tpu.memory_space<vmem>>, vector<16xf32>,
          %get3A_1212 = arith.index_cast %add3A_1181 : i32 to index
          %get3A_1213 = arith.constant 48 : index
          %get3A_1214 = tpu.vector_load %arg10[%get3A_1212, %get3A_1213] {strides = array<i32>} : memref<128x128xf32, #tpu.memory_space<vmem>>, vector<16xf32>,
          %get3A_1215 = arith.index_cast %squeeze3A_1177 : i32 to index
          %get3A_1216 = arith.constant 48 : index
          %get3A_1217 = tpu.vector_load %arg11[%get3A_1215, %get3A_1216] {strides = array<i32>} : memref<321x128xf32, #tpu.memory_space<vmem>>, vector<16xf32>,
          %max3A_1218 = arith.maximumf %get3A_1217, %get3A_1214 : vector<16xf32>
          %swap3A_1219 = arith.index_cast %squeeze3A_1177 : i32 to index
          %swap3A_1220 = arith.constant 48 : index
          %swap3A_1221 = tpu.vector_load %arg11[%swap3A_1219, %swap3A_1220] {strides = array<i32>} : memref<321x128xf32, #tpu.memory_space<vmem>>, vector<16xf32>,
          tpu.vector_store %arg11[%swap3A_1219, %swap3A_1220], %max3A_1218 {strides = array<i32>} : memref<321x128xf32, #tpu.memory_space<vmem>>, vector<16xf32>,
          %get3A_1222 = arith.index_cast %add3A_1181 : i32 to index
          %get3A_1223 = arith.constant 64 : index
          %get3A_1224 = tpu.vector_load %arg10[%get3A_1222, %get3A_1223] {strides = array<i32>} : memref<128x128xf32, #tpu.memory_space<vmem>>, vector<16xf32>,
          %get3A_1225 = arith.index_cast %squeeze3A_1177 : i32 to index
          %get3A_1226 = arith.constant 64 : index
          %get3A_1227 = tpu.vector_load %arg11[%get3A_1225, %get3A_1226] {strides = array<i32>} : memref<321x128xf32, #tpu.memory_space<vmem>>, vector<16xf32>,
          %max3A_1228 = arith.maximumf %get3A_1227, %get3A_1224 : vector<16xf32>
          %swap3A_1229 = arith.index_cast %squeeze3A_1177 : i32 to index
          %swap3A_1230 = arith.constant 64 : index
          %swap3A_1231 = tpu.vector_load %arg11[%swap3A_1229, %swap3A_1230] {strides = array<i32>} : memref<321x128xf32, #tpu.memory_space<vmem>>, vector<16xf32>,
          tpu.vector_store %arg11[%swap3A_1229, %swap3A_1230], %max3A_1228 {strides = array<i32>} : memref<321x128xf32, #tpu.memory_space<vmem>>, vector<16xf32>,
          %get3A_1232 = arith.index_cast %add3A_1181 : i32 to index
          %get3A_1233 = arith.constant 80 : index
          %get3A_1234 = tpu.vector_load %arg10[%get3A_1232, %get3A_1233] {strides = array<i32>} : memref<128x128xf32, #tpu.memory_space<vmem>>, vector<16xf32>,
          %get3A_1235 = arith.index_cast %squeeze3A_1177 : i32 to index
          %get3A_1236 = arith.constant 80 : index
          %get3A_1237 = tpu.vector_load %arg11[%get3A_1235, %get3A_1236] {strides = array<i32>} : memref<321x128xf32, #tpu.memory_space<vmem>>, vector<16xf32>,
          %max3A_1238 = arith.maximumf %get3A_1237, %get3A_1234 : vector<16xf32>
          %swap3A_1239 = arith.index_cast %squeeze3A_1177 : i32 to index
          %swap3A_1240 = arith.constant 80 : index
          %swap3A_1241 = tpu.vector_load %arg11[%swap3A_1239, %swap3A_1240] {strides = array<i32>} : memref<321x128xf32, #tpu.memory_space<vmem>>, vector<16xf32>,
          tpu.vector_store %arg11[%swap3A_1239, %swap3A_1240], %max3A_1238 {strides = array<i32>} : memref<321x128xf32, #tpu.memory_space<vmem>>, vector<16xf32>,
          %get3A_1242 = arith.index_cast %add3A_1181 : i32 to index
          %get3A_1243 = arith.constant 96 : index
          %get3A_1244 = tpu.vector_load %arg10[%get3A_1242, %get3A_1243] {strides = array<i32>} : memref<128x128xf32, #tpu.memory_space<vmem>>, vector<16xf32>,
          %get3A_1245 = arith.index_cast %squeeze3A_1177 : i32 to index
          %get3A_1246 = arith.constant 96 : index
          %get3A_1247 = tpu.vector_load %arg11[%get3A_1245, %get3A_1246] {strides = array<i32>} : memref<321x128xf32, #tpu.memory_space<vmem>>, vector<16xf32>,
          %max3A_1248 = arith.maximumf %get3A_1247, %get3A_1244 : vector<16xf32>
          %swap3A_1249 = arith.index_cast %squeeze3A_1177 : i32 to index
          %swap3A_1250 = arith.constant 96 : index
          %swap3A_1251 = tpu.vector_load %arg11[%swap3A_1249, %swap3A_1250] {strides = array<i32>} : memref<321x128xf32, #tpu.memory_space<vmem>>, vector<16xf32>,
          tpu.vector_store %arg11[%swap3A_1249, %swap3A_1250], %max3A_1248 {strides = array<i32>} : memref<321x128xf32, #tpu.memory_space<vmem>>, vector<16xf32>,
          %get3A_1252 = arith.index_cast %add3A_1181 : i32 to index
          %get3A_1253 = arith.constant 112 : index
          %get3A_1254 = tpu.vector_load %arg10[%get3A_1252, %get3A_1253] {strides = array<i32>} : memref<128x128xf32, #tpu.memory_space<vmem>>, vector<16xf32>,
          %get3A_1255 = arith.index_cast %squeeze3A_1177 : i32 to index
          %get3A_1256 = arith.constant 112 : index
          %get3A_1257 = tpu.vector_load %arg11[%get3A_1255, %get3A_1256] {strides = array<i32>} : memref<321x128xf32, #tpu.memory_space<vmem>>, vector<16xf32>,
          %max3A_1258 = arith.maximumf %get3A_1257, %get3A_1254 : vector<16xf32>
          %swap3A_1259 = arith.index_cast %squeeze3A_1177 : i32 to index
          %swap3A_1260 = arith.constant 112 : index
          %swap3A_1261 = tpu.vector_load %arg11[%swap3A_1259, %swap3A_1260] {strides = array<i32>} : memref<321x128xf32, #tpu.memory_space<vmem>>, vector<16xf32>,
          tpu.vector_store %arg11[%swap3A_1259, %swap3A_1260], %max3A_1258 {strides = array<i32>} : memref<321x128xf32, #tpu.memory_space<vmem>>, vector<16xf32>,
          %slice3A_1262 = vector.extract_strided_slice %get3A_147 {offsets = [13], sizes = [1], strides = [1]} : vector<16xi32> to vector<1xi32>
          %squeeze3A_1263 = vector.extract %slice3A_1262[0] : i32 from vector<1xi32>
          %mul3A_1264 = arith.constant 16 : i32
          %mul3A_1265 = arith.muli %scan3A_143, %mul3A_1264 : i32
          %add3A_1266 = arith.constant 13 : i32
          %add3A_1267 = arith.addi %mul3A_1265, %add3A_1266 : i32
          %get3A_1268 = arith.index_cast %add3A_1267 : i32 to index
          %get3A_1269 = arith.constant 0 : index
          %get3A_1270 = tpu.vector_load %arg10[%get3A_1268, %get3A_1269] {strides = array<i32>} : memref<128x128xf32, #tpu.memory_space<vmem>>, vector<16xf32>,
          %get3A_1271 = arith.index_cast %squeeze3A_1263 : i32 to index
          %get3A_1272 = arith.constant 0 : index
          %get3A_1273 = tpu.vector_load %arg11[%get3A_1271, %get3A_1272] {strides = array<i32>} : memref<321x128xf32, #tpu.memory_space<vmem>>, vector<16xf32>,
          %max3A_1274 = arith.maximumf %get3A_1273, %get3A_1270 : vector<16xf32>
          %swap3A_1275 = arith.index_cast %squeeze3A_1263 : i32 to index
          %swap3A_1276 = arith.constant 0 : index
          %swap3A_1277 = tpu.vector_load %arg11[%swap3A_1275, %swap3A_1276] {strides = array<i32>} : memref<321x128xf32, #tpu.memory_space<vmem>>, vector<16xf32>,
          tpu.vector_store %arg11[%swap3A_1275, %swap3A_1276], %max3A_1274 {strides = array<i32>} : memref<321x128xf32, #tpu.memory_space<vmem>>, vector<16xf32>,
          %get3A_1278 = arith.index_cast %add3A_1267 : i32 to index
          %get3A_1279 = arith.constant 16 : index
          %get3A_1280 = tpu.vector_load %arg10[%get3A_1278, %get3A_1279] {strides = array<i32>} : memref<128x128xf32, #tpu.memory_space<vmem>>, vector<16xf32>,
          %get3A_1281 = arith.index_cast %squeeze3A_1263 : i32 to index
          %get3A_1282 = arith.constant 16 : index
          %get3A_1283 = tpu.vector_load %arg11[%get3A_1281, %get3A_1282] {strides = array<i32>} : memref<321x128xf32, #tpu.memory_space<vmem>>, vector<16xf32>,
          %max3A_1284 = arith.maximumf %get3A_1283, %get3A_1280 : vector<16xf32>
          %swap3A_1285 = arith.index_cast %squeeze3A_1263 : i32 to index
          %swap3A_1286 = arith.constant 16 : index
          %swap3A_1287 = tpu.vector_load %arg11[%swap3A_1285, %swap3A_1286] {strides = array<i32>} : memref<321x128xf32, #tpu.memory_space<vmem>>, vector<16xf32>,
          tpu.vector_store %arg11[%swap3A_1285, %swap3A_1286], %max3A_1284 {strides = array<i32>} : memref<321x128xf32, #tpu.memory_space<vmem>>, vector<16xf32>,
          %get3A_1288 = arith.index_cast %add3A_1267 : i32 to index
          %get3A_1289 = arith.constant 32 : index
          %get3A_1290 = tpu.vector_load %arg10[%get3A_1288, %get3A_1289] {strides = array<i32>} : memref<128x128xf32, #tpu.memory_space<vmem>>, vector<16xf32>,
          %get3A_1291 = arith.index_cast %squeeze3A_1263 : i32 to index
          %get3A_1292 = arith.constant 32 : index
          %get3A_1293 = tpu.vector_load %arg11[%get3A_1291, %get3A_1292] {strides = array<i32>} : memref<321x128xf32, #tpu.memory_space<vmem>>, vector<16xf32>,
          %max3A_1294 = arith.maximumf %get3A_1293, %get3A_1290 : vector<16xf32>
          %swap3A_1295 = arith.index_cast %squeeze3A_1263 : i32 to index
          %swap3A_1296 = arith.constant 32 : index
          %swap3A_1297 = tpu.vector_load %arg11[%swap3A_1295, %swap3A_1296] {strides = array<i32>} : memref<321x128xf32, #tpu.memory_space<vmem>>, vector<16xf32>,
          tpu.vector_store %arg11[%swap3A_1295, %swap3A_1296], %max3A_1294 {strides = array<i32>} : memref<321x128xf32, #tpu.memory_space<vmem>>, vector<16xf32>,
          %get3A_1298 = arith.index_cast %add3A_1267 : i32 to index
          %get3A_1299 = arith.constant 48 : index
          %get3A_1300 = tpu.vector_load %arg10[%get3A_1298, %get3A_1299] {strides = array<i32>} : memref<128x128xf32, #tpu.memory_space<vmem>>, vector<16xf32>,
          %get3A_1301 = arith.index_cast %squeeze3A_1263 : i32 to index
          %get3A_1302 = arith.constant 48 : index
          %get3A_1303 = tpu.vector_load %arg11[%get3A_1301, %get3A_1302] {strides = array<i32>} : memref<321x128xf32, #tpu.memory_space<vmem>>, vector<16xf32>,
          %max3A_1304 = arith.maximumf %get3A_1303, %get3A_1300 : vector<16xf32>
          %swap3A_1305 = arith.index_cast %squeeze3A_1263 : i32 to index
          %swap3A_1306 = arith.constant 48 : index
          %swap3A_1307 = tpu.vector_load %arg11[%swap3A_1305, %swap3A_1306] {strides = array<i32>} : memref<321x128xf32, #tpu.memory_space<vmem>>, vector<16xf32>,
          tpu.vector_store %arg11[%swap3A_1305, %swap3A_1306], %max3A_1304 {strides = array<i32>} : memref<321x128xf32, #tpu.memory_space<vmem>>, vector<16xf32>,
          %get3A_1308 = arith.index_cast %add3A_1267 : i32 to index
          %get3A_1309 = arith.constant 64 : index
          %get3A_1310 = tpu.vector_load %arg10[%get3A_1308, %get3A_1309] {strides = array<i32>} : memref<128x128xf32, #tpu.memory_space<vmem>>, vector<16xf32>,
          %get3A_1311 = arith.index_cast %squeeze3A_1263 : i32 to index
          %get3A_1312 = arith.constant 64 : index
          %get3A_1313 = tpu.vector_load %arg11[%get3A_1311, %get3A_1312] {strides = array<i32>} : memref<321x128xf32, #tpu.memory_space<vmem>>, vector<16xf32>,
          %max3A_1314 = arith.maximumf %get3A_1313, %get3A_1310 : vector<16xf32>
          %swap3A_1315 = arith.index_cast %squeeze3A_1263 : i32 to index
          %swap3A_1316 = arith.constant 64 : index
          %swap3A_1317 = tpu.vector_load %arg11[%swap3A_1315, %swap3A_1316] {strides = array<i32>} : memref<321x128xf32, #tpu.memory_space<vmem>>, vector<16xf32>,
          tpu.vector_store %arg11[%swap3A_1315, %swap3A_1316], %max3A_1314 {strides = array<i32>} : memref<321x128xf32, #tpu.memory_space<vmem>>, vector<16xf32>,
          %get3A_1318 = arith.index_cast %add3A_1267 : i32 to index
          %get3A_1319 = arith.constant 80 : index
          %get3A_1320 = tpu.vector_load %arg10[%get3A_1318, %get3A_1319] {strides = array<i32>} : memref<128x128xf32, #tpu.memory_space<vmem>>, vector<16xf32>,
          %get3A_1321 = arith.index_cast %squeeze3A_1263 : i32 to index
          %get3A_1322 = arith.constant 80 : index
          %get3A_1323 = tpu.vector_load %arg11[%get3A_1321, %get3A_1322] {strides = array<i32>} : memref<321x128xf32, #tpu.memory_space<vmem>>, vector<16xf32>,
          %max3A_1324 = arith.maximumf %get3A_1323, %get3A_1320 : vector<16xf32>
          %swap3A_1325 = arith.index_cast %squeeze3A_1263 : i32 to index
          %swap3A_1326 = arith.constant 80 : index
          %swap3A_1327 = tpu.vector_load %arg11[%swap3A_1325, %swap3A_1326] {strides = array<i32>} : memref<321x128xf32, #tpu.memory_space<vmem>>, vector<16xf32>,
          tpu.vector_store %arg11[%swap3A_1325, %swap3A_1326], %max3A_1324 {strides = array<i32>} : memref<321x128xf32, #tpu.memory_space<vmem>>, vector<16xf32>,
          %get3A_1328 = arith.index_cast %add3A_1267 : i32 to index
          %get3A_1329 = arith.constant 96 : index
          %get3A_1330 = tpu.vector_load %arg10[%get3A_1328, %get3A_1329] {strides = array<i32>} : memref<128x128xf32, #tpu.memory_space<vmem>>, vector<16xf32>,
          %get3A_1331 = arith.index_cast %squeeze3A_1263 : i32 to index
          %get3A_1332 = arith.constant 96 : index
          %get3A_1333 = tpu.vector_load %arg11[%get3A_1331, %get3A_1332] {strides = array<i32>} : memref<321x128xf32, #tpu.memory_space<vmem>>, vector<16xf32>,
          %max3A_1334 = arith.maximumf %get3A_1333, %get3A_1330 : vector<16xf32>
          %swap3A_1335 = arith.index_cast %squeeze3A_1263 : i32 to index
          %swap3A_1336 = arith.constant 96 : index
          %swap3A_1337 = tpu.vector_load %arg11[%swap3A_1335, %swap3A_1336] {strides = array<i32>} : memref<321x128xf32, #tpu.memory_space<vmem>>, vector<16xf32>,
          tpu.vector_store %arg11[%swap3A_1335, %swap3A_1336], %max3A_1334 {strides = array<i32>} : memref<321x128xf32, #tpu.memory_space<vmem>>, vector<16xf32>,
          %get3A_1338 = arith.index_cast %add3A_1267 : i32 to index
          %get3A_1339 = arith.constant 112 : index
          %get3A_1340 = tpu.vector_load %arg10[%get3A_1338, %get3A_1339] {strides = array<i32>} : memref<128x128xf32, #tpu.memory_space<vmem>>, vector<16xf32>,
          %get3A_1341 = arith.index_cast %squeeze3A_1263 : i32 to index
          %get3A_1342 = arith.constant 112 : index
          %get3A_1343 = tpu.vector_load %arg11[%get3A_1341, %get3A_1342] {strides = array<i32>} : memref<321x128xf32, #tpu.memory_space<vmem>>, vector<16xf32>,
          %max3A_1344 = arith.maximumf %get3A_1343, %get3A_1340 : vector<16xf32>
          %swap3A_1345 = arith.index_cast %squeeze3A_1263 : i32 to index
          %swap3A_1346 = arith.constant 112 : index
          %swap3A_1347 = tpu.vector_load %arg11[%swap3A_1345, %swap3A_1346] {strides = array<i32>} : memref<321x128xf32, #tpu.memory_space<vmem>>, vector<16xf32>,
          tpu.vector_store %arg11[%swap3A_1345, %swap3A_1346], %max3A_1344 {strides = array<i32>} : memref<321x128xf32, #tpu.memory_space<vmem>>, vector<16xf32>,
          %slice3A_1348 = vector.extract_strided_slice %get3A_147 {offsets = [14], sizes = [1], strides = [1]} : vector<16xi32> to vector<1xi32>
          %squeeze3A_1349 = vector.extract %slice3A_1348[0] : i32 from vector<1xi32>
          %mul3A_1350 = arith.constant 16 : i32
          %mul3A_1351 = arith.muli %scan3A_143, %mul3A_1350 : i32
          %add3A_1352 = arith.constant 14 : i32
          %add3A_1353 = arith.addi %mul3A_1351, %add3A_1352 : i32
          %get3A_1354 = arith.index_cast %add3A_1353 : i32 to index
          %get3A_1355 = arith.constant 0 : index
          %get3A_1356 = tpu.vector_load %arg10[%get3A_1354, %get3A_1355] {strides = array<i32>} : memref<128x128xf32, #tpu.memory_space<vmem>>, vector<16xf32>,
          %get3A_1357 = arith.index_cast %squeeze3A_1349 : i32 to index
          %get3A_1358 = arith.constant 0 : index
          %get3A_1359 = tpu.vector_load %arg11[%get3A_1357, %get3A_1358] {strides = array<i32>} : memref<321x128xf32, #tpu.memory_space<vmem>>, vector<16xf32>,
          %max3A_1360 = arith.maximumf %get3A_1359, %get3A_1356 : vector<16xf32>
          %swap3A_1361 = arith.index_cast %squeeze3A_1349 : i32 to index
          %swap3A_1362 = arith.constant 0 : index
          %swap3A_1363 = tpu.vector_load %arg11[%swap3A_1361, %swap3A_1362] {strides = array<i32>} : memref<321x128xf32, #tpu.memory_space<vmem>>, vector<16xf32>,
          tpu.vector_store %arg11[%swap3A_1361, %swap3A_1362], %max3A_1360 {strides = array<i32>} : memref<321x128xf32, #tpu.memory_space<vmem>>, vector<16xf32>,
          %get3A_1364 = arith.index_cast %add3A_1353 : i32 to index
          %get3A_1365 = arith.constant 16 : index
          %get3A_1366 = tpu.vector_load %arg10[%get3A_1364, %get3A_1365] {strides = array<i32>} : memref<128x128xf32, #tpu.memory_space<vmem>>, vector<16xf32>,
          %get3A_1367 = arith.index_cast %squeeze3A_1349 : i32 to index
          %get3A_1368 = arith.constant 16 : index
          %get3A_1369 = tpu.vector_load %arg11[%get3A_1367, %get3A_1368] {strides = array<i32>} : memref<321x128xf32, #tpu.memory_space<vmem>>, vector<16xf32>,
          %max3A_1370 = arith.maximumf %get3A_1369, %get3A_1366 : vector<16xf32>
          %swap3A_1371 = arith.index_cast %squeeze3A_1349 : i32 to index
          %swap3A_1372 = arith.constant 16 : index
          %swap3A_1373 = tpu.vector_load %arg11[%swap3A_1371, %swap3A_1372] {strides = array<i32>} : memref<321x128xf32, #tpu.memory_space<vmem>>, vector<16xf32>,
          tpu.vector_store %arg11[%swap3A_1371, %swap3A_1372], %max3A_1370 {strides = array<i32>} : memref<321x128xf32, #tpu.memory_space<vmem>>, vector<16xf32>,
          %get3A_1374 = arith.index_cast %add3A_1353 : i32 to index
          %get3A_1375 = arith.constant 32 : index
          %get3A_1376 = tpu.vector_load %arg10[%get3A_1374, %get3A_1375] {strides = array<i32>} : memref<128x128xf32, #tpu.memory_space<vmem>>, vector<16xf32>,
          %get3A_1377 = arith.index_cast %squeeze3A_1349 : i32 to index
          %get3A_1378 = arith.constant 32 : index
          %get3A_1379 = tpu.vector_load %arg11[%get3A_1377, %get3A_1378] {strides = array<i32>} : memref<321x128xf32, #tpu.memory_space<vmem>>, vector<16xf32>,
          %max3A_1380 = arith.maximumf %get3A_1379, %get3A_1376 : vector<16xf32>
          %swap3A_1381 = arith.index_cast %squeeze3A_1349 : i32 to index
          %swap3A_1382 = arith.constant 32 : index
          %swap3A_1383 = tpu.vector_load %arg11[%swap3A_1381, %swap3A_1382] {strides = array<i32>} : memref<321x128xf32, #tpu.memory_space<vmem>>, vector<16xf32>,
          tpu.vector_store %arg11[%swap3A_1381, %swap3A_1382], %max3A_1380 {strides = array<i32>} : memref<321x128xf32, #tpu.memory_space<vmem>>, vector<16xf32>,
          %get3A_1384 = arith.index_cast %add3A_1353 : i32 to index
          %get3A_1385 = arith.constant 48 : index
          %get3A_1386 = tpu.vector_load %arg10[%get3A_1384, %get3A_1385] {strides = array<i32>} : memref<128x128xf32, #tpu.memory_space<vmem>>, vector<16xf32>,
          %get3A_1387 = arith.index_cast %squeeze3A_1349 : i32 to index
          %get3A_1388 = arith.constant 48 : index
          %get3A_1389 = tpu.vector_load %arg11[%get3A_1387, %get3A_1388] {strides = array<i32>} : memref<321x128xf32, #tpu.memory_space<vmem>>, vector<16xf32>,
          %max3A_1390 = arith.maximumf %get3A_1389, %get3A_1386 : vector<16xf32>
          %swap3A_1391 = arith.index_cast %squeeze3A_1349 : i32 to index
          %swap3A_1392 = arith.constant 48 : index
          %swap3A_1393 = tpu.vector_load %arg11[%swap3A_1391, %swap3A_1392] {strides = array<i32>} : memref<321x128xf32, #tpu.memory_space<vmem>>, vector<16xf32>,
          tpu.vector_store %arg11[%swap3A_1391, %swap3A_1392], %max3A_1390 {strides = array<i32>} : memref<321x128xf32, #tpu.memory_space<vmem>>, vector<16xf32>,
          %get3A_1394 = arith.index_cast %add3A_1353 : i32 to index
          %get3A_1395 = arith.constant 64 : index
          %get3A_1396 = tpu.vector_load %arg10[%get3A_1394, %get3A_1395] {strides = array<i32>} : memref<128x128xf32, #tpu.memory_space<vmem>>, vector<16xf32>,
          %get3A_1397 = arith.index_cast %squeeze3A_1349 : i32 to index
          %get3A_1398 = arith.constant 64 : index
          %get3A_1399 = tpu.vector_load %arg11[%get3A_1397, %get3A_1398] {strides = array<i32>} : memref<321x128xf32, #tpu.memory_space<vmem>>, vector<16xf32>,
          %max3A_1400 = arith.maximumf %get3A_1399, %get3A_1396 : vector<16xf32>
          %swap3A_1401 = arith.index_cast %squeeze3A_1349 : i32 to index
          %swap3A_1402 = arith.constant 64 : index
          %swap3A_1403 = tpu.vector_load %arg11[%swap3A_1401, %swap3A_1402] {strides = array<i32>} : memref<321x128xf32, #tpu.memory_space<vmem>>, vector<16xf32>,
          tpu.vector_store %arg11[%swap3A_1401, %swap3A_1402], %max3A_1400 {strides = array<i32>} : memref<321x128xf32, #tpu.memory_space<vmem>>, vector<16xf32>,
          %get3A_1404 = arith.index_cast %add3A_1353 : i32 to index
          %get3A_1405 = arith.constant 80 : index
          %get3A_1406 = tpu.vector_load %arg10[%get3A_1404, %get3A_1405] {strides = array<i32>} : memref<128x128xf32, #tpu.memory_space<vmem>>, vector<16xf32>,
          %get3A_1407 = arith.index_cast %squeeze3A_1349 : i32 to index
          %get3A_1408 = arith.constant 80 : index
          %get3A_1409 = tpu.vector_load %arg11[%get3A_1407, %get3A_1408] {strides = array<i32>} : memref<321x128xf32, #tpu.memory_space<vmem>>, vector<16xf32>,
          %max3A_1410 = arith.maximumf %get3A_1409, %get3A_1406 : vector<16xf32>
          %swap3A_1411 = arith.index_cast %squeeze3A_1349 : i32 to index
          %swap3A_1412 = arith.constant 80 : index
          %swap3A_1413 = tpu.vector_load %arg11[%swap3A_1411, %swap3A_1412] {strides = array<i32>} : memref<321x128xf32, #tpu.memory_space<vmem>>, vector<16xf32>,
          tpu.vector_store %arg11[%swap3A_1411, %swap3A_1412], %max3A_1410 {strides = array<i32>} : memref<321x128xf32, #tpu.memory_space<vmem>>, vector<16xf32>,
          %get3A_1414 = arith.index_cast %add3A_1353 : i32 to index
          %get3A_1415 = arith.constant 96 : index
          %get3A_1416 = tpu.vector_load %arg10[%get3A_1414, %get3A_1415] {strides = array<i32>} : memref<128x128xf32, #tpu.memory_space<vmem>>, vector<16xf32>,
          %get3A_1417 = arith.index_cast %squeeze3A_1349 : i32 to index
          %get3A_1418 = arith.constant 96 : index
          %get3A_1419 = tpu.vector_load %arg11[%get3A_1417, %get3A_1418] {strides = array<i32>} : memref<321x128xf32, #tpu.memory_space<vmem>>, vector<16xf32>,
          %max3A_1420 = arith.maximumf %get3A_1419, %get3A_1416 : vector<16xf32>
          %swap3A_1421 = arith.index_cast %squeeze3A_1349 : i32 to index
          %swap3A_1422 = arith.constant 96 : index
          %swap3A_1423 = tpu.vector_load %arg11[%swap3A_1421, %swap3A_1422] {strides = array<i32>} : memref<321x128xf32, #tpu.memory_space<vmem>>, vector<16xf32>,
          tpu.vector_store %arg11[%swap3A_1421, %swap3A_1422], %max3A_1420 {strides = array<i32>} : memref<321x128xf32, #tpu.memory_space<vmem>>, vector<16xf32>,
          %get3A_1424 = arith.index_cast %add3A_1353 : i32 to index
          %get3A_1425 = arith.constant 112 : index
          %get3A_1426 = tpu.vector_load %arg10[%get3A_1424, %get3A_1425] {strides = array<i32>} : memref<128x128xf32, #tpu.memory_space<vmem>>, vector<16xf32>,
          %get3A_1427 = arith.index_cast %squeeze3A_1349 : i32 to index
          %get3A_1428 = arith.constant 112 : index
          %get3A_1429 = tpu.vector_load %arg11[%get3A_1427, %get3A_1428] {strides = array<i32>} : memref<321x128xf32, #tpu.memory_space<vmem>>, vector<16xf32>,
          %max3A_1430 = arith.maximumf %get3A_1429, %get3A_1426 : vector<16xf32>
          %swap3A_1431 = arith.index_cast %squeeze3A_1349 : i32 to index
          %swap3A_1432 = arith.constant 112 : index
          %swap3A_1433 = tpu.vector_load %arg11[%swap3A_1431, %swap3A_1432] {strides = array<i32>} : memref<321x128xf32, #tpu.memory_space<vmem>>, vector<16xf32>,
          tpu.vector_store %arg11[%swap3A_1431, %swap3A_1432], %max3A_1430 {strides = array<i32>} : memref<321x128xf32, #tpu.memory_space<vmem>>, vector<16xf32>,
          %slice3A_1434 = vector.extract_strided_slice %get3A_147 {offsets = [15], sizes = [1], strides = [1]} : vector<16xi32> to vector<1xi32>
          %squeeze3A_1435 = vector.extract %slice3A_1434[0] : i32 from vector<1xi32>
          %mul3A_1436 = arith.constant 16 : i32
          %mul3A_1437 = arith.muli %scan3A_143, %mul3A_1436 : i32
          %add3A_1438 = arith.constant 15 : i32
          %add3A_1439 = arith.addi %mul3A_1437, %add3A_1438 : i32
          %get3A_1440 = arith.index_cast %add3A_1439 : i32 to index
          %get3A_1441 = arith.constant 0 : index
          %get3A_1442 = tpu.vector_load %arg10[%get3A_1440, %get3A_1441] {strides = array<i32>} : memref<128x128xf32, #tpu.memory_space<vmem>>, vector<16xf32>,
          %get3A_1443 = arith.index_cast %squeeze3A_1435 : i32 to index
          %get3A_1444 = arith.constant 0 : index
          %get3A_1445 = tpu.vector_load %arg11[%get3A_1443, %get3A_1444] {strides = array<i32>} : memref<321x128xf32, #tpu.memory_space<vmem>>, vector<16xf32>,
          %max3A_1446 = arith.maximumf %get3A_1445, %get3A_1442 : vector<16xf32>
          %swap3A_1447 = arith.index_cast %squeeze3A_1435 : i32 to index
          %swap3A_1448 = arith.constant 0 : index
          %swap3A_1449 = tpu.vector_load %arg11[%swap3A_1447, %swap3A_1448] {strides = array<i32>} : memref<321x128xf32, #tpu.memory_space<vmem>>, vector<16xf32>,
          tpu.vector_store %arg11[%swap3A_1447, %swap3A_1448], %max3A_1446 {strides = array<i32>} : memref<321x128xf32, #tpu.memory_space<vmem>>, vector<16xf32>,
          %get3A_1450 = arith.index_cast %add3A_1439 : i32 to index
          %get3A_1451 = arith.constant 16 : index
          %get3A_1452 = tpu.vector_load %arg10[%get3A_1450, %get3A_1451] {strides = array<i32>} : memref<128x128xf32, #tpu.memory_space<vmem>>, vector<16xf32>,
          %get3A_1453 = arith.index_cast %squeeze3A_1435 : i32 to index
          %get3A_1454 = arith.constant 16 : index
          %get3A_1455 = tpu.vector_load %arg11[%get3A_1453, %get3A_1454] {strides = array<i32>} : memref<321x128xf32, #tpu.memory_space<vmem>>, vector<16xf32>,
          %max3A_1456 = arith.maximumf %get3A_1455, %get3A_1452 : vector<16xf32>
          %swap3A_1457 = arith.index_cast %squeeze3A_1435 : i32 to index
          %swap3A_1458 = arith.constant 16 : index
          %swap3A_1459 = tpu.vector_load %arg11[%swap3A_1457, %swap3A_1458] {strides = array<i32>} : memref<321x128xf32, #tpu.memory_space<vmem>>, vector<16xf32>,
          tpu.vector_store %arg11[%swap3A_1457, %swap3A_1458], %max3A_1456 {strides = array<i32>} : memref<321x128xf32, #tpu.memory_space<vmem>>, vector<16xf32>,
          %get3A_1460 = arith.index_cast %add3A_1439 : i32 to index
          %get3A_1461 = arith.constant 32 : index
          %get3A_1462 = tpu.vector_load %arg10[%get3A_1460, %get3A_1461] {strides = array<i32>} : memref<128x128xf32, #tpu.memory_space<vmem>>, vector<16xf32>,
          %get3A_1463 = arith.index_cast %squeeze3A_1435 : i32 to index
          %get3A_1464 = arith.constant 32 : index
          %get3A_1465 = tpu.vector_load %arg11[%get3A_1463, %get3A_1464] {strides = array<i32>} : memref<321x128xf32, #tpu.memory_space<vmem>>, vector<16xf32>,
          %max3A_1466 = arith.maximumf %get3A_1465, %get3A_1462 : vector<16xf32>
          %swap3A_1467 = arith.index_cast %squeeze3A_1435 : i32 to index
          %swap3A_1468 = arith.constant 32 : index
          %swap3A_1469 = tpu.vector_load %arg11[%swap3A_1467, %swap3A_1468] {strides = array<i32>} : memref<321x128xf32, #tpu.memory_space<vmem>>, vector<16xf32>,
          tpu.vector_store %arg11[%swap3A_1467, %swap3A_1468], %max3A_1466 {strides = array<i32>} : memref<321x128xf32, #tpu.memory_space<vmem>>, vector<16xf32>,
          %get3A_1470 = arith.index_cast %add3A_1439 : i32 to index
          %get3A_1471 = arith.constant 48 : index
          %get3A_1472 = tpu.vector_load %arg10[%get3A_1470, %get3A_1471] {strides = array<i32>} : memref<128x128xf32, #tpu.memory_space<vmem>>, vector<16xf32>,
          %get3A_1473 = arith.index_cast %squeeze3A_1435 : i32 to index
          %get3A_1474 = arith.constant 48 : index
          %get3A_1475 = tpu.vector_load %arg11[%get3A_1473, %get3A_1474] {strides = array<i32>} : memref<321x128xf32, #tpu.memory_space<vmem>>, vector<16xf32>,
          %max3A_1476 = arith.maximumf %get3A_1475, %get3A_1472 : vector<16xf32>
          %swap3A_1477 = arith.index_cast %squeeze3A_1435 : i32 to index
          %swap3A_1478 = arith.constant 48 : index
          %swap3A_1479 = tpu.vector_load %arg11[%swap3A_1477, %swap3A_1478] {strides = array<i32>} : memref<321x128xf32, #tpu.memory_space<vmem>>, vector<16xf32>,
          tpu.vector_store %arg11[%swap3A_1477, %swap3A_1478], %max3A_1476 {strides = array<i32>} : memref<321x128xf32, #tpu.memory_space<vmem>>, vector<16xf32>,
          %get3A_1480 = arith.index_cast %add3A_1439 : i32 to index
          %get3A_1481 = arith.constant 64 : index
          %get3A_1482 = tpu.vector_load %arg10[%get3A_1480, %get3A_1481] {strides = array<i32>} : memref<128x128xf32, #tpu.memory_space<vmem>>, vector<16xf32>,
          %get3A_1483 = arith.index_cast %squeeze3A_1435 : i32 to index
          %get3A_1484 = arith.constant 64 : index
          %get3A_1485 = tpu.vector_load %arg11[%get3A_1483, %get3A_1484] {strides = array<i32>} : memref<321x128xf32, #tpu.memory_space<vmem>>, vector<16xf32>,
          %max3A_1486 = arith.maximumf %get3A_1485, %get3A_1482 : vector<16xf32>
          %swap3A_1487 = arith.index_cast %squeeze3A_1435 : i32 to index
          %swap3A_1488 = arith.constant 64 : index
          %swap3A_1489 = tpu.vector_load %arg11[%swap3A_1487, %swap3A_1488] {strides = array<i32>} : memref<321x128xf32, #tpu.memory_space<vmem>>, vector<16xf32>,
          tpu.vector_store %arg11[%swap3A_1487, %swap3A_1488], %max3A_1486 {strides = array<i32>} : memref<321x128xf32, #tpu.memory_space<vmem>>, vector<16xf32>,
          %get3A_1490 = arith.index_cast %add3A_1439 : i32 to index
          %get3A_1491 = arith.constant 80 : index
          %get3A_1492 = tpu.vector_load %arg10[%get3A_1490, %get3A_1491] {strides = array<i32>} : memref<128x128xf32, #tpu.memory_space<vmem>>, vector<16xf32>,
          %get3A_1493 = arith.index_cast %squeeze3A_1435 : i32 to index
          %get3A_1494 = arith.constant 80 : index
          %get3A_1495 = tpu.vector_load %arg11[%get3A_1493, %get3A_1494] {strides = array<i32>} : memref<321x128xf32, #tpu.memory_space<vmem>>, vector<16xf32>,
          %max3A_1496 = arith.maximumf %get3A_1495, %get3A_1492 : vector<16xf32>
          %swap3A_1497 = arith.index_cast %squeeze3A_1435 : i32 to index
          %swap3A_1498 = arith.constant 80 : index
          %swap3A_1499 = tpu.vector_load %arg11[%swap3A_1497, %swap3A_1498] {strides = array<i32>} : memref<321x128xf32, #tpu.memory_space<vmem>>, vector<16xf32>,
          tpu.vector_store %arg11[%swap3A_1497, %swap3A_1498], %max3A_1496 {strides = array<i32>} : memref<321x128xf32, #tpu.memory_space<vmem>>, vector<16xf32>,
          %get3A_1500 = arith.index_cast %add3A_1439 : i32 to index
          %get3A_1501 = arith.constant 96 : index
          %get3A_1502 = tpu.vector_load %arg10[%get3A_1500, %get3A_1501] {strides = array<i32>} : memref<128x128xf32, #tpu.memory_space<vmem>>, vector<16xf32>,
          %get3A_1503 = arith.index_cast %squeeze3A_1435 : i32 to index
          %get3A_1504 = arith.constant 96 : index
          %get3A_1505 = tpu.vector_load %arg11[%get3A_1503, %get3A_1504] {strides = array<i32>} : memref<321x128xf32, #tpu.memory_space<vmem>>, vector<16xf32>,
          %max3A_1506 = arith.maximumf %get3A_1505, %get3A_1502 : vector<16xf32>
          %swap3A_1507 = arith.index_cast %squeeze3A_1435 : i32 to index
          %swap3A_1508 = arith.constant 96 : index
          %swap3A_1509 = tpu.vector_load %arg11[%swap3A_1507, %swap3A_1508] {strides = array<i32>} : memref<321x128xf32, #tpu.memory_space<vmem>>, vector<16xf32>,
          tpu.vector_store %arg11[%swap3A_1507, %swap3A_1508], %max3A_1506 {strides = array<i32>} : memref<321x128xf32, #tpu.memory_space<vmem>>, vector<16xf32>,
          %get3A_1510 = arith.index_cast %add3A_1439 : i32 to index
          %get3A_1511 = arith.constant 112 : index
          %get3A_1512 = tpu.vector_load %arg10[%get3A_1510, %get3A_1511] {strides = array<i32>} : memref<128x128xf32, #tpu.memory_space<vmem>>, vector<16xf32>,
          %get3A_1513 = arith.index_cast %squeeze3A_1435 : i32 to index
          %get3A_1514 = arith.constant 112 : index
          %get3A_1515 = tpu.vector_load %arg11[%get3A_1513, %get3A_1514] {strides = array<i32>} : memref<321x128xf32, #tpu.memory_space<vmem>>, vector<16xf32>,
          %max3A_1516 = arith.maximumf %get3A_1515, %get3A_1512 : vector<16xf32>
          %swap3A_1517 = arith.index_cast %squeeze3A_1435 : i32 to index
          %swap3A_1518 = arith.constant 112 : index
          %swap3A_1519 = tpu.vector_load %arg11[%swap3A_1517, %swap3A_1518] {strides = array<i32>} : memref<321x128xf32, #tpu.memory_space<vmem>>, vector<16xf32>,
          tpu.vector_store %arg11[%swap3A_1517, %swap3A_1518], %max3A_1516 {strides = array<i32>} : memref<321x128xf32, #tpu.memory_space<vmem>>, vector<16xf32>,
        }
        %scan3A_142 = arith.constant 8 : i32
      }
      %while3A_126 = arith.constant 1 : i32
      scf.for %while3A_127 = %while3A_124 to %while3A_120 step %while3A_126  : i32 {
        %mul3A_128 = arith.constant 128 : i32
        %mul3A_129 = arith.muli %while3A_127, %mul3A_128 : i32
        %multiple_of3A_130 = tpu.assume_multiple %mul3A_129, 128 : i32
        %dma_start3A = tpu.memref_slice %arg8[%multiple_of3A_130] : memref<8000xi32, #tpu.memory_space<vmem>> -> memref<128xi32, #tpu.memory_space<vmem>>
        %dma_start3A_131 = arith.constant 0 : i32
        %dma_start3A_132 = arith.constant 0 : i32
        %dma_start3A_133 = tpu.memref_slice %arg2[%dma_start3A_131, %dma_start3A_132] : memref<10000x128xf32, #tpu.memory_space<hbm>> -> memref<10000x128xf32, #tpu.memory_space<hbm>>
        tpu.enqueue_indirect_dma source(%dma_start3A_133 : memref<10000x128xf32, #tpu.memory_space<hbm>>) target(%arg10 : memref<128x128xf32, #tpu.memory_space<vmem>>) offsets(%dma_start3A : memref<128xi32, #tpu.memory_space<vmem>>) semaphore(%arg12 : memref<!tpu.dma_semaphore, #tpu.memory_space<semaphore_mem>>)
        %dma_wait3A = tpu.memref_slice %arg8[%multiple_of3A_130] : memref<8000xi32, #tpu.memory_space<vmem>> -> memref<128xi32, #tpu.memory_space<vmem>>
        %dma_wait3A_134 = arith.constant 0 : i32
        %dma_wait3A_135 = arith.constant 0 : i32
        %dma_wait3A_136 = tpu.memref_slice %arg2[%dma_wait3A_134, %dma_wait3A_135] : memref<10000x128xf32, #tpu.memory_space<hbm>> -> memref<10000x128xf32, #tpu.memory_space<hbm>>
        tpu.wait_indirect_dma semaphore(%arg12 : memref<!tpu.dma_semaphore, #tpu.memory_space<semaphore_mem>>) src(%dma_wait3A_136 : memref<10000x128xf32, #tpu.memory_space<hbm>>) dst(%arg10 : memref<128x128xf32, #tpu.memory_space<vmem>>)
        %scan3A_137 = arith.constant 0 : i32
        %scan3A_138 = arith.constant 0 : i32
        %scan3A_139 = arith.constant 8 : i32
        %scan3A_140 = arith.addi %scan3A_138, %scan3A_139 : i32
        %scan3A_141 = arith.constant 1 : i32
        scf.for %scan3A_143 = %scan3A_138 to %scan3A_140 step %scan3A_141  : i32 {
          %mul3A_144 = arith.constant 16 : i32
          %mul3A_145 = arith.muli %scan3A_143, %mul3A_144 : i32
          %add3A_146 = arith.addi %multiple_of3A_130, %mul3A_145 : i32
          %get3A = arith.index_cast %add3A_146 : i32 to index
          %get3A_147 = tpu.vector_load %arg9[%get3A] {strides = array<i32>} : memref<8000xi32, #tpu.memory_space<vmem>>, vector<16xi32>,
          %slice3A = vector.extract_strided_slice %get3A_147 {offsets = [0], sizes = [1], strides = [1]} : vector<16xi32> to vector<1xi32>
          %squeeze3A = vector.extract %slice3A[0] : i32 from vector<1xi32>
          %mul3A_148 = arith.constant 16 : i32
          %mul3A_149 = arith.muli %scan3A_143, %mul3A_148 : i32
          %add3A_150 = arith.constant 0 : i32
          %add3A_151 = arith.addi %mul3A_149, %add3A_150 : i32
          %get3A_152 = arith.index_cast %add3A_151 : i32 to index
          %get3A_153 = arith.constant 0 : index
          %get3A_154 = tpu.vector_load %arg10[%get3A_152, %get3A_153] {strides = array<i32>} : memref<128x128xf32, #tpu.memory_space<vmem>>, vector<16xf32>,
          %get3A_155 = arith.index_cast %squeeze3A : i32 to index
          %get3A_156 = arith.constant 0 : index
          %get3A_157 = tpu.vector_load %arg11[%get3A_155, %get3A_156] {strides = array<i32>} : memref<321x128xf32, #tpu.memory_space<vmem>>, vector<16xf32>,
          %max3A = arith.maximumf %get3A_157, %get3A_154 : vector<16xf32>
          %swap3A = arith.index_cast %squeeze3A : i32 to index
          %swap3A_158 = arith.constant 0 : index
          %swap3A_159 = tpu.vector_load %arg11[%swap3A, %swap3A_158] {strides = array<i32>} : memref<321x128xf32, #tpu.memory_space<vmem>>, vector<16xf32>,
          tpu.vector_store %arg11[%swap3A, %swap3A_158], %max3A {strides = array<i32>} : memref<321x128xf32, #tpu.memory_space<vmem>>, vector<16xf32>,
          %get3A_160 = arith.index_cast %add3A_151 : i32 to index
          %get3A_161 = arith.constant 16 : index
          %get3A_162 = tpu.vector_load %arg10[%get3A_160, %get3A_161] {strides = array<i32>} : memref<128x128xf32, #tpu.memory_space<vmem>>, vector<16xf32>,
          %get3A_163 = arith.index_cast %squeeze3A : i32 to index
          %get3A_164 = arith.constant 16 : index
          %get3A_165 = tpu.vector_load %arg11[%get3A_163, %get3A_164] {strides = array<i32>} : memref<321x128xf32, #tpu.memory_space<vmem>>, vector<16xf32>,
          %max3A_166 = arith.maximumf %get3A_165, %get3A_162 : vector<16xf32>
          %swap3A_167 = arith.index_cast %squeeze3A : i32 to index
          %swap3A_168 = arith.constant 16 : index
          %swap3A_169 = tpu.vector_load %arg11[%swap3A_167, %swap3A_168] {strides = array<i32>} : memref<321x128xf32, #tpu.memory_space<vmem>>, vector<16xf32>,
          tpu.vector_store %arg11[%swap3A_167, %swap3A_168], %max3A_166 {strides = array<i32>} : memref<321x128xf32, #tpu.memory_space<vmem>>, vector<16xf32>,
          %get3A_170 = arith.index_cast %add3A_151 : i32 to index
          %get3A_171 = arith.constant 32 : index
          %get3A_172 = tpu.vector_load %arg10[%get3A_170, %get3A_171] {strides = array<i32>} : memref<128x128xf32, #tpu.memory_space<vmem>>, vector<16xf32>,
          %get3A_173 = arith.index_cast %squeeze3A : i32 to index
          %get3A_174 = arith.constant 32 : index
          %get3A_175 = tpu.vector_load %arg11[%get3A_173, %get3A_174] {strides = array<i32>} : memref<321x128xf32, #tpu.memory_space<vmem>>, vector<16xf32>,
          %max3A_176 = arith.maximumf %get3A_175, %get3A_172 : vector<16xf32>
          %swap3A_177 = arith.index_cast %squeeze3A : i32 to index
          %swap3A_178 = arith.constant 32 : index
          %swap3A_179 = tpu.vector_load %arg11[%swap3A_177, %swap3A_178] {strides = array<i32>} : memref<321x128xf32, #tpu.memory_space<vmem>>, vector<16xf32>,
          tpu.vector_store %arg11[%swap3A_177, %swap3A_178], %max3A_176 {strides = array<i32>} : memref<321x128xf32, #tpu.memory_space<vmem>>, vector<16xf32>,
          %get3A_180 = arith.index_cast %add3A_151 : i32 to index
          %get3A_181 = arith.constant 48 : index
          %get3A_182 = tpu.vector_load %arg10[%get3A_180, %get3A_181] {strides = array<i32>} : memref<128x128xf32, #tpu.memory_space<vmem>>, vector<16xf32>,
          %get3A_183 = arith.index_cast %squeeze3A : i32 to index
          %get3A_184 = arith.constant 48 : index
          %get3A_185 = tpu.vector_load %arg11[%get3A_183, %get3A_184] {strides = array<i32>} : memref<321x128xf32, #tpu.memory_space<vmem>>, vector<16xf32>,
          %max3A_186 = arith.maximumf %get3A_185, %get3A_182 : vector<16xf32>
          %swap3A_187 = arith.index_cast %squeeze3A : i32 to index
          %swap3A_188 = arith.constant 48 : index
          %swap3A_189 = tpu.vector_load %arg11[%swap3A_187, %swap3A_188] {strides = array<i32>} : memref<321x128xf32, #tpu.memory_space<vmem>>, vector<16xf32>,
          tpu.vector_store %arg11[%swap3A_187, %swap3A_188], %max3A_186 {strides = array<i32>} : memref<321x128xf32, #tpu.memory_space<vmem>>, vector<16xf32>,
          %get3A_190 = arith.index_cast %add3A_151 : i32 to index
          %get3A_191 = arith.constant 64 : index
          %get3A_192 = tpu.vector_load %arg10[%get3A_190, %get3A_191] {strides = array<i32>} : memref<128x128xf32, #tpu.memory_space<vmem>>, vector<16xf32>,
          %get3A_193 = arith.index_cast %squeeze3A : i32 to index
          %get3A_194 = arith.constant 64 : index
          %get3A_195 = tpu.vector_load %arg11[%get3A_193, %get3A_194] {strides = array<i32>} : memref<321x128xf32, #tpu.memory_space<vmem>>, vector<16xf32>,
          %max3A_196 = arith.maximumf %get3A_195, %get3A_192 : vector<16xf32>
          %swap3A_197 = arith.index_cast %squeeze3A : i32 to index
          %swap3A_198 = arith.constant 64 : index
          %swap3A_199 = tpu.vector_load %arg11[%swap3A_197, %swap3A_198] {strides = array<i32>} : memref<321x128xf32, #tpu.memory_space<vmem>>, vector<16xf32>,
          tpu.vector_store %arg11[%swap3A_197, %swap3A_198], %max3A_196 {strides = array<i32>} : memref<321x128xf32, #tpu.memory_space<vmem>>, vector<16xf32>,
          %get3A_200 = arith.index_cast %add3A_151 : i32 to index
          %get3A_201 = arith.constant 80 : index
          %get3A_202 = tpu.vector_load %arg10[%get3A_200, %get3A_201] {strides = array<i32>} : memref<128x128xf32, #tpu.memory_space<vmem>>, vector<16xf32>,
          %get3A_203 = arith.index_cast %squeeze3A : i32 to index
          %get3A_204 = arith.constant 80 : index
          %get3A_205 = tpu.vector_load %arg11[%get3A_203, %get3A_204] {strides = array<i32>} : memref<321x128xf32, #tpu.memory_space<vmem>>, vector<16xf32>,
          %max3A_206 = arith.maximumf %get3A_205, %get3A_202 : vector<16xf32>
          %swap3A_207 = arith.index_cast %squeeze3A : i32 to index
          %swap3A_208 = arith.constant 80 : index
          %swap3A_209 = tpu.vector_load %arg11[%swap3A_207, %swap3A_208] {strides = array<i32>} : memref<321x128xf32, #tpu.memory_space<vmem>>, vector<16xf32>,
          tpu.vector_store %arg11[%swap3A_207, %swap3A_208], %max3A_206 {strides = array<i32>} : memref<321x128xf32, #tpu.memory_space<vmem>>, vector<16xf32>,
          %get3A_210 = arith.index_cast %add3A_151 : i32 to index
          %get3A_211 = arith.constant 96 : index
          %get3A_212 = tpu.vector_load %arg10[%get3A_210, %get3A_211] {strides = array<i32>} : memref<128x128xf32, #tpu.memory_space<vmem>>, vector<16xf32>,
          %get3A_213 = arith.index_cast %squeeze3A : i32 to index
          %get3A_214 = arith.constant 96 : index
          %get3A_215 = tpu.vector_load %arg11[%get3A_213, %get3A_214] {strides = array<i32>} : memref<321x128xf32, #tpu.memory_space<vmem>>, vector<16xf32>,
          %max3A_216 = arith.maximumf %get3A_215, %get3A_212 : vector<16xf32>
          %swap3A_217 = arith.index_cast %squeeze3A : i32 to index
          %swap3A_218 = arith.constant 96 : index
          %swap3A_219 = tpu.vector_load %arg11[%swap3A_217, %swap3A_218] {strides = array<i32>} : memref<321x128xf32, #tpu.memory_space<vmem>>, vector<16xf32>,
          tpu.vector_store %arg11[%swap3A_217, %swap3A_218], %max3A_216 {strides = array<i32>} : memref<321x128xf32, #tpu.memory_space<vmem>>, vector<16xf32>,
          %get3A_220 = arith.index_cast %add3A_151 : i32 to index
          %get3A_221 = arith.constant 112 : index
          %get3A_222 = tpu.vector_load %arg10[%get3A_220, %get3A_221] {strides = array<i32>} : memref<128x128xf32, #tpu.memory_space<vmem>>, vector<16xf32>,
          %get3A_223 = arith.index_cast %squeeze3A : i32 to index
          %get3A_224 = arith.constant 112 : index
          %get3A_225 = tpu.vector_load %arg11[%get3A_223, %get3A_224] {strides = array<i32>} : memref<321x128xf32, #tpu.memory_space<vmem>>, vector<16xf32>,
          %max3A_226 = arith.maximumf %get3A_225, %get3A_222 : vector<16xf32>
          %swap3A_227 = arith.index_cast %squeeze3A : i32 to index
          %swap3A_228 = arith.constant 112 : index
          %swap3A_229 = tpu.vector_load %arg11[%swap3A_227, %swap3A_228] {strides = array<i32>} : memref<321x128xf32, #tpu.memory_space<vmem>>, vector<16xf32>,
          tpu.vector_store %arg11[%swap3A_227, %swap3A_228], %max3A_226 {strides = array<i32>} : memref<321x128xf32, #tpu.memory_space<vmem>>, vector<16xf32>,
          %slice3A_230 = vector.extract_strided_slice %get3A_147 {offsets = [1], sizes = [1], strides = [1]} : vector<16xi32> to vector<1xi32>
          %squeeze3A_231 = vector.extract %slice3A_230[0] : i32 from vector<1xi32>
          %mul3A_232 = arith.constant 16 : i32
          %mul3A_233 = arith.muli %scan3A_143, %mul3A_232 : i32
          %add3A_234 = arith.constant 1 : i32
          %add3A_235 = arith.addi %mul3A_233, %add3A_234 : i32
          %get3A_236 = arith.index_cast %add3A_235 : i32 to index
          %get3A_237 = arith.constant 0 : index
          %get3A_238 = tpu.vector_load %arg10[%get3A_236, %get3A_237] {strides = array<i32>} : memref<128x128xf32, #tpu.memory_space<vmem>>, vector<16xf32>,
          %get3A_239 = arith.index_cast %squeeze3A_231 : i32 to index
          %get3A_240 = arith.constant 0 : index
          %get3A_241 = tpu.vector_load %arg11[%get3A_239, %get3A_240] {strides = array<i32>} : memref<321x128xf32, #tpu.memory_space<vmem>>, vector<16xf32>,
          %max3A_242 = arith.maximumf %get3A_241, %get3A_238 : vector<16xf32>
          %swap3A_243 = arith.index_cast %squeeze3A_231 : i32 to index
          %swap3A_244 = arith.constant 0 : index
          %swap3A_245 = tpu.vector_load %arg11[%swap3A_243, %swap3A_244] {strides = array<i32>} : memref<321x128xf32, #tpu.memory_space<vmem>>, vector<16xf32>,
          tpu.vector_store %arg11[%swap3A_243, %swap3A_244], %max3A_242 {strides = array<i32>} : memref<321x128xf32, #tpu.memory_space<vmem>>, vector<16xf32>,
          %get3A_246 = arith.index_cast %add3A_235 : i32 to index
          %get3A_247 = arith.constant 16 : index
          %get3A_248 = tpu.vector_load %arg10[%get3A_246, %get3A_247] {strides = array<i32>} : memref<128x128xf32, #tpu.memory_space<vmem>>, vector<16xf32>,
          %get3A_249 = arith.index_cast %squeeze3A_231 : i32 to index
          %get3A_250 = arith.constant 16 : index
          %get3A_251 = tpu.vector_load %arg11[%get3A_249, %get3A_250] {strides = array<i32>} : memref<321x128xf32, #tpu.memory_space<vmem>>, vector<16xf32>,
          %max3A_252 = arith.maximumf %get3A_251, %get3A_248 : vector<16xf32>
          %swap3A_253 = arith.index_cast %squeeze3A_231 : i32 to index
          %swap3A_254 = arith.constant 16 : index
          %swap3A_255 = tpu.vector_load %arg11[%swap3A_253, %swap3A_254] {strides = array<i32>} : memref<321x128xf32, #tpu.memory_space<vmem>>, vector<16xf32>,
          tpu.vector_store %arg11[%swap3A_253, %swap3A_254], %max3A_252 {strides = array<i32>} : memref<321x128xf32, #tpu.memory_space<vmem>>, vector<16xf32>,
          %get3A_256 = arith.index_cast %add3A_235 : i32 to index
          %get3A_257 = arith.constant 32 : index
          %get3A_258 = tpu.vector_load %arg10[%get3A_256, %get3A_257] {strides = array<i32>} : memref<128x128xf32, #tpu.memory_space<vmem>>, vector<16xf32>,
          %get3A_259 = arith.index_cast %squeeze3A_231 : i32 to index
          %get3A_260 = arith.constant 32 : index
          %get3A_261 = tpu.vector_load %arg11[%get3A_259, %get3A_260] {strides = array<i32>} : memref<321x128xf32, #tpu.memory_space<vmem>>, vector<16xf32>,
          %max3A_262 = arith.maximumf %get3A_261, %get3A_258 : vector<16xf32>
          %swap3A_263 = arith.index_cast %squeeze3A_231 : i32 to index
          %swap3A_264 = arith.constant 32 : index
          %swap3A_265 = tpu.vector_load %arg11[%swap3A_263, %swap3A_264] {strides = array<i32>} : memref<321x128xf32, #tpu.memory_space<vmem>>, vector<16xf32>,
          tpu.vector_store %arg11[%swap3A_263, %swap3A_264], %max3A_262 {strides = array<i32>} : memref<321x128xf32, #tpu.memory_space<vmem>>, vector<16xf32>,
          %get3A_266 = arith.index_cast %add3A_235 : i32 to index
          %get3A_267 = arith.constant 48 : index
          %get3A_268 = tpu.vector_load %arg10[%get3A_266, %get3A_267] {strides = array<i32>} : memref<128x128xf32, #tpu.memory_space<vmem>>, vector<16xf32>,
          %get3A_269 = arith.index_cast %squeeze3A_231 : i32 to index
          %get3A_270 = arith.constant 48 : index
          %get3A_271 = tpu.vector_load %arg11[%get3A_269, %get3A_270] {strides = array<i32>} : memref<321x128xf32, #tpu.memory_space<vmem>>, vector<16xf32>,
          %max3A_272 = arith.maximumf %get3A_271, %get3A_268 : vector<16xf32>
          %swap3A_273 = arith.index_cast %squeeze3A_231 : i32 to index
          %swap3A_274 = arith.constant 48 : index
          %swap3A_275 = tpu.vector_load %arg11[%swap3A_273, %swap3A_274] {strides = array<i32>} : memref<321x128xf32, #tpu.memory_space<vmem>>, vector<16xf32>,
          tpu.vector_store %arg11[%swap3A_273, %swap3A_274], %max3A_272 {strides = array<i32>} : memref<321x128xf32, #tpu.memory_space<vmem>>, vector<16xf32>,
          %get3A_276 = arith.index_cast %add3A_235 : i32 to index
          %get3A_277 = arith.constant 64 : index
          %get3A_278 = tpu.vector_load %arg10[%get3A_276, %get3A_277] {strides = array<i32>} : memref<128x128xf32, #tpu.memory_space<vmem>>, vector<16xf32>,
          %get3A_279 = arith.index_cast %squeeze3A_231 : i32 to index
          %get3A_280 = arith.constant 64 : index
          %get3A_281 = tpu.vector_load %arg11[%get3A_279, %get3A_280] {strides = array<i32>} : memref<321x128xf32, #tpu.memory_space<vmem>>, vector<16xf32>,
          %max3A_282 = arith.maximumf %get3A_281, %get3A_278 : vector<16xf32>
          %swap3A_283 = arith.index_cast %squeeze3A_231 : i32 to index
          %swap3A_284 = arith.constant 64 : index
          %swap3A_285 = tpu.vector_load %arg11[%swap3A_283, %swap3A_284] {strides = array<i32>} : memref<321x128xf32, #tpu.memory_space<vmem>>, vector<16xf32>,
          tpu.vector_store %arg11[%swap3A_283, %swap3A_284], %max3A_282 {strides = array<i32>} : memref<321x128xf32, #tpu.memory_space<vmem>>, vector<16xf32>,
          %get3A_286 = arith.index_cast %add3A_235 : i32 to index
          %get3A_287 = arith.constant 80 : index
          %get3A_288 = tpu.vector_load %arg10[%get3A_286, %get3A_287] {strides = array<i32>} : memref<128x128xf32, #tpu.memory_space<vmem>>, vector<16xf32>,
          %get3A_289 = arith.index_cast %squeeze3A_231 : i32 to index
          %get3A_290 = arith.constant 80 : index
          %get3A_291 = tpu.vector_load %arg11[%get3A_289, %get3A_290] {strides = array<i32>} : memref<321x128xf32, #tpu.memory_space<vmem>>, vector<16xf32>,
          %max3A_292 = arith.maximumf %get3A_291, %get3A_288 : vector<16xf32>
          %swap3A_293 = arith.index_cast %squeeze3A_231 : i32 to index
          %swap3A_294 = arith.constant 80 : index
          %swap3A_295 = tpu.vector_load %arg11[%swap3A_293, %swap3A_294] {strides = array<i32>} : memref<321x128xf32, #tpu.memory_space<vmem>>, vector<16xf32>,
          tpu.vector_store %arg11[%swap3A_293, %swap3A_294], %max3A_292 {strides = array<i32>} : memref<321x128xf32, #tpu.memory_space<vmem>>, vector<16xf32>,
          %get3A_296 = arith.index_cast %add3A_235 : i32 to index
          %get3A_297 = arith.constant 96 : index
          %get3A_298 = tpu.vector_load %arg10[%get3A_296, %get3A_297] {strides = array<i32>} : memref<128x128xf32, #tpu.memory_space<vmem>>, vector<16xf32>,
          %get3A_299 = arith.index_cast %squeeze3A_231 : i32 to index
          %get3A_300 = arith.constant 96 : index
          %get3A_301 = tpu.vector_load %arg11[%get3A_299, %get3A_300] {strides = array<i32>} : memref<321x128xf32, #tpu.memory_space<vmem>>, vector<16xf32>,
          %max3A_302 = arith.maximumf %get3A_301, %get3A_298 : vector<16xf32>
          %swap3A_303 = arith.index_cast %squeeze3A_231 : i32 to index
          %swap3A_304 = arith.constant 96 : index
          %swap3A_305 = tpu.vector_load %arg11[%swap3A_303, %swap3A_304] {strides = array<i32>} : memref<321x128xf32, #tpu.memory_space<vmem>>, vector<16xf32>,
          tpu.vector_store %arg11[%swap3A_303, %swap3A_304], %max3A_302 {strides = array<i32>} : memref<321x128xf32, #tpu.memory_space<vmem>>, vector<16xf32>,
          %get3A_306 = arith.index_cast %add3A_235 : i32 to index
          %get3A_307 = arith.constant 112 : index
          %get3A_308 = tpu.vector_load %arg10[%get3A_306, %get3A_307] {strides = array<i32>} : memref<128x128xf32, #tpu.memory_space<vmem>>, vector<16xf32>,
          %get3A_309 = arith.index_cast %squeeze3A_231 : i32 to index
          %get3A_310 = arith.constant 112 : index
          %get3A_311 = tpu.vector_load %arg11[%get3A_309, %get3A_310] {strides = array<i32>} : memref<321x128xf32, #tpu.memory_space<vmem>>, vector<16xf32>,
          %max3A_312 = arith.maximumf %get3A_311, %get3A_308 : vector<16xf32>
          %swap3A_313 = arith.index_cast %squeeze3A_231 : i32 to index
          %swap3A_314 = arith.constant 112 : index
          %swap3A_315 = tpu.vector_load %arg11[%swap3A_313, %swap3A_314] {strides = array<i32>} : memref<321x128xf32, #tpu.memory_space<vmem>>, vector<16xf32>,
          tpu.vector_store %arg11[%swap3A_313, %swap3A_314], %max3A_312 {strides = array<i32>} : memref<321x128xf32, #tpu.memory_space<vmem>>, vector<16xf32>,
          %slice3A_316 = vector.extract_strided_slice %get3A_147 {offsets = [2], sizes = [1], strides = [1]} : vector<16xi32> to vector<1xi32>
          %squeeze3A_317 = vector.extract %slice3A_316[0] : i32 from vector<1xi32>
          %mul3A_318 = arith.constant 16 : i32
          %mul3A_319 = arith.muli %scan3A_143, %mul3A_318 : i32
          %add3A_320 = arith.constant 2 : i32
          %add3A_321 = arith.addi %mul3A_319, %add3A_320 : i32
          %get3A_322 = arith.index_cast %add3A_321 : i32 to index
          %get3A_323 = arith.constant 0 : index
          %get3A_324 = tpu.vector_load %arg10[%get3A_322, %get3A_323] {strides = array<i32>} : memref<128x128xf32, #tpu.memory_space<vmem>>, vector<16xf32>,
          %get3A_325 = arith.index_cast %squeeze3A_317 : i32 to index
          %get3A_326 = arith.constant 0 : index
          %get3A_327 = tpu.vector_load %arg11[%get3A_325, %get3A_326] {strides = array<i32>} : memref<321x128xf32, #tpu.memory_space<vmem>>, vector<16xf32>,
          %max3A_328 = arith.maximumf %get3A_327, %get3A_324 : vector<16xf32>
          %swap3A_329 = arith.index_cast %squeeze3A_317 : i32 to index
          %swap3A_330 = arith.constant 0 : index
          %swap3A_331 = tpu.vector_load %arg11[%swap3A_329, %swap3A_330] {strides = array<i32>} : memref<321x128xf32, #tpu.memory_space<vmem>>, vector<16xf32>,
          tpu.vector_store %arg11[%swap3A_329, %swap3A_330], %max3A_328 {strides = array<i32>} : memref<321x128xf32, #tpu.memory_space<vmem>>, vector<16xf32>,
          %get3A_332 = arith.index_cast %add3A_321 : i32 to index
          %get3A_333 = arith.constant 16 : index
          %get3A_334 = tpu.vector_load %arg10[%get3A_332, %get3A_333] {strides = array<i32>} : memref<128x128xf32, #tpu.memory_space<vmem>>, vector<16xf32>,
          %get3A_335 = arith.index_cast %squeeze3A_317 : i32 to index
          %get3A_336 = arith.constant 16 : index
          %get3A_337 = tpu.vector_load %arg11[%get3A_335, %get3A_336] {strides = array<i32>} : memref<321x128xf32, #tpu.memory_space<vmem>>, vector<16xf32>,
          %max3A_338 = arith.maximumf %get3A_337, %get3A_334 : vector<16xf32>
          %swap3A_339 = arith.index_cast %squeeze3A_317 : i32 to index
          %swap3A_340 = arith.constant 16 : index
          %swap3A_341 = tpu.vector_load %arg11[%swap3A_339, %swap3A_340] {strides = array<i32>} : memref<321x128xf32, #tpu.memory_space<vmem>>, vector<16xf32>,
          tpu.vector_store %arg11[%swap3A_339, %swap3A_340], %max3A_338 {strides = array<i32>} : memref<321x128xf32, #tpu.memory_space<vmem>>, vector<16xf32>,
          %get3A_342 = arith.index_cast %add3A_321 : i32 to index
          %get3A_343 = arith.constant 32 : index
          %get3A_344 = tpu.vector_load %arg10[%get3A_342, %get3A_343] {strides = array<i32>} : memref<128x128xf32, #tpu.memory_space<vmem>>, vector<16xf32>,
          %get3A_345 = arith.index_cast %squeeze3A_317 : i32 to index
          %get3A_346 = arith.constant 32 : index
          %get3A_347 = tpu.vector_load %arg11[%get3A_345, %get3A_346] {strides = array<i32>} : memref<321x128xf32, #tpu.memory_space<vmem>>, vector<16xf32>,
          %max3A_348 = arith.maximumf %get3A_347, %get3A_344 : vector<16xf32>
          %swap3A_349 = arith.index_cast %squeeze3A_317 : i32 to index
          %swap3A_350 = arith.constant 32 : index
          %swap3A_351 = tpu.vector_load %arg11[%swap3A_349, %swap3A_350] {strides = array<i32>} : memref<321x128xf32, #tpu.memory_space<vmem>>, vector<16xf32>,
          tpu.vector_store %arg11[%swap3A_349, %swap3A_350], %max3A_348 {strides = array<i32>} : memref<321x128xf32, #tpu.memory_space<vmem>>, vector<16xf32>,
          %get3A_352 = arith.index_cast %add3A_321 : i32 to index
          %get3A_353 = arith.constant 48 : index
          %get3A_354 = tpu.vector_load %arg10[%get3A_352, %get3A_353] {strides = array<i32>} : memref<128x128xf32, #tpu.memory_space<vmem>>, vector<16xf32>,
          %get3A_355 = arith.index_cast %squeeze3A_317 : i32 to index
          %get3A_356 = arith.constant 48 : index
          %get3A_357 = tpu.vector_load %arg11[%get3A_355, %get3A_356] {strides = array<i32>} : memref<321x128xf32, #tpu.memory_space<vmem>>, vector<16xf32>,
          %max3A_358 = arith.maximumf %get3A_357, %get3A_354 : vector<16xf32>
          %swap3A_359 = arith.index_cast %squeeze3A_317 : i32 to index
          %swap3A_360 = arith.constant 48 : index
          %swap3A_361 = tpu.vector_load %arg11[%swap3A_359, %swap3A_360] {strides = array<i32>} : memref<321x128xf32, #tpu.memory_space<vmem>>, vector<16xf32>,
          tpu.vector_store %arg11[%swap3A_359, %swap3A_360], %max3A_358 {strides = array<i32>} : memref<321x128xf32, #tpu.memory_space<vmem>>, vector<16xf32>,
          %get3A_362 = arith.index_cast %add3A_321 : i32 to index
          %get3A_363 = arith.constant 64 : index
          %get3A_364 = tpu.vector_load %arg10[%get3A_362, %get3A_363] {strides = array<i32>} : memref<128x128xf32, #tpu.memory_space<vmem>>, vector<16xf32>,
          %get3A_365 = arith.index_cast %squeeze3A_317 : i32 to index
          %get3A_366 = arith.constant 64 : index
          %get3A_367 = tpu.vector_load %arg11[%get3A_365, %get3A_366] {strides = array<i32>} : memref<321x128xf32, #tpu.memory_space<vmem>>, vector<16xf32>,
          %max3A_368 = arith.maximumf %get3A_367, %get3A_364 : vector<16xf32>
          %swap3A_369 = arith.index_cast %squeeze3A_317 : i32 to index
          %swap3A_370 = arith.constant 64 : index
          %swap3A_371 = tpu.vector_load %arg11[%swap3A_369, %swap3A_370] {strides = array<i32>} : memref<321x128xf32, #tpu.memory_space<vmem>>, vector<16xf32>,
          tpu.vector_store %arg11[%swap3A_369, %swap3A_370], %max3A_368 {strides = array<i32>} : memref<321x128xf32, #tpu.memory_space<vmem>>, vector<16xf32>,
          %get3A_372 = arith.index_cast %add3A_321 : i32 to index
          %get3A_373 = arith.constant 80 : index
          %get3A_374 = tpu.vector_load %arg10[%get3A_372, %get3A_373] {strides = array<i32>} : memref<128x128xf32, #tpu.memory_space<vmem>>, vector<16xf32>,
          %get3A_375 = arith.index_cast %squeeze3A_317 : i32 to index
          %get3A_376 = arith.constant 80 : index
          %get3A_377 = tpu.vector_load %arg11[%get3A_375, %get3A_376] {strides = array<i32>} : memref<321x128xf32, #tpu.memory_space<vmem>>, vector<16xf32>,
          %max3A_378 = arith.maximumf %get3A_377, %get3A_374 : vector<16xf32>
          %swap3A_379 = arith.index_cast %squeeze3A_317 : i32 to index
          %swap3A_380 = arith.constant 80 : index
          %swap3A_381 = tpu.vector_load %arg11[%swap3A_379, %swap3A_380] {strides = array<i32>} : memref<321x128xf32, #tpu.memory_space<vmem>>, vector<16xf32>,
          tpu.vector_store %arg11[%swap3A_379, %swap3A_380], %max3A_378 {strides = array<i32>} : memref<321x128xf32, #tpu.memory_space<vmem>>, vector<16xf32>,
          %get3A_382 = arith.index_cast %add3A_321 : i32 to index
          %get3A_383 = arith.constant 96 : index
          %get3A_384 = tpu.vector_load %arg10[%get3A_382, %get3A_383] {strides = array<i32>} : memref<128x128xf32, #tpu.memory_space<vmem>>, vector<16xf32>,
          %get3A_385 = arith.index_cast %squeeze3A_317 : i32 to index
          %get3A_386 = arith.constant 96 : index
          %get3A_387 = tpu.vector_load %arg11[%get3A_385, %get3A_386] {strides = array<i32>} : memref<321x128xf32, #tpu.memory_space<vmem>>, vector<16xf32>,
          %max3A_388 = arith.maximumf %get3A_387, %get3A_384 : vector<16xf32>
          %swap3A_389 = arith.index_cast %squeeze3A_317 : i32 to index
          %swap3A_390 = arith.constant 96 : index
          %swap3A_391 = tpu.vector_load %arg11[%swap3A_389, %swap3A_390] {strides = array<i32>} : memref<321x128xf32, #tpu.memory_space<vmem>>, vector<16xf32>,
          tpu.vector_store %arg11[%swap3A_389, %swap3A_390], %max3A_388 {strides = array<i32>} : memref<321x128xf32, #tpu.memory_space<vmem>>, vector<16xf32>,
          %get3A_392 = arith.index_cast %add3A_321 : i32 to index
          %get3A_393 = arith.constant 112 : index
          %get3A_394 = tpu.vector_load %arg10[%get3A_392, %get3A_393] {strides = array<i32>} : memref<128x128xf32, #tpu.memory_space<vmem>>, vector<16xf32>,
          %get3A_395 = arith.index_cast %squeeze3A_317 : i32 to index
          %get3A_396 = arith.constant 112 : index
          %get3A_397 = tpu.vector_load %arg11[%get3A_395, %get3A_396] {strides = array<i32>} : memref<321x128xf32, #tpu.memory_space<vmem>>, vector<16xf32>,
          %max3A_398 = arith.maximumf %get3A_397, %get3A_394 : vector<16xf32>
          %swap3A_399 = arith.index_cast %squeeze3A_317 : i32 to index
          %swap3A_400 = arith.constant 112 : index
          %swap3A_401 = tpu.vector_load %arg11[%swap3A_399, %swap3A_400] {strides = array<i32>} : memref<321x128xf32, #tpu.memory_space<vmem>>, vector<16xf32>,
          tpu.vector_store %arg11[%swap3A_399, %swap3A_400], %max3A_398 {strides = array<i32>} : memref<321x128xf32, #tpu.memory_space<vmem>>, vector<16xf32>,
          %slice3A_402 = vector.extract_strided_slice %get3A_147 {offsets = [3], sizes = [1], strides = [1]} : vector<16xi32> to vector<1xi32>
          %squeeze3A_403 = vector.extract %slice3A_402[0] : i32 from vector<1xi32>
          %mul3A_404 = arith.constant 16 : i32
          %mul3A_405 = arith.muli %scan3A_143, %mul3A_404 : i32
          %add3A_406 = arith.constant 3 : i32
          %add3A_407 = arith.addi %mul3A_405, %add3A_406 : i32
          %get3A_408 = arith.index_cast %add3A_407 : i32 to index
          %get3A_409 = arith.constant 0 : index
          %get3A_410 = tpu.vector_load %arg10[%get3A_408, %get3A_409] {strides = array<i32>} : memref<128x128xf32, #tpu.memory_space<vmem>>, vector<16xf32>,
          %get3A_411 = arith.index_cast %squeeze3A_403 : i32 to index
          %get3A_412 = arith.constant 0 : index
          %get3A_413 = tpu.vector_load %arg11[%get3A_411, %get3A_412] {strides = array<i32>} : memref<321x128xf32, #tpu.memory_space<vmem>>, vector<16xf32>,
          %max3A_414 = arith.maximumf %get3A_413, %get3A_410 : vector<16xf32>
          %swap3A_415 = arith.index_cast %squeeze3A_403 : i32 to index
          %swap3A_416 = arith.constant 0 : index
          %swap3A_417 = tpu.vector_load %arg11[%swap3A_415, %swap3A_416] {strides = array<i32>} : memref<321x128xf32, #tpu.memory_space<vmem>>, vector<16xf32>,
          tpu.vector_store %arg11[%swap3A_415, %swap3A_416], %max3A_414 {strides = array<i32>} : memref<321x128xf32, #tpu.memory_space<vmem>>, vector<16xf32>,
          %get3A_418 = arith.index_cast %add3A_407 : i32 to index
          %get3A_419 = arith.constant 16 : index
          %get3A_420 = tpu.vector_load %arg10[%get3A_418, %get3A_419] {strides = array<i32>} : memref<128x128xf32, #tpu.memory_space<vmem>>, vector<16xf32>,
          %get3A_421 = arith.index_cast %squeeze3A_403 : i32 to index
          %get3A_422 = arith.constant 16 : index
          %get3A_423 = tpu.vector_load %arg11[%get3A_421, %get3A_422] {strides = array<i32>} : memref<321x128xf32, #tpu.memory_space<vmem>>, vector<16xf32>,
          %max3A_424 = arith.maximumf %get3A_423, %get3A_420 : vector<16xf32>
          %swap3A_425 = arith.index_cast %squeeze3A_403 : i32 to index
          %swap3A_426 = arith.constant 16 : index
          %swap3A_427 = tpu.vector_load %arg11[%swap3A_425, %swap3A_426] {strides = array<i32>} : memref<321x128xf32, #tpu.memory_space<vmem>>, vector<16xf32>,
          tpu.vector_store %arg11[%swap3A_425, %swap3A_426], %max3A_424 {strides = array<i32>} : memref<321x128xf32, #tpu.memory_space<vmem>>, vector<16xf32>,
          %get3A_428 = arith.index_cast %add3A_407 : i32 to index
          %get3A_429 = arith.constant 32 : index
          %get3A_430 = tpu.vector_load %arg10[%get3A_428, %get3A_429] {strides = array<i32>} : memref<128x128xf32, #tpu.memory_space<vmem>>, vector<16xf32>,
          %get3A_431 = arith.index_cast %squeeze3A_403 : i32 to index
          %get3A_432 = arith.constant 32 : index
          %get3A_433 = tpu.vector_load %arg11[%get3A_431, %get3A_432] {strides = array<i32>} : memref<321x128xf32, #tpu.memory_space<vmem>>, vector<16xf32>,
          %max3A_434 = arith.maximumf %get3A_433, %get3A_430 : vector<16xf32>
          %swap3A_435 = arith.index_cast %squeeze3A_403 : i32 to index
          %swap3A_436 = arith.constant 32 : index
          %swap3A_437 = tpu.vector_load %arg11[%swap3A_435, %swap3A_436] {strides = array<i32>} : memref<321x128xf32, #tpu.memory_space<vmem>>, vector<16xf32>,
          tpu.vector_store %arg11[%swap3A_435, %swap3A_436], %max3A_434 {strides = array<i32>} : memref<321x128xf32, #tpu.memory_space<vmem>>, vector<16xf32>,
          %get3A_438 = arith.index_cast %add3A_407 : i32 to index
          %get3A_439 = arith.constant 48 : index
          %get3A_440 = tpu.vector_load %arg10[%get3A_438, %get3A_439] {strides = array<i32>} : memref<128x128xf32, #tpu.memory_space<vmem>>, vector<16xf32>,
          %get3A_441 = arith.index_cast %squeeze3A_403 : i32 to index
          %get3A_442 = arith.constant 48 : index
          %get3A_443 = tpu.vector_load %arg11[%get3A_441, %get3A_442] {strides = array<i32>} : memref<321x128xf32, #tpu.memory_space<vmem>>, vector<16xf32>,
          %max3A_444 = arith.maximumf %get3A_443, %get3A_440 : vector<16xf32>
          %swap3A_445 = arith.index_cast %squeeze3A_403 : i32 to index
          %swap3A_446 = arith.constant 48 : index
          %swap3A_447 = tpu.vector_load %arg11[%swap3A_445, %swap3A_446] {strides = array<i32>} : memref<321x128xf32, #tpu.memory_space<vmem>>, vector<16xf32>,
          tpu.vector_store %arg11[%swap3A_445, %swap3A_446], %max3A_444 {strides = array<i32>} : memref<321x128xf32, #tpu.memory_space<vmem>>, vector<16xf32>,
          %get3A_448 = arith.index_cast %add3A_407 : i32 to index
          %get3A_449 = arith.constant 64 : index
          %get3A_450 = tpu.vector_load %arg10[%get3A_448, %get3A_449] {strides = array<i32>} : memref<128x128xf32, #tpu.memory_space<vmem>>, vector<16xf32>,
          %get3A_451 = arith.index_cast %squeeze3A_403 : i32 to index
          %get3A_452 = arith.constant 64 : index
          %get3A_453 = tpu.vector_load %arg11[%get3A_451, %get3A_452] {strides = array<i32>} : memref<321x128xf32, #tpu.memory_space<vmem>>, vector<16xf32>,
          %max3A_454 = arith.maximumf %get3A_453, %get3A_450 : vector<16xf32>
          %swap3A_455 = arith.index_cast %squeeze3A_403 : i32 to index
          %swap3A_456 = arith.constant 64 : index
          %swap3A_457 = tpu.vector_load %arg11[%swap3A_455, %swap3A_456] {strides = array<i32>} : memref<321x128xf32, #tpu.memory_space<vmem>>, vector<16xf32>,
          tpu.vector_store %arg11[%swap3A_455, %swap3A_456], %max3A_454 {strides = array<i32>} : memref<321x128xf32, #tpu.memory_space<vmem>>, vector<16xf32>,
          %get3A_458 = arith.index_cast %add3A_407 : i32 to index
          %get3A_459 = arith.constant 80 : index
          %get3A_460 = tpu.vector_load %arg10[%get3A_458, %get3A_459] {strides = array<i32>} : memref<128x128xf32, #tpu.memory_space<vmem>>, vector<16xf32>,
          %get3A_461 = arith.index_cast %squeeze3A_403 : i32 to index
          %get3A_462 = arith.constant 80 : index
          %get3A_463 = tpu.vector_load %arg11[%get3A_461, %get3A_462] {strides = array<i32>} : memref<321x128xf32, #tpu.memory_space<vmem>>, vector<16xf32>,
          %max3A_464 = arith.maximumf %get3A_463, %get3A_460 : vector<16xf32>
          %swap3A_465 = arith.index_cast %squeeze3A_403 : i32 to index
          %swap3A_466 = arith.constant 80 : index
          %swap3A_467 = tpu.vector_load %arg11[%swap3A_465, %swap3A_466] {strides = array<i32>} : memref<321x128xf32, #tpu.memory_space<vmem>>, vector<16xf32>,
          tpu.vector_store %arg11[%swap3A_465, %swap3A_466], %max3A_464 {strides = array<i32>} : memref<321x128xf32, #tpu.memory_space<vmem>>, vector<16xf32>,
          %get3A_468 = arith.index_cast %add3A_407 : i32 to index
          %get3A_469 = arith.constant 96 : index
          %get3A_470 = tpu.vector_load %arg10[%get3A_468, %get3A_469] {strides = array<i32>} : memref<128x128xf32, #tpu.memory_space<vmem>>, vector<16xf32>,
          %get3A_471 = arith.index_cast %squeeze3A_403 : i32 to index
          %get3A_472 = arith.constant 96 : index
          %get3A_473 = tpu.vector_load %arg11[%get3A_471, %get3A_472] {strides = array<i32>} : memref<321x128xf32, #tpu.memory_space<vmem>>, vector<16xf32>,
          %max3A_474 = arith.maximumf %get3A_473, %get3A_470 : vector<16xf32>
          %swap3A_475 = arith.index_cast %squeeze3A_403 : i32 to index
          %swap3A_476 = arith.constant 96 : index
          %swap3A_477 = tpu.vector_load %arg11[%swap3A_475, %swap3A_476] {strides = array<i32>} : memref<321x128xf32, #tpu.memory_space<vmem>>, vector<16xf32>,
          tpu.vector_store %arg11[%swap3A_475, %swap3A_476], %max3A_474 {strides = array<i32>} : memref<321x128xf32, #tpu.memory_space<vmem>>, vector<16xf32>,
          %get3A_478 = arith.index_cast %add3A_407 : i32 to index
          %get3A_479 = arith.constant 112 : index
          %get3A_480 = tpu.vector_load %arg10[%get3A_478, %get3A_479] {strides = array<i32>} : memref<128x128xf32, #tpu.memory_space<vmem>>, vector<16xf32>,
          %get3A_481 = arith.index_cast %squeeze3A_403 : i32 to index
          %get3A_482 = arith.constant 112 : index
          %get3A_483 = tpu.vector_load %arg11[%get3A_481, %get3A_482] {strides = array<i32>} : memref<321x128xf32, #tpu.memory_space<vmem>>, vector<16xf32>,
          %max3A_484 = arith.maximumf %get3A_483, %get3A_480 : vector<16xf32>
          %swap3A_485 = arith.index_cast %squeeze3A_403 : i32 to index
          %swap3A_486 = arith.constant 112 : index
          %swap3A_487 = tpu.vector_load %arg11[%swap3A_485, %swap3A_486] {strides = array<i32>} : memref<321x128xf32, #tpu.memory_space<vmem>>, vector<16xf32>,
          tpu.vector_store %arg11[%swap3A_485, %swap3A_486], %max3A_484 {strides = array<i32>} : memref<321x128xf32, #tpu.memory_space<vmem>>, vector<16xf32>,
          %slice3A_488 = vector.extract_strided_slice %get3A_147 {offsets = [4], sizes = [1], strides = [1]} : vector<16xi32> to vector<1xi32>
          %squeeze3A_489 = vector.extract %slice3A_488[0] : i32 from vector<1xi32>
          %mul3A_490 = arith.constant 16 : i32
          %mul3A_491 = arith.muli %scan3A_143, %mul3A_490 : i32
          %add3A_492 = arith.constant 4 : i32
          %add3A_493 = arith.addi %mul3A_491, %add3A_492 : i32
          %get3A_494 = arith.index_cast %add3A_493 : i32 to index
          %get3A_495 = arith.constant 0 : index
          %get3A_496 = tpu.vector_load %arg10[%get3A_494, %get3A_495] {strides = array<i32>} : memref<128x128xf32, #tpu.memory_space<vmem>>, vector<16xf32>,
          %get3A_497 = arith.index_cast %squeeze3A_489 : i32 to index
          %get3A_498 = arith.constant 0 : index
          %get3A_499 = tpu.vector_load %arg11[%get3A_497, %get3A_498] {strides = array<i32>} : memref<321x128xf32, #tpu.memory_space<vmem>>, vector<16xf32>,
          %max3A_500 = arith.maximumf %get3A_499, %get3A_496 : vector<16xf32>
          %swap3A_501 = arith.index_cast %squeeze3A_489 : i32 to index
          %swap3A_502 = arith.constant 0 : index
          %swap3A_503 = tpu.vector_load %arg11[%swap3A_501, %swap3A_502] {strides = array<i32>} : memref<321x128xf32, #tpu.memory_space<vmem>>, vector<16xf32>,
          tpu.vector_store %arg11[%swap3A_501, %swap3A_502], %max3A_500 {strides = array<i32>} : memref<321x128xf32, #tpu.memory_space<vmem>>, vector<16xf32>,
          %get3A_504 = arith.index_cast %add3A_493 : i32 to index
          %get3A_505 = arith.constant 16 : index
          %get3A_506 = tpu.vector_load %arg10[%get3A_504, %get3A_505] {strides = array<i32>} : memref<128x128xf32, #tpu.memory_space<vmem>>, vector<16xf32>,
          %get3A_507 = arith.index_cast %squeeze3A_489 : i32 to index
          %get3A_508 = arith.constant 16 : index
          %get3A_509 = tpu.vector_load %arg11[%get3A_507, %get3A_508] {strides = array<i32>} : memref<321x128xf32, #tpu.memory_space<vmem>>, vector<16xf32>,
          %max3A_510 = arith.maximumf %get3A_509, %get3A_506 : vector<16xf32>
          %swap3A_511 = arith.index_cast %squeeze3A_489 : i32 to index
          %swap3A_512 = arith.constant 16 : index
          %swap3A_513 = tpu.vector_load %arg11[%swap3A_511, %swap3A_512] {strides = array<i32>} : memref<321x128xf32, #tpu.memory_space<vmem>>, vector<16xf32>,
          tpu.vector_store %arg11[%swap3A_511, %swap3A_512], %max3A_510 {strides = array<i32>} : memref<321x128xf32, #tpu.memory_space<vmem>>, vector<16xf32>,
          %get3A_514 = arith.index_cast %add3A_493 : i32 to index
          %get3A_515 = arith.constant 32 : index
          %get3A_516 = tpu.vector_load %arg10[%get3A_514, %get3A_515] {strides = array<i32>} : memref<128x128xf32, #tpu.memory_space<vmem>>, vector<16xf32>,
          %get3A_517 = arith.index_cast %squeeze3A_489 : i32 to index
          %get3A_518 = arith.constant 32 : index
          %get3A_519 = tpu.vector_load %arg11[%get3A_517, %get3A_518] {strides = array<i32>} : memref<321x128xf32, #tpu.memory_space<vmem>>, vector<16xf32>,
          %max3A_520 = arith.maximumf %get3A_519, %get3A_516 : vector<16xf32>
          %swap3A_521 = arith.index_cast %squeeze3A_489 : i32 to index
          %swap3A_522 = arith.constant 32 : index
          %swap3A_523 = tpu.vector_load %arg11[%swap3A_521, %swap3A_522] {strides = array<i32>} : memref<321x128xf32, #tpu.memory_space<vmem>>, vector<16xf32>,
          tpu.vector_store %arg11[%swap3A_521, %swap3A_522], %max3A_520 {strides = array<i32>} : memref<321x128xf32, #tpu.memory_space<vmem>>, vector<16xf32>,
          %get3A_524 = arith.index_cast %add3A_493 : i32 to index
          %get3A_525 = arith.constant 48 : index
          %get3A_526 = tpu.vector_load %arg10[%get3A_524, %get3A_525] {strides = array<i32>} : memref<128x128xf32, #tpu.memory_space<vmem>>, vector<16xf32>,
          %get3A_527 = arith.index_cast %squeeze3A_489 : i32 to index
          %get3A_528 = arith.constant 48 : index
          %get3A_529 = tpu.vector_load %arg11[%get3A_527, %get3A_528] {strides = array<i32>} : memref<321x128xf32, #tpu.memory_space<vmem>>, vector<16xf32>,
          %max3A_530 = arith.maximumf %get3A_529, %get3A_526 : vector<16xf32>
          %swap3A_531 = arith.index_cast %squeeze3A_489 : i32 to index
          %swap3A_532 = arith.constant 48 : index
          %swap3A_533 = tpu.vector_load %arg11[%swap3A_531, %swap3A_532] {strides = array<i32>} : memref<321x128xf32, #tpu.memory_space<vmem>>, vector<16xf32>,
          tpu.vector_store %arg11[%swap3A_531, %swap3A_532], %max3A_530 {strides = array<i32>} : memref<321x128xf32, #tpu.memory_space<vmem>>, vector<16xf32>,
          %get3A_534 = arith.index_cast %add3A_493 : i32 to index
          %get3A_535 = arith.constant 64 : index
          %get3A_536 = tpu.vector_load %arg10[%get3A_534, %get3A_535] {strides = array<i32>} : memref<128x128xf32, #tpu.memory_space<vmem>>, vector<16xf32>,
          %get3A_537 = arith.index_cast %squeeze3A_489 : i32 to index
          %get3A_538 = arith.constant 64 : index
          %get3A_539 = tpu.vector_load %arg11[%get3A_537, %get3A_538] {strides = array<i32>} : memref<321x128xf32, #tpu.memory_space<vmem>>, vector<16xf32>,
          %max3A_540 = arith.maximumf %get3A_539, %get3A_536 : vector<16xf32>
          %swap3A_541 = arith.index_cast %squeeze3A_489 : i32 to index
          %swap3A_542 = arith.constant 64 : index
          %swap3A_543 = tpu.vector_load %arg11[%swap3A_541, %swap3A_542] {strides = array<i32>} : memref<321x128xf32, #tpu.memory_space<vmem>>, vector<16xf32>,
          tpu.vector_store %arg11[%swap3A_541, %swap3A_542], %max3A_540 {strides = array<i32>} : memref<321x128xf32, #tpu.memory_space<vmem>>, vector<16xf32>,
          %get3A_544 = arith.index_cast %add3A_493 : i32 to index
          %get3A_545 = arith.constant 80 : index
          %get3A_546 = tpu.vector_load %arg10[%get3A_544, %get3A_545] {strides = array<i32>} : memref<128x128xf32, #tpu.memory_space<vmem>>, vector<16xf32>,
          %get3A_547 = arith.index_cast %squeeze3A_489 : i32 to index
          %get3A_548 = arith.constant 80 : index
          %get3A_549 = tpu.vector_load %arg11[%get3A_547, %get3A_548] {strides = array<i32>} : memref<321x128xf32, #tpu.memory_space<vmem>>, vector<16xf32>,
          %max3A_550 = arith.maximumf %get3A_549, %get3A_546 : vector<16xf32>
          %swap3A_551 = arith.index_cast %squeeze3A_489 : i32 to index
          %swap3A_552 = arith.constant 80 : index
          %swap3A_553 = tpu.vector_load %arg11[%swap3A_551, %swap3A_552] {strides = array<i32>} : memref<321x128xf32, #tpu.memory_space<vmem>>, vector<16xf32>,
          tpu.vector_store %arg11[%swap3A_551, %swap3A_552], %max3A_550 {strides = array<i32>} : memref<321x128xf32, #tpu.memory_space<vmem>>, vector<16xf32>,
          %get3A_554 = arith.index_cast %add3A_493 : i32 to index
          %get3A_555 = arith.constant 96 : index
          %get3A_556 = tpu.vector_load %arg10[%get3A_554, %get3A_555] {strides = array<i32>} : memref<128x128xf32, #tpu.memory_space<vmem>>, vector<16xf32>,
          %get3A_557 = arith.index_cast %squeeze3A_489 : i32 to index
          %get3A_558 = arith.constant 96 : index
          %get3A_559 = tpu.vector_load %arg11[%get3A_557, %get3A_558] {strides = array<i32>} : memref<321x128xf32, #tpu.memory_space<vmem>>, vector<16xf32>,
          %max3A_560 = arith.maximumf %get3A_559, %get3A_556 : vector<16xf32>
          %swap3A_561 = arith.index_cast %squeeze3A_489 : i32 to index
          %swap3A_562 = arith.constant 96 : index
          %swap3A_563 = tpu.vector_load %arg11[%swap3A_561, %swap3A_562] {strides = array<i32>} : memref<321x128xf32, #tpu.memory_space<vmem>>, vector<16xf32>,
          tpu.vector_store %arg11[%swap3A_561, %swap3A_562], %max3A_560 {strides = array<i32>} : memref<321x128xf32, #tpu.memory_space<vmem>>, vector<16xf32>,
          %get3A_564 = arith.index_cast %add3A_493 : i32 to index
          %get3A_565 = arith.constant 112 : index
          %get3A_566 = tpu.vector_load %arg10[%get3A_564, %get3A_565] {strides = array<i32>} : memref<128x128xf32, #tpu.memory_space<vmem>>, vector<16xf32>,
          %get3A_567 = arith.index_cast %squeeze3A_489 : i32 to index
          %get3A_568 = arith.constant 112 : index
          %get3A_569 = tpu.vector_load %arg11[%get3A_567, %get3A_568] {strides = array<i32>} : memref<321x128xf32, #tpu.memory_space<vmem>>, vector<16xf32>,
          %max3A_570 = arith.maximumf %get3A_569, %get3A_566 : vector<16xf32>
          %swap3A_571 = arith.index_cast %squeeze3A_489 : i32 to index
          %swap3A_572 = arith.constant 112 : index
          %swap3A_573 = tpu.vector_load %arg11[%swap3A_571, %swap3A_572] {strides = array<i32>} : memref<321x128xf32, #tpu.memory_space<vmem>>, vector<16xf32>,
          tpu.vector_store %arg11[%swap3A_571, %swap3A_572], %max3A_570 {strides = array<i32>} : memref<321x128xf32, #tpu.memory_space<vmem>>, vector<16xf32>,
          %slice3A_574 = vector.extract_strided_slice %get3A_147 {offsets = [5], sizes = [1], strides = [1]} : vector<16xi32> to vector<1xi32>
          %squeeze3A_575 = vector.extract %slice3A_574[0] : i32 from vector<1xi32>
          %mul3A_576 = arith.constant 16 : i32
          %mul3A_577 = arith.muli %scan3A_143, %mul3A_576 : i32
          %add3A_578 = arith.constant 5 : i32
          %add3A_579 = arith.addi %mul3A_577, %add3A_578 : i32
          %get3A_580 = arith.index_cast %add3A_579 : i32 to index
          %get3A_581 = arith.constant 0 : index
          %get3A_582 = tpu.vector_load %arg10[%get3A_580, %get3A_581] {strides = array<i32>} : memref<128x128xf32, #tpu.memory_space<vmem>>, vector<16xf32>,
          %get3A_583 = arith.index_cast %squeeze3A_575 : i32 to index
          %get3A_584 = arith.constant 0 : index
          %get3A_585 = tpu.vector_load %arg11[%get3A_583, %get3A_584] {strides = array<i32>} : memref<321x128xf32, #tpu.memory_space<vmem>>, vector<16xf32>,
          %max3A_586 = arith.maximumf %get3A_585, %get3A_582 : vector<16xf32>
          %swap3A_587 = arith.index_cast %squeeze3A_575 : i32 to index
          %swap3A_588 = arith.constant 0 : index
          %swap3A_589 = tpu.vector_load %arg11[%swap3A_587, %swap3A_588] {strides = array<i32>} : memref<321x128xf32, #tpu.memory_space<vmem>>, vector<16xf32>,
          tpu.vector_store %arg11[%swap3A_587, %swap3A_588], %max3A_586 {strides = array<i32>} : memref<321x128xf32, #tpu.memory_space<vmem>>, vector<16xf32>,
          %get3A_590 = arith.index_cast %add3A_579 : i32 to index
          %get3A_591 = arith.constant 16 : index
          %get3A_592 = tpu.vector_load %arg10[%get3A_590, %get3A_591] {strides = array<i32>} : memref<128x128xf32, #tpu.memory_space<vmem>>, vector<16xf32>,
          %get3A_593 = arith.index_cast %squeeze3A_575 : i32 to index
          %get3A_594 = arith.constant 16 : index
          %get3A_595 = tpu.vector_load %arg11[%get3A_593, %get3A_594] {strides = array<i32>} : memref<321x128xf32, #tpu.memory_space<vmem>>, vector<16xf32>,
          %max3A_596 = arith.maximumf %get3A_595, %get3A_592 : vector<16xf32>
          %swap3A_597 = arith.index_cast %squeeze3A_575 : i32 to index
          %swap3A_598 = arith.constant 16 : index
          %swap3A_599 = tpu.vector_load %arg11[%swap3A_597, %swap3A_598] {strides = array<i32>} : memref<321x128xf32, #tpu.memory_space<vmem>>, vector<16xf32>,
          tpu.vector_store %arg11[%swap3A_597, %swap3A_598], %max3A_596 {strides = array<i32>} : memref<321x128xf32, #tpu.memory_space<vmem>>, vector<16xf32>,
          %get3A_600 = arith.index_cast %add3A_579 : i32 to index
          %get3A_601 = arith.constant 32 : index
          %get3A_602 = tpu.vector_load %arg10[%get3A_600, %get3A_601] {strides = array<i32>} : memref<128x128xf32, #tpu.memory_space<vmem>>, vector<16xf32>,
          %get3A_603 = arith.index_cast %squeeze3A_575 : i32 to index
          %get3A_604 = arith.constant 32 : index
          %get3A_605 = tpu.vector_load %arg11[%get3A_603, %get3A_604] {strides = array<i32>} : memref<321x128xf32, #tpu.memory_space<vmem>>, vector<16xf32>,
          %max3A_606 = arith.maximumf %get3A_605, %get3A_602 : vector<16xf32>
          %swap3A_607 = arith.index_cast %squeeze3A_575 : i32 to index
          %swap3A_608 = arith.constant 32 : index
          %swap3A_609 = tpu.vector_load %arg11[%swap3A_607, %swap3A_608] {strides = array<i32>} : memref<321x128xf32, #tpu.memory_space<vmem>>, vector<16xf32>,
          tpu.vector_store %arg11[%swap3A_607, %swap3A_608], %max3A_606 {strides = array<i32>} : memref<321x128xf32, #tpu.memory_space<vmem>>, vector<16xf32>,
          %get3A_610 = arith.index_cast %add3A_579 : i32 to index
          %get3A_611 = arith.constant 48 : index
          %get3A_612 = tpu.vector_load %arg10[%get3A_610, %get3A_611] {strides = array<i32>} : memref<128x128xf32, #tpu.memory_space<vmem>>, vector<16xf32>,
          %get3A_613 = arith.index_cast %squeeze3A_575 : i32 to index
          %get3A_614 = arith.constant 48 : index
          %get3A_615 = tpu.vector_load %arg11[%get3A_613, %get3A_614] {strides = array<i32>} : memref<321x128xf32, #tpu.memory_space<vmem>>, vector<16xf32>,
          %max3A_616 = arith.maximumf %get3A_615, %get3A_612 : vector<16xf32>
          %swap3A_617 = arith.index_cast %squeeze3A_575 : i32 to index
          %swap3A_618 = arith.constant 48 : index
          %swap3A_619 = tpu.vector_load %arg11[%swap3A_617, %swap3A_618] {strides = array<i32>} : memref<321x128xf32, #tpu.memory_space<vmem>>, vector<16xf32>,
          tpu.vector_store %arg11[%swap3A_617, %swap3A_618], %max3A_616 {strides = array<i32>} : memref<321x128xf32, #tpu.memory_space<vmem>>, vector<16xf32>,
          %get3A_620 = arith.index_cast %add3A_579 : i32 to index
          %get3A_621 = arith.constant 64 : index
          %get3A_622 = tpu.vector_load %arg10[%get3A_620, %get3A_621] {strides = array<i32>} : memref<128x128xf32, #tpu.memory_space<vmem>>, vector<16xf32>,
          %get3A_623 = arith.index_cast %squeeze3A_575 : i32 to index
          %get3A_624 = arith.constant 64 : index
          %get3A_625 = tpu.vector_load %arg11[%get3A_623, %get3A_624] {strides = array<i32>} : memref<321x128xf32, #tpu.memory_space<vmem>>, vector<16xf32>,
          %max3A_626 = arith.maximumf %get3A_625, %get3A_622 : vector<16xf32>
          %swap3A_627 = arith.index_cast %squeeze3A_575 : i32 to index
          %swap3A_628 = arith.constant 64 : index
          %swap3A_629 = tpu.vector_load %arg11[%swap3A_627, %swap3A_628] {strides = array<i32>} : memref<321x128xf32, #tpu.memory_space<vmem>>, vector<16xf32>,
          tpu.vector_store %arg11[%swap3A_627, %swap3A_628], %max3A_626 {strides = array<i32>} : memref<321x128xf32, #tpu.memory_space<vmem>>, vector<16xf32>,
          %get3A_630 = arith.index_cast %add3A_579 : i32 to index
          %get3A_631 = arith.constant 80 : index
          %get3A_632 = tpu.vector_load %arg10[%get3A_630, %get3A_631] {strides = array<i32>} : memref<128x128xf32, #tpu.memory_space<vmem>>, vector<16xf32>,
          %get3A_633 = arith.index_cast %squeeze3A_575 : i32 to index
          %get3A_634 = arith.constant 80 : index
          %get3A_635 = tpu.vector_load %arg11[%get3A_633, %get3A_634] {strides = array<i32>} : memref<321x128xf32, #tpu.memory_space<vmem>>, vector<16xf32>,
          %max3A_636 = arith.maximumf %get3A_635, %get3A_632 : vector<16xf32>
          %swap3A_637 = arith.index_cast %squeeze3A_575 : i32 to index
          %swap3A_638 = arith.constant 80 : index
          %swap3A_639 = tpu.vector_load %arg11[%swap3A_637, %swap3A_638] {strides = array<i32>} : memref<321x128xf32, #tpu.memory_space<vmem>>, vector<16xf32>,
          tpu.vector_store %arg11[%swap3A_637, %swap3A_638], %max3A_636 {strides = array<i32>} : memref<321x128xf32, #tpu.memory_space<vmem>>, vector<16xf32>,
          %get3A_640 = arith.index_cast %add3A_579 : i32 to index
          %get3A_641 = arith.constant 96 : index
          %get3A_642 = tpu.vector_load %arg10[%get3A_640, %get3A_641] {strides = array<i32>} : memref<128x128xf32, #tpu.memory_space<vmem>>, vector<16xf32>,
          %get3A_643 = arith.index_cast %squeeze3A_575 : i32 to index
          %get3A_644 = arith.constant 96 : index
          %get3A_645 = tpu.vector_load %arg11[%get3A_643, %get3A_644] {strides = array<i32>} : memref<321x128xf32, #tpu.memory_space<vmem>>, vector<16xf32>,
          %max3A_646 = arith.maximumf %get3A_645, %get3A_642 : vector<16xf32>
          %swap3A_647 = arith.index_cast %squeeze3A_575 : i32 to index
          %swap3A_648 = arith.constant 96 : index
          %swap3A_649 = tpu.vector_load %arg11[%swap3A_647, %swap3A_648] {strides = array<i32>} : memref<321x128xf32, #tpu.memory_space<vmem>>, vector<16xf32>,
          tpu.vector_store %arg11[%swap3A_647, %swap3A_648], %max3A_646 {strides = array<i32>} : memref<321x128xf32, #tpu.memory_space<vmem>>, vector<16xf32>,
          %get3A_650 = arith.index_cast %add3A_579 : i32 to index
          %get3A_651 = arith.constant 112 : index
          %get3A_652 = tpu.vector_load %arg10[%get3A_650, %get3A_651] {strides = array<i32>} : memref<128x128xf32, #tpu.memory_space<vmem>>, vector<16xf32>,
          %get3A_653 = arith.index_cast %squeeze3A_575 : i32 to index
          %get3A_654 = arith.constant 112 : index
          %get3A_655 = tpu.vector_load %arg11[%get3A_653, %get3A_654] {strides = array<i32>} : memref<321x128xf32, #tpu.memory_space<vmem>>, vector<16xf32>,
          %max3A_656 = arith.maximumf %get3A_655, %get3A_652 : vector<16xf32>
          %swap3A_657 = arith.index_cast %squeeze3A_575 : i32 to index
          %swap3A_658 = arith.constant 112 : index
          %swap3A_659 = tpu.vector_load %arg11[%swap3A_657, %swap3A_658] {strides = array<i32>} : memref<321x128xf32, #tpu.memory_space<vmem>>, vector<16xf32>,
          tpu.vector_store %arg11[%swap3A_657, %swap3A_658], %max3A_656 {strides = array<i32>} : memref<321x128xf32, #tpu.memory_space<vmem>>, vector<16xf32>,
          %slice3A_660 = vector.extract_strided_slice %get3A_147 {offsets = [6], sizes = [1], strides = [1]} : vector<16xi32> to vector<1xi32>
          %squeeze3A_661 = vector.extract %slice3A_660[0] : i32 from vector<1xi32>
          %mul3A_662 = arith.constant 16 : i32
          %mul3A_663 = arith.muli %scan3A_143, %mul3A_662 : i32
          %add3A_664 = arith.constant 6 : i32
          %add3A_665 = arith.addi %mul3A_663, %add3A_664 : i32
          %get3A_666 = arith.index_cast %add3A_665 : i32 to index
          %get3A_667 = arith.constant 0 : index
          %get3A_668 = tpu.vector_load %arg10[%get3A_666, %get3A_667] {strides = array<i32>} : memref<128x128xf32, #tpu.memory_space<vmem>>, vector<16xf32>,
          %get3A_669 = arith.index_cast %squeeze3A_661 : i32 to index
          %get3A_670 = arith.constant 0 : index
          %get3A_671 = tpu.vector_load %arg11[%get3A_669, %get3A_670] {strides = array<i32>} : memref<321x128xf32, #tpu.memory_space<vmem>>, vector<16xf32>,
          %max3A_672 = arith.maximumf %get3A_671, %get3A_668 : vector<16xf32>
          %swap3A_673 = arith.index_cast %squeeze3A_661 : i32 to index
          %swap3A_674 = arith.constant 0 : index
          %swap3A_675 = tpu.vector_load %arg11[%swap3A_673, %swap3A_674] {strides = array<i32>} : memref<321x128xf32, #tpu.memory_space<vmem>>, vector<16xf32>,
          tpu.vector_store %arg11[%swap3A_673, %swap3A_674], %max3A_672 {strides = array<i32>} : memref<321x128xf32, #tpu.memory_space<vmem>>, vector<16xf32>,
          %get3A_676 = arith.index_cast %add3A_665 : i32 to index
          %get3A_677 = arith.constant 16 : index
          %get3A_678 = tpu.vector_load %arg10[%get3A_676, %get3A_677] {strides = array<i32>} : memref<128x128xf32, #tpu.memory_space<vmem>>, vector<16xf32>,
          %get3A_679 = arith.index_cast %squeeze3A_661 : i32 to index
          %get3A_680 = arith.constant 16 : index
          %get3A_681 = tpu.vector_load %arg11[%get3A_679, %get3A_680] {strides = array<i32>} : memref<321x128xf32, #tpu.memory_space<vmem>>, vector<16xf32>,
          %max3A_682 = arith.maximumf %get3A_681, %get3A_678 : vector<16xf32>
          %swap3A_683 = arith.index_cast %squeeze3A_661 : i32 to index
          %swap3A_684 = arith.constant 16 : index
          %swap3A_685 = tpu.vector_load %arg11[%swap3A_683, %swap3A_684] {strides = array<i32>} : memref<321x128xf32, #tpu.memory_space<vmem>>, vector<16xf32>,
          tpu.vector_store %arg11[%swap3A_683, %swap3A_684], %max3A_682 {strides = array<i32>} : memref<321x128xf32, #tpu.memory_space<vmem>>, vector<16xf32>,
          %get3A_686 = arith.index_cast %add3A_665 : i32 to index
          %get3A_687 = arith.constant 32 : index
          %get3A_688 = tpu.vector_load %arg10[%get3A_686, %get3A_687] {strides = array<i32>} : memref<128x128xf32, #tpu.memory_space<vmem>>, vector<16xf32>,
          %get3A_689 = arith.index_cast %squeeze3A_661 : i32 to index
          %get3A_690 = arith.constant 32 : index
          %get3A_691 = tpu.vector_load %arg11[%get3A_689, %get3A_690] {strides = array<i32>} : memref<321x128xf32, #tpu.memory_space<vmem>>, vector<16xf32>,
          %max3A_692 = arith.maximumf %get3A_691, %get3A_688 : vector<16xf32>
          %swap3A_693 = arith.index_cast %squeeze3A_661 : i32 to index
          %swap3A_694 = arith.constant 32 : index
          %swap3A_695 = tpu.vector_load %arg11[%swap3A_693, %swap3A_694] {strides = array<i32>} : memref<321x128xf32, #tpu.memory_space<vmem>>, vector<16xf32>,
          tpu.vector_store %arg11[%swap3A_693, %swap3A_694], %max3A_692 {strides = array<i32>} : memref<321x128xf32, #tpu.memory_space<vmem>>, vector<16xf32>,
          %get3A_696 = arith.index_cast %add3A_665 : i32 to index
          %get3A_697 = arith.constant 48 : index
          %get3A_698 = tpu.vector_load %arg10[%get3A_696, %get3A_697] {strides = array<i32>} : memref<128x128xf32, #tpu.memory_space<vmem>>, vector<16xf32>,
          %get3A_699 = arith.index_cast %squeeze3A_661 : i32 to index
          %get3A_700 = arith.constant 48 : index
          %get3A_701 = tpu.vector_load %arg11[%get3A_699, %get3A_700] {strides = array<i32>} : memref<321x128xf32, #tpu.memory_space<vmem>>, vector<16xf32>,
          %max3A_702 = arith.maximumf %get3A_701, %get3A_698 : vector<16xf32>
          %swap3A_703 = arith.index_cast %squeeze3A_661 : i32 to index
          %swap3A_704 = arith.constant 48 : index
          %swap3A_705 = tpu.vector_load %arg11[%swap3A_703, %swap3A_704] {strides = array<i32>} : memref<321x128xf32, #tpu.memory_space<vmem>>, vector<16xf32>,
          tpu.vector_store %arg11[%swap3A_703, %swap3A_704], %max3A_702 {strides = array<i32>} : memref<321x128xf32, #tpu.memory_space<vmem>>, vector<16xf32>,
          %get3A_706 = arith.index_cast %add3A_665 : i32 to index
          %get3A_707 = arith.constant 64 : index
          %get3A_708 = tpu.vector_load %arg10[%get3A_706, %get3A_707] {strides = array<i32>} : memref<128x128xf32, #tpu.memory_space<vmem>>, vector<16xf32>,
          %get3A_709 = arith.index_cast %squeeze3A_661 : i32 to index
          %get3A_710 = arith.constant 64 : index
          %get3A_711 = tpu.vector_load %arg11[%get3A_709, %get3A_710] {strides = array<i32>} : memref<321x128xf32, #tpu.memory_space<vmem>>, vector<16xf32>,
          %max3A_712 = arith.maximumf %get3A_711, %get3A_708 : vector<16xf32>
          %swap3A_713 = arith.index_cast %squeeze3A_661 : i32 to index
          %swap3A_714 = arith.constant 64 : index
          %swap3A_715 = tpu.vector_load %arg11[%swap3A_713, %swap3A_714] {strides = array<i32>} : memref<321x128xf32, #tpu.memory_space<vmem>>, vector<16xf32>,
          tpu.vector_store %arg11[%swap3A_713, %swap3A_714], %max3A_712 {strides = array<i32>} : memref<321x128xf32, #tpu.memory_space<vmem>>, vector<16xf32>,
          %get3A_716 = arith.index_cast %add3A_665 : i32 to index
          %get3A_717 = arith.constant 80 : index
          %get3A_718 = tpu.vector_load %arg10[%get3A_716, %get3A_717] {strides = array<i32>} : memref<128x128xf32, #tpu.memory_space<vmem>>, vector<16xf32>,
          %get3A_719 = arith.index_cast %squeeze3A_661 : i32 to index
          %get3A_720 = arith.constant 80 : index
          %get3A_721 = tpu.vector_load %arg11[%get3A_719, %get3A_720] {strides = array<i32>} : memref<321x128xf32, #tpu.memory_space<vmem>>, vector<16xf32>,
          %max3A_722 = arith.maximumf %get3A_721, %get3A_718 : vector<16xf32>
          %swap3A_723 = arith.index_cast %squeeze3A_661 : i32 to index
          %swap3A_724 = arith.constant 80 : index
          %swap3A_725 = tpu.vector_load %arg11[%swap3A_723, %swap3A_724] {strides = array<i32>} : memref<321x128xf32, #tpu.memory_space<vmem>>, vector<16xf32>,
          tpu.vector_store %arg11[%swap3A_723, %swap3A_724], %max3A_722 {strides = array<i32>} : memref<321x128xf32, #tpu.memory_space<vmem>>, vector<16xf32>,
          %get3A_726 = arith.index_cast %add3A_665 : i32 to index
          %get3A_727 = arith.constant 96 : index
          %get3A_728 = tpu.vector_load %arg10[%get3A_726, %get3A_727] {strides = array<i32>} : memref<128x128xf32, #tpu.memory_space<vmem>>, vector<16xf32>,
          %get3A_729 = arith.index_cast %squeeze3A_661 : i32 to index
          %get3A_730 = arith.constant 96 : index
          %get3A_731 = tpu.vector_load %arg11[%get3A_729, %get3A_730] {strides = array<i32>} : memref<321x128xf32, #tpu.memory_space<vmem>>, vector<16xf32>,
          %max3A_732 = arith.maximumf %get3A_731, %get3A_728 : vector<16xf32>
          %swap3A_733 = arith.index_cast %squeeze3A_661 : i32 to index
          %swap3A_734 = arith.constant 96 : index
          %swap3A_735 = tpu.vector_load %arg11[%swap3A_733, %swap3A_734] {strides = array<i32>} : memref<321x128xf32, #tpu.memory_space<vmem>>, vector<16xf32>,
          tpu.vector_store %arg11[%swap3A_733, %swap3A_734], %max3A_732 {strides = array<i32>} : memref<321x128xf32, #tpu.memory_space<vmem>>, vector<16xf32>,
          %get3A_736 = arith.index_cast %add3A_665 : i32 to index
          %get3A_737 = arith.constant 112 : index
          %get3A_738 = tpu.vector_load %arg10[%get3A_736, %get3A_737] {strides = array<i32>} : memref<128x128xf32, #tpu.memory_space<vmem>>, vector<16xf32>,
          %get3A_739 = arith.index_cast %squeeze3A_661 : i32 to index
          %get3A_740 = arith.constant 112 : index
          %get3A_741 = tpu.vector_load %arg11[%get3A_739, %get3A_740] {strides = array<i32>} : memref<321x128xf32, #tpu.memory_space<vmem>>, vector<16xf32>,
          %max3A_742 = arith.maximumf %get3A_741, %get3A_738 : vector<16xf32>
          %swap3A_743 = arith.index_cast %squeeze3A_661 : i32 to index
          %swap3A_744 = arith.constant 112 : index
          %swap3A_745 = tpu.vector_load %arg11[%swap3A_743, %swap3A_744] {strides = array<i32>} : memref<321x128xf32, #tpu.memory_space<vmem>>, vector<16xf32>,
          tpu.vector_store %arg11[%swap3A_743, %swap3A_744], %max3A_742 {strides = array<i32>} : memref<321x128xf32, #tpu.memory_space<vmem>>, vector<16xf32>,
          %slice3A_746 = vector.extract_strided_slice %get3A_147 {offsets = [7], sizes = [1], strides = [1]} : vector<16xi32> to vector<1xi32>
          %squeeze3A_747 = vector.extract %slice3A_746[0] : i32 from vector<1xi32>
          %mul3A_748 = arith.constant 16 : i32
          %mul3A_749 = arith.muli %scan3A_143, %mul3A_748 : i32
          %add3A_750 = arith.constant 7 : i32
          %add3A_751 = arith.addi %mul3A_749, %add3A_750 : i32
          %get3A_752 = arith.index_cast %add3A_751 : i32 to index
          %get3A_753 = arith.constant 0 : index
          %get3A_754 = tpu.vector_load %arg10[%get3A_752, %get3A_753] {strides = array<i32>} : memref<128x128xf32, #tpu.memory_space<vmem>>, vector<16xf32>,
          %get3A_755 = arith.index_cast %squeeze3A_747 : i32 to index
          %get3A_756 = arith.constant 0 : index
          %get3A_757 = tpu.vector_load %arg11[%get3A_755, %get3A_756] {strides = array<i32>} : memref<321x128xf32, #tpu.memory_space<vmem>>, vector<16xf32>,
          %max3A_758 = arith.maximumf %get3A_757, %get3A_754 : vector<16xf32>
          %swap3A_759 = arith.index_cast %squeeze3A_747 : i32 to index
          %swap3A_760 = arith.constant 0 : index
          %swap3A_761 = tpu.vector_load %arg11[%swap3A_759, %swap3A_760] {strides = array<i32>} : memref<321x128xf32, #tpu.memory_space<vmem>>, vector<16xf32>,
          tpu.vector_store %arg11[%swap3A_759, %swap3A_760], %max3A_758 {strides = array<i32>} : memref<321x128xf32, #tpu.memory_space<vmem>>, vector<16xf32>,
          %get3A_762 = arith.index_cast %add3A_751 : i32 to index
          %get3A_763 = arith.constant 16 : index
          %get3A_764 = tpu.vector_load %arg10[%get3A_762, %get3A_763] {strides = array<i32>} : memref<128x128xf32, #tpu.memory_space<vmem>>, vector<16xf32>,
          %get3A_765 = arith.index_cast %squeeze3A_747 : i32 to index
          %get3A_766 = arith.constant 16 : index
          %get3A_767 = tpu.vector_load %arg11[%get3A_765, %get3A_766] {strides = array<i32>} : memref<321x128xf32, #tpu.memory_space<vmem>>, vector<16xf32>,
          %max3A_768 = arith.maximumf %get3A_767, %get3A_764 : vector<16xf32>
          %swap3A_769 = arith.index_cast %squeeze3A_747 : i32 to index
          %swap3A_770 = arith.constant 16 : index
          %swap3A_771 = tpu.vector_load %arg11[%swap3A_769, %swap3A_770] {strides = array<i32>} : memref<321x128xf32, #tpu.memory_space<vmem>>, vector<16xf32>,
          tpu.vector_store %arg11[%swap3A_769, %swap3A_770], %max3A_768 {strides = array<i32>} : memref<321x128xf32, #tpu.memory_space<vmem>>, vector<16xf32>,
          %get3A_772 = arith.index_cast %add3A_751 : i32 to index
          %get3A_773 = arith.constant 32 : index
          %get3A_774 = tpu.vector_load %arg10[%get3A_772, %get3A_773] {strides = array<i32>} : memref<128x128xf32, #tpu.memory_space<vmem>>, vector<16xf32>,
          %get3A_775 = arith.index_cast %squeeze3A_747 : i32 to index
          %get3A_776 = arith.constant 32 : index
          %get3A_777 = tpu.vector_load %arg11[%get3A_775, %get3A_776] {strides = array<i32>} : memref<321x128xf32, #tpu.memory_space<vmem>>, vector<16xf32>,
          %max3A_778 = arith.maximumf %get3A_777, %get3A_774 : vector<16xf32>
          %swap3A_779 = arith.index_cast %squeeze3A_747 : i32 to index
          %swap3A_780 = arith.constant 32 : index
          %swap3A_781 = tpu.vector_load %arg11[%swap3A_779, %swap3A_780] {strides = array<i32>} : memref<321x128xf32, #tpu.memory_space<vmem>>, vector<16xf32>,
          tpu.vector_store %arg11[%swap3A_779, %swap3A_780], %max3A_778 {strides = array<i32>} : memref<321x128xf32, #tpu.memory_space<vmem>>, vector<16xf32>,
          %get3A_782 = arith.index_cast %add3A_751 : i32 to index
          %get3A_783 = arith.constant 48 : index
          %get3A_784 = tpu.vector_load %arg10[%get3A_782, %get3A_783] {strides = array<i32>} : memref<128x128xf32, #tpu.memory_space<vmem>>, vector<16xf32>,
          %get3A_785 = arith.index_cast %squeeze3A_747 : i32 to index
          %get3A_786 = arith.constant 48 : index
          %get3A_787 = tpu.vector_load %arg11[%get3A_785, %get3A_786] {strides = array<i32>} : memref<321x128xf32, #tpu.memory_space<vmem>>, vector<16xf32>,
          %max3A_788 = arith.maximumf %get3A_787, %get3A_784 : vector<16xf32>
          %swap3A_789 = arith.index_cast %squeeze3A_747 : i32 to index
          %swap3A_790 = arith.constant 48 : index
          %swap3A_791 = tpu.vector_load %arg11[%swap3A_789, %swap3A_790] {strides = array<i32>} : memref<321x128xf32, #tpu.memory_space<vmem>>, vector<16xf32>,
          tpu.vector_store %arg11[%swap3A_789, %swap3A_790], %max3A_788 {strides = array<i32>} : memref<321x128xf32, #tpu.memory_space<vmem>>, vector<16xf32>,
          %get3A_792 = arith.index_cast %add3A_751 : i32 to index
          %get3A_793 = arith.constant 64 : index
          %get3A_794 = tpu.vector_load %arg10[%get3A_792, %get3A_793] {strides = array<i32>} : memref<128x128xf32, #tpu.memory_space<vmem>>, vector<16xf32>,
          %get3A_795 = arith.index_cast %squeeze3A_747 : i32 to index
          %get3A_796 = arith.constant 64 : index
          %get3A_797 = tpu.vector_load %arg11[%get3A_795, %get3A_796] {strides = array<i32>} : memref<321x128xf32, #tpu.memory_space<vmem>>, vector<16xf32>,
          %max3A_798 = arith.maximumf %get3A_797, %get3A_794 : vector<16xf32>
          %swap3A_799 = arith.index_cast %squeeze3A_747 : i32 to index
          %swap3A_800 = arith.constant 64 : index
          %swap3A_801 = tpu.vector_load %arg11[%swap3A_799, %swap3A_800] {strides = array<i32>} : memref<321x128xf32, #tpu.memory_space<vmem>>, vector<16xf32>,
          tpu.vector_store %arg11[%swap3A_799, %swap3A_800], %max3A_798 {strides = array<i32>} : memref<321x128xf32, #tpu.memory_space<vmem>>, vector<16xf32>,
          %get3A_802 = arith.index_cast %add3A_751 : i32 to index
          %get3A_803 = arith.constant 80 : index
          %get3A_804 = tpu.vector_load %arg10[%get3A_802, %get3A_803] {strides = array<i32>} : memref<128x128xf32, #tpu.memory_space<vmem>>, vector<16xf32>,
          %get3A_805 = arith.index_cast %squeeze3A_747 : i32 to index
          %get3A_806 = arith.constant 80 : index
          %get3A_807 = tpu.vector_load %arg11[%get3A_805, %get3A_806] {strides = array<i32>} : memref<321x128xf32, #tpu.memory_space<vmem>>, vector<16xf32>,
          %max3A_808 = arith.maximumf %get3A_807, %get3A_804 : vector<16xf32>
          %swap3A_809 = arith.index_cast %squeeze3A_747 : i32 to index
          %swap3A_810 = arith.constant 80 : index
          %swap3A_811 = tpu.vector_load %arg11[%swap3A_809, %swap3A_810] {strides = array<i32>} : memref<321x128xf32, #tpu.memory_space<vmem>>, vector<16xf32>,
          tpu.vector_store %arg11[%swap3A_809, %swap3A_810], %max3A_808 {strides = array<i32>} : memref<321x128xf32, #tpu.memory_space<vmem>>, vector<16xf32>,
          %get3A_812 = arith.index_cast %add3A_751 : i32 to index
          %get3A_813 = arith.constant 96 : index
          %get3A_814 = tpu.vector_load %arg10[%get3A_812, %get3A_813] {strides = array<i32>} : memref<128x128xf32, #tpu.memory_space<vmem>>, vector<16xf32>,
          %get3A_815 = arith.index_cast %squeeze3A_747 : i32 to index
          %get3A_816 = arith.constant 96 : index
          %get3A_817 = tpu.vector_load %arg11[%get3A_815, %get3A_816] {strides = array<i32>} : memref<321x128xf32, #tpu.memory_space<vmem>>, vector<16xf32>,
          %max3A_818 = arith.maximumf %get3A_817, %get3A_814 : vector<16xf32>
          %swap3A_819 = arith.index_cast %squeeze3A_747 : i32 to index
          %swap3A_820 = arith.constant 96 : index
          %swap3A_821 = tpu.vector_load %arg11[%swap3A_819, %swap3A_820] {strides = array<i32>} : memref<321x128xf32, #tpu.memory_space<vmem>>, vector<16xf32>,
          tpu.vector_store %arg11[%swap3A_819, %swap3A_820], %max3A_818 {strides = array<i32>} : memref<321x128xf32, #tpu.memory_space<vmem>>, vector<16xf32>,
          %get3A_822 = arith.index_cast %add3A_751 : i32 to index
          %get3A_823 = arith.constant 112 : index
          %get3A_824 = tpu.vector_load %arg10[%get3A_822, %get3A_823] {strides = array<i32>} : memref<128x128xf32, #tpu.memory_space<vmem>>, vector<16xf32>,
          %get3A_825 = arith.index_cast %squeeze3A_747 : i32 to index
          %get3A_826 = arith.constant 112 : index
          %get3A_827 = tpu.vector_load %arg11[%get3A_825, %get3A_826] {strides = array<i32>} : memref<321x128xf32, #tpu.memory_space<vmem>>, vector<16xf32>,
          %max3A_828 = arith.maximumf %get3A_827, %get3A_824 : vector<16xf32>
          %swap3A_829 = arith.index_cast %squeeze3A_747 : i32 to index
          %swap3A_830 = arith.constant 112 : index
          %swap3A_831 = tpu.vector_load %arg11[%swap3A_829, %swap3A_830] {strides = array<i32>} : memref<321x128xf32, #tpu.memory_space<vmem>>, vector<16xf32>,
          tpu.vector_store %arg11[%swap3A_829, %swap3A_830], %max3A_828 {strides = array<i32>} : memref<321x128xf32, #tpu.memory_space<vmem>>, vector<16xf32>,
          %slice3A_832 = vector.extract_strided_slice %get3A_147 {offsets = [8], sizes = [1], strides = [1]} : vector<16xi32> to vector<1xi32>
          %squeeze3A_833 = vector.extract %slice3A_832[0] : i32 from vector<1xi32>
          %mul3A_834 = arith.constant 16 : i32
          %mul3A_835 = arith.muli %scan3A_143, %mul3A_834 : i32
          %add3A_836 = arith.constant 8 : i32
          %add3A_837 = arith.addi %mul3A_835, %add3A_836 : i32
          %get3A_838 = arith.index_cast %add3A_837 : i32 to index
          %get3A_839 = arith.constant 0 : index
          %get3A_840 = tpu.vector_load %arg10[%get3A_838, %get3A_839] {strides = array<i32>} : memref<128x128xf32, #tpu.memory_space<vmem>>, vector<16xf32>,
          %get3A_841 = arith.index_cast %squeeze3A_833 : i32 to index
          %get3A_842 = arith.constant 0 : index
          %get3A_843 = tpu.vector_load %arg11[%get3A_841, %get3A_842] {strides = array<i32>} : memref<321x128xf32, #tpu.memory_space<vmem>>, vector<16xf32>,
          %max3A_844 = arith.maximumf %get3A_843, %get3A_840 : vector<16xf32>
          %swap3A_845 = arith.index_cast %squeeze3A_833 : i32 to index
          %swap3A_846 = arith.constant 0 : index
          %swap3A_847 = tpu.vector_load %arg11[%swap3A_845, %swap3A_846] {strides = array<i32>} : memref<321x128xf32, #tpu.memory_space<vmem>>, vector<16xf32>,
          tpu.vector_store %arg11[%swap3A_845, %swap3A_846], %max3A_844 {strides = array<i32>} : memref<321x128xf32, #tpu.memory_space<vmem>>, vector<16xf32>,
          %get3A_848 = arith.index_cast %add3A_837 : i32 to index
          %get3A_849 = arith.constant 16 : index
          %get3A_850 = tpu.vector_load %arg10[%get3A_848, %get3A_849] {strides = array<i32>} : memref<128x128xf32, #tpu.memory_space<vmem>>, vector<16xf32>,
          %get3A_851 = arith.index_cast %squeeze3A_833 : i32 to index
          %get3A_852 = arith.constant 16 : index
          %get3A_853 = tpu.vector_load %arg11[%get3A_851, %get3A_852] {strides = array<i32>} : memref<321x128xf32, #tpu.memory_space<vmem>>, vector<16xf32>,
          %max3A_854 = arith.maximumf %get3A_853, %get3A_850 : vector<16xf32>
          %swap3A_855 = arith.index_cast %squeeze3A_833 : i32 to index
          %swap3A_856 = arith.constant 16 : index
          %swap3A_857 = tpu.vector_load %arg11[%swap3A_855, %swap3A_856] {strides = array<i32>} : memref<321x128xf32, #tpu.memory_space<vmem>>, vector<16xf32>,
          tpu.vector_store %arg11[%swap3A_855, %swap3A_856], %max3A_854 {strides = array<i32>} : memref<321x128xf32, #tpu.memory_space<vmem>>, vector<16xf32>,
          %get3A_858 = arith.index_cast %add3A_837 : i32 to index
          %get3A_859 = arith.constant 32 : index
          %get3A_860 = tpu.vector_load %arg10[%get3A_858, %get3A_859] {strides = array<i32>} : memref<128x128xf32, #tpu.memory_space<vmem>>, vector<16xf32>,
          %get3A_861 = arith.index_cast %squeeze3A_833 : i32 to index
          %get3A_862 = arith.constant 32 : index
          %get3A_863 = tpu.vector_load %arg11[%get3A_861, %get3A_862] {strides = array<i32>} : memref<321x128xf32, #tpu.memory_space<vmem>>, vector<16xf32>,
          %max3A_864 = arith.maximumf %get3A_863, %get3A_860 : vector<16xf32>
          %swap3A_865 = arith.index_cast %squeeze3A_833 : i32 to index
          %swap3A_866 = arith.constant 32 : index
          %swap3A_867 = tpu.vector_load %arg11[%swap3A_865, %swap3A_866] {strides = array<i32>} : memref<321x128xf32, #tpu.memory_space<vmem>>, vector<16xf32>,
          tpu.vector_store %arg11[%swap3A_865, %swap3A_866], %max3A_864 {strides = array<i32>} : memref<321x128xf32, #tpu.memory_space<vmem>>, vector<16xf32>,
          %get3A_868 = arith.index_cast %add3A_837 : i32 to index
          %get3A_869 = arith.constant 48 : index
          %get3A_870 = tpu.vector_load %arg10[%get3A_868, %get3A_869] {strides = array<i32>} : memref<128x128xf32, #tpu.memory_space<vmem>>, vector<16xf32>,
          %get3A_871 = arith.index_cast %squeeze3A_833 : i32 to index
          %get3A_872 = arith.constant 48 : index
          %get3A_873 = tpu.vector_load %arg11[%get3A_871, %get3A_872] {strides = array<i32>} : memref<321x128xf32, #tpu.memory_space<vmem>>, vector<16xf32>,
          %max3A_874 = arith.maximumf %get3A_873, %get3A_870 : vector<16xf32>
          %swap3A_875 = arith.index_cast %squeeze3A_833 : i32 to index
          %swap3A_876 = arith.constant 48 : index
          %swap3A_877 = tpu.vector_load %arg11[%swap3A_875, %swap3A_876] {strides = array<i32>} : memref<321x128xf32, #tpu.memory_space<vmem>>, vector<16xf32>,
          tpu.vector_store %arg11[%swap3A_875, %swap3A_876], %max3A_874 {strides = array<i32>} : memref<321x128xf32, #tpu.memory_space<vmem>>, vector<16xf32>,
          %get3A_878 = arith.index_cast %add3A_837 : i32 to index
          %get3A_879 = arith.constant 64 : index
          %get3A_880 = tpu.vector_load %arg10[%get3A_878, %get3A_879] {strides = array<i32>} : memref<128x128xf32, #tpu.memory_space<vmem>>, vector<16xf32>,
          %get3A_881 = arith.index_cast %squeeze3A_833 : i32 to index
          %get3A_882 = arith.constant 64 : index
          %get3A_883 = tpu.vector_load %arg11[%get3A_881, %get3A_882] {strides = array<i32>} : memref<321x128xf32, #tpu.memory_space<vmem>>, vector<16xf32>,
          %max3A_884 = arith.maximumf %get3A_883, %get3A_880 : vector<16xf32>
          %swap3A_885 = arith.index_cast %squeeze3A_833 : i32 to index
          %swap3A_886 = arith.constant 64 : index
          %swap3A_887 = tpu.vector_load %arg11[%swap3A_885, %swap3A_886] {strides = array<i32>} : memref<321x128xf32, #tpu.memory_space<vmem>>, vector<16xf32>,
          tpu.vector_store %arg11[%swap3A_885, %swap3A_886], %max3A_884 {strides = array<i32>} : memref<321x128xf32, #tpu.memory_space<vmem>>, vector<16xf32>,
          %get3A_888 = arith.index_cast %add3A_837 : i32 to index
          %get3A_889 = arith.constant 80 : index
          %get3A_890 = tpu.vector_load %arg10[%get3A_888, %get3A_889] {strides = array<i32>} : memref<128x128xf32, #tpu.memory_space<vmem>>, vector<16xf32>,
          %get3A_891 = arith.index_cast %squeeze3A_833 : i32 to index
          %get3A_892 = arith.constant 80 : index
          %get3A_893 = tpu.vector_load %arg11[%get3A_891, %get3A_892] {strides = array<i32>} : memref<321x128xf32, #tpu.memory_space<vmem>>, vector<16xf32>,
          %max3A_894 = arith.maximumf %get3A_893, %get3A_890 : vector<16xf32>
          %swap3A_895 = arith.index_cast %squeeze3A_833 : i32 to index
          %swap3A_896 = arith.constant 80 : index
          %swap3A_897 = tpu.vector_load %arg11[%swap3A_895, %swap3A_896] {strides = array<i32>} : memref<321x128xf32, #tpu.memory_space<vmem>>, vector<16xf32>,
          tpu.vector_store %arg11[%swap3A_895, %swap3A_896], %max3A_894 {strides = array<i32>} : memref<321x128xf32, #tpu.memory_space<vmem>>, vector<16xf32>,
          %get3A_898 = arith.index_cast %add3A_837 : i32 to index
          %get3A_899 = arith.constant 96 : index
          %get3A_900 = tpu.vector_load %arg10[%get3A_898, %get3A_899] {strides = array<i32>} : memref<128x128xf32, #tpu.memory_space<vmem>>, vector<16xf32>,
          %get3A_901 = arith.index_cast %squeeze3A_833 : i32 to index
          %get3A_902 = arith.constant 96 : index
          %get3A_903 = tpu.vector_load %arg11[%get3A_901, %get3A_902] {strides = array<i32>} : memref<321x128xf32, #tpu.memory_space<vmem>>, vector<16xf32>,
          %max3A_904 = arith.maximumf %get3A_903, %get3A_900 : vector<16xf32>
          %swap3A_905 = arith.index_cast %squeeze3A_833 : i32 to index
          %swap3A_906 = arith.constant 96 : index
          %swap3A_907 = tpu.vector_load %arg11[%swap3A_905, %swap3A_906] {strides = array<i32>} : memref<321x128xf32, #tpu.memory_space<vmem>>, vector<16xf32>,
          tpu.vector_store %arg11[%swap3A_905, %swap3A_906], %max3A_904 {strides = array<i32>} : memref<321x128xf32, #tpu.memory_space<vmem>>, vector<16xf32>,
          %get3A_908 = arith.index_cast %add3A_837 : i32 to index
          %get3A_909 = arith.constant 112 : index
          %get3A_910 = tpu.vector_load %arg10[%get3A_908, %get3A_909] {strides = array<i32>} : memref<128x128xf32, #tpu.memory_space<vmem>>, vector<16xf32>,
          %get3A_911 = arith.index_cast %squeeze3A_833 : i32 to index
          %get3A_912 = arith.constant 112 : index
          %get3A_913 = tpu.vector_load %arg11[%get3A_911, %get3A_912] {strides = array<i32>} : memref<321x128xf32, #tpu.memory_space<vmem>>, vector<16xf32>,
          %max3A_914 = arith.maximumf %get3A_913, %get3A_910 : vector<16xf32>
          %swap3A_915 = arith.index_cast %squeeze3A_833 : i32 to index
          %swap3A_916 = arith.constant 112 : index
          %swap3A_917 = tpu.vector_load %arg11[%swap3A_915, %swap3A_916] {strides = array<i32>} : memref<321x128xf32, #tpu.memory_space<vmem>>, vector<16xf32>,
          tpu.vector_store %arg11[%swap3A_915, %swap3A_916], %max3A_914 {strides = array<i32>} : memref<321x128xf32, #tpu.memory_space<vmem>>, vector<16xf32>,
          %slice3A_918 = vector.extract_strided_slice %get3A_147 {offsets = [9], sizes = [1], strides = [1]} : vector<16xi32> to vector<1xi32>
          %squeeze3A_919 = vector.extract %slice3A_918[0] : i32 from vector<1xi32>
          %mul3A_920 = arith.constant 16 : i32
          %mul3A_921 = arith.muli %scan3A_143, %mul3A_920 : i32
          %add3A_922 = arith.constant 9 : i32
          %add3A_923 = arith.addi %mul3A_921, %add3A_922 : i32
          %get3A_924 = arith.index_cast %add3A_923 : i32 to index
          %get3A_925 = arith.constant 0 : index
          %get3A_926 = tpu.vector_load %arg10[%get3A_924, %get3A_925] {strides = array<i32>} : memref<128x128xf32, #tpu.memory_space<vmem>>, vector<16xf32>,
          %get3A_927 = arith.index_cast %squeeze3A_919 : i32 to index
          %get3A_928 = arith.constant 0 : index
          %get3A_929 = tpu.vector_load %arg11[%get3A_927, %get3A_928] {strides = array<i32>} : memref<321x128xf32, #tpu.memory_space<vmem>>, vector<16xf32>,
          %max3A_930 = arith.maximumf %get3A_929, %get3A_926 : vector<16xf32>
          %swap3A_931 = arith.index_cast %squeeze3A_919 : i32 to index
          %swap3A_932 = arith.constant 0 : index
          %swap3A_933 = tpu.vector_load %arg11[%swap3A_931, %swap3A_932] {strides = array<i32>} : memref<321x128xf32, #tpu.memory_space<vmem>>, vector<16xf32>,
          tpu.vector_store %arg11[%swap3A_931, %swap3A_932], %max3A_930 {strides = array<i32>} : memref<321x128xf32, #tpu.memory_space<vmem>>, vector<16xf32>,
          %get3A_934 = arith.index_cast %add3A_923 : i32 to index
          %get3A_935 = arith.constant 16 : index
          %get3A_936 = tpu.vector_load %arg10[%get3A_934, %get3A_935] {strides = array<i32>} : memref<128x128xf32, #tpu.memory_space<vmem>>, vector<16xf32>,
          %get3A_937 = arith.index_cast %squeeze3A_919 : i32 to index
          %get3A_938 = arith.constant 16 : index
          %get3A_939 = tpu.vector_load %arg11[%get3A_937, %get3A_938] {strides = array<i32>} : memref<321x128xf32, #tpu.memory_space<vmem>>, vector<16xf32>,
          %max3A_940 = arith.maximumf %get3A_939, %get3A_936 : vector<16xf32>
          %swap3A_941 = arith.index_cast %squeeze3A_919 : i32 to index
          %swap3A_942 = arith.constant 16 : index
          %swap3A_943 = tpu.vector_load %arg11[%swap3A_941, %swap3A_942] {strides = array<i32>} : memref<321x128xf32, #tpu.memory_space<vmem>>, vector<16xf32>,
          tpu.vector_store %arg11[%swap3A_941, %swap3A_942], %max3A_940 {strides = array<i32>} : memref<321x128xf32, #tpu.memory_space<vmem>>, vector<16xf32>,
          %get3A_944 = arith.index_cast %add3A_923 : i32 to index
          %get3A_945 = arith.constant 32 : index
          %get3A_946 = tpu.vector_load %arg10[%get3A_944, %get3A_945] {strides = array<i32>} : memref<128x128xf32, #tpu.memory_space<vmem>>, vector<16xf32>,
          %get3A_947 = arith.index_cast %squeeze3A_919 : i32 to index
          %get3A_948 = arith.constant 32 : index
          %get3A_949 = tpu.vector_load %arg11[%get3A_947, %get3A_948] {strides = array<i32>} : memref<321x128xf32, #tpu.memory_space<vmem>>, vector<16xf32>,
          %max3A_950 = arith.maximumf %get3A_949, %get3A_946 : vector<16xf32>
          %swap3A_951 = arith.index_cast %squeeze3A_919 : i32 to index
          %swap3A_952 = arith.constant 32 : index
          %swap3A_953 = tpu.vector_load %arg11[%swap3A_951, %swap3A_952] {strides = array<i32>} : memref<321x128xf32, #tpu.memory_space<vmem>>, vector<16xf32>,
          tpu.vector_store %arg11[%swap3A_951, %swap3A_952], %max3A_950 {strides = array<i32>} : memref<321x128xf32, #tpu.memory_space<vmem>>, vector<16xf32>,
          %get3A_954 = arith.index_cast %add3A_923 : i32 to index
          %get3A_955 = arith.constant 48 : index
          %get3A_956 = tpu.vector_load %arg10[%get3A_954, %get3A_955] {strides = array<i32>} : memref<128x128xf32, #tpu.memory_space<vmem>>, vector<16xf32>,
          %get3A_957 = arith.index_cast %squeeze3A_919 : i32 to index
          %get3A_958 = arith.constant 48 : index
          %get3A_959 = tpu.vector_load %arg11[%get3A_957, %get3A_958] {strides = array<i32>} : memref<321x128xf32, #tpu.memory_space<vmem>>, vector<16xf32>,
          %max3A_960 = arith.maximumf %get3A_959, %get3A_956 : vector<16xf32>
          %swap3A_961 = arith.index_cast %squeeze3A_919 : i32 to index
          %swap3A_962 = arith.constant 48 : index
          %swap3A_963 = tpu.vector_load %arg11[%swap3A_961, %swap3A_962] {strides = array<i32>} : memref<321x128xf32, #tpu.memory_space<vmem>>, vector<16xf32>,
          tpu.vector_store %arg11[%swap3A_961, %swap3A_962], %max3A_960 {strides = array<i32>} : memref<321x128xf32, #tpu.memory_space<vmem>>, vector<16xf32>,
          %get3A_964 = arith.index_cast %add3A_923 : i32 to index
          %get3A_965 = arith.constant 64 : index
          %get3A_966 = tpu.vector_load %arg10[%get3A_964, %get3A_965] {strides = array<i32>} : memref<128x128xf32, #tpu.memory_space<vmem>>, vector<16xf32>,
          %get3A_967 = arith.index_cast %squeeze3A_919 : i32 to index
          %get3A_968 = arith.constant 64 : index
          %get3A_969 = tpu.vector_load %arg11[%get3A_967, %get3A_968] {strides = array<i32>} : memref<321x128xf32, #tpu.memory_space<vmem>>, vector<16xf32>,
          %max3A_970 = arith.maximumf %get3A_969, %get3A_966 : vector<16xf32>
          %swap3A_971 = arith.index_cast %squeeze3A_919 : i32 to index
          %swap3A_972 = arith.constant 64 : index
          %swap3A_973 = tpu.vector_load %arg11[%swap3A_971, %swap3A_972] {strides = array<i32>} : memref<321x128xf32, #tpu.memory_space<vmem>>, vector<16xf32>,
          tpu.vector_store %arg11[%swap3A_971, %swap3A_972], %max3A_970 {strides = array<i32>} : memref<321x128xf32, #tpu.memory_space<vmem>>, vector<16xf32>,
          %get3A_974 = arith.index_cast %add3A_923 : i32 to index
          %get3A_975 = arith.constant 80 : index
          %get3A_976 = tpu.vector_load %arg10[%get3A_974, %get3A_975] {strides = array<i32>} : memref<128x128xf32, #tpu.memory_space<vmem>>, vector<16xf32>,
          %get3A_977 = arith.index_cast %squeeze3A_919 : i32 to index
          %get3A_978 = arith.constant 80 : index
          %get3A_979 = tpu.vector_load %arg11[%get3A_977, %get3A_978] {strides = array<i32>} : memref<321x128xf32, #tpu.memory_space<vmem>>, vector<16xf32>,
          %max3A_980 = arith.maximumf %get3A_979, %get3A_976 : vector<16xf32>
          %swap3A_981 = arith.index_cast %squeeze3A_919 : i32 to index
          %swap3A_982 = arith.constant 80 : index
          %swap3A_983 = tpu.vector_load %arg11[%swap3A_981, %swap3A_982] {strides = array<i32>} : memref<321x128xf32, #tpu.memory_space<vmem>>, vector<16xf32>,
          tpu.vector_store %arg11[%swap3A_981, %swap3A_982], %max3A_980 {strides = array<i32>} : memref<321x128xf32, #tpu.memory_space<vmem>>, vector<16xf32>,
          %get3A_984 = arith.index_cast %add3A_923 : i32 to index
          %get3A_985 = arith.constant 96 : index
          %get3A_986 = tpu.vector_load %arg10[%get3A_984, %get3A_985] {strides = array<i32>} : memref<128x128xf32, #tpu.memory_space<vmem>>, vector<16xf32>,
          %get3A_987 = arith.index_cast %squeeze3A_919 : i32 to index
          %get3A_988 = arith.constant 96 : index
          %get3A_989 = tpu.vector_load %arg11[%get3A_987, %get3A_988] {strides = array<i32>} : memref<321x128xf32, #tpu.memory_space<vmem>>, vector<16xf32>,
          %max3A_990 = arith.maximumf %get3A_989, %get3A_986 : vector<16xf32>
          %swap3A_991 = arith.index_cast %squeeze3A_919 : i32 to index
          %swap3A_992 = arith.constant 96 : index
          %swap3A_993 = tpu.vector_load %arg11[%swap3A_991, %swap3A_992] {strides = array<i32>} : memref<321x128xf32, #tpu.memory_space<vmem>>, vector<16xf32>,
          tpu.vector_store %arg11[%swap3A_991, %swap3A_992], %max3A_990 {strides = array<i32>} : memref<321x128xf32, #tpu.memory_space<vmem>>, vector<16xf32>,
          %get3A_994 = arith.index_cast %add3A_923 : i32 to index
          %get3A_995 = arith.constant 112 : index
          %get3A_996 = tpu.vector_load %arg10[%get3A_994, %get3A_995] {strides = array<i32>} : memref<128x128xf32, #tpu.memory_space<vmem>>, vector<16xf32>,
          %get3A_997 = arith.index_cast %squeeze3A_919 : i32 to index
          %get3A_998 = arith.constant 112 : index
          %get3A_999 = tpu.vector_load %arg11[%get3A_997, %get3A_998] {strides = array<i32>} : memref<321x128xf32, #tpu.memory_space<vmem>>, vector<16xf32>,
          %max3A_1000 = arith.maximumf %get3A_999, %get3A_996 : vector<16xf32>
          %swap3A_1001 = arith.index_cast %squeeze3A_919 : i32 to index
          %swap3A_1002 = arith.constant 112 : index
          %swap3A_1003 = tpu.vector_load %arg11[%swap3A_1001, %swap3A_1002] {strides = array<i32>} : memref<321x128xf32, #tpu.memory_space<vmem>>, vector<16xf32>,
          tpu.vector_store %arg11[%swap3A_1001, %swap3A_1002], %max3A_1000 {strides = array<i32>} : memref<321x128xf32, #tpu.memory_space<vmem>>, vector<16xf32>,
          %slice3A_1004 = vector.extract_strided_slice %get3A_147 {offsets = [10], sizes = [1], strides = [1]} : vector<16xi32> to vector<1xi32>
          %squeeze3A_1005 = vector.extract %slice3A_1004[0] : i32 from vector<1xi32>
          %mul3A_1006 = arith.constant 16 : i32
          %mul3A_1007 = arith.muli %scan3A_143, %mul3A_1006 : i32
          %add3A_1008 = arith.constant 10 : i32
          %add3A_1009 = arith.addi %mul3A_1007, %add3A_1008 : i32
          %get3A_1010 = arith.index_cast %add3A_1009 : i32 to index
          %get3A_1011 = arith.constant 0 : index
          %get3A_1012 = tpu.vector_load %arg10[%get3A_1010, %get3A_1011] {strides = array<i32>} : memref<128x128xf32, #tpu.memory_space<vmem>>, vector<16xf32>,
          %get3A_1013 = arith.index_cast %squeeze3A_1005 : i32 to index
          %get3A_1014 = arith.constant 0 : index
          %get3A_1015 = tpu.vector_load %arg11[%get3A_1013, %get3A_1014] {strides = array<i32>} : memref<321x128xf32, #tpu.memory_space<vmem>>, vector<16xf32>,
          %max3A_1016 = arith.maximumf %get3A_1015, %get3A_1012 : vector<16xf32>
          %swap3A_1017 = arith.index_cast %squeeze3A_1005 : i32 to index
          %swap3A_1018 = arith.constant 0 : index
          %swap3A_1019 = tpu.vector_load %arg11[%swap3A_1017, %swap3A_1018] {strides = array<i32>} : memref<321x128xf32, #tpu.memory_space<vmem>>, vector<16xf32>,
          tpu.vector_store %arg11[%swap3A_1017, %swap3A_1018], %max3A_1016 {strides = array<i32>} : memref<321x128xf32, #tpu.memory_space<vmem>>, vector<16xf32>,
          %get3A_1020 = arith.index_cast %add3A_1009 : i32 to index
          %get3A_1021 = arith.constant 16 : index
          %get3A_1022 = tpu.vector_load %arg10[%get3A_1020, %get3A_1021] {strides = array<i32>} : memref<128x128xf32, #tpu.memory_space<vmem>>, vector<16xf32>,
          %get3A_1023 = arith.index_cast %squeeze3A_1005 : i32 to index
          %get3A_1024 = arith.constant 16 : index
          %get3A_1025 = tpu.vector_load %arg11[%get3A_1023, %get3A_1024] {strides = array<i32>} : memref<321x128xf32, #tpu.memory_space<vmem>>, vector<16xf32>,
          %max3A_1026 = arith.maximumf %get3A_1025, %get3A_1022 : vector<16xf32>
          %swap3A_1027 = arith.index_cast %squeeze3A_1005 : i32 to index
          %swap3A_1028 = arith.constant 16 : index
          %swap3A_1029 = tpu.vector_load %arg11[%swap3A_1027, %swap3A_1028] {strides = array<i32>} : memref<321x128xf32, #tpu.memory_space<vmem>>, vector<16xf32>,
          tpu.vector_store %arg11[%swap3A_1027, %swap3A_1028], %max3A_1026 {strides = array<i32>} : memref<321x128xf32, #tpu.memory_space<vmem>>, vector<16xf32>,
          %get3A_1030 = arith.index_cast %add3A_1009 : i32 to index
          %get3A_1031 = arith.constant 32 : index
          %get3A_1032 = tpu.vector_load %arg10[%get3A_1030, %get3A_1031] {strides = array<i32>} : memref<128x128xf32, #tpu.memory_space<vmem>>, vector<16xf32>,
          %get3A_1033 = arith.index_cast %squeeze3A_1005 : i32 to index
          %get3A_1034 = arith.constant 32 : index
          %get3A_1035 = tpu.vector_load %arg11[%get3A_1033, %get3A_1034] {strides = array<i32>} : memref<321x128xf32, #tpu.memory_space<vmem>>, vector<16xf32>,
          %max3A_1036 = arith.maximumf %get3A_1035, %get3A_1032 : vector<16xf32>
          %swap3A_1037 = arith.index_cast %squeeze3A_1005 : i32 to index
          %swap3A_1038 = arith.constant 32 : index
          %swap3A_1039 = tpu.vector_load %arg11[%swap3A_1037, %swap3A_1038] {strides = array<i32>} : memref<321x128xf32, #tpu.memory_space<vmem>>, vector<16xf32>,
          tpu.vector_store %arg11[%swap3A_1037, %swap3A_1038], %max3A_1036 {strides = array<i32>} : memref<321x128xf32, #tpu.memory_space<vmem>>, vector<16xf32>,
          %get3A_1040 = arith.index_cast %add3A_1009 : i32 to index
          %get3A_1041 = arith.constant 48 : index
          %get3A_1042 = tpu.vector_load %arg10[%get3A_1040, %get3A_1041] {strides = array<i32>} : memref<128x128xf32, #tpu.memory_space<vmem>>, vector<16xf32>,
          %get3A_1043 = arith.index_cast %squeeze3A_1005 : i32 to index
          %get3A_1044 = arith.constant 48 : index
          %get3A_1045 = tpu.vector_load %arg11[%get3A_1043, %get3A_1044] {strides = array<i32>} : memref<321x128xf32, #tpu.memory_space<vmem>>, vector<16xf32>,
          %max3A_1046 = arith.maximumf %get3A_1045, %get3A_1042 : vector<16xf32>
          %swap3A_1047 = arith.index_cast %squeeze3A_1005 : i32 to index
          %swap3A_1048 = arith.constant 48 : index
          %swap3A_1049 = tpu.vector_load %arg11[%swap3A_1047, %swap3A_1048] {strides = array<i32>} : memref<321x128xf32, #tpu.memory_space<vmem>>, vector<16xf32>,
          tpu.vector_store %arg11[%swap3A_1047, %swap3A_1048], %max3A_1046 {strides = array<i32>} : memref<321x128xf32, #tpu.memory_space<vmem>>, vector<16xf32>,
          %get3A_1050 = arith.index_cast %add3A_1009 : i32 to index
          %get3A_1051 = arith.constant 64 : index
          %get3A_1052 = tpu.vector_load %arg10[%get3A_1050, %get3A_1051] {strides = array<i32>} : memref<128x128xf32, #tpu.memory_space<vmem>>, vector<16xf32>,
          %get3A_1053 = arith.index_cast %squeeze3A_1005 : i32 to index
          %get3A_1054 = arith.constant 64 : index
          %get3A_1055 = tpu.vector_load %arg11[%get3A_1053, %get3A_1054] {strides = array<i32>} : memref<321x128xf32, #tpu.memory_space<vmem>>, vector<16xf32>,
          %max3A_1056 = arith.maximumf %get3A_1055, %get3A_1052 : vector<16xf32>
          %swap3A_1057 = arith.index_cast %squeeze3A_1005 : i32 to index
          %swap3A_1058 = arith.constant 64 : index
          %swap3A_1059 = tpu.vector_load %arg11[%swap3A_1057, %swap3A_1058] {strides = array<i32>} : memref<321x128xf32, #tpu.memory_space<vmem>>, vector<16xf32>,
          tpu.vector_store %arg11[%swap3A_1057, %swap3A_1058], %max3A_1056 {strides = array<i32>} : memref<321x128xf32, #tpu.memory_space<vmem>>, vector<16xf32>,
          %get3A_1060 = arith.index_cast %add3A_1009 : i32 to index
          %get3A_1061 = arith.constant 80 : index
          %get3A_1062 = tpu.vector_load %arg10[%get3A_1060, %get3A_1061] {strides = array<i32>} : memref<128x128xf32, #tpu.memory_space<vmem>>, vector<16xf32>,
          %get3A_1063 = arith.index_cast %squeeze3A_1005 : i32 to index
          %get3A_1064 = arith.constant 80 : index
          %get3A_1065 = tpu.vector_load %arg11[%get3A_1063, %get3A_1064] {strides = array<i32>} : memref<321x128xf32, #tpu.memory_space<vmem>>, vector<16xf32>,
          %max3A_1066 = arith.maximumf %get3A_1065, %get3A_1062 : vector<16xf32>
          %swap3A_1067 = arith.index_cast %squeeze3A_1005 : i32 to index
          %swap3A_1068 = arith.constant 80 : index
          %swap3A_1069 = tpu.vector_load %arg11[%swap3A_1067, %swap3A_1068] {strides = array<i32>} : memref<321x128xf32, #tpu.memory_space<vmem>>, vector<16xf32>,
          tpu.vector_store %arg11[%swap3A_1067, %swap3A_1068], %max3A_1066 {strides = array<i32>} : memref<321x128xf32, #tpu.memory_space<vmem>>, vector<16xf32>,
          %get3A_1070 = arith.index_cast %add3A_1009 : i32 to index
          %get3A_1071 = arith.constant 96 : index
          %get3A_1072 = tpu.vector_load %arg10[%get3A_1070, %get3A_1071] {strides = array<i32>} : memref<128x128xf32, #tpu.memory_space<vmem>>, vector<16xf32>,
          %get3A_1073 = arith.index_cast %squeeze3A_1005 : i32 to index
          %get3A_1074 = arith.constant 96 : index
          %get3A_1075 = tpu.vector_load %arg11[%get3A_1073, %get3A_1074] {strides = array<i32>} : memref<321x128xf32, #tpu.memory_space<vmem>>, vector<16xf32>,
          %max3A_1076 = arith.maximumf %get3A_1075, %get3A_1072 : vector<16xf32>
          %swap3A_1077 = arith.index_cast %squeeze3A_1005 : i32 to index
          %swap3A_1078 = arith.constant 96 : index
          %swap3A_1079 = tpu.vector_load %arg11[%swap3A_1077, %swap3A_1078] {strides = array<i32>} : memref<321x128xf32, #tpu.memory_space<vmem>>, vector<16xf32>,
          tpu.vector_store %arg11[%swap3A_1077, %swap3A_1078], %max3A_1076 {strides = array<i32>} : memref<321x128xf32, #tpu.memory_space<vmem>>, vector<16xf32>,
          %get3A_1080 = arith.index_cast %add3A_1009 : i32 to index
          %get3A_1081 = arith.constant 112 : index
          %get3A_1082 = tpu.vector_load %arg10[%get3A_1080, %get3A_1081] {strides = array<i32>} : memref<128x128xf32, #tpu.memory_space<vmem>>, vector<16xf32>,
          %get3A_1083 = arith.index_cast %squeeze3A_1005 : i32 to index
          %get3A_1084 = arith.constant 112 : index
          %get3A_1085 = tpu.vector_load %arg11[%get3A_1083, %get3A_1084] {strides = array<i32>} : memref<321x128xf32, #tpu.memory_space<vmem>>, vector<16xf32>,
          %max3A_1086 = arith.maximumf %get3A_1085, %get3A_1082 : vector<16xf32>
          %swap3A_1087 = arith.index_cast %squeeze3A_1005 : i32 to index
          %swap3A_1088 = arith.constant 112 : index
          %swap3A_1089 = tpu.vector_load %arg11[%swap3A_1087, %swap3A_1088] {strides = array<i32>} : memref<321x128xf32, #tpu.memory_space<vmem>>, vector<16xf32>,
          tpu.vector_store %arg11[%swap3A_1087, %swap3A_1088], %max3A_1086 {strides = array<i32>} : memref<321x128xf32, #tpu.memory_space<vmem>>, vector<16xf32>,
          %slice3A_1090 = vector.extract_strided_slice %get3A_147 {offsets = [11], sizes = [1], strides = [1]} : vector<16xi32> to vector<1xi32>
          %squeeze3A_1091 = vector.extract %slice3A_1090[0] : i32 from vector<1xi32>
          %mul3A_1092 = arith.constant 16 : i32
          %mul3A_1093 = arith.muli %scan3A_143, %mul3A_1092 : i32
          %add3A_1094 = arith.constant 11 : i32
          %add3A_1095 = arith.addi %mul3A_1093, %add3A_1094 : i32
          %get3A_1096 = arith.index_cast %add3A_1095 : i32 to index
          %get3A_1097 = arith.constant 0 : index
          %get3A_1098 = tpu.vector_load %arg10[%get3A_1096, %get3A_1097] {strides = array<i32>} : memref<128x128xf32, #tpu.memory_space<vmem>>, vector<16xf32>,
          %get3A_1099 = arith.index_cast %squeeze3A_1091 : i32 to index
          %get3A_1100 = arith.constant 0 : index
          %get3A_1101 = tpu.vector_load %arg11[%get3A_1099, %get3A_1100] {strides = array<i32>} : memref<321x128xf32, #tpu.memory_space<vmem>>, vector<16xf32>,
          %max3A_1102 = arith.maximumf %get3A_1101, %get3A_1098 : vector<16xf32>
          %swap3A_1103 = arith.index_cast %squeeze3A_1091 : i32 to index
          %swap3A_1104 = arith.constant 0 : index
          %swap3A_1105 = tpu.vector_load %arg11[%swap3A_1103, %swap3A_1104] {strides = array<i32>} : memref<321x128xf32, #tpu.memory_space<vmem>>, vector<16xf32>,
          tpu.vector_store %arg11[%swap3A_1103, %swap3A_1104], %max3A_1102 {strides = array<i32>} : memref<321x128xf32, #tpu.memory_space<vmem>>, vector<16xf32>,
          %get3A_1106 = arith.index_cast %add3A_1095 : i32 to index
          %get3A_1107 = arith.constant 16 : index
          %get3A_1108 = tpu.vector_load %arg10[%get3A_1106, %get3A_1107] {strides = array<i32>} : memref<128x128xf32, #tpu.memory_space<vmem>>, vector<16xf32>,
          %get3A_1109 = arith.index_cast %squeeze3A_1091 : i32 to index
          %get3A_1110 = arith.constant 16 : index
          %get3A_1111 = tpu.vector_load %arg11[%get3A_1109, %get3A_1110] {strides = array<i32>} : memref<321x128xf32, #tpu.memory_space<vmem>>, vector<16xf32>,
          %max3A_1112 = arith.maximumf %get3A_1111, %get3A_1108 : vector<16xf32>
          %swap3A_1113 = arith.index_cast %squeeze3A_1091 : i32 to index
          %swap3A_1114 = arith.constant 16 : index
          %swap3A_1115 = tpu.vector_load %arg11[%swap3A_1113, %swap3A_1114] {strides = array<i32>} : memref<321x128xf32, #tpu.memory_space<vmem>>, vector<16xf32>,
          tpu.vector_store %arg11[%swap3A_1113, %swap3A_1114], %max3A_1112 {strides = array<i32>} : memref<321x128xf32, #tpu.memory_space<vmem>>, vector<16xf32>,
          %get3A_1116 = arith.index_cast %add3A_1095 : i32 to index
          %get3A_1117 = arith.constant 32 : index
          %get3A_1118 = tpu.vector_load %arg10[%get3A_1116, %get3A_1117] {strides = array<i32>} : memref<128x128xf32, #tpu.memory_space<vmem>>, vector<16xf32>,
          %get3A_1119 = arith.index_cast %squeeze3A_1091 : i32 to index
          %get3A_1120 = arith.constant 32 : index
          %get3A_1121 = tpu.vector_load %arg11[%get3A_1119, %get3A_1120] {strides = array<i32>} : memref<321x128xf32, #tpu.memory_space<vmem>>, vector<16xf32>,
          %max3A_1122 = arith.maximumf %get3A_1121, %get3A_1118 : vector<16xf32>
          %swap3A_1123 = arith.index_cast %squeeze3A_1091 : i32 to index
          %swap3A_1124 = arith.constant 32 : index
          %swap3A_1125 = tpu.vector_load %arg11[%swap3A_1123, %swap3A_1124] {strides = array<i32>} : memref<321x128xf32, #tpu.memory_space<vmem>>, vector<16xf32>,
          tpu.vector_store %arg11[%swap3A_1123, %swap3A_1124], %max3A_1122 {strides = array<i32>} : memref<321x128xf32, #tpu.memory_space<vmem>>, vector<16xf32>,
          %get3A_1126 = arith.index_cast %add3A_1095 : i32 to index
          %get3A_1127 = arith.constant 48 : index
          %get3A_1128 = tpu.vector_load %arg10[%get3A_1126, %get3A_1127] {strides = array<i32>} : memref<128x128xf32, #tpu.memory_space<vmem>>, vector<16xf32>,
          %get3A_1129 = arith.index_cast %squeeze3A_1091 : i32 to index
          %get3A_1130 = arith.constant 48 : index
          %get3A_1131 = tpu.vector_load %arg11[%get3A_1129, %get3A_1130] {strides = array<i32>} : memref<321x128xf32, #tpu.memory_space<vmem>>, vector<16xf32>,
          %max3A_1132 = arith.maximumf %get3A_1131, %get3A_1128 : vector<16xf32>
          %swap3A_1133 = arith.index_cast %squeeze3A_1091 : i32 to index
          %swap3A_1134 = arith.constant 48 : index
          %swap3A_1135 = tpu.vector_load %arg11[%swap3A_1133, %swap3A_1134] {strides = array<i32>} : memref<321x128xf32, #tpu.memory_space<vmem>>, vector<16xf32>,
          tpu.vector_store %arg11[%swap3A_1133, %swap3A_1134], %max3A_1132 {strides = array<i32>} : memref<321x128xf32, #tpu.memory_space<vmem>>, vector<16xf32>,
          %get3A_1136 = arith.index_cast %add3A_1095 : i32 to index
          %get3A_1137 = arith.constant 64 : index
          %get3A_1138 = tpu.vector_load %arg10[%get3A_1136, %get3A_1137] {strides = array<i32>} : memref<128x128xf32, #tpu.memory_space<vmem>>, vector<16xf32>,
          %get3A_1139 = arith.index_cast %squeeze3A_1091 : i32 to index
          %get3A_1140 = arith.constant 64 : index
          %get3A_1141 = tpu.vector_load %arg11[%get3A_1139, %get3A_1140] {strides = array<i32>} : memref<321x128xf32, #tpu.memory_space<vmem>>, vector<16xf32>,
          %max3A_1142 = arith.maximumf %get3A_1141, %get3A_1138 : vector<16xf32>
          %swap3A_1143 = arith.index_cast %squeeze3A_1091 : i32 to index
          %swap3A_1144 = arith.constant 64 : index
          %swap3A_1145 = tpu.vector_load %arg11[%swap3A_1143, %swap3A_1144] {strides = array<i32>} : memref<321x128xf32, #tpu.memory_space<vmem>>, vector<16xf32>,
          tpu.vector_store %arg11[%swap3A_1143, %swap3A_1144], %max3A_1142 {strides = array<i32>} : memref<321x128xf32, #tpu.memory_space<vmem>>, vector<16xf32>,
          %get3A_1146 = arith.index_cast %add3A_1095 : i32 to index
          %get3A_1147 = arith.constant 80 : index
          %get3A_1148 = tpu.vector_load %arg10[%get3A_1146, %get3A_1147] {strides = array<i32>} : memref<128x128xf32, #tpu.memory_space<vmem>>, vector<16xf32>,
          %get3A_1149 = arith.index_cast %squeeze3A_1091 : i32 to index
          %get3A_1150 = arith.constant 80 : index
          %get3A_1151 = tpu.vector_load %arg11[%get3A_1149, %get3A_1150] {strides = array<i32>} : memref<321x128xf32, #tpu.memory_space<vmem>>, vector<16xf32>,
          %max3A_1152 = arith.maximumf %get3A_1151, %get3A_1148 : vector<16xf32>
          %swap3A_1153 = arith.index_cast %squeeze3A_1091 : i32 to index
          %swap3A_1154 = arith.constant 80 : index
          %swap3A_1155 = tpu.vector_load %arg11[%swap3A_1153, %swap3A_1154] {strides = array<i32>} : memref<321x128xf32, #tpu.memory_space<vmem>>, vector<16xf32>,
          tpu.vector_store %arg11[%swap3A_1153, %swap3A_1154], %max3A_1152 {strides = array<i32>} : memref<321x128xf32, #tpu.memory_space<vmem>>, vector<16xf32>,
          %get3A_1156 = arith.index_cast %add3A_1095 : i32 to index
          %get3A_1157 = arith.constant 96 : index
          %get3A_1158 = tpu.vector_load %arg10[%get3A_1156, %get3A_1157] {strides = array<i32>} : memref<128x128xf32, #tpu.memory_space<vmem>>, vector<16xf32>,
          %get3A_1159 = arith.index_cast %squeeze3A_1091 : i32 to index
          %get3A_1160 = arith.constant 96 : index
          %get3A_1161 = tpu.vector_load %arg11[%get3A_1159, %get3A_1160] {strides = array<i32>} : memref<321x128xf32, #tpu.memory_space<vmem>>, vector<16xf32>,
          %max3A_1162 = arith.maximumf %get3A_1161, %get3A_1158 : vector<16xf32>
          %swap3A_1163 = arith.index_cast %squeeze3A_1091 : i32 to index
          %swap3A_1164 = arith.constant 96 : index
          %swap3A_1165 = tpu.vector_load %arg11[%swap3A_1163, %swap3A_1164] {strides = array<i32>} : memref<321x128xf32, #tpu.memory_space<vmem>>, vector<16xf32>,
          tpu.vector_store %arg11[%swap3A_1163, %swap3A_1164], %max3A_1162 {strides = array<i32>} : memref<321x128xf32, #tpu.memory_space<vmem>>, vector<16xf32>,
          %get3A_1166 = arith.index_cast %add3A_1095 : i32 to index
          %get3A_1167 = arith.constant 112 : index
          %get3A_1168 = tpu.vector_load %arg10[%get3A_1166, %get3A_1167] {strides = array<i32>} : memref<128x128xf32, #tpu.memory_space<vmem>>, vector<16xf32>,
          %get3A_1169 = arith.index_cast %squeeze3A_1091 : i32 to index
          %get3A_1170 = arith.constant 112 : index
          %get3A_1171 = tpu.vector_load %arg11[%get3A_1169, %get3A_1170] {strides = array<i32>} : memref<321x128xf32, #tpu.memory_space<vmem>>, vector<16xf32>,
          %max3A_1172 = arith.maximumf %get3A_1171, %get3A_1168 : vector<16xf32>
          %swap3A_1173 = arith.index_cast %squeeze3A_1091 : i32 to index
          %swap3A_1174 = arith.constant 112 : index
          %swap3A_1175 = tpu.vector_load %arg11[%swap3A_1173, %swap3A_1174] {strides = array<i32>} : memref<321x128xf32, #tpu.memory_space<vmem>>, vector<16xf32>,
          tpu.vector_store %arg11[%swap3A_1173, %swap3A_1174], %max3A_1172 {strides = array<i32>} : memref<321x128xf32, #tpu.memory_space<vmem>>, vector<16xf32>,
          %slice3A_1176 = vector.extract_strided_slice %get3A_147 {offsets = [12], sizes = [1], strides = [1]} : vector<16xi32> to vector<1xi32>
          %squeeze3A_1177 = vector.extract %slice3A_1176[0] : i32 from vector<1xi32>
          %mul3A_1178 = arith.constant 16 : i32
          %mul3A_1179 = arith.muli %scan3A_143, %mul3A_1178 : i32
          %add3A_1180 = arith.constant 12 : i32
          %add3A_1181 = arith.addi %mul3A_1179, %add3A_1180 : i32
          %get3A_1182 = arith.index_cast %add3A_1181 : i32 to index
          %get3A_1183 = arith.constant 0 : index
          %get3A_1184 = tpu.vector_load %arg10[%get3A_1182, %get3A_1183] {strides = array<i32>} : memref<128x128xf32, #tpu.memory_space<vmem>>, vector<16xf32>,
          %get3A_1185 = arith.index_cast %squeeze3A_1177 : i32 to index
          %get3A_1186 = arith.constant 0 : index
          %get3A_1187 = tpu.vector_load %arg11[%get3A_1185, %get3A_1186] {strides = array<i32>} : memref<321x128xf32, #tpu.memory_space<vmem>>, vector<16xf32>,
          %max3A_1188 = arith.maximumf %get3A_1187, %get3A_1184 : vector<16xf32>
          %swap3A_1189 = arith.index_cast %squeeze3A_1177 : i32 to index
          %swap3A_1190 = arith.constant 0 : index
          %swap3A_1191 = tpu.vector_load %arg11[%swap3A_1189, %swap3A_1190] {strides = array<i32>} : memref<321x128xf32, #tpu.memory_space<vmem>>, vector<16xf32>,
          tpu.vector_store %arg11[%swap3A_1189, %swap3A_1190], %max3A_1188 {strides = array<i32>} : memref<321x128xf32, #tpu.memory_space<vmem>>, vector<16xf32>,
          %get3A_1192 = arith.index_cast %add3A_1181 : i32 to index
          %get3A_1193 = arith.constant 16 : index
          %get3A_1194 = tpu.vector_load %arg10[%get3A_1192, %get3A_1193] {strides = array<i32>} : memref<128x128xf32, #tpu.memory_space<vmem>>, vector<16xf32>,
          %get3A_1195 = arith.index_cast %squeeze3A_1177 : i32 to index
          %get3A_1196 = arith.constant 16 : index
          %get3A_1197 = tpu.vector_load %arg11[%get3A_1195, %get3A_1196] {strides = array<i32>} : memref<321x128xf32, #tpu.memory_space<vmem>>, vector<16xf32>,
          %max3A_1198 = arith.maximumf %get3A_1197, %get3A_1194 : vector<16xf32>
          %swap3A_1199 = arith.index_cast %squeeze3A_1177 : i32 to index
          %swap3A_1200 = arith.constant 16 : index
          %swap3A_1201 = tpu.vector_load %arg11[%swap3A_1199, %swap3A_1200] {strides = array<i32>} : memref<321x128xf32, #tpu.memory_space<vmem>>, vector<16xf32>,
          tpu.vector_store %arg11[%swap3A_1199, %swap3A_1200], %max3A_1198 {strides = array<i32>} : memref<321x128xf32, #tpu.memory_space<vmem>>, vector<16xf32>,
          %get3A_1202 = arith.index_cast %add3A_1181 : i32 to index
          %get3A_1203 = arith.constant 32 : index
          %get3A_1204 = tpu.vector_load %arg10[%get3A_1202, %get3A_1203] {strides = array<i32>} : memref<128x128xf32, #tpu.memory_space<vmem>>, vector<16xf32>,
          %get3A_1205 = arith.index_cast %squeeze3A_1177 : i32 to index
          %get3A_1206 = arith.constant 32 : index
          %get3A_1207 = tpu.vector_load %arg11[%get3A_1205, %get3A_1206] {strides = array<i32>} : memref<321x128xf32, #tpu.memory_space<vmem>>, vector<16xf32>,
          %max3A_1208 = arith.maximumf %get3A_1207, %get3A_1204 : vector<16xf32>
          %swap3A_1209 = arith.index_cast %squeeze3A_1177 : i32 to index
          %swap3A_1210 = arith.constant 32 : index
          %swap3A_1211 = tpu.vector_load %arg11[%swap3A_1209, %swap3A_1210] {strides = array<i32>} : memref<321x128xf32, #tpu.memory_space<vmem>>, vector<16xf32>,
          tpu.vector_store %arg11[%swap3A_1209, %swap3A_1210], %max3A_1208 {strides = array<i32>} : memref<321x128xf32, #tpu.memory_space<vmem>>, vector<16xf32>,
          %get3A_1212 = arith.index_cast %add3A_1181 : i32 to index
          %get3A_1213 = arith.constant 48 : index
          %get3A_1214 = tpu.vector_load %arg10[%get3A_1212, %get3A_1213] {strides = array<i32>} : memref<128x128xf32, #tpu.memory_space<vmem>>, vector<16xf32>,
          %get3A_1215 = arith.index_cast %squeeze3A_1177 : i32 to index
          %get3A_1216 = arith.constant 48 : index
          %get3A_1217 = tpu.vector_load %arg11[%get3A_1215, %get3A_1216] {strides = array<i32>} : memref<321x128xf32, #tpu.memory_space<vmem>>, vector<16xf32>,
          %max3A_1218 = arith.maximumf %get3A_1217, %get3A_1214 : vector<16xf32>
          %swap3A_1219 = arith.index_cast %squeeze3A_1177 : i32 to index
          %swap3A_1220 = arith.constant 48 : index
          %swap3A_1221 = tpu.vector_load %arg11[%swap3A_1219, %swap3A_1220] {strides = array<i32>} : memref<321x128xf32, #tpu.memory_space<vmem>>, vector<16xf32>,
          tpu.vector_store %arg11[%swap3A_1219, %swap3A_1220], %max3A_1218 {strides = array<i32>} : memref<321x128xf32, #tpu.memory_space<vmem>>, vector<16xf32>,
          %get3A_1222 = arith.index_cast %add3A_1181 : i32 to index
          %get3A_1223 = arith.constant 64 : index
          %get3A_1224 = tpu.vector_load %arg10[%get3A_1222, %get3A_1223] {strides = array<i32>} : memref<128x128xf32, #tpu.memory_space<vmem>>, vector<16xf32>,
          %get3A_1225 = arith.index_cast %squeeze3A_1177 : i32 to index
          %get3A_1226 = arith.constant 64 : index
          %get3A_1227 = tpu.vector_load %arg11[%get3A_1225, %get3A_1226] {strides = array<i32>} : memref<321x128xf32, #tpu.memory_space<vmem>>, vector<16xf32>,
          %max3A_1228 = arith.maximumf %get3A_1227, %get3A_1224 : vector<16xf32>
          %swap3A_1229 = arith.index_cast %squeeze3A_1177 : i32 to index
          %swap3A_1230 = arith.constant 64 : index
          %swap3A_1231 = tpu.vector_load %arg11[%swap3A_1229, %swap3A_1230] {strides = array<i32>} : memref<321x128xf32, #tpu.memory_space<vmem>>, vector<16xf32>,
          tpu.vector_store %arg11[%swap3A_1229, %swap3A_1230], %max3A_1228 {strides = array<i32>} : memref<321x128xf32, #tpu.memory_space<vmem>>, vector<16xf32>,
          %get3A_1232 = arith.index_cast %add3A_1181 : i32 to index
          %get3A_1233 = arith.constant 80 : index
          %get3A_1234 = tpu.vector_load %arg10[%get3A_1232, %get3A_1233] {strides = array<i32>} : memref<128x128xf32, #tpu.memory_space<vmem>>, vector<16xf32>,
          %get3A_1235 = arith.index_cast %squeeze3A_1177 : i32 to index
          %get3A_1236 = arith.constant 80 : index
          %get3A_1237 = tpu.vector_load %arg11[%get3A_1235, %get3A_1236] {strides = array<i32>} : memref<321x128xf32, #tpu.memory_space<vmem>>, vector<16xf32>,
          %max3A_1238 = arith.maximumf %get3A_1237, %get3A_1234 : vector<16xf32>
          %swap3A_1239 = arith.index_cast %squeeze3A_1177 : i32 to index
          %swap3A_1240 = arith.constant 80 : index
          %swap3A_1241 = tpu.vector_load %arg11[%swap3A_1239, %swap3A_1240] {strides = array<i32>} : memref<321x128xf32, #tpu.memory_space<vmem>>, vector<16xf32>,
          tpu.vector_store %arg11[%swap3A_1239, %swap3A_1240], %max3A_1238 {strides = array<i32>} : memref<321x128xf32, #tpu.memory_space<vmem>>, vector<16xf32>,
          %get3A_1242 = arith.index_cast %add3A_1181 : i32 to index
          %get3A_1243 = arith.constant 96 : index
          %get3A_1244 = tpu.vector_load %arg10[%get3A_1242, %get3A_1243] {strides = array<i32>} : memref<128x128xf32, #tpu.memory_space<vmem>>, vector<16xf32>,
          %get3A_1245 = arith.index_cast %squeeze3A_1177 : i32 to index
          %get3A_1246 = arith.constant 96 : index
          %get3A_1247 = tpu.vector_load %arg11[%get3A_1245, %get3A_1246] {strides = array<i32>} : memref<321x128xf32, #tpu.memory_space<vmem>>, vector<16xf32>,
          %max3A_1248 = arith.maximumf %get3A_1247, %get3A_1244 : vector<16xf32>
          %swap3A_1249 = arith.index_cast %squeeze3A_1177 : i32 to index
          %swap3A_1250 = arith.constant 96 : index
          %swap3A_1251 = tpu.vector_load %arg11[%swap3A_1249, %swap3A_1250] {strides = array<i32>} : memref<321x128xf32, #tpu.memory_space<vmem>>, vector<16xf32>,
          tpu.vector_store %arg11[%swap3A_1249, %swap3A_1250], %max3A_1248 {strides = array<i32>} : memref<321x128xf32, #tpu.memory_space<vmem>>, vector<16xf32>,
          %get3A_1252 = arith.index_cast %add3A_1181 : i32 to index
          %get3A_1253 = arith.constant 112 : index
          %get3A_1254 = tpu.vector_load %arg10[%get3A_1252, %get3A_1253] {strides = array<i32>} : memref<128x128xf32, #tpu.memory_space<vmem>>, vector<16xf32>,
          %get3A_1255 = arith.index_cast %squeeze3A_1177 : i32 to index
          %get3A_1256 = arith.constant 112 : index
          %get3A_1257 = tpu.vector_load %arg11[%get3A_1255, %get3A_1256] {strides = array<i32>} : memref<321x128xf32, #tpu.memory_space<vmem>>, vector<16xf32>,
          %max3A_1258 = arith.maximumf %get3A_1257, %get3A_1254 : vector<16xf32>
          %swap3A_1259 = arith.index_cast %squeeze3A_1177 : i32 to index
          %swap3A_1260 = arith.constant 112 : index
          %swap3A_1261 = tpu.vector_load %arg11[%swap3A_1259, %swap3A_1260] {strides = array<i32>} : memref<321x128xf32, #tpu.memory_space<vmem>>, vector<16xf32>,
          tpu.vector_store %arg11[%swap3A_1259, %swap3A_1260], %max3A_1258 {strides = array<i32>} : memref<321x128xf32, #tpu.memory_space<vmem>>, vector<16xf32>,
          %slice3A_1262 = vector.extract_strided_slice %get3A_147 {offsets = [13], sizes = [1], strides = [1]} : vector<16xi32> to vector<1xi32>
          %squeeze3A_1263 = vector.extract %slice3A_1262[0] : i32 from vector<1xi32>
          %mul3A_1264 = arith.constant 16 : i32
          %mul3A_1265 = arith.muli %scan3A_143, %mul3A_1264 : i32
          %add3A_1266 = arith.constant 13 : i32
          %add3A_1267 = arith.addi %mul3A_1265, %add3A_1266 : i32
          %get3A_1268 = arith.index_cast %add3A_1267 : i32 to index
          %get3A_1269 = arith.constant 0 : index
          %get3A_1270 = tpu.vector_load %arg10[%get3A_1268, %get3A_1269] {strides = array<i32>} : memref<128x128xf32, #tpu.memory_space<vmem>>, vector<16xf32>,
          %get3A_1271 = arith.index_cast %squeeze3A_1263 : i32 to index
          %get3A_1272 = arith.constant 0 : index
          %get3A_1273 = tpu.vector_load %arg11[%get3A_1271, %get3A_1272] {strides = array<i32>} : memref<321x128xf32, #tpu.memory_space<vmem>>, vector<16xf32>,
          %max3A_1274 = arith.maximumf %get3A_1273, %get3A_1270 : vector<16xf32>
          %swap3A_1275 = arith.index_cast %squeeze3A_1263 : i32 to index
          %swap3A_1276 = arith.constant 0 : index
          %swap3A_1277 = tpu.vector_load %arg11[%swap3A_1275, %swap3A_1276] {strides = array<i32>} : memref<321x128xf32, #tpu.memory_space<vmem>>, vector<16xf32>,
          tpu.vector_store %arg11[%swap3A_1275, %swap3A_1276], %max3A_1274 {strides = array<i32>} : memref<321x128xf32, #tpu.memory_space<vmem>>, vector<16xf32>,
          %get3A_1278 = arith.index_cast %add3A_1267 : i32 to index
          %get3A_1279 = arith.constant 16 : index
          %get3A_1280 = tpu.vector_load %arg10[%get3A_1278, %get3A_1279] {strides = array<i32>} : memref<128x128xf32, #tpu.memory_space<vmem>>, vector<16xf32>,
          %get3A_1281 = arith.index_cast %squeeze3A_1263 : i32 to index
          %get3A_1282 = arith.constant 16 : index
          %get3A_1283 = tpu.vector_load %arg11[%get3A_1281, %get3A_1282] {strides = array<i32>} : memref<321x128xf32, #tpu.memory_space<vmem>>, vector<16xf32>,
          %max3A_1284 = arith.maximumf %get3A_1283, %get3A_1280 : vector<16xf32>
          %swap3A_1285 = arith.index_cast %squeeze3A_1263 : i32 to index
          %swap3A_1286 = arith.constant 16 : index
          %swap3A_1287 = tpu.vector_load %arg11[%swap3A_1285, %swap3A_1286] {strides = array<i32>} : memref<321x128xf32, #tpu.memory_space<vmem>>, vector<16xf32>,
          tpu.vector_store %arg11[%swap3A_1285, %swap3A_1286], %max3A_1284 {strides = array<i32>} : memref<321x128xf32, #tpu.memory_space<vmem>>, vector<16xf32>,
          %get3A_1288 = arith.index_cast %add3A_1267 : i32 to index
          %get3A_1289 = arith.constant 32 : index
          %get3A_1290 = tpu.vector_load %arg10[%get3A_1288, %get3A_1289] {strides = array<i32>} : memref<128x128xf32, #tpu.memory_space<vmem>>, vector<16xf32>,
          %get3A_1291 = arith.index_cast %squeeze3A_1263 : i32 to index
          %get3A_1292 = arith.constant 32 : index
          %get3A_1293 = tpu.vector_load %arg11[%get3A_1291, %get3A_1292] {strides = array<i32>} : memref<321x128xf32, #tpu.memory_space<vmem>>, vector<16xf32>,
          %max3A_1294 = arith.maximumf %get3A_1293, %get3A_1290 : vector<16xf32>
          %swap3A_1295 = arith.index_cast %squeeze3A_1263 : i32 to index
          %swap3A_1296 = arith.constant 32 : index
          %swap3A_1297 = tpu.vector_load %arg11[%swap3A_1295, %swap3A_1296] {strides = array<i32>} : memref<321x128xf32, #tpu.memory_space<vmem>>, vector<16xf32>,
          tpu.vector_store %arg11[%swap3A_1295, %swap3A_1296], %max3A_1294 {strides = array<i32>} : memref<321x128xf32, #tpu.memory_space<vmem>>, vector<16xf32>,
          %get3A_1298 = arith.index_cast %add3A_1267 : i32 to index
          %get3A_1299 = arith.constant 48 : index
          %get3A_1300 = tpu.vector_load %arg10[%get3A_1298, %get3A_1299] {strides = array<i32>} : memref<128x128xf32, #tpu.memory_space<vmem>>, vector<16xf32>,
          %get3A_1301 = arith.index_cast %squeeze3A_1263 : i32 to index
          %get3A_1302 = arith.constant 48 : index
          %get3A_1303 = tpu.vector_load %arg11[%get3A_1301, %get3A_1302] {strides = array<i32>} : memref<321x128xf32, #tpu.memory_space<vmem>>, vector<16xf32>,
          %max3A_1304 = arith.maximumf %get3A_1303, %get3A_1300 : vector<16xf32>
          %swap3A_1305 = arith.index_cast %squeeze3A_1263 : i32 to index
          %swap3A_1306 = arith.constant 48 : index
          %swap3A_1307 = tpu.vector_load %arg11[%swap3A_1305, %swap3A_1306] {strides = array<i32>} : memref<321x128xf32, #tpu.memory_space<vmem>>, vector<16xf32>,
          tpu.vector_store %arg11[%swap3A_1305, %swap3A_1306], %max3A_1304 {strides = array<i32>} : memref<321x128xf32, #tpu.memory_space<vmem>>, vector<16xf32>,
          %get3A_1308 = arith.index_cast %add3A_1267 : i32 to index
          %get3A_1309 = arith.constant 64 : index
          %get3A_1310 = tpu.vector_load %arg10[%get3A_1308, %get3A_1309] {strides = array<i32>} : memref<128x128xf32, #tpu.memory_space<vmem>>, vector<16xf32>,
          %get3A_1311 = arith.index_cast %squeeze3A_1263 : i32 to index
          %get3A_1312 = arith.constant 64 : index
          %get3A_1313 = tpu.vector_load %arg11[%get3A_1311, %get3A_1312] {strides = array<i32>} : memref<321x128xf32, #tpu.memory_space<vmem>>, vector<16xf32>,
          %max3A_1314 = arith.maximumf %get3A_1313, %get3A_1310 : vector<16xf32>
          %swap3A_1315 = arith.index_cast %squeeze3A_1263 : i32 to index
          %swap3A_1316 = arith.constant 64 : index
          %swap3A_1317 = tpu.vector_load %arg11[%swap3A_1315, %swap3A_1316] {strides = array<i32>} : memref<321x128xf32, #tpu.memory_space<vmem>>, vector<16xf32>,
          tpu.vector_store %arg11[%swap3A_1315, %swap3A_1316], %max3A_1314 {strides = array<i32>} : memref<321x128xf32, #tpu.memory_space<vmem>>, vector<16xf32>,
          %get3A_1318 = arith.index_cast %add3A_1267 : i32 to index
          %get3A_1319 = arith.constant 80 : index
          %get3A_1320 = tpu.vector_load %arg10[%get3A_1318, %get3A_1319] {strides = array<i32>} : memref<128x128xf32, #tpu.memory_space<vmem>>, vector<16xf32>,
          %get3A_1321 = arith.index_cast %squeeze3A_1263 : i32 to index
          %get3A_1322 = arith.constant 80 : index
          %get3A_1323 = tpu.vector_load %arg11[%get3A_1321, %get3A_1322] {strides = array<i32>} : memref<321x128xf32, #tpu.memory_space<vmem>>, vector<16xf32>,
          %max3A_1324 = arith.maximumf %get3A_1323, %get3A_1320 : vector<16xf32>
          %swap3A_1325 = arith.index_cast %squeeze3A_1263 : i32 to index
          %swap3A_1326 = arith.constant 80 : index
          %swap3A_1327 = tpu.vector_load %arg11[%swap3A_1325, %swap3A_1326] {strides = array<i32>} : memref<321x128xf32, #tpu.memory_space<vmem>>, vector<16xf32>,
          tpu.vector_store %arg11[%swap3A_1325, %swap3A_1326], %max3A_1324 {strides = array<i32>} : memref<321x128xf32, #tpu.memory_space<vmem>>, vector<16xf32>,
          %get3A_1328 = arith.index_cast %add3A_1267 : i32 to index
          %get3A_1329 = arith.constant 96 : index
          %get3A_1330 = tpu.vector_load %arg10[%get3A_1328, %get3A_1329] {strides = array<i32>} : memref<128x128xf32, #tpu.memory_space<vmem>>, vector<16xf32>,
          %get3A_1331 = arith.index_cast %squeeze3A_1263 : i32 to index
          %get3A_1332 = arith.constant 96 : index
          %get3A_1333 = tpu.vector_load %arg11[%get3A_1331, %get3A_1332] {strides = array<i32>} : memref<321x128xf32, #tpu.memory_space<vmem>>, vector<16xf32>,
          %max3A_1334 = arith.maximumf %get3A_1333, %get3A_1330 : vector<16xf32>
          %swap3A_1335 = arith.index_cast %squeeze3A_1263 : i32 to index
          %swap3A_1336 = arith.constant 96 : index
          %swap3A_1337 = tpu.vector_load %arg11[%swap3A_1335, %swap3A_1336] {strides = array<i32>} : memref<321x128xf32, #tpu.memory_space<vmem>>, vector<16xf32>,
          tpu.vector_store %arg11[%swap3A_1335, %swap3A_1336], %max3A_1334 {strides = array<i32>} : memref<321x128xf32, #tpu.memory_space<vmem>>, vector<16xf32>,
          %get3A_1338 = arith.index_cast %add3A_1267 : i32 to index
          %get3A_1339 = arith.constant 112 : index
          %get3A_1340 = tpu.vector_load %arg10[%get3A_1338, %get3A_1339] {strides = array<i32>} : memref<128x128xf32, #tpu.memory_space<vmem>>, vector<16xf32>,
          %get3A_1341 = arith.index_cast %squeeze3A_1263 : i32 to index
          %get3A_1342 = arith.constant 112 : index
          %get3A_1343 = tpu.vector_load %arg11[%get3A_1341, %get3A_1342] {strides = array<i32>} : memref<321x128xf32, #tpu.memory_space<vmem>>, vector<16xf32>,
          %max3A_1344 = arith.maximumf %get3A_1343, %get3A_1340 : vector<16xf32>
          %swap3A_1345 = arith.index_cast %squeeze3A_1263 : i32 to index
          %swap3A_1346 = arith.constant 112 : index
          %swap3A_1347 = tpu.vector_load %arg11[%swap3A_1345, %swap3A_1346] {strides = array<i32>} : memref<321x128xf32, #tpu.memory_space<vmem>>, vector<16xf32>,
          tpu.vector_store %arg11[%swap3A_1345, %swap3A_1346], %max3A_1344 {strides = array<i32>} : memref<321x128xf32, #tpu.memory_space<vmem>>, vector<16xf32>,
          %slice3A_1348 = vector.extract_strided_slice %get3A_147 {offsets = [14], sizes = [1], strides = [1]} : vector<16xi32> to vector<1xi32>
          %squeeze3A_1349 = vector.extract %slice3A_1348[0] : i32 from vector<1xi32>
          %mul3A_1350 = arith.constant 16 : i32
          %mul3A_1351 = arith.muli %scan3A_143, %mul3A_1350 : i32
          %add3A_1352 = arith.constant 14 : i32
          %add3A_1353 = arith.addi %mul3A_1351, %add3A_1352 : i32
          %get3A_1354 = arith.index_cast %add3A_1353 : i32 to index
          %get3A_1355 = arith.constant 0 : index
          %get3A_1356 = tpu.vector_load %arg10[%get3A_1354, %get3A_1355] {strides = array<i32>} : memref<128x128xf32, #tpu.memory_space<vmem>>, vector<16xf32>,
          %get3A_1357 = arith.index_cast %squeeze3A_1349 : i32 to index
          %get3A_1358 = arith.constant 0 : index
          %get3A_1359 = tpu.vector_load %arg11[%get3A_1357, %get3A_1358] {strides = array<i32>} : memref<321x128xf32, #tpu.memory_space<vmem>>, vector<16xf32>,
          %max3A_1360 = arith.maximumf %get3A_1359, %get3A_1356 : vector<16xf32>
          %swap3A_1361 = arith.index_cast %squeeze3A_1349 : i32 to index
          %swap3A_1362 = arith.constant 0 : index
          %swap3A_1363 = tpu.vector_load %arg11[%swap3A_1361, %swap3A_1362] {strides = array<i32>} : memref<321x128xf32, #tpu.memory_space<vmem>>, vector<16xf32>,
          tpu.vector_store %arg11[%swap3A_1361, %swap3A_1362], %max3A_1360 {strides = array<i32>} : memref<321x128xf32, #tpu.memory_space<vmem>>, vector<16xf32>,
          %get3A_1364 = arith.index_cast %add3A_1353 : i32 to index
          %get3A_1365 = arith.constant 16 : index
          %get3A_1366 = tpu.vector_load %arg10[%get3A_1364, %get3A_1365] {strides = array<i32>} : memref<128x128xf32, #tpu.memory_space<vmem>>, vector<16xf32>,
          %get3A_1367 = arith.index_cast %squeeze3A_1349 : i32 to index
          %get3A_1368 = arith.constant 16 : index
          %get3A_1369 = tpu.vector_load %arg11[%get3A_1367, %get3A_1368] {strides = array<i32>} : memref<321x128xf32, #tpu.memory_space<vmem>>, vector<16xf32>,
          %max3A_1370 = arith.maximumf %get3A_1369, %get3A_1366 : vector<16xf32>
          %swap3A_1371 = arith.index_cast %squeeze3A_1349 : i32 to index
          %swap3A_1372 = arith.constant 16 : index
          %swap3A_1373 = tpu.vector_load %arg11[%swap3A_1371, %swap3A_1372] {strides = array<i32>} : memref<321x128xf32, #tpu.memory_space<vmem>>, vector<16xf32>,
          tpu.vector_store %arg11[%swap3A_1371, %swap3A_1372], %max3A_1370 {strides = array<i32>} : memref<321x128xf32, #tpu.memory_space<vmem>>, vector<16xf32>,
          %get3A_1374 = arith.index_cast %add3A_1353 : i32 to index
          %get3A_1375 = arith.constant 32 : index
          %get3A_1376 = tpu.vector_load %arg10[%get3A_1374, %get3A_1375] {strides = array<i32>} : memref<128x128xf32, #tpu.memory_space<vmem>>, vector<16xf32>,
          %get3A_1377 = arith.index_cast %squeeze3A_1349 : i32 to index
          %get3A_1378 = arith.constant 32 : index
          %get3A_1379 = tpu.vector_load %arg11[%get3A_1377, %get3A_1378] {strides = array<i32>} : memref<321x128xf32, #tpu.memory_space<vmem>>, vector<16xf32>,
          %max3A_1380 = arith.maximumf %get3A_1379, %get3A_1376 : vector<16xf32>
          %swap3A_1381 = arith.index_cast %squeeze3A_1349 : i32 to index
          %swap3A_1382 = arith.constant 32 : index
          %swap3A_1383 = tpu.vector_load %arg11[%swap3A_1381, %swap3A_1382] {strides = array<i32>} : memref<321x128xf32, #tpu.memory_space<vmem>>, vector<16xf32>,
          tpu.vector_store %arg11[%swap3A_1381, %swap3A_1382], %max3A_1380 {strides = array<i32>} : memref<321x128xf32, #tpu.memory_space<vmem>>, vector<16xf32>,
          %get3A_1384 = arith.index_cast %add3A_1353 : i32 to index
          %get3A_1385 = arith.constant 48 : index
          %get3A_1386 = tpu.vector_load %arg10[%get3A_1384, %get3A_1385] {strides = array<i32>} : memref<128x128xf32, #tpu.memory_space<vmem>>, vector<16xf32>,
          %get3A_1387 = arith.index_cast %squeeze3A_1349 : i32 to index
          %get3A_1388 = arith.constant 48 : index
          %get3A_1389 = tpu.vector_load %arg11[%get3A_1387, %get3A_1388] {strides = array<i32>} : memref<321x128xf32, #tpu.memory_space<vmem>>, vector<16xf32>,
          %max3A_1390 = arith.maximumf %get3A_1389, %get3A_1386 : vector<16xf32>
          %swap3A_1391 = arith.index_cast %squeeze3A_1349 : i32 to index
          %swap3A_1392 = arith.constant 48 : index
          %swap3A_1393 = tpu.vector_load %arg11[%swap3A_1391, %swap3A_1392] {strides = array<i32>} : memref<321x128xf32, #tpu.memory_space<vmem>>, vector<16xf32>,
          tpu.vector_store %arg11[%swap3A_1391, %swap3A_1392], %max3A_1390 {strides = array<i32>} : memref<321x128xf32, #tpu.memory_space<vmem>>, vector<16xf32>,
          %get3A_1394 = arith.index_cast %add3A_1353 : i32 to index
          %get3A_1395 = arith.constant 64 : index
          %get3A_1396 = tpu.vector_load %arg10[%get3A_1394, %get3A_1395] {strides = array<i32>} : memref<128x128xf32, #tpu.memory_space<vmem>>, vector<16xf32>,
          %get3A_1397 = arith.index_cast %squeeze3A_1349 : i32 to index
          %get3A_1398 = arith.constant 64 : index
          %get3A_1399 = tpu.vector_load %arg11[%get3A_1397, %get3A_1398] {strides = array<i32>} : memref<321x128xf32, #tpu.memory_space<vmem>>, vector<16xf32>,
          %max3A_1400 = arith.maximumf %get3A_1399, %get3A_1396 : vector<16xf32>
          %swap3A_1401 = arith.index_cast %squeeze3A_1349 : i32 to index
          %swap3A_1402 = arith.constant 64 : index
          %swap3A_1403 = tpu.vector_load %arg11[%swap3A_1401, %swap3A_1402] {strides = array<i32>} : memref<321x128xf32, #tpu.memory_space<vmem>>, vector<16xf32>,
          tpu.vector_store %arg11[%swap3A_1401, %swap3A_1402], %max3A_1400 {strides = array<i32>} : memref<321x128xf32, #tpu.memory_space<vmem>>, vector<16xf32>,
          %get3A_1404 = arith.index_cast %add3A_1353 : i32 to index
          %get3A_1405 = arith.constant 80 : index
          %get3A_1406 = tpu.vector_load %arg10[%get3A_1404, %get3A_1405] {strides = array<i32>} : memref<128x128xf32, #tpu.memory_space<vmem>>, vector<16xf32>,
          %get3A_1407 = arith.index_cast %squeeze3A_1349 : i32 to index
          %get3A_1408 = arith.constant 80 : index
          %get3A_1409 = tpu.vector_load %arg11[%get3A_1407, %get3A_1408] {strides = array<i32>} : memref<321x128xf32, #tpu.memory_space<vmem>>, vector<16xf32>,
          %max3A_1410 = arith.maximumf %get3A_1409, %get3A_1406 : vector<16xf32>
          %swap3A_1411 = arith.index_cast %squeeze3A_1349 : i32 to index
          %swap3A_1412 = arith.constant 80 : index
          %swap3A_1413 = tpu.vector_load %arg11[%swap3A_1411, %swap3A_1412] {strides = array<i32>} : memref<321x128xf32, #tpu.memory_space<vmem>>, vector<16xf32>,
          tpu.vector_store %arg11[%swap3A_1411, %swap3A_1412], %max3A_1410 {strides = array<i32>} : memref<321x128xf32, #tpu.memory_space<vmem>>, vector<16xf32>,
          %get3A_1414 = arith.index_cast %add3A_1353 : i32 to index
          %get3A_1415 = arith.constant 96 : index
          %get3A_1416 = tpu.vector_load %arg10[%get3A_1414, %get3A_1415] {strides = array<i32>} : memref<128x128xf32, #tpu.memory_space<vmem>>, vector<16xf32>,
          %get3A_1417 = arith.index_cast %squeeze3A_1349 : i32 to index
          %get3A_1418 = arith.constant 96 : index
          %get3A_1419 = tpu.vector_load %arg11[%get3A_1417, %get3A_1418] {strides = array<i32>} : memref<321x128xf32, #tpu.memory_space<vmem>>, vector<16xf32>,
          %max3A_1420 = arith.maximumf %get3A_1419, %get3A_1416 : vector<16xf32>
          %swap3A_1421 = arith.index_cast %squeeze3A_1349 : i32 to index
          %swap3A_1422 = arith.constant 96 : index
          %swap3A_1423 = tpu.vector_load %arg11[%swap3A_1421, %swap3A_1422] {strides = array<i32>} : memref<321x128xf32, #tpu.memory_space<vmem>>, vector<16xf32>,
          tpu.vector_store %arg11[%swap3A_1421, %swap3A_1422], %max3A_1420 {strides = array<i32>} : memref<321x128xf32, #tpu.memory_space<vmem>>, vector<16xf32>,
          %get3A_1424 = arith.index_cast %add3A_1353 : i32 to index
          %get3A_1425 = arith.constant 112 : index
          %get3A_1426 = tpu.vector_load %arg10[%get3A_1424, %get3A_1425] {strides = array<i32>} : memref<128x128xf32, #tpu.memory_space<vmem>>, vector<16xf32>,
          %get3A_1427 = arith.index_cast %squeeze3A_1349 : i32 to index
          %get3A_1428 = arith.constant 112 : index
          %get3A_1429 = tpu.vector_load %arg11[%get3A_1427, %get3A_1428] {strides = array<i32>} : memref<321x128xf32, #tpu.memory_space<vmem>>, vector<16xf32>,
          %max3A_1430 = arith.maximumf %get3A_1429, %get3A_1426 : vector<16xf32>
          %swap3A_1431 = arith.index_cast %squeeze3A_1349 : i32 to index
          %swap3A_1432 = arith.constant 112 : index
          %swap3A_1433 = tpu.vector_load %arg11[%swap3A_1431, %swap3A_1432] {strides = array<i32>} : memref<321x128xf32, #tpu.memory_space<vmem>>, vector<16xf32>,
          tpu.vector_store %arg11[%swap3A_1431, %swap3A_1432], %max3A_1430 {strides = array<i32>} : memref<321x128xf32, #tpu.memory_space<vmem>>, vector<16xf32>,
          %slice3A_1434 = vector.extract_strided_slice %get3A_147 {offsets = [15], sizes = [1], strides = [1]} : vector<16xi32> to vector<1xi32>
          %squeeze3A_1435 = vector.extract %slice3A_1434[0] : i32 from vector<1xi32>
          %mul3A_1436 = arith.constant 16 : i32
          %mul3A_1437 = arith.muli %scan3A_143, %mul3A_1436 : i32
          %add3A_1438 = arith.constant 15 : i32
          %add3A_1439 = arith.addi %mul3A_1437, %add3A_1438 : i32
          %get3A_1440 = arith.index_cast %add3A_1439 : i32 to index
          %get3A_1441 = arith.constant 0 : index
          %get3A_1442 = tpu.vector_load %arg10[%get3A_1440, %get3A_1441] {strides = array<i32>} : memref<128x128xf32, #tpu.memory_space<vmem>>, vector<16xf32>,
          %get3A_1443 = arith.index_cast %squeeze3A_1435 : i32 to index
          %get3A_1444 = arith.constant 0 : index
          %get3A_1445 = tpu.vector_load %arg11[%get3A_1443, %get3A_1444] {strides = array<i32>} : memref<321x128xf32, #tpu.memory_space<vmem>>, vector<16xf32>,
          %max3A_1446 = arith.maximumf %get3A_1445, %get3A_1442 : vector<16xf32>
          %swap3A_1447 = arith.index_cast %squeeze3A_1435 : i32 to index
          %swap3A_1448 = arith.constant 0 : index
          %swap3A_1449 = tpu.vector_load %arg11[%swap3A_1447, %swap3A_1448] {strides = array<i32>} : memref<321x128xf32, #tpu.memory_space<vmem>>, vector<16xf32>,
          tpu.vector_store %arg11[%swap3A_1447, %swap3A_1448], %max3A_1446 {strides = array<i32>} : memref<321x128xf32, #tpu.memory_space<vmem>>, vector<16xf32>,
          %get3A_1450 = arith.index_cast %add3A_1439 : i32 to index
          %get3A_1451 = arith.constant 16 : index
          %get3A_1452 = tpu.vector_load %arg10[%get3A_1450, %get3A_1451] {strides = array<i32>} : memref<128x128xf32, #tpu.memory_space<vmem>>, vector<16xf32>,
          %get3A_1453 = arith.index_cast %squeeze3A_1435 : i32 to index
          %get3A_1454 = arith.constant 16 : index
          %get3A_1455 = tpu.vector_load %arg11[%get3A_1453, %get3A_1454] {strides = array<i32>} : memref<321x128xf32, #tpu.memory_space<vmem>>, vector<16xf32>,
          %max3A_1456 = arith.maximumf %get3A_1455, %get3A_1452 : vector<16xf32>
          %swap3A_1457 = arith.index_cast %squeeze3A_1435 : i32 to index
          %swap3A_1458 = arith.constant 16 : index
          %swap3A_1459 = tpu.vector_load %arg11[%swap3A_1457, %swap3A_1458] {strides = array<i32>} : memref<321x128xf32, #tpu.memory_space<vmem>>, vector<16xf32>,
          tpu.vector_store %arg11[%swap3A_1457, %swap3A_1458], %max3A_1456 {strides = array<i32>} : memref<321x128xf32, #tpu.memory_space<vmem>>, vector<16xf32>,
          %get3A_1460 = arith.index_cast %add3A_1439 : i32 to index
          %get3A_1461 = arith.constant 32 : index
          %get3A_1462 = tpu.vector_load %arg10[%get3A_1460, %get3A_1461] {strides = array<i32>} : memref<128x128xf32, #tpu.memory_space<vmem>>, vector<16xf32>,
          %get3A_1463 = arith.index_cast %squeeze3A_1435 : i32 to index
          %get3A_1464 = arith.constant 32 : index
          %get3A_1465 = tpu.vector_load %arg11[%get3A_1463, %get3A_1464] {strides = array<i32>} : memref<321x128xf32, #tpu.memory_space<vmem>>, vector<16xf32>,
          %max3A_1466 = arith.maximumf %get3A_1465, %get3A_1462 : vector<16xf32>
          %swap3A_1467 = arith.index_cast %squeeze3A_1435 : i32 to index
          %swap3A_1468 = arith.constant 32 : index
          %swap3A_1469 = tpu.vector_load %arg11[%swap3A_1467, %swap3A_1468] {strides = array<i32>} : memref<321x128xf32, #tpu.memory_space<vmem>>, vector<16xf32>,
          tpu.vector_store %arg11[%swap3A_1467, %swap3A_1468], %max3A_1466 {strides = array<i32>} : memref<321x128xf32, #tpu.memory_space<vmem>>, vector<16xf32>,
          %get3A_1470 = arith.index_cast %add3A_1439 : i32 to index
          %get3A_1471 = arith.constant 48 : index
          %get3A_1472 = tpu.vector_load %arg10[%get3A_1470, %get3A_1471] {strides = array<i32>} : memref<128x128xf32, #tpu.memory_space<vmem>>, vector<16xf32>,
          %get3A_1473 = arith.index_cast %squeeze3A_1435 : i32 to index
          %get3A_1474 = arith.constant 48 : index
          %get3A_1475 = tpu.vector_load %arg11[%get3A_1473, %get3A_1474] {strides = array<i32>} : memref<321x128xf32, #tpu.memory_space<vmem>>, vector<16xf32>,
          %max3A_1476 = arith.maximumf %get3A_1475, %get3A_1472 : vector<16xf32>
          %swap3A_1477 = arith.index_cast %squeeze3A_1435 : i32 to index
          %swap3A_1478 = arith.constant 48 : index
          %swap3A_1479 = tpu.vector_load %arg11[%swap3A_1477, %swap3A_1478] {strides = array<i32>} : memref<321x128xf32, #tpu.memory_space<vmem>>, vector<16xf32>,
          tpu.vector_store %arg11[%swap3A_1477, %swap3A_1478], %max3A_1476 {strides = array<i32>} : memref<321x128xf32, #tpu.memory_space<vmem>>, vector<16xf32>,
          %get3A_1480 = arith.index_cast %add3A_1439 : i32 to index
          %get3A_1481 = arith.constant 64 : index
          %get3A_1482 = tpu.vector_load %arg10[%get3A_1480, %get3A_1481] {strides = array<i32>} : memref<128x128xf32, #tpu.memory_space<vmem>>, vector<16xf32>,
          %get3A_1483 = arith.index_cast %squeeze3A_1435 : i32 to index
          %get3A_1484 = arith.constant 64 : index
          %get3A_1485 = tpu.vector_load %arg11[%get3A_1483, %get3A_1484] {strides = array<i32>} : memref<321x128xf32, #tpu.memory_space<vmem>>, vector<16xf32>,
          %max3A_1486 = arith.maximumf %get3A_1485, %get3A_1482 : vector<16xf32>
          %swap3A_1487 = arith.index_cast %squeeze3A_1435 : i32 to index
          %swap3A_1488 = arith.constant 64 : index
          %swap3A_1489 = tpu.vector_load %arg11[%swap3A_1487, %swap3A_1488] {strides = array<i32>} : memref<321x128xf32, #tpu.memory_space<vmem>>, vector<16xf32>,
          tpu.vector_store %arg11[%swap3A_1487, %swap3A_1488], %max3A_1486 {strides = array<i32>} : memref<321x128xf32, #tpu.memory_space<vmem>>, vector<16xf32>,
          %get3A_1490 = arith.index_cast %add3A_1439 : i32 to index
          %get3A_1491 = arith.constant 80 : index
          %get3A_1492 = tpu.vector_load %arg10[%get3A_1490, %get3A_1491] {strides = array<i32>} : memref<128x128xf32, #tpu.memory_space<vmem>>, vector<16xf32>,
          %get3A_1493 = arith.index_cast %squeeze3A_1435 : i32 to index
          %get3A_1494 = arith.constant 80 : index
          %get3A_1495 = tpu.vector_load %arg11[%get3A_1493, %get3A_1494] {strides = array<i32>} : memref<321x128xf32, #tpu.memory_space<vmem>>, vector<16xf32>,
          %max3A_1496 = arith.maximumf %get3A_1495, %get3A_1492 : vector<16xf32>
          %swap3A_1497 = arith.index_cast %squeeze3A_1435 : i32 to index
          %swap3A_1498 = arith.constant 80 : index
          %swap3A_1499 = tpu.vector_load %arg11[%swap3A_1497, %swap3A_1498] {strides = array<i32>} : memref<321x128xf32, #tpu.memory_space<vmem>>, vector<16xf32>,
          tpu.vector_store %arg11[%swap3A_1497, %swap3A_1498], %max3A_1496 {strides = array<i32>} : memref<321x128xf32, #tpu.memory_space<vmem>>, vector<16xf32>,
          %get3A_1500 = arith.index_cast %add3A_1439 : i32 to index
          %get3A_1501 = arith.constant 96 : index
          %get3A_1502 = tpu.vector_load %arg10[%get3A_1500, %get3A_1501] {strides = array<i32>} : memref<128x128xf32, #tpu.memory_space<vmem>>, vector<16xf32>,
          %get3A_1503 = arith.index_cast %squeeze3A_1435 : i32 to index
          %get3A_1504 = arith.constant 96 : index
          %get3A_1505 = tpu.vector_load %arg11[%get3A_1503, %get3A_1504] {strides = array<i32>} : memref<321x128xf32, #tpu.memory_space<vmem>>, vector<16xf32>,
          %max3A_1506 = arith.maximumf %get3A_1505, %get3A_1502 : vector<16xf32>
          %swap3A_1507 = arith.index_cast %squeeze3A_1435 : i32 to index
          %swap3A_1508 = arith.constant 96 : index
          %swap3A_1509 = tpu.vector_load %arg11[%swap3A_1507, %swap3A_1508] {strides = array<i32>} : memref<321x128xf32, #tpu.memory_space<vmem>>, vector<16xf32>,
          tpu.vector_store %arg11[%swap3A_1507, %swap3A_1508], %max3A_1506 {strides = array<i32>} : memref<321x128xf32, #tpu.memory_space<vmem>>, vector<16xf32>,
          %get3A_1510 = arith.index_cast %add3A_1439 : i32 to index
          %get3A_1511 = arith.constant 112 : index
          %get3A_1512 = tpu.vector_load %arg10[%get3A_1510, %get3A_1511] {strides = array<i32>} : memref<128x128xf32, #tpu.memory_space<vmem>>, vector<16xf32>,
          %get3A_1513 = arith.index_cast %squeeze3A_1435 : i32 to index
          %get3A_1514 = arith.constant 112 : index
          %get3A_1515 = tpu.vector_load %arg11[%get3A_1513, %get3A_1514] {strides = array<i32>} : memref<321x128xf32, #tpu.memory_space<vmem>>, vector<16xf32>,
          %max3A_1516 = arith.maximumf %get3A_1515, %get3A_1512 : vector<16xf32>
          %swap3A_1517 = arith.index_cast %squeeze3A_1435 : i32 to index
          %swap3A_1518 = arith.constant 112 : index
          %swap3A_1519 = tpu.vector_load %arg11[%swap3A_1517, %swap3A_1518] {strides = array<i32>} : memref<321x128xf32, #tpu.memory_space<vmem>>, vector<16xf32>,
          tpu.vector_store %arg11[%swap3A_1517, %swap3A_1518], %max3A_1516 {strides = array<i32>} : memref<321x128xf32, #tpu.memory_space<vmem>>, vector<16xf32>,
        }
        %scan3A_142 = arith.constant 8 : i32
      }
    }
    %scan3A_16 = arith.constant 40 : i32
    %scan3A_17 = arith.constant 0 : i32
    %scan3A_18 = arith.constant 0 : i32
    %scan3A_19 = arith.constant 320 : i32
    %scan3A_20 = arith.addi %scan3A_18, %scan3A_19 : i32
    %scan3A_21 = arith.constant 1 : i32
    scf.for %scan3A_23 = %scan3A_18 to %scan3A_20 step %scan3A_21  : i32 {
      %get3A = arith.index_cast %scan3A_23 : i32 to index
      %get3A_24 = arith.constant 0 : index
      %get3A_25 = tpu.vector_load %arg11[%get3A, %get3A_24] {strides = array<i32>} : memref<321x128xf32, #tpu.memory_space<vmem>>, vector<16xf32>,
      %eq3A = arith.constant 0xFF800000 : f32
      %eq3A_26 = vector.broadcast %eq3A : f32 to vector<16xf32>
      %eq3A_27 = arith.cmpf oeq, %get3A_25, %eq3A_26 : vector<16xf32>
      %jit3A = arith.constant 0.000000e+00 : f32
      %broadcast_in_dim3A_28 = vector.broadcast %jit3A : f32 to vector<16xf32>
      %select_n3A = arith.select %eq3A_27, %broadcast_in_dim3A_28, %get3A_25 : vector<16xi1>, vector<16xf32>
      %swap3A = arith.index_cast %scan3A_23 : i32 to index
      %swap3A_29 = arith.constant 0 : index
      %swap3A_30 = tpu.vector_load %arg11[%swap3A, %swap3A_29] {strides = array<i32>} : memref<321x128xf32, #tpu.memory_space<vmem>>, vector<16xf32>,
      tpu.vector_store %arg11[%swap3A, %swap3A_29], %select_n3A {strides = array<i32>} : memref<321x128xf32, #tpu.memory_space<vmem>>, vector<16xf32>,
      %get3A_31 = arith.index_cast %scan3A_23 : i32 to index
      %get3A_32 = arith.constant 16 : index
      %get3A_33 = tpu.vector_load %arg11[%get3A_31, %get3A_32] {strides = array<i32>} : memref<321x128xf32, #tpu.memory_space<vmem>>, vector<16xf32>,
      %eq3A_34 = arith.constant 0xFF800000 : f32
      %eq3A_35 = vector.broadcast %eq3A_34 : f32 to vector<16xf32>
      %eq3A_36 = arith.cmpf oeq, %get3A_33, %eq3A_35 : vector<16xf32>
      %jit3A_37 = arith.constant 0.000000e+00 : f32
      %broadcast_in_dim3A_38 = vector.broadcast %jit3A_37 : f32 to vector<16xf32>
      %select_n3A_39 = arith.select %eq3A_36, %broadcast_in_dim3A_38, %get3A_33 : vector<16xi1>, vector<16xf32>
      %swap3A_40 = arith.index_cast %scan3A_23 : i32 to index
      %swap3A_41 = arith.constant 16 : index
      %swap3A_42 = tpu.vector_load %arg11[%swap3A_40, %swap3A_41] {strides = array<i32>} : memref<321x128xf32, #tpu.memory_space<vmem>>, vector<16xf32>,
      tpu.vector_store %arg11[%swap3A_40, %swap3A_41], %select_n3A_39 {strides = array<i32>} : memref<321x128xf32, #tpu.memory_space<vmem>>, vector<16xf32>,
      %get3A_43 = arith.index_cast %scan3A_23 : i32 to index
      %get3A_44 = arith.constant 32 : index
      %get3A_45 = tpu.vector_load %arg11[%get3A_43, %get3A_44] {strides = array<i32>} : memref<321x128xf32, #tpu.memory_space<vmem>>, vector<16xf32>,
      %eq3A_46 = arith.constant 0xFF800000 : f32
      %eq3A_47 = vector.broadcast %eq3A_46 : f32 to vector<16xf32>
      %eq3A_48 = arith.cmpf oeq, %get3A_45, %eq3A_47 : vector<16xf32>
      %jit3A_49 = arith.constant 0.000000e+00 : f32
      %broadcast_in_dim3A_50 = vector.broadcast %jit3A_49 : f32 to vector<16xf32>
      %select_n3A_51 = arith.select %eq3A_48, %broadcast_in_dim3A_50, %get3A_45 : vector<16xi1>, vector<16xf32>
      %swap3A_52 = arith.index_cast %scan3A_23 : i32 to index
      %swap3A_53 = arith.constant 32 : index
      %swap3A_54 = tpu.vector_load %arg11[%swap3A_52, %swap3A_53] {strides = array<i32>} : memref<321x128xf32, #tpu.memory_space<vmem>>, vector<16xf32>,
      tpu.vector_store %arg11[%swap3A_52, %swap3A_53], %select_n3A_51 {strides = array<i32>} : memref<321x128xf32, #tpu.memory_space<vmem>>, vector<16xf32>,
      %get3A_55 = arith.index_cast %scan3A_23 : i32 to index
      %get3A_56 = arith.constant 48 : index
      %get3A_57 = tpu.vector_load %arg11[%get3A_55, %get3A_56] {strides = array<i32>} : memref<321x128xf32, #tpu.memory_space<vmem>>, vector<16xf32>,
      %eq3A_58 = arith.constant 0xFF800000 : f32
      %eq3A_59 = vector.broadcast %eq3A_58 : f32 to vector<16xf32>
      %eq3A_60 = arith.cmpf oeq, %get3A_57, %eq3A_59 : vector<16xf32>
      %jit3A_61 = arith.constant 0.000000e+00 : f32
      %broadcast_in_dim3A_62 = vector.broadcast %jit3A_61 : f32 to vector<16xf32>
      %select_n3A_63 = arith.select %eq3A_60, %broadcast_in_dim3A_62, %get3A_57 : vector<16xi1>, vector<16xf32>
      %swap3A_64 = arith.index_cast %scan3A_23 : i32 to index
      %swap3A_65 = arith.constant 48 : index
      %swap3A_66 = tpu.vector_load %arg11[%swap3A_64, %swap3A_65] {strides = array<i32>} : memref<321x128xf32, #tpu.memory_space<vmem>>, vector<16xf32>,
      tpu.vector_store %arg11[%swap3A_64, %swap3A_65], %select_n3A_63 {strides = array<i32>} : memref<321x128xf32, #tpu.memory_space<vmem>>, vector<16xf32>,
      %get3A_67 = arith.index_cast %scan3A_23 : i32 to index
      %get3A_68 = arith.constant 64 : index
      %get3A_69 = tpu.vector_load %arg11[%get3A_67, %get3A_68] {strides = array<i32>} : memref<321x128xf32, #tpu.memory_space<vmem>>, vector<16xf32>,
      %eq3A_70 = arith.constant 0xFF800000 : f32
      %eq3A_71 = vector.broadcast %eq3A_70 : f32 to vector<16xf32>
      %eq3A_72 = arith.cmpf oeq, %get3A_69, %eq3A_71 : vector<16xf32>
      %jit3A_73 = arith.constant 0.000000e+00 : f32
      %broadcast_in_dim3A_74 = vector.broadcast %jit3A_73 : f32 to vector<16xf32>
      %select_n3A_75 = arith.select %eq3A_72, %broadcast_in_dim3A_74, %get3A_69 : vector<16xi1>, vector<16xf32>
      %swap3A_76 = arith.index_cast %scan3A_23 : i32 to index
      %swap3A_77 = arith.constant 64 : index
      %swap3A_78 = tpu.vector_load %arg11[%swap3A_76, %swap3A_77] {strides = array<i32>} : memref<321x128xf32, #tpu.memory_space<vmem>>, vector<16xf32>,
      tpu.vector_store %arg11[%swap3A_76, %swap3A_77], %select_n3A_75 {strides = array<i32>} : memref<321x128xf32, #tpu.memory_space<vmem>>, vector<16xf32>,
      %get3A_79 = arith.index_cast %scan3A_23 : i32 to index
      %get3A_80 = arith.constant 80 : index
      %get3A_81 = tpu.vector_load %arg11[%get3A_79, %get3A_80] {strides = array<i32>} : memref<321x128xf32, #tpu.memory_space<vmem>>, vector<16xf32>,
      %eq3A_82 = arith.constant 0xFF800000 : f32
      %eq3A_83 = vector.broadcast %eq3A_82 : f32 to vector<16xf32>
      %eq3A_84 = arith.cmpf oeq, %get3A_81, %eq3A_83 : vector<16xf32>
      %jit3A_85 = arith.constant 0.000000e+00 : f32
      %broadcast_in_dim3A_86 = vector.broadcast %jit3A_85 : f32 to vector<16xf32>
      %select_n3A_87 = arith.select %eq3A_84, %broadcast_in_dim3A_86, %get3A_81 : vector<16xi1>, vector<16xf32>
      %swap3A_88 = arith.index_cast %scan3A_23 : i32 to index
      %swap3A_89 = arith.constant 80 : index
      %swap3A_90 = tpu.vector_load %arg11[%swap3A_88, %swap3A_89] {strides = array<i32>} : memref<321x128xf32, #tpu.memory_space<vmem>>, vector<16xf32>,
      tpu.vector_store %arg11[%swap3A_88, %swap3A_89], %select_n3A_87 {strides = array<i32>} : memref<321x128xf32, #tpu.memory_space<vmem>>, vector<16xf32>,
      %get3A_91 = arith.index_cast %scan3A_23 : i32 to index
      %get3A_92 = arith.constant 96 : index
      %get3A_93 = tpu.vector_load %arg11[%get3A_91, %get3A_92] {strides = array<i32>} : memref<321x128xf32, #tpu.memory_space<vmem>>, vector<16xf32>,
      %eq3A_94 = arith.constant 0xFF800000 : f32
      %eq3A_95 = vector.broadcast %eq3A_94 : f32 to vector<16xf32>
      %eq3A_96 = arith.cmpf oeq, %get3A_93, %eq3A_95 : vector<16xf32>
      %jit3A_97 = arith.constant 0.000000e+00 : f32
      %broadcast_in_dim3A_98 = vector.broadcast %jit3A_97 : f32 to vector<16xf32>
      %select_n3A_99 = arith.select %eq3A_96, %broadcast_in_dim3A_98, %get3A_93 : vector<16xi1>, vector<16xf32>
      %swap3A_100 = arith.index_cast %scan3A_23 : i32 to index
      %swap3A_101 = arith.constant 96 : index
      %swap3A_102 = tpu.vector_load %arg11[%swap3A_100, %swap3A_101] {strides = array<i32>} : memref<321x128xf32, #tpu.memory_space<vmem>>, vector<16xf32>,
      tpu.vector_store %arg11[%swap3A_100, %swap3A_101], %select_n3A_99 {strides = array<i32>} : memref<321x128xf32, #tpu.memory_space<vmem>>, vector<16xf32>,
      %get3A_103 = arith.index_cast %scan3A_23 : i32 to index
      %get3A_104 = arith.constant 112 : index
      %get3A_105 = tpu.vector_load %arg11[%get3A_103, %get3A_104] {strides = array<i32>} : memref<321x128xf32, #tpu.memory_space<vmem>>, vector<16xf32>,
      %eq3A_106 = arith.constant 0xFF800000 : f32
      %eq3A_107 = vector.broadcast %eq3A_106 : f32 to vector<16xf32>
      %eq3A_108 = arith.cmpf oeq, %get3A_105, %eq3A_107 : vector<16xf32>
      %jit3A_109 = arith.constant 0.000000e+00 : f32
      %broadcast_in_dim3A_110 = vector.broadcast %jit3A_109 : f32 to vector<16xf32>
      %select_n3A_111 = arith.select %eq3A_108, %broadcast_in_dim3A_110, %get3A_105 : vector<16xi1>, vector<16xf32>
      %swap3A_112 = arith.index_cast %scan3A_23 : i32 to index
      %swap3A_113 = arith.constant 112 : index
      %swap3A_114 = tpu.vector_load %arg11[%swap3A_112, %swap3A_113] {strides = array<i32>} : memref<321x128xf32, #tpu.memory_space<vmem>>, vector<16xf32>,
      tpu.vector_store %arg11[%swap3A_112, %swap3A_113], %select_n3A_111 {strides = array<i32>} : memref<321x128xf32, #tpu.memory_space<vmem>>, vector<16xf32>,
    }
    %scan3A_22 = arith.constant 320 : i32
    "tpu.region"() ({
      %run_scoped3A = tpu.sem_alloc : memref<!tpu.dma_semaphore, #tpu.memory_space<semaphore_mem>>
      %dma_start3A = arith.constant 0 : i32
      %dma_start3A_23 = arith.constant 0 : i32
      %dma_start3A_24 = tpu.memref_slice %arg11[%dma_start3A, %dma_start3A_23] : memref<321x128xf32, #tpu.memory_space<vmem>> -> memref<320x128xf32, #tpu.memory_space<vmem>>
      %dma_start3A_25 = arith.constant 0 : i32
      %dma_start3A_26 = tpu.memref_slice %arg5[%mul3A_2, %dma_start3A_25] : memref<10240x128xf32, #tpu.memory_space<hbm>> -> memref<320x128xf32, #tpu.memory_space<hbm>>
      %dma_start3A_27 = arith.constant 0 : i32
      %dma_start3A_28 = tpu.memref_slice %arg5[%mul3A_2, %dma_start3A_27] : memref<10240x128xf32, #tpu.memory_space<hbm>> -> memref<320x128xf32, #tpu.memory_space<hbm>>
      %dma_start3A_29 = arith.constant 0 : i32
      %dma_start3A_30 = arith.constant 0 : i32
      %dma_start3A_31 = tpu.memref_slice %arg11[%dma_start3A_29, %dma_start3A_30] : memref<321x128xf32, #tpu.memory_space<vmem>> -> memref<320x128xf32, #tpu.memory_space<vmem>>
      tpu.enqueue_dma source(%dma_start3A_31 : memref<320x128xf32, #tpu.memory_space<vmem>>) target(%dma_start3A_28 : memref<320x128xf32, #tpu.memory_space<hbm>>) target_semaphore(%run_scoped3A : memref<!tpu.dma_semaphore, #tpu.memory_space<semaphore_mem>>)
      %dma_wait3A = arith.constant 0 : i32
      %dma_wait3A_32 = arith.constant 0 : i32
      %dma_wait3A_33 = tpu.memref_slice %arg11[%dma_wait3A, %dma_wait3A_32] : memref<321x128xf32, #tpu.memory_space<vmem>> -> memref<320x128xf32, #tpu.memory_space<vmem>>
      %dma_wait3A_34 = arith.constant 0 : i32
      %dma_wait3A_35 = tpu.memref_slice %arg5[%mul3A_2, %dma_wait3A_34] : memref<10240x128xf32, #tpu.memory_space<hbm>> -> memref<320x128xf32, #tpu.memory_space<hbm>>
      %dma_wait3A_36 = arith.constant 0 : i32
      %dma_wait3A_37 = tpu.memref_slice %arg5[%mul3A_2, %dma_wait3A_36] : memref<10240x128xf32, #tpu.memory_space<hbm>> -> memref<320x128xf32, #tpu.memory_space<hbm>>
      %dma_wait3A_38 = arith.constant 0 : i32
      %dma_wait3A_39 = arith.constant 0 : i32
      %dma_wait3A_40 = tpu.memref_slice %arg11[%dma_wait3A_38, %dma_wait3A_39] : memref<321x128xf32, #tpu.memory_space<vmem>> -> memref<320x128xf32, #tpu.memory_space<vmem>>
      tpu.wait_dma2 semaphore(%run_scoped3A : memref<!tpu.dma_semaphore, #tpu.memory_space<semaphore_mem>>) src(%dma_wait3A_40 : memref<320x128xf32, #tpu.memory_space<vmem>>) dst(%dma_wait3A_37 : memref<320x128xf32, #tpu.memory_space<hbm>>)
      tpu.yield
    }) : () -> ()
    return
  }
}

</mosaic_0001>

<sc_bundles>
// kernel: _segmax_call.3.cloned.1.call-start
scs
__scs_entry_jumppad:
0x0: {  	(pc) =	sbr.rel $0x88, $3  }
0x1: {  	(tag) =	ssettag $0x0;
	lr =	simm.s32 $0x1  }
0x2: {  	[smem:$0x3F9E] =	sst lr;
	_ =	strace $0xD0000000  }
0x3: {  	_ = 	snop  }
0x4: {  	_ = 	snop  }
0x5: {  	_ = 	snop  }
0x6: {  	_ = 	snop  }
0x7: {  	_ = 	snop  }
__scs_overlays_trampoline_lowered:
0x8: {  	[smem:$0x3FAD] =	sst s0  }
0x9: {  	[smem:$0x3FAE] =	sst s1  }
0xa: {  	[smem:$0x3FAF] =	sst s2  }
0xb: {  	[smem:$0x3FB0] =	sst s3  }
0xc: {  	[smem:$0x3FB1] =	sst s4  }
0xd: {  	[smem:$0x3FB2] =	sst s5  }
0xe: {  	[smem:$0x3FB3] =	sst s6  }
0xf: {  	[smem:$0x3FB4] =	sst s7  }
0x10: {  	[smem:$0x3FB5] =	sst s8  }
0x11: {  	[smem:$0x3FB6] =	sst s9;
	s0 =	simm.s32 @!p0 $0x0  }
0x12: {  	s1 =	sld [smem:$0x3F9C];
	s0 =	simm.s32 @p0 $0x1  }
0x13: {  	[smem:$0x3FB7] =	sst s0;
	s0 =	simm.s32 @!p1 $0x0  }
0x14: {  	s2 =	sld [smem:$0x3F9B];
	s0 =	simm.s32 @p1 $0x1  }
0x15: {  	[smem:$0x3FB8] =	sst s0;
	s0 =	simm.s32 @!p2 $0x0  }
0x16: {  	s3 =	sld [smem:$0x3FDB];
	s0 =	simm.s32 @p2 $0x1  }
0x17: {  	s4 =	simm.s32 $0x1BF5;
	[smem:$0x3FBA] =	sst s0  }
0x18: {  	s0 =	sld [smem:$0x3F9D];
	_ =	swait.ge [sflag:s4], $0x0  }
0x19: {  	s7 =	sld [smem:$0x3F9E]  }
0x1a: {  	s8 =	sadd.s32 $0xFFFFE003, lr  }
0x1b: {  	s9 =	sadd.s32 $0xFFFFFEF7, lr;
	s5 =	simm.s32 $0xFFFFFFFF;
	p2 =	slt.u32 s8, $0xFFFFF086  }
0x1c: {  	p1 =	slt.u32 s9, $0xF7A;
	s5 =	simm.s32 @!p2 $0x0  }
0x1d: {  	s5 =	simm.s32 @p1 $0x1;
	p0 =	seq.s32 s7, s2  }
0x1e: {  	s7 =	smul.u32 @!p0 $0xF7A, s2;
	p2 =	seq.s32 @!p0 s5, $0x0  }
0x1f: {  	s9 =	smul.u32 $0xF7A, s1;
	s8 =	simm.s32 @!p0 $0x1BF5;
	p2 =	por !p2, p0  }
0x20: {  	[sflag:s8] =	ssyncset.s32 @!p0 $0xFFFFF086;
	s6 =	sadd.s32 @!p0 s3, s7;
	s7 =	simm.s32 @!p0 $0x108  }
0x21: {  	s3 =	sadd.s32 s3, s9;
	s6 =	sadd.s32 @!p0 $0x88, s6;
	s7 =	simm.s32 @p2 $0x1082  }
0x22: {  	[simem:s7], [sflag:s8] =	dma.local @!p0 [hbm:s6], $0xF7A  }
0x23: {  	s9 =	sor.u32 $0xD0000000, s2;
	s6 =	simm.s32 $0x108;
	_ =	swait.ge @!p0 [sflag:s8], $0x0  }
0x24: {  	s3 =	sadd.s32 $0x88, s3;
	s6 =	simm.s32 @!p1 $0x1082;
	[sflag:s4] =	ssyncset.s32 $0xFFFFF086  }
0x25: {  	[simem:s6], [sflag:s4] =	dma.local [hbm:s3], $0xF7A  }
0x26: {  	[smem:$0x3F9E] =	sst s1;
	(tag) =	ssettag s2;
	_ =	strace s9  }
0x27: {  	s1 =	sld [smem:$0x3FAE]  }
0x28: {  	s2 =	sld [smem:$0x3FAF]  }
0x29: {  	s4 =	sld [smem:$0x3FB1]  }
0x2a: {  	p0 =	seq.s32 s5, $0x0;
	s5 =	sld [smem:$0x3FB2]  }
0x2b: {  	s6 =	sld [smem:$0x3FB3]  }
0x2c: {  	s7 =	sld [smem:$0x3FB4]  }
0x2d: {  	s3 =	simm.s32 $0x108;
	s8 =	sld [smem:$0x3FB5]  }
0x2e: {  	s3 =	simm.s32 @!p0 $0x1082;
	s9 =	sld [smem:$0x3FB6]  }
0x2f: {  	lr =	sadd.s32 s0, s3;
	s0 =	sld [smem:$0x3FAD]  }
0x30: {  	s3 =	sld [smem:$0x3FB0]  }
0x31: {  	[smem:$0x3FB9] =	sst s10  }
0x32: {  	s10 =	sld [smem:$0x3FB7];
	_ =	sdelay $0x3  }
0x33: {  	p0 =	seq.s32 s10, $0x1;
	s10 =	sld [smem:$0x3FB9];
	_ =	sdelay $0x3  }
0x34: {  	[smem:$0x3FB9] =	sst s10  }
0x35: {  	s10 =	sld [smem:$0x3FB8];
	_ =	sdelay $0x3  }
0x36: {  	p1 =	seq.s32 s10, $0x1;
	s10 =	sld [smem:$0x3FB9];
	_ =	sdelay $0x3  }
0x37: {  	[smem:$0x3FB9] =	sst s10  }
0x38: {  	s10 =	sld [smem:$0x3FBA]  }
0x39: {  	_ = 	snop;
	(pc) =	sbr.ind lr, $3  }
0x3a: {  	_ = 	snop  }
0x3b: {  	_ = 	snop  }
0x3c: {  	p2 =	seq.s32 s10, $0x1;
	s10 =	sld [smem:$0x3FB9]  }
0x3d: {  	_ =	shalt  }
0x3e: {  	_ =	shalt  }
0x3f: {  	_ =	shalt  }
0x40: {  	_ =	shalt  }
0x41: {  	_ =	shalt  }
0x42: {  	_ =	shalt  }
0x43: {  	_ =	shalt  }
0x44: {  	_ =	shalt  }
0x45: {  	_ =	shalt  }
0x46: {  	_ =	shalt  }
0x47: {  	_ =	shalt  }
0x48: {  	_ =	shalt  }
0x49: {  	_ =	shalt  }
0x4a: {  	_ =	shalt  }
0x4b: {  	_ =	shalt  }
0x4c: {  	_ =	shalt  }
0x4d: {  	_ =	shalt  }
0x4e: {  	_ =	shalt  }
0x4f: {  	_ =	shalt  }
0x50: {  	_ =	shalt  }
0x51: {  	_ =	shalt  }
0x52: {  	_ =	shalt  }
0x53: {  	_ =	shalt  }
0x54: {  	_ =	shalt  }
0x55: {  	_ =	shalt  }
0x56: {  	_ =	shalt  }
0x57: {  	_ =	shalt  }
0x58: {  	_ =	shalt  }
0x59: {  	_ =	shalt  }
0x5a: {  	_ =	shalt  }
0x5b: {  	_ =	shalt  }
0x5c: {  	_ =	shalt  }
0x5d: {  	_ =	shalt  }
0x5e: {  	_ =	shalt  }
0x5f: {  	_ =	shalt  }
0x60: {  	_ =	shalt  }
0x61: {  	_ =	shalt  }
0x62: {  	_ =	shalt  }
0x63: {  	_ =	shalt  }
0x64: {  	_ =	shalt  }
0x65: {  	_ =	shalt  }
0x66: {  	_ =	shalt  }
0x67: {  	_ =	shalt  }
0x68: {  	_ =	shalt  }
0x69: {  	_ =	shalt  }
0x6a: {  	_ =	shalt  }
0x6b: {  	_ =	shalt  }
0x6c: {  	_ =	shalt  }
0x6d: {  	_ =	shalt  }
0x6e: {  	_ =	shalt  }
0x6f: {  	_ =	shalt  }
0x70: {  	_ =	shalt  }
0x71: {  	_ =	shalt  }
0x72: {  	_ =	shalt  }
0x73: {  	_ =	shalt  }
0x74: {  	_ =	shalt  }
0x75: {  	_ =	shalt  }
0x76: {  	_ =	shalt  }
0x77: {  	_ =	shalt  }
0x78: {  	_ =	shalt  }
0x79: {  	_ =	shalt  }
0x7a: {  	_ =	shalt  }
0x7b: {  	_ =	shalt  }
0x7c: {  	_ =	shalt  }
0x7d: {  	_ =	shalt  }
0x7e: {  	_ =	shalt  }
0x7f: {  	_ =	shalt  }
0x80: {  	_ =	shalt  }
0x81: {  	_ =	shalt  }
0x82: {  	_ =	shalt  }
0x83: {  	_ =	shalt  }
0x84: {  	_ =	shalt  }
0x85: {  	_ =	shalt  }
0x86: {  	_ =	shalt  }
0x87: {  	_ =	shalt  }
.Lfunc_end0:
.L_simem_size_0:
called_computation_lowered:
.L_overlay_start_0:
0x88: {  	s2 =	sld [smem:$0x3FD9]  }
0x89: {  	s3 =	sld [smem:$0x3FFE];
	_ =	sdelay $0x1  }
0x8a: {  	s1 =	srdreg.scid  }
0x8b: {  	s0 =	sand.u32 $0x1, s1  }
0x8c: {  	s17 =	sshll.u32 s0, $0xA;
	s2 =	sadd.s32 s3, s2  }
0x8d: {  	s2 =	sadd.s32 s2, s17  }
0x8e: {  	[smem:$0x3FC5] =	sst s2  }
0x8f: {  	_ = 	snop  }
0x90: {  	s2 =	sld [smem:$0x3FC9]  }
0x91: {  	s18 =	sld [smem:$0x3FC8]  }
0x92: {  	s4 =	sld [smem:$0x3FC7];
	(tm) =	ssettm $0x1  }
0x93: {  	s5 =	sld [smem:$0x3FFB];
	_ =	sdelay $0x3  }
0x94: {  	_ =	strace s5  }
0x95: {  	s5 =	sld [smem:$0x3FFC];
	_ =	sdelay $0x3  }
0x96: {  	_ =	strace s5  }
0x97: {  	s5 =	sld [smem:$0x3FFD];
	_ =	sdelay $0x3  }
0x98: {  	_ =	strace s5  }
0x99: {  	_ =	strace $0x8FFFFFFF  }
0x9a: {  	s19 =	sld [smem:$0x3FDB];
	_ =	sdelay $0x1  }
0x9b: {  	s6 =	simm.s32 $_scs_section_size  }
0x9c: {  	s7 =	simm.s32 $_size__tile_overlayer_lowered;
	s8 =	simm.s32 $_tile_overlayer_lowered  }
0x9d: {  	s22 =	simm.s32 $0x1BFF;
	s21 =	sshll.u32 s8, $0x1;
	s5 =	sadd.s32 s6, s19  }
0x9e: {  	s9 =	simm.s32 $0x0;
	s20 =	sshll.u32 s7, $0x1;
	s7 =	sadd.s32 s21, s5  }
0x9f: {  	[timem:s9], [sflag:s22] =	dma.local [hbm:s7], s20  }
0xa0: {  	_ =	swait.ge [sflag:s22], s20  }
0xa1: {  	s6 =	ssub.s32 $0x0, s20;
	[sflag:s22] =	ssyncset.done $0x0  }
0xa2: {  	[sflag:s22] =	ssyncadd.s32 s6;
	_ =	sdelay $0x1  }
0xa3: {  	s23 =	simm.s32 $0x1B8B  }
0xa4: {  	_ =	swait.ge [sflag:s23], $0x1  }
0xa5: {  	[sflag:s23] =	ssyncset.done $0x0  }
0xa6: {  	s25 =	simm.s32 $0x1B8E;
	s24 =	sld [smem:$0x3FFE];
	[sflag:s23] =	ssyncadd.s32 $0xFFFFFFFF  }
0xa7: {  	s26 =	simm.s32 $execute0_lowered;
	[smem:$0x3FD2] =	sst s25  }
0xa8: {  	s7 =	sshll.u32 s26, $0x1;
	_ =	strace $0x80000046;
	[dreg:$0x1] =	wrdreg $0xFFFFFFFF  }
0xa9: {  	s28 =	simm.s32 $_size_execute0_lowered;
	s5 =	sadd.s32 s5, s7;
	[dreg:$0x0] =	wrdreg $0x0  }
0xaa: {  	s7 =	sshll.u32 s28, $0x1;
	[dreg:$0x2] =	wrdreg s5  }
0xab: {  	[dreg:$0x3] =	wrdreg s7  }
0xac: {  	[dreg:$0x4] =	wrdreg $0xC0  }
0xad: {  	_ =	task [dreg:s9], $0x5FFFF  }
0xae: {  	[dreg:$0x1] =	wrdreg $0xFFFFFFFF  }
0xaf: {  	[dreg:$0x0] =	wrdreg $0x60  }
0xb0: {  	[dreg:$0x2] =	wrdreg s2  }
0xb1: {  	[dreg:$0x3] =	wrdreg s18  }
0xb2: {  	[dreg:$0x4] =	wrdreg s4  }
0xb3: {  	[dreg:$0x5] =	wrdreg s24  }
0xb4: {  	[dreg:$0x6] =	wrdreg $0x9  }
0xb5: {  	_ =	task.clear_ibuf [dreg:s9], $0x7FFFF;
	_ =	strace $0x90000046  }
0xb6: {  	s29 =	simm.s32 $0x9;
	_ =	strace $0x80000048  }
0xb7: {  	_ =	swait.ge [sflag:s29], $0x1  }
0xb8: {  	[sflag:s29] =	ssyncadd.s32 $0xFFFFFFFF  }
0xb9: {  	_ =	strace $0x90000048  }
0xba: {  	_ =	sfence  }
0xbb: {  	s30 =	sld [smem:$0x0];
	_ =	sdelay $0x2  }
0xbc: {  	s31 =	sshll.u32 s1, $0xD;
	s1 =	sshrl.u32 s1, $0x2  }
0xbd: {  	s3 =	sand.u32 $0x4000, s31;
	s1 =	sadd.s32 s1, s30  }
0xbe: {  	s0 =	sor.u32 s3, s0;
	s1 =	sshll.u32 s1, $0x11  }
0xbf: {  	s0 =	sor.u32 s1, s0  }
0xc0: {  	s0 =	sadd.s32 $0x8F2B, s0  }
0xc1: {  	[sflag:s0] =	ssyncadd.remote.s32 $0x1  }
0xc2: {  	_ =	sfence.sel $0xFFFF  }
0xc3: {  	[dreg:$0x0] =	wrdreg $0xFFFFFFFF;
	(pc) =	sbr.abs _section_cstart, $3  }
0xc4: {  	[dreg:$0x1] =	wrdreg $0xFFFFFFFF  }
0xc5: {  	_ =	task.clear_ibuf [dreg:s9], $0x2FFFF;
	_ =	strace $0x9FFFFFFF  }
0xc6: {  	(tm) =	ssettm $0x7FFFFFFF  }
0xc7: {  	_ =	shalt  }
tec
execute0_lowered:
.L_overlay_start_1:
0x0: {  	(tag) =	ssettag $0x1  }
0x1: {  	s1 =	rddreg [dreg:$0x0]  }
0x2: {  	s2 =	rddreg [dreg:$0x1]  }
0x3: {  	s4 =	rddreg [dreg:$0x2];
	s3 =	srdreg.scid  }
0x4: {  	s0 =	stileid.u32;
	s6 =	rddreg [dreg:$0x3];
	s13 =	simm.s32 $0x80  }
0x5: {  	s14 =	simm.s32 $0x7E00;
	s15 =	simm.s32 $0xBE00;
	s16 =	simm.s32 $0x0  }
0x6: {  	s7 =	sand.u32 $0x1, s3;
	s5 =	sshll.u32 s0, $0x1;
	s3 =	rddreg [dreg:$0x4]  }
0x7: {  	s8 =	sor.u32 s7, s5;
	s5 =	simm.s32 $0x0;
	s7 =	ssub.s32 $0x2, s7  }
0x8: {  	s9 =	smul.u32 $0x1400, s8;
	[smem:$0x7FF] =	sst s5;
	s10 =	sshrl.u32 s7, $0x1  }
0x9: {  	s11 =	smul.u32 $0x140, s8;
	s8 =	simm.s32 $0x2;
	_ =	strace $0x80000047  }
0xa: {  	s7 =	ssub.s32 s7, s10;
	s10 =	simm.s32 $0x3F00;
	s6 =	sadd.s32 s9, s6  }
0xb: {  	v2 =	vimm.f32 $-Inf;
	v3 =	vimm.s32 $0x0;
	v4 =	vlaneseq.u32;
	s12 =	sadd.s32 $0x140, s11;
	s7 =	smax.u32 s7, $0x1;
	s9 =	simm.s32 $0x1F80  }
0xc: {  	v5 =	vimm.s32 $0x140;
	v0 =	vmov s11;
	s11 =	simm.s32 $0x5E80;
	s6 =	sadd.s32 $0x400, s6;
	v1 =	vmov s12;
	s12 =	simm.s32 $0x1  }
.LBB2_1:
0xd: {  	s18 =	simm.s32 $0x0;
	s17 =	simm.s32 $0x200  }
.LBB2_2:
0xe: {  	p0 =	sne.s32 s17, $0x28000;
	[tilespmem:s18+$0xBE70] =	vst v2  }
0xf: {  	[tilespmem:s18+$0xBE00] =	vst v2  }
0x10: {  	[tilespmem:s18+$0xBE10] =	vst v2  }
.Ltmp0:
0x11: {  	[tilespmem:s18+$0xBE20] =	vst v2;
	(pc) =	sbr.rel @p0 .LBB2_2-.Ltmp0, $4  }
0x12: {  	[tilespmem:s18+$0xBE30] =	vst v2  }
0x13: {  	[tilespmem:s18+$0xBE40] =	vst v2  }
0x14: {  	[tilespmem:s18+$0xBE50] =	vst v2  }
0x15: {  	[tilespmem:s18+$0xBE60] =	vst v2;
	s18 =	sshra.s32 s17, $0x2;
	s17 =	sadd.s32 $0x200, s17  }
0x16: {  	[tilespmem:s18+$0xBE70] =	vst v2  }
0x17: {  	[tilespmem:s18+$0xBE00] =	vst v2  }
0x18: {  	[tilespmem:s18+$0xBE10] =	vst v2  }
.Ltmp1:
0x19: {  	[tilespmem:s18+$0xBE20] =	vst v2;
	(pc) =	sbr.rel .LBB2_4-.Ltmp1, $4  }
0x1a: {  	[tilespmem:s18+$0xBE30] =	vst v2  }
0x1b: {  	[tilespmem:s18+$0xBE40] =	vst v2  }
0x1c: {  	[tilespmem:s18+$0xBE50] =	vst v2  }
0x1d: {  	s17 =	simm.s32 $0x0;
	[tilespmem:s18+$0xBE60] =	vst v2;
	s18 =	simm.s32 $0x0  }
.LBB2_14:
0x1e: {  	s18 =	sadd.s32 $0x1, s18  }
0x1f: {  	p0 =	sne.s32 s18, $0x28  }
.Ltmp2:
0x20: {  	_ = 	snop;
	(pc) =	sbr.rel @!p0 .LBB2_15-.Ltmp2, $1  }
0x21: {  	_ =	sdelay $0x3  }
.LBB2_4:
0x22: {  	s19 =	smul.u32 $0x1F40, s18;
	_ =	sdelay $0x1  }
0x23: {  	s19 =	sshrl.u32 s19, $0x3  }
0x24: {  	s20 =	sadd.s32 s2, s19  }
0x25: {  	[tilespmem:s17], [sflag:$0x2] =	stream.linear.gather [hbm4b:s20+s17], $0x1F40, $0x38;
	[tilespmem:$0x16200] =	vst v63  }
0x26: {  	_ =	swait.ge [sflag:s8], $0x1F40  }
0x27: {  	[sflag:s8] =	ssyncset.done $0x0  }
0x28: {  	s19 =	sadd.s32 s4, s19;
	[sflag:s8] =	ssyncadd.s32 $0xFFFFE0C0  }
0x29: {  	[tilespmem:s9], [sflag:$0x2] =	stream.linear.gather [hbm4b:s19+s17], $0x1F40, $0x38;
	[tilespmem:$0x16200] =	vst v63  }
0x2a: {  	_ =	swait.ge [sflag:s8], $0x1F40  }
0x2b: {  	[sflag:s8] =	ssyncset.done $0x0  }
0x2c: {  	s30 =	simm.s32 $0x0;
	[sflag:s8] =	ssyncadd.s32 $0xFFFFE0C0  }
0x2d: {  	v6 =	vld [tilespmem:s30+$0x1F80];
	_ =	sdelay $0x4  }
0x2e: {  	vm0 =	vge.s32 v6, v0;
	vm1 =	vlt.s32 v6, v1  }
0x2f: {  	vm0 =	vmand vm0, vm1  }
0x30: {  	v7 =	vsel vm0, $0x1, v3  }
0x31: {  	(xrf0) =	vadd.scan.msk.s32 $0xffff, v7;
	_ =	sdelay $0x5  }
0x32: {  	s31 =	simm.s32 $0xFFFFFFFF;
	v7, _, _ =	vpop (xrf0)  }
0x33: {  	v8 =	vld [tilespmem:s30+$0x0];
	v9 =	vadd.s32 s31, v7;
	(v2sf) =	vpush v7, $0xF;
	_ =	sdelay $0x4  }
0x34: {  	v6 =	vsub.s32 v6, v0;
	[tilespmem:v9+s10+$0x0] =	vst.idx.msk vm0, v8  }
0x35: {  	s21 =	simm.s32 $0x80;
	s20 =	simm.s32 $0x10;
	s19 =	simm.s32 $0x0;
	[tilespmem:v9+s11+$0x0] =	vst.idx.msk vm0, v6  }
.LBB2_5:
0x36: {  	p0 =	sne.s32 s21, $0x7CC0;
	v6 =	vld [tilespmem:s20+$0x1F80];
	_ =	sdelay $0x4  }
0x37: {  	vm0 =	vge.s32 v6, v0;
	vm1 =	vlt.s32 v6, v1;
	v6 =	vsub.s32 v6, v0  }
0x38: {  	vm0 =	vmand vm0, vm1  }
0x39: {  	v7 =	vsel vm0, $0x1, v3  }
0x3a: {  	(xrf0) =	vadd.scan.msk.s32 $0xffff, v7;
	s22 =	spop (v2sf)  }
0x3b: {  	s19 =	sadd.s32 s19, s22  }
0x3c: {  	s22 =	sadd.s32 $0xFFFFFFFF, s19;
	_ =	sdelay $0x3  }
0x3d: {  	v7, _, _ =	vpop (xrf0)  }
0x3e: {  	v8 =	vld [tilespmem:s20+$0x0];
	v9 =	vadd.s32 s22, v7;
	(v2sf) =	vpush v7, $0xF;
	_ =	sdelay $0x1  }
.Ltmp3:
0x3f: {  	(pc) =	sbr.rel @p0 .LBB2_5-.Ltmp3, $3  }
0x40: {  	_ =	sdelay $0x1  }
0x41: {  	[tilespmem:v9+s10+$0x0] =	vst.idx.msk vm0, v8  }
0x42: {  	s20 =	sshra.s32 s21, $0x2;
	s21 =	sadd.s32 $0x40, s21;
	[tilespmem:v9+s11+$0x0] =	vst.idx.msk vm0, v6  }
0x43: {  	v6 =	vld [tilespmem:s20+$0x1F80];
	_ =	sdelay $0x4  }
0x44: {  	vm0 =	vge.s32 v6, v0;
	vm1 =	vlt.s32 v6, v1  }
0x45: {  	vm0 =	vmand vm0, vm1  }
0x46: {  	v7 =	vsel vm0, $0x1, v3  }
0x47: {  	(xrf0) =	vadd.scan.msk.s32 $0xffff, v7;
	_ =	sdelay $0x5  }
0x48: {  	v7, _, _ =	vpop (xrf0)  }
0x49: {  	(v2sf) =	vpush v7, $0xF;
	_ =	sdelay $0xd  }
0x4a: {  	s21 =	spop (v2sf)  }
0x4b: {  	s21 =	sadd.s32 s19, s21;
	s22 =	spop (v2sf)  }
0x4c: {  	s30 =	sadd.s32 s21, s22  }
0x4d: {  	s31 =	ssub.s32 $0x0, s30  }
0x4e: {  	s23 =	sand.u32 $0x7F, s31  }
0x4f: {  	v8 =	vld [tilespmem:s20+$0x0];
	s19 =	sadd.s32 $0xFFFFFFFF, s21;
	s20 =	sadd.s32 $0xF, s23  }
0x50: {  	v7 =	vadd.s32 s19, v7;
	s20 =	sshrl.u32 s20, $0x4  }
0x51: {  	p0 =	seq.s32 s20, $0x0  }
.Ltmp4:
0x52: {  	_ = 	snop;
	(pc) =	sbr.rel @p0 .LBB2_10-.Ltmp4, $3  }
0x53: {  	_ =	sdelay $0x1  }
0x54: {  	v6 =	vsub.s32 v6, v0;
	[tilespmem:v7+s10+$0x0] =	vst.idx.msk vm0, v8  }
0x55: {  	[tilespmem:v7+s11+$0x0] =	vst.idx.msk vm0, v6;
	s19 =	sadd.s32 s30, s23  }
0x56: {  	s21 =	sadd.s32 s21, s22;
	s20 =	sshll.u32 s20, $0x4  }
0x57: {  	v6 =	vmov s19;
	v7 =	vadd.s32 s21, v4;
	p0 =	sne.s32 s20, $0x10  }
.Ltmp5:
0x58: {  	vm0 =	vlt.s32 v7, v6;
	(pc) =	sbr.rel @!p0 .LBB2_9-.Ltmp5, $2  }
0x59: {  	vm1 =	vmmov vm0;
	_ =	sdelay $0x2  }
0x5a: {  	s20 =	sadd.s32 $0xFFFFFFF0, s20;
	s21 =	sadd.s32 $0x10, s21  }
.LBB2_8:
0x5b: {  	v8 =	vadd.s32 s21, v4;
	p0 =	sne.s32 s20, $0x10  }
.Ltmp6:
0x5c: {  	s20 =	sadd.s32 $0xFFFFFFF0, s20;
	[tilespmem:v7+s10+$0x0] =	vst.idx.msk vm0, v3;
	vm0 =	vlt.s32 v8, v6;
	(pc) =	sbr.rel @p0 .LBB2_8-.Ltmp6, $2  }
0x5d: {  	[tilespmem:v7+s11+$0x0] =	vst.idx.msk vm1, v5;
	v7 =	vmov v8;
	vm1 =	vmmov vm0;
	_ =	sdelay $0x2  }
0x5e: {  	s21 =	sadd.s32 $0x10, s21  }
.LBB2_9:
0x5f: {  	_ =	sdelay $0x4  }
0x60: {  	[tilespmem:v7+s10+$0x0] =	vst.idx.msk vm0, v3  }
0x61: {  	[tilespmem:v7+s11+$0x0] =	vst.idx.msk vm1, v5  }
.LBB2_10:
0x62: {  	s20 =	sand.u32 $0x7F, s19  }
0x63: {  	s21 =	sshra.s32 s19, $0x1F;
	p0 =	slt.s32 s19, $0x1;
	p1 =	sne.s32 s20, $0x0  }
0x64: {  	s30 =	sshrl.u32 s21, $0x19;
	p0 =	por !p0, !p1  }
0x65: {  	s20 =	simm.s32 $0x1;
	s31 =	sadd.s32 s30, s19;
	p0 =	por !p0, !p0  }
0x66: {  	s19 =	sshra.s32 s31, $0x7;
	s20 =	simm.s32 @!p0 $0x0  }
0x67: {  	s19 =	ssub.s32 s19, s20  }
0x68: {  	p0 =	slt.s32 s19, $0x1  }
.Ltmp7:
0x69: {  	_ = 	snop;
	(pc) =	sbr.rel @p0 .LBB2_14-.Ltmp7, $2  }
0x6a: {  	_ =	sdelay $0x2  }
0x6b: {  	s21 =	simm.s32 $0x5E80;
	s20 =	simm.s32 $0x0  }
.LBB2_11:
0x6c: {  	s22 =	sshll.u32 s20, $0x9  }
0x6d: {  	s22 =	sshra.s32 s22, $0x2  }
0x6e: {  	s22 =	sadd.s32 $0x3F00, s22  }
0x6f: {  	v6 =	vmov s21;
	[tilespmem:s14], [sflag:$0x1] =	stream.indirect.gather [hbm4b:s1+s13], $0x80, s22, s13, $0xb8;
	[tilespmem:$0x16200] =	vst v63  }
0x70: {  	_ =	swait.ge [sflag:s12], $0x4000  }
0x71: {  	[sflag:s12] =	ssyncset.done $0x0  }
0x72: {  	s23 =	simm.s32 $0x0;
	s22 =	simm.s32 $0x8200;
	[sflag:s12] =	ssyncadd.s32 $0xFFFFC000  }
.LBB2_12:
0x73: {  	s24 =	sshra.s32 s23, $0x2  }
0x74: {  	v7 =	vld.idx.msk [tilespmem:v6+s24+$0x0 ss:$0x1], $0xffff;
	_ =	sdelay $0x4  }
0x75: {  	v7 =	vshll.u32 v7, $0x9  }
0x76: {  	v7 =	vshra.s32 v7, $0x2  }
0x77: {  	(v2sf) =	vpush v7, $0x0;
	_ =	sdelay $0xe  }
0x78: {  	v8 =	vld [tilespmem:s22+$0xFFFFFC00];
	s28 =	spop (v2sf)  }
0x79: {  	v9 =	vld [tilespmem:s28+$0xBE00];
	_ =	sdelay $0x4  }
0x7a: {  	v8 =	vmax.f32 v9, v8  }
0x7b: {  	v50 =	vld [tilespmem:s28+$0xBE10];
	[tilespmem:s28+$0xBE00] =	vst v8  }
0x7c: {  	v8 =	vld [tilespmem:s22+$0xFFFFFC10];
	_ =	sdelay $0x4  }
0x7d: {  	v8 =	vmax.f32 v50, v8  }
0x7e: {  	v51 =	vld [tilespmem:s28+$0xBE20];
	[tilespmem:s28+$0xBE10] =	vst v8  }
0x7f: {  	v8 =	vld [tilespmem:s22+$0xFFFFFC20];
	_ =	sdelay $0x4  }
0x80: {  	v8 =	vmax.f32 v51, v8  }
0x81: {  	v52 =	vld [tilespmem:s28+$0xBE30];
	[tilespmem:s28+$0xBE20] =	vst v8  }
0x82: {  	v8 =	vld [tilespmem:s22+$0xFFFFFC30];
	_ =	sdelay $0x4  }
0x83: {  	v8 =	vmax.f32 v52, v8  }
0x84: {  	v53 =	vld [tilespmem:s28+$0xBE40];
	[tilespmem:s28+$0xBE30] =	vst v8  }
0x85: {  	v8 =	vld [tilespmem:s22+$0xFFFFFC40];
	_ =	sdelay $0x4  }
0x86: {  	v8 =	vmax.f32 v53, v8  }
0x87: {  	v54 =	vld [tilespmem:s28+$0xBE50];
	[tilespmem:s28+$0xBE40] =	vst v8  }
0x88: {  	v8 =	vld [tilespmem:s22+$0xFFFFFC50];
	_ =	sdelay $0x4  }
0x89: {  	v8 =	vmax.f32 v54, v8  }
0x8a: {  	(v2sf) =	vpush v7, $0x1;
	v55 =	vld [tilespmem:s28+$0xBE60];
	[tilespmem:s28+$0xBE50] =	vst v8  }
0x8b: {  	v8 =	vld [tilespmem:s22+$0xFFFFFC60];
	_ =	sdelay $0x4  }
0x8c: {  	v8 =	vmax.f32 v55, v8  }
0x8d: {  	v56 =	vld [tilespmem:s28+$0xBE70];
	[tilespmem:s28+$0xBE60] =	vst v8  }
0x8e: {  	v8 =	vld [tilespmem:s22+$0xFFFFFC70];
	_ =	sdelay $0x4  }
0x8f: {  	v8 =	vmax.f32 v56, v8  }
0x90: {  	[tilespmem:s28+$0xBE70] =	vst v8  }
0x91: {  	s29 =	spop (v2sf);
	v8 =	vld [tilespmem:s22+$0xFFFFFC80]  }
0x92: {  	v57 =	vld [tilespmem:s29+$0xBE00];
	_ =	sdelay $0x4  }
0x93: {  	v8 =	vmax.f32 v57, v8  }
0x94: {  	v58 =	vld [tilespmem:s29+$0xBE10];
	[tilespmem:s29+$0xBE00] =	vst v8  }
0x95: {  	v8 =	vld [tilespmem:s22+$0xFFFFFC90];
	_ =	sdelay $0x4  }
0x96: {  	v8 =	vmax.f32 v58, v8  }
0x97: {  	v59 =	vld [tilespmem:s29+$0xBE20];
	[tilespmem:s29+$0xBE10] =	vst v8  }
0x98: {  	v8 =	vld [tilespmem:s22+$0xFFFFFCA0];
	_ =	sdelay $0x4  }
0x99: {  	v8 =	vmax.f32 v59, v8  }
0x9a: {  	v60 =	vld [tilespmem:s29+$0xBE30];
	[tilespmem:s29+$0xBE20] =	vst v8  }
0x9b: {  	v8 =	vld [tilespmem:s22+$0xFFFFFCB0];
	_ =	sdelay $0x4  }
0x9c: {  	v8 =	vmax.f32 v60, v8  }
0x9d: {  	v61 =	vld [tilespmem:s29+$0xBE40];
	[tilespmem:s29+$0xBE30] =	vst v8  }
0x9e: {  	v8 =	vld [tilespmem:s22+$0xFFFFFCC0];
	_ =	sdelay $0x4  }
0x9f: {  	v8 =	vmax.f32 v61, v8  }
0xa0: {  	v62 =	vld [tilespmem:s29+$0xBE50];
	[tilespmem:s29+$0xBE40] =	vst v8  }
0xa1: {  	v8 =	vld [tilespmem:s22+$0xFFFFFCD0];
	_ =	sdelay $0x4  }
0xa2: {  	v8 =	vmax.f32 v62, v8  }
0xa3: {  	(v2sf) =	vpush v7, $0x2;
	v63 =	vld [tilespmem:s29+$0xBE60];
	[tilespmem:s29+$0xBE50] =	vst v8  }
0xa4: {  	v8 =	vld [tilespmem:s22+$0xFFFFFCE0];
	_ =	sdelay $0x4  }
0xa5: {  	v8 =	vmax.f32 v63, v8  }
0xa6: {  	v12 =	vld [tilespmem:s29+$0xBE70];
	[tilespmem:s29+$0xBE60] =	vst v8  }
0xa7: {  	v8 =	vld [tilespmem:s22+$0xFFFFFCF0];
	_ =	sdelay $0x4  }
0xa8: {  	v8 =	vmax.f32 v12, v8  }
0xa9: {  	[tilespmem:s29+$0xBE70] =	vst v8  }
0xaa: {  	s30 =	spop (v2sf);
	v8 =	vld [tilespmem:s22+$0xFFFFFD00]  }
0xab: {  	v13 =	vld [tilespmem:s30+$0xBE00];
	_ =	sdelay $0x4  }
0xac: {  	v8 =	vmax.f32 v13, v8  }
0xad: {  	v14 =	vld [tilespmem:s30+$0xBE10];
	[tilespmem:s30+$0xBE00] =	vst v8  }
0xae: {  	v8 =	vld [tilespmem:s22+$0xFFFFFD10];
	_ =	sdelay $0x4  }
0xaf: {  	v8 =	vmax.f32 v14, v8  }
0xb0: {  	v15 =	vld [tilespmem:s30+$0xBE20];
	[tilespmem:s30+$0xBE10] =	vst v8  }
0xb1: {  	v8 =	vld [tilespmem:s22+$0xFFFFFD20];
	_ =	sdelay $0x4  }
0xb2: {  	v8 =	vmax.f32 v15, v8  }
0xb3: {  	v16 =	vld [tilespmem:s30+$0xBE30];
	[tilespmem:s30+$0xBE20] =	vst v8  }
0xb4: {  	v8 =	vld [tilespmem:s22+$0xFFFFFD30];
	_ =	sdelay $0x4  }
0xb5: {  	v8 =	vmax.f32 v16, v8  }
0xb6: {  	v17 =	vld [tilespmem:s30+$0xBE40];
	[tilespmem:s30+$0xBE30] =	vst v8  }
0xb7: {  	v8 =	vld [tilespmem:s22+$0xFFFFFD40];
	_ =	sdelay $0x4  }
0xb8: {  	v8 =	vmax.f32 v17, v8  }
0xb9: {  	v18 =	vld [tilespmem:s30+$0xBE50];
	[tilespmem:s30+$0xBE40] =	vst v8  }
0xba: {  	v8 =	vld [tilespmem:s22+$0xFFFFFD50];
	_ =	sdelay $0x4  }
0xbb: {  	v8 =	vmax.f32 v18, v8  }
0xbc: {  	(v2sf) =	vpush v7, $0x3;
	v19 =	vld [tilespmem:s30+$0xBE60];
	[tilespmem:s30+$0xBE50] =	vst v8  }
0xbd: {  	v8 =	vld [tilespmem:s22+$0xFFFFFD60];
	_ =	sdelay $0x4  }
0xbe: {  	v8 =	vmax.f32 v19, v8  }
0xbf: {  	v20 =	vld [tilespmem:s30+$0xBE70];
	[tilespmem:s30+$0xBE60] =	vst v8  }
0xc0: {  	v8 =	vld [tilespmem:s22+$0xFFFFFD70];
	_ =	sdelay $0x4  }
0xc1: {  	v8 =	vmax.f32 v20, v8  }
0xc2: {  	[tilespmem:s30+$0xBE70] =	vst v8  }
0xc3: {  	s31 =	spop (v2sf);
	v8 =	vld [tilespmem:s22+$0xFFFFFD80]  }
0xc4: {  	v21 =	vld [tilespmem:s31+$0xBE00];
	_ =	sdelay $0x4  }
0xc5: {  	v8 =	vmax.f32 v21, v8  }
0xc6: {  	v22 =	vld [tilespmem:s31+$0xBE10];
	[tilespmem:s31+$0xBE00] =	vst v8  }
0xc7: {  	v8 =	vld [tilespmem:s22+$0xFFFFFD90];
	_ =	sdelay $0x4  }
0xc8: {  	v8 =	vmax.f32 v22, v8  }
0xc9: {  	v23 =	vld [tilespmem:s31+$0xBE20];
	[tilespmem:s31+$0xBE10] =	vst v8  }
0xca: {  	v8 =	vld [tilespmem:s22+$0xFFFFFDA0];
	_ =	sdelay $0x4  }
0xcb: {  	v8 =	vmax.f32 v23, v8  }
0xcc: {  	v24 =	vld [tilespmem:s31+$0xBE30];
	[tilespmem:s31+$0xBE20] =	vst v8  }
0xcd: {  	v8 =	vld [tilespmem:s22+$0xFFFFFDB0];
	_ =	sdelay $0x4  }
0xce: {  	v8 =	vmax.f32 v24, v8  }
0xcf: {  	v25 =	vld [tilespmem:s31+$0xBE40];
	[tilespmem:s31+$0xBE30] =	vst v8  }
0xd0: {  	v8 =	vld [tilespmem:s22+$0xFFFFFDC0];
	_ =	sdelay $0x4  }
0xd1: {  	v8 =	vmax.f32 v25, v8  }
0xd2: {  	v26 =	vld [tilespmem:s31+$0xBE50];
	[tilespmem:s31+$0xBE40] =	vst v8  }
0xd3: {  	v8 =	vld [tilespmem:s22+$0xFFFFFDD0];
	_ =	sdelay $0x4  }
0xd4: {  	v8 =	vmax.f32 v26, v8  }
0xd5: {  	(v2sf) =	vpush v7, $0x4;
	v27 =	vld [tilespmem:s31+$0xBE60];
	[tilespmem:s31+$0xBE50] =	vst v8  }
0xd6: {  	v8 =	vld [tilespmem:s22+$0xFFFFFDE0];
	_ =	sdelay $0x4  }
0xd7: {  	v8 =	vmax.f32 v27, v8  }
0xd8: {  	v28 =	vld [tilespmem:s31+$0xBE70];
	[tilespmem:s31+$0xBE60] =	vst v8  }
0xd9: {  	v8 =	vld [tilespmem:s22+$0xFFFFFDF0];
	_ =	sdelay $0x4  }
0xda: {  	v8 =	vmax.f32 v28, v8  }
0xdb: {  	[tilespmem:s31+$0xBE70] =	vst v8  }
0xdc: {  	s25 =	spop (v2sf);
	v8 =	vld [tilespmem:s22+$0xFFFFFE00]  }
0xdd: {  	v29 =	vld [tilespmem:s25+$0xBE00];
	_ =	sdelay $0x4  }
0xde: {  	v8 =	vmax.f32 v29, v8  }
0xdf: {  	v30 =	vld [tilespmem:s25+$0xBE10];
	[tilespmem:s25+$0xBE00] =	vst v8  }
0xe0: {  	v8 =	vld [tilespmem:s22+$0xFFFFFE10];
	_ =	sdelay $0x4  }
0xe1: {  	v8 =	vmax.f32 v30, v8  }
0xe2: {  	v31 =	vld [tilespmem:s25+$0xBE20];
	[tilespmem:s25+$0xBE10] =	vst v8  }
0xe3: {  	v8 =	vld [tilespmem:s22+$0xFFFFFE20];
	_ =	sdelay $0x4  }
0xe4: {  	v8 =	vmax.f32 v31, v8  }
0xe5: {  	v32 =	vld [tilespmem:s25+$0xBE30];
	[tilespmem:s25+$0xBE20] =	vst v8  }
0xe6: {  	v8 =	vld [tilespmem:s22+$0xFFFFFE30];
	_ =	sdelay $0x4  }
0xe7: {  	v8 =	vmax.f32 v32, v8  }
0xe8: {  	v33 =	vld [tilespmem:s25+$0xBE40];
	[tilespmem:s25+$0xBE30] =	vst v8  }
0xe9: {  	v8 =	vld [tilespmem:s22+$0xFFFFFE40];
	_ =	sdelay $0x4  }
0xea: {  	v8 =	vmax.f32 v33, v8  }
0xeb: {  	v34 =	vld [tilespmem:s25+$0xBE50];
	[tilespmem:s25+$0xBE40] =	vst v8  }
0xec: {  	v8 =	vld [tilespmem:s22+$0xFFFFFE50];
	_ =	sdelay $0x4  }
0xed: {  	v8 =	vmax.f32 v34, v8  }
0xee: {  	(v2sf) =	vpush v7, $0x5;
	v35 =	vld [tilespmem:s25+$0xBE60];
	[tilespmem:s25+$0xBE50] =	vst v8  }
0xef: {  	v8 =	vld [tilespmem:s22+$0xFFFFFE60];
	_ =	sdelay $0x4  }
0xf0: {  	v8 =	vmax.f32 v35, v8  }
0xf1: {  	v36 =	vld [tilespmem:s25+$0xBE70];
	[tilespmem:s25+$0xBE60] =	vst v8  }
0xf2: {  	v8 =	vld [tilespmem:s22+$0xFFFFFE70];
	_ =	sdelay $0x4  }
0xf3: {  	v8 =	vmax.f32 v36, v8  }
0xf4: {  	[tilespmem:s25+$0xBE70] =	vst v8  }
0xf5: {  	s26 =	spop (v2sf);
	v8 =	vld [tilespmem:s22+$0xFFFFFE80]  }
0xf6: {  	v37 =	vld [tilespmem:s26+$0xBE00];
	_ =	sdelay $0x4  }
0xf7: {  	v8 =	vmax.f32 v37, v8  }
0xf8: {  	v38 =	vld [tilespmem:s26+$0xBE10];
	[tilespmem:s26+$0xBE00] =	vst v8  }
0xf9: {  	v8 =	vld [tilespmem:s22+$0xFFFFFE90];
	_ =	sdelay $0x4  }
0xfa: {  	v8 =	vmax.f32 v38, v8  }
0xfb: {  	v39 =	vld [tilespmem:s26+$0xBE20];
	[tilespmem:s26+$0xBE10] =	vst v8  }
0xfc: {  	v8 =	vld [tilespmem:s22+$0xFFFFFEA0];
	_ =	sdelay $0x4  }
0xfd: {  	v8 =	vmax.f32 v39, v8  }
0xfe: {  	v40 =	vld [tilespmem:s26+$0xBE30];
	[tilespmem:s26+$0xBE20] =	vst v8  }
0xff: {  	v8 =	vld [tilespmem:s22+$0xFFFFFEB0];
	_ =	sdelay $0x4  }
0x100: {  	v8 =	vmax.f32 v40, v8  }
0x101: {  	v41 =	vld [tilespmem:s26+$0xBE40];
	[tilespmem:s26+$0xBE30] =	vst v8  }
0x102: {  	v8 =	vld [tilespmem:s22+$0xFFFFFEC0];
	_ =	sdelay $0x4  }
0x103: {  	v8 =	vmax.f32 v41, v8  }
0x104: {  	v42 =	vld [tilespmem:s26+$0xBE50];
	[tilespmem:s26+$0xBE40] =	vst v8  }
0x105: {  	v8 =	vld [tilespmem:s22+$0xFFFFFED0];
	_ =	sdelay $0x4  }
0x106: {  	v8 =	vmax.f32 v42, v8  }
0x107: {  	(v2sf) =	vpush v7, $0x6;
	v43 =	vld [tilespmem:s26+$0xBE60];
	[tilespmem:s26+$0xBE50] =	vst v8  }
0x108: {  	v8 =	vld [tilespmem:s22+$0xFFFFFEE0];
	_ =	sdelay $0x4  }
0x109: {  	v8 =	vmax.f32 v43, v8  }
0x10a: {  	v44 =	vld [tilespmem:s26+$0xBE70];
	[tilespmem:s26+$0xBE60] =	vst v8  }
0x10b: {  	v8 =	vld [tilespmem:s22+$0xFFFFFEF0];
	_ =	sdelay $0x4  }
0x10c: {  	v8 =	vmax.f32 v44, v8  }
0x10d: {  	[tilespmem:s26+$0xBE70] =	vst v8  }
0x10e: {  	s28 =	spop (v2sf);
	v8 =	vld [tilespmem:s22+$0xFFFFFF00]  }
0x10f: {  	v45 =	vld [tilespmem:s28+$0xBE00];
	_ =	sdelay $0x4  }
0x110: {  	v8 =	vmax.f32 v45, v8  }
0x111: {  	v46 =	vld [tilespmem:s28+$0xBE10];
	[tilespmem:s28+$0xBE00] =	vst v8  }
0x112: {  	v8 =	vld [tilespmem:s22+$0xFFFFFF10];
	_ =	sdelay $0x4  }
0x113: {  	v8 =	vmax.f32 v46, v8  }
0x114: {  	v47 =	vld [tilespmem:s28+$0xBE20];
	[tilespmem:s28+$0xBE10] =	vst v8  }
0x115: {  	v8 =	vld [tilespmem:s22+$0xFFFFFF20];
	_ =	sdelay $0x4  }
0x116: {  	v8 =	vmax.f32 v47, v8  }
0x117: {  	v48 =	vld [tilespmem:s28+$0xBE30];
	[tilespmem:s28+$0xBE20] =	vst v8  }
0x118: {  	v8 =	vld [tilespmem:s22+$0xFFFFFF30];
	_ =	sdelay $0x4  }
0x119: {  	v8 =	vmax.f32 v48, v8  }
0x11a: {  	v49 =	vld [tilespmem:s28+$0xBE40];
	[tilespmem:s28+$0xBE30] =	vst v8  }
0x11b: {  	v8 =	vld [tilespmem:s22+$0xFFFFFF40];
	_ =	sdelay $0x4  }
0x11c: {  	v8 =	vmax.f32 v49, v8  }
0x11d: {  	v50 =	vld [tilespmem:s28+$0xBE50];
	[tilespmem:s28+$0xBE40] =	vst v8  }
0x11e: {  	v8 =	vld [tilespmem:s22+$0xFFFFFF50];
	_ =	sdelay $0x4  }
0x11f: {  	v8 =	vmax.f32 v50, v8  }
0x120: {  	(v2sf) =	vpush v7, $0x7;
	v51 =	vld [tilespmem:s28+$0xBE60];
	[tilespmem:s28+$0xBE50] =	vst v8  }
0x121: {  	v8 =	vld [tilespmem:s22+$0xFFFFFF60];
	_ =	sdelay $0x4  }
0x122: {  	v8 =	vmax.f32 v51, v8  }
0x123: {  	v52 =	vld [tilespmem:s28+$0xBE70];
	[tilespmem:s28+$0xBE60] =	vst v8  }
0x124: {  	v8 =	vld [tilespmem:s22+$0xFFFFFF70];
	_ =	sdelay $0x4  }
0x125: {  	v8 =	vmax.f32 v52, v8  }
0x126: {  	[tilespmem:s28+$0xBE70] =	vst v8  }
0x127: {  	s29 =	spop (v2sf);
	v8 =	vld [tilespmem:s22+$0xFFFFFF80]  }
0x128: {  	v53 =	vld [tilespmem:s29+$0xBE00];
	_ =	sdelay $0x4  }
0x129: {  	v8 =	vmax.f32 v53, v8  }
0x12a: {  	v54 =	vld [tilespmem:s29+$0xBE10];
	[tilespmem:s29+$0xBE00] =	vst v8  }
0x12b: {  	v8 =	vld [tilespmem:s22+$0xFFFFFF90];
	_ =	sdelay $0x4  }
0x12c: {  	v8 =	vmax.f32 v54, v8  }
0x12d: {  	v55 =	vld [tilespmem:s29+$0xBE20];
	[tilespmem:s29+$0xBE10] =	vst v8  }
0x12e: {  	v8 =	vld [tilespmem:s22+$0xFFFFFFA0];
	_ =	sdelay $0x4  }
0x12f: {  	v8 =	vmax.f32 v55, v8  }
0x130: {  	v56 =	vld [tilespmem:s29+$0xBE30];
	[tilespmem:s29+$0xBE20] =	vst v8  }
0x131: {  	v8 =	vld [tilespmem:s22+$0xFFFFFFB0];
	_ =	sdelay $0x4  }
0x132: {  	v8 =	vmax.f32 v56, v8  }
0x133: {  	v57 =	vld [tilespmem:s29+$0xBE40];
	[tilespmem:s29+$0xBE30] =	vst v8  }
0x134: {  	v8 =	vld [tilespmem:s22+$0xFFFFFFC0];
	_ =	sdelay $0x4  }
0x135: {  	v8 =	vmax.f32 v57, v8  }
0x136: {  	v58 =	vld [tilespmem:s29+$0xBE50];
	[tilespmem:s29+$0xBE40] =	vst v8  }
0x137: {  	v8 =	vld [tilespmem:s22+$0xFFFFFFD0];
	_ =	sdelay $0x4  }
0x138: {  	v8 =	vmax.f32 v58, v8  }
0x139: {  	(v2sf) =	vpush v7, $0x8;
	v59 =	vld [tilespmem:s29+$0xBE60];
	[tilespmem:s29+$0xBE50] =	vst v8  }
0x13a: {  	v8 =	vld [tilespmem:s22+$0xFFFFFFE0];
	_ =	sdelay $0x4  }
0x13b: {  	v8 =	vmax.f32 v59, v8  }
0x13c: {  	v60 =	vld [tilespmem:s29+$0xBE70];
	[tilespmem:s29+$0xBE60] =	vst v8  }
0x13d: {  	v8 =	vld [tilespmem:s22+$0xFFFFFFF0];
	_ =	sdelay $0x4  }
0x13e: {  	v8 =	vmax.f32 v60, v8  }
0x13f: {  	[tilespmem:s29+$0xBE70] =	vst v8  }
0x140: {  	s30 =	spop (v2sf);
	v8 =	vld [tilespmem:s22+$0x0]  }
0x141: {  	v61 =	vld [tilespmem:s30+$0xBE00];
	_ =	sdelay $0x4  }
0x142: {  	v8 =	vmax.f32 v61, v8  }
0x143: {  	v62 =	vld [tilespmem:s30+$0xBE10];
	[tilespmem:s30+$0xBE00] =	vst v8  }
0x144: {  	v8 =	vld [tilespmem:s22+$0x10];
	_ =	sdelay $0x4  }
0x145: {  	v8 =	vmax.f32 v62, v8  }
0x146: {  	v63 =	vld [tilespmem:s30+$0xBE20];
	[tilespmem:s30+$0xBE10] =	vst v8  }
0x147: {  	v8 =	vld [tilespmem:s22+$0x20];
	_ =	sdelay $0x4  }
0x148: {  	v8 =	vmax.f32 v63, v8  }
0x149: {  	v12 =	vld [tilespmem:s30+$0xBE30];
	[tilespmem:s30+$0xBE20] =	vst v8  }
0x14a: {  	v8 =	vld [tilespmem:s22+$0x30];
	_ =	sdelay $0x4  }
0x14b: {  	v8 =	vmax.f32 v12, v8  }
0x14c: {  	v13 =	vld [tilespmem:s30+$0xBE40];
	[tilespmem:s30+$0xBE30] =	vst v8  }
0x14d: {  	v8 =	vld [tilespmem:s22+$0x40];
	_ =	sdelay $0x4  }
0x14e: {  	v8 =	vmax.f32 v13, v8  }
0x14f: {  	v14 =	vld [tilespmem:s30+$0xBE50];
	[tilespmem:s30+$0xBE40] =	vst v8  }
0x150: {  	v8 =	vld [tilespmem:s22+$0x50];
	_ =	sdelay $0x4  }
0x151: {  	v8 =	vmax.f32 v14, v8  }
0x152: {  	(v2sf) =	vpush v7, $0x9;
	v15 =	vld [tilespmem:s30+$0xBE60];
	[tilespmem:s30+$0xBE50] =	vst v8  }
0x153: {  	v8 =	vld [tilespmem:s22+$0x60];
	_ =	sdelay $0x4  }
0x154: {  	v8 =	vmax.f32 v15, v8  }
0x155: {  	v16 =	vld [tilespmem:s30+$0xBE70];
	[tilespmem:s30+$0xBE60] =	vst v8  }
0x156: {  	v8 =	vld [tilespmem:s22+$0x70];
	_ =	sdelay $0x4  }
0x157: {  	v8 =	vmax.f32 v16, v8  }
0x158: {  	[tilespmem:s30+$0xBE70] =	vst v8  }
0x159: {  	s31 =	spop (v2sf);
	v8 =	vld [tilespmem:s22+$0x80]  }
0x15a: {  	v17 =	vld [tilespmem:s31+$0xBE00];
	_ =	sdelay $0x4  }
0x15b: {  	v8 =	vmax.f32 v17, v8  }
0x15c: {  	v18 =	vld [tilespmem:s31+$0xBE10];
	[tilespmem:s31+$0xBE00] =	vst v8  }
0x15d: {  	v8 =	vld [tilespmem:s22+$0x90];
	_ =	sdelay $0x4  }
0x15e: {  	v8 =	vmax.f32 v18, v8  }
0x15f: {  	v19 =	vld [tilespmem:s31+$0xBE20];
	[tilespmem:s31+$0xBE10] =	vst v8  }
0x160: {  	v8 =	vld [tilespmem:s22+$0xA0];
	_ =	sdelay $0x4  }
0x161: {  	v8 =	vmax.f32 v19, v8  }
0x162: {  	v20 =	vld [tilespmem:s31+$0xBE30];
	[tilespmem:s31+$0xBE20] =	vst v8  }
0x163: {  	v8 =	vld [tilespmem:s22+$0xB0];
	_ =	sdelay $0x4  }
0x164: {  	v8 =	vmax.f32 v20, v8  }
0x165: {  	v21 =	vld [tilespmem:s31+$0xBE40];
	[tilespmem:s31+$0xBE30] =	vst v8  }
0x166: {  	v8 =	vld [tilespmem:s22+$0xC0];
	_ =	sdelay $0x4  }
0x167: {  	v8 =	vmax.f32 v21, v8  }
0x168: {  	v22 =	vld [tilespmem:s31+$0xBE50];
	[tilespmem:s31+$0xBE40] =	vst v8  }
0x169: {  	v8 =	vld [tilespmem:s22+$0xD0];
	_ =	sdelay $0x4  }
0x16a: {  	v8 =	vmax.f32 v22, v8  }
0x16b: {  	(v2sf) =	vpush v7, $0xA;
	v23 =	vld [tilespmem:s31+$0xBE60];
	[tilespmem:s31+$0xBE50] =	vst v8  }
0x16c: {  	v8 =	vld [tilespmem:s22+$0xE0];
	_ =	sdelay $0x4  }
0x16d: {  	v8 =	vmax.f32 v23, v8  }
0x16e: {  	v24 =	vld [tilespmem:s31+$0xBE70];
	[tilespmem:s31+$0xBE60] =	vst v8  }
0x16f: {  	v8 =	vld [tilespmem:s22+$0xF0];
	_ =	sdelay $0x4  }
0x170: {  	v8 =	vmax.f32 v24, v8  }
0x171: {  	[tilespmem:s31+$0xBE70] =	vst v8  }
0x172: {  	s25 =	spop (v2sf);
	v8 =	vld [tilespmem:s22+$0x100]  }
0x173: {  	v25 =	vld [tilespmem:s25+$0xBE00];
	_ =	sdelay $0x4  }
0x174: {  	v8 =	vmax.f32 v25, v8  }
0x175: {  	v26 =	vld [tilespmem:s25+$0xBE10];
	[tilespmem:s25+$0xBE00] =	vst v8  }
0x176: {  	v8 =	vld [tilespmem:s22+$0x110];
	_ =	sdelay $0x4  }
0x177: {  	v8 =	vmax.f32 v26, v8  }
0x178: {  	v27 =	vld [tilespmem:s25+$0xBE20];
	[tilespmem:s25+$0xBE10] =	vst v8  }
0x179: {  	v8 =	vld [tilespmem:s22+$0x120];
	_ =	sdelay $0x4  }
0x17a: {  	v8 =	vmax.f32 v27, v8  }
0x17b: {  	v28 =	vld [tilespmem:s25+$0xBE30];
	[tilespmem:s25+$0xBE20] =	vst v8  }
0x17c: {  	v8 =	vld [tilespmem:s22+$0x130];
	_ =	sdelay $0x4  }
0x17d: {  	v8 =	vmax.f32 v28, v8  }
0x17e: {  	v29 =	vld [tilespmem:s25+$0xBE40];
	[tilespmem:s25+$0xBE30] =	vst v8  }
0x17f: {  	v8 =	vld [tilespmem:s22+$0x140];
	_ =	sdelay $0x4  }
0x180: {  	v8 =	vmax.f32 v29, v8  }
0x181: {  	v30 =	vld [tilespmem:s25+$0xBE50];
	[tilespmem:s25+$0xBE40] =	vst v8  }
0x182: {  	v8 =	vld [tilespmem:s22+$0x150];
	_ =	sdelay $0x4  }
0x183: {  	v8 =	vmax.f32 v30, v8  }
0x184: {  	(v2sf) =	vpush v7, $0xB;
	v31 =	vld [tilespmem:s25+$0xBE60];
	[tilespmem:s25+$0xBE50] =	vst v8  }
0x185: {  	v8 =	vld [tilespmem:s22+$0x160];
	_ =	sdelay $0x4  }
0x186: {  	v8 =	vmax.f32 v31, v8  }
0x187: {  	v32 =	vld [tilespmem:s25+$0xBE70];
	[tilespmem:s25+$0xBE60] =	vst v8  }
0x188: {  	v8 =	vld [tilespmem:s22+$0x170];
	_ =	sdelay $0x4  }
0x189: {  	v8 =	vmax.f32 v32, v8  }
0x18a: {  	[tilespmem:s25+$0xBE70] =	vst v8  }
0x18b: {  	s26 =	spop (v2sf);
	v8 =	vld [tilespmem:s22+$0x180]  }
0x18c: {  	v33 =	vld [tilespmem:s26+$0xBE00];
	_ =	sdelay $0x4  }
0x18d: {  	v8 =	vmax.f32 v33, v8  }
0x18e: {  	v34 =	vld [tilespmem:s26+$0xBE10];
	[tilespmem:s26+$0xBE00] =	vst v8  }
0x18f: {  	v8 =	vld [tilespmem:s22+$0x190];
	_ =	sdelay $0x4  }
0x190: {  	v8 =	vmax.f32 v34, v8  }
0x191: {  	v35 =	vld [tilespmem:s26+$0xBE20];
	[tilespmem:s26+$0xBE10] =	vst v8  }
0x192: {  	v8 =	vld [tilespmem:s22+$0x1A0];
	_ =	sdelay $0x4  }
0x193: {  	v8 =	vmax.f32 v35, v8  }
0x194: {  	v36 =	vld [tilespmem:s26+$0xBE30];
	[tilespmem:s26+$0xBE20] =	vst v8  }
0x195: {  	v8 =	vld [tilespmem:s22+$0x1B0];
	_ =	sdelay $0x4  }
0x196: {  	v8 =	vmax.f32 v36, v8  }
0x197: {  	v37 =	vld [tilespmem:s26+$0xBE40];
	[tilespmem:s26+$0xBE30] =	vst v8  }
0x198: {  	v8 =	vld [tilespmem:s22+$0x1C0];
	_ =	sdelay $0x4  }
0x199: {  	v8 =	vmax.f32 v37, v8  }
0x19a: {  	v38 =	vld [tilespmem:s26+$0xBE50];
	[tilespmem:s26+$0xBE40] =	vst v8  }
0x19b: {  	v8 =	vld [tilespmem:s22+$0x1D0];
	_ =	sdelay $0x4  }
0x19c: {  	v8 =	vmax.f32 v38, v8  }
0x19d: {  	(v2sf) =	vpush v7, $0xC;
	v39 =	vld [tilespmem:s26+$0xBE60];
	[tilespmem:s26+$0xBE50] =	vst v8  }
0x19e: {  	v8 =	vld [tilespmem:s22+$0x1E0];
	_ =	sdelay $0x4  }
0x19f: {  	v8 =	vmax.f32 v39, v8  }
0x1a0: {  	v40 =	vld [tilespmem:s26+$0xBE70];
	[tilespmem:s26+$0xBE60] =	vst v8  }
0x1a1: {  	v8 =	vld [tilespmem:s22+$0x1F0];
	_ =	sdelay $0x4  }
0x1a2: {  	v8 =	vmax.f32 v40, v8  }
0x1a3: {  	[tilespmem:s26+$0xBE70] =	vst v8  }
0x1a4: {  	s28 =	spop (v2sf);
	v8 =	vld [tilespmem:s22+$0x200]  }
0x1a5: {  	v41 =	vld [tilespmem:s28+$0xBE00];
	_ =	sdelay $0x4  }
0x1a6: {  	v8 =	vmax.f32 v41, v8  }
0x1a7: {  	v42 =	vld [tilespmem:s28+$0xBE10];
	[tilespmem:s28+$0xBE00] =	vst v8  }
0x1a8: {  	v8 =	vld [tilespmem:s22+$0x210];
	_ =	sdelay $0x4  }
0x1a9: {  	v8 =	vmax.f32 v42, v8  }
0x1aa: {  	v43 =	vld [tilespmem:s28+$0xBE20];
	[tilespmem:s28+$0xBE10] =	vst v8  }
0x1ab: {  	v8 =	vld [tilespmem:s22+$0x220];
	_ =	sdelay $0x4  }
0x1ac: {  	v8 =	vmax.f32 v43, v8  }
0x1ad: {  	v44 =	vld [tilespmem:s28+$0xBE30];
	[tilespmem:s28+$0xBE20] =	vst v8  }
0x1ae: {  	v8 =	vld [tilespmem:s22+$0x230];
	_ =	sdelay $0x4  }
0x1af: {  	v8 =	vmax.f32 v44, v8  }
0x1b0: {  	v45 =	vld [tilespmem:s28+$0xBE40];
	[tilespmem:s28+$0xBE30] =	vst v8  }
0x1b1: {  	v8 =	vld [tilespmem:s22+$0x240];
	_ =	sdelay $0x4  }
0x1b2: {  	v8 =	vmax.f32 v45, v8  }
0x1b3: {  	v46 =	vld [tilespmem:s28+$0xBE50];
	[tilespmem:s28+$0xBE40] =	vst v8  }
0x1b4: {  	v8 =	vld [tilespmem:s22+$0x250];
	_ =	sdelay $0x4  }
0x1b5: {  	v8 =	vmax.f32 v46, v8  }
0x1b6: {  	(v2sf) =	vpush v7, $0xD;
	v47 =	vld [tilespmem:s28+$0xBE60];
	[tilespmem:s28+$0xBE50] =	vst v8  }
0x1b7: {  	v8 =	vld [tilespmem:s22+$0x260];
	_ =	sdelay $0x4  }
0x1b8: {  	v8 =	vmax.f32 v47, v8  }
0x1b9: {  	v48 =	vld [tilespmem:s28+$0xBE70];
	[tilespmem:s28+$0xBE60] =	vst v8  }
0x1ba: {  	v8 =	vld [tilespmem:s22+$0x270];
	_ =	sdelay $0x4  }
0x1bb: {  	v8 =	vmax.f32 v48, v8  }
0x1bc: {  	[tilespmem:s28+$0xBE70] =	vst v8  }
0x1bd: {  	s29 =	spop (v2sf);
	v8 =	vld [tilespmem:s22+$0x280]  }
0x1be: {  	v49 =	vld [tilespmem:s29+$0xBE00];
	_ =	sdelay $0x4  }
0x1bf: {  	v8 =	vmax.f32 v49, v8  }
0x1c0: {  	v50 =	vld [tilespmem:s29+$0xBE10];
	[tilespmem:s29+$0xBE00] =	vst v8  }
0x1c1: {  	v8 =	vld [tilespmem:s22+$0x290];
	_ =	sdelay $0x4  }
0x1c2: {  	v8 =	vmax.f32 v50, v8  }
0x1c3: {  	v51 =	vld [tilespmem:s29+$0xBE20];
	[tilespmem:s29+$0xBE10] =	vst v8  }
0x1c4: {  	v8 =	vld [tilespmem:s22+$0x2A0];
	_ =	sdelay $0x4  }
0x1c5: {  	v8 =	vmax.f32 v51, v8  }
0x1c6: {  	v52 =	vld [tilespmem:s29+$0xBE30];
	[tilespmem:s29+$0xBE20] =	vst v8  }
0x1c7: {  	v8 =	vld [tilespmem:s22+$0x2B0];
	_ =	sdelay $0x4  }
0x1c8: {  	v8 =	vmax.f32 v52, v8  }
0x1c9: {  	v53 =	vld [tilespmem:s29+$0xBE40];
	[tilespmem:s29+$0xBE30] =	vst v8  }
0x1ca: {  	v8 =	vld [tilespmem:s22+$0x2C0];
	_ =	sdelay $0x4  }
0x1cb: {  	v8 =	vmax.f32 v53, v8  }
0x1cc: {  	v54 =	vld [tilespmem:s29+$0xBE50];
	[tilespmem:s29+$0xBE40] =	vst v8  }
0x1cd: {  	v8 =	vld [tilespmem:s22+$0x2D0];
	_ =	sdelay $0x4  }
0x1ce: {  	v8 =	vmax.f32 v54, v8  }
0x1cf: {  	(v2sf) =	vpush v7, $0xE;
	v55 =	vld [tilespmem:s29+$0xBE60];
	[tilespmem:s29+$0xBE50] =	vst v8  }
0x1d0: {  	v8 =	vld [tilespmem:s22+$0x2E0];
	_ =	sdelay $0x4  }
0x1d1: {  	v8 =	vmax.f32 v55, v8  }
0x1d2: {  	v56 =	vld [tilespmem:s29+$0xBE70];
	[tilespmem:s29+$0xBE60] =	vst v8  }
0x1d3: {  	v8 =	vld [tilespmem:s22+$0x2F0];
	_ =	sdelay $0x4  }
0x1d4: {  	v8 =	vmax.f32 v56, v8  }
0x1d5: {  	[tilespmem:s29+$0xBE70] =	vst v8  }
0x1d6: {  	s30 =	spop (v2sf);
	v8 =	vld [tilespmem:s22+$0x300]  }
0x1d7: {  	v57 =	vld [tilespmem:s30+$0xBE00];
	_ =	sdelay $0x4  }
0x1d8: {  	v8 =	vmax.f32 v57, v8  }
0x1d9: {  	v58 =	vld [tilespmem:s30+$0xBE10];
	[tilespmem:s30+$0xBE00] =	vst v8  }
0x1da: {  	v8 =	vld [tilespmem:s22+$0x310];
	_ =	sdelay $0x4  }
0x1db: {  	v8 =	vmax.f32 v58, v8  }
0x1dc: {  	v59 =	vld [tilespmem:s30+$0xBE20];
	[tilespmem:s30+$0xBE10] =	vst v8  }
0x1dd: {  	v8 =	vld [tilespmem:s22+$0x320];
	_ =	sdelay $0x4  }
0x1de: {  	v8 =	vmax.f32 v59, v8  }
0x1df: {  	v60 =	vld [tilespmem:s30+$0xBE30];
	[tilespmem:s30+$0xBE20] =	vst v8  }
0x1e0: {  	v8 =	vld [tilespmem:s22+$0x330];
	_ =	sdelay $0x4  }
0x1e1: {  	v8 =	vmax.f32 v60, v8  }
0x1e2: {  	v61 =	vld [tilespmem:s30+$0xBE40];
	[tilespmem:s30+$0xBE30] =	vst v8  }
0x1e3: {  	v8 =	vld [tilespmem:s22+$0x340];
	_ =	sdelay $0x4  }
0x1e4: {  	v8 =	vmax.f32 v61, v8  }
0x1e5: {  	v62 =	vld [tilespmem:s30+$0xBE50];
	[tilespmem:s30+$0xBE40] =	vst v8  }
0x1e6: {  	v8 =	vld [tilespmem:s22+$0x350];
	_ =	sdelay $0x4  }
0x1e7: {  	v8 =	vmax.f32 v62, v8  }
0x1e8: {  	(v2sf) =	vpush v7, $0xF;
	v63 =	vld [tilespmem:s30+$0xBE60];
	[tilespmem:s30+$0xBE50] =	vst v8  }
0x1e9: {  	v8 =	vld [tilespmem:s22+$0x360];
	_ =	sdelay $0x4  }
0x1ea: {  	v7 =	vmax.f32 v63, v8  }
0x1eb: {  	v8 =	vld [tilespmem:s30+$0xBE70];
	[tilespmem:s30+$0xBE60] =	vst v7  }
0x1ec: {  	v7 =	vld [tilespmem:s22+$0x370];
	_ =	sdelay $0x4  }
0x1ed: {  	v7 =	vmax.f32 v8, v7  }
0x1ee: {  	[tilespmem:s30+$0xBE70] =	vst v7  }
0x1ef: {  	s31 =	spop (v2sf);
	v7 =	vld [tilespmem:s22+$0x380]  }
0x1f0: {  	v8 =	vld [tilespmem:s31+$0xBE00];
	_ =	sdelay $0x4  }
0x1f1: {  	v7 =	vmax.f32 v8, v7  }
0x1f2: {  	v8 =	vld [tilespmem:s31+$0xBE10];
	[tilespmem:s31+$0xBE00] =	vst v7  }
0x1f3: {  	v7 =	vld [tilespmem:s22+$0x390];
	_ =	sdelay $0x4  }
0x1f4: {  	v7 =	vmax.f32 v8, v7  }
0x1f5: {  	v8 =	vld [tilespmem:s31+$0xBE20];
	[tilespmem:s31+$0xBE10] =	vst v7  }
0x1f6: {  	v7 =	vld [tilespmem:s22+$0x3A0];
	_ =	sdelay $0x4  }
0x1f7: {  	v7 =	vmax.f32 v8, v7  }
0x1f8: {  	v8 =	vld [tilespmem:s31+$0xBE30];
	[tilespmem:s31+$0xBE20] =	vst v7  }
0x1f9: {  	v7 =	vld [tilespmem:s22+$0x3B0];
	_ =	sdelay $0x4  }
0x1fa: {  	v7 =	vmax.f32 v8, v7  }
0x1fb: {  	v8 =	vld [tilespmem:s31+$0xBE40];
	[tilespmem:s31+$0xBE30] =	vst v7  }
0x1fc: {  	v7 =	vld [tilespmem:s22+$0x3C0];
	_ =	sdelay $0x4  }
0x1fd: {  	v7 =	vmax.f32 v8, v7  }
0x1fe: {  	v8 =	vld [tilespmem:s31+$0xBE50];
	[tilespmem:s31+$0xBE40] =	vst v7  }
0x1ff: {  	v7 =	vld [tilespmem:s22+$0x3D0];
	_ =	sdelay $0x4  }
0x200: {  	v7 =	vmax.f32 v8, v7  }
0x201: {  	v8 =	vld [tilespmem:s31+$0xBE60];
	[tilespmem:s31+$0xBE50] =	vst v7  }
0x202: {  	v7 =	vld [tilespmem:s22+$0x3E0];
	_ =	sdelay $0x4  }
0x203: {  	v7 =	vmax.f32 v8, v7  }
0x204: {  	v8 =	vld [tilespmem:s31+$0xBE70];
	[tilespmem:s31+$0xBE60] =	vst v7  }
0x205: {  	v7 =	vld [tilespmem:s22+$0x3F0]  }
0x206: {  	p0 =	sne.s32 s23, $0x1C0  }
.Ltmp8:
0x207: {  	_ = 	snop;
	(pc) =	sbr.rel @p0 .LBB2_12-.Ltmp8, $3  }
0x208: {  	_ =	sdelay $0x1  }
0x209: {  	v7 =	vmax.f32 v8, v7  }
0x20a: {  	s23 =	sadd.s32 $0x40, s23;
	s22 =	sadd.s32 $0x800, s22;
	[tilespmem:s31+$0xBE70] =	vst v7  }
0x20b: {  	s20 =	sadd.s32 $0x1, s20  }
0x20c: {  	p0 =	sne.s32 s20, s19  }
.Ltmp9:
0x20d: {  	_ = 	snop;
	(pc) =	sbr.rel @p0 .LBB2_11-.Ltmp9, $4  }
.Ltmp10:
0x20e: {  	_ = 	snop;
	(pc) =	sbr.rel @!p0 .LBB2_14-.Ltmp10, $4  }
0x20f: {  	_ = 	snop  }
0x210: {  	_ = 	snop  }
0x211: {  	s21 =	sadd.s32 $0x80, s21  }
0x212: {  	_ = 	snop  }
.LBB2_15:
0x213: {  	s17 =	simm.s32 $0x0  }
0x214: {  	v8 =	vld [tilespmem:s17+$0xBE00]  }
0x215: {  	v11 =	vld [tilespmem:s17+$0xBE10]  }
0x216: {  	v10 =	vld [tilespmem:s17+$0xBE20]  }
0x217: {  	v9 =	vld [tilespmem:s17+$0xBE30]  }
0x218: {  	v6 =	vld [tilespmem:s17+$0xBE40]  }
0x219: {  	v7 =	vld [tilespmem:s17+$0xBE50];
	vm0 =	veq.f32 v8, $-Inf  }
0x21a: {  	s18 =	simm.s32 $0x200;
	v12 =	vsel vm0, $0x0, v8;
	vm0 =	veq.f32 v11, $-Inf;
	v8 =	vld [tilespmem:s17+$0xBE60]  }
.LBB2_16:
0x21b: {  	s19 =	sshra.s32 s18, $0x2;
	p0 =	sne.s32 s18, $0x27E00;
	[tilespmem:s17+$0xBE00] =	vst v12;
	v11 =	vsel vm0, $0x0, v11;
	vm0 =	veq.f32 v10, $-Inf;
	v12 =	vld [tilespmem:s17+$0xBE70]  }
0x21c: {  	v13 =	vld [tilespmem:s19+$0xBE00];
	[tilespmem:s17+$0xBE10] =	vst v11;
	v10 =	vsel vm0, $0x0, v10;
	vm0 =	veq.f32 v9, $-Inf  }
0x21d: {  	v11 =	vld [tilespmem:s19+$0xBE10];
	[tilespmem:s17+$0xBE20] =	vst v10;
	v9 =	vsel vm0, $0x0, v9;
	vm0 =	veq.f32 v6, $-Inf  }
.Ltmp11:
0x21e: {  	v10 =	vld [tilespmem:s19+$0xBE20];
	[tilespmem:s17+$0xBE30] =	vst v9;
	v6 =	vsel vm0, $0x0, v6;
	vm0 =	veq.f32 v7, $-Inf;
	(pc) =	sbr.rel @p0 .LBB2_16-.Ltmp11, $4  }
0x21f: {  	v9 =	vld [tilespmem:s19+$0xBE30];
	[tilespmem:s17+$0xBE40] =	vst v6;
	v7 =	vsel vm0, $0x0, v7;
	vm0 =	veq.f32 v8, $-Inf  }
0x220: {  	v6 =	vld [tilespmem:s19+$0xBE40];
	[tilespmem:s17+$0xBE50] =	vst v7;
	v8 =	vsel vm0, $0x0, v8;
	vm0 =	veq.f32 v12, $-Inf  }
0x221: {  	vm1 =	veq.f32 v13, $-Inf;
	v7 =	vld [tilespmem:s19+$0xBE50];
	[tilespmem:s17+$0xBE60] =	vst v8;
	v14 =	vsel vm0, $0x0, v12  }
0x222: {  	s18 =	sadd.s32 $0x200, s18;
	v12 =	vsel vm1, $0x0, v13;
	vm0 =	veq.f32 v11, $-Inf;
	v8 =	vld [tilespmem:s19+$0xBE60];
	[tilespmem:s17+$0xBE70] =	vst v14;
	s17 =	smov.u32 s19  }
0x223: {  	[tilespmem:s17+$0xBE00] =	vst v12;
	v11 =	vsel vm0, $0x0, v11;
	vm10 =	veq.f32 v10, $-Inf;
	v63 =	vld [tilespmem:s17+$0xBE70]  }
0x224: {  	[tilespmem:s17+$0xBE10] =	vst v11;
	v10 =	vsel vm10, $0x0, v10;
	vm11 =	veq.f32 v9, $-Inf  }
0x225: {  	[tilespmem:s17+$0xBE20] =	vst v10;
	v9 =	vsel vm11, $0x0, v9;
	vm12 =	veq.f32 v6, $-Inf  }
0x226: {  	[tilespmem:s17+$0xBE30] =	vst v9;
	v6 =	vsel vm12, $0x0, v6;
	vm13 =	veq.f32 v7, $-Inf  }
0x227: {  	[tilespmem:s17+$0xBE40] =	vst v6;
	v6 =	vsel vm13, $0x0, v7;
	vm14 =	veq.f32 v8, $-Inf  }
0x228: {  	s16 =	sadd.s32 $0x1, s16;
	[tilespmem:s17+$0xBE50] =	vst v6;
	v6 =	vsel vm14, $0x0, v8;
	vm15 =	veq.f32 v63, $-Inf  }
0x229: {  	p0 =	sne.s32 s16, s7;
	[tilespmem:s17+$0xBE60] =	vst v6;
	v6 =	vsel vm15, $0x0, v63  }
.Ltmp12:
0x22a: {  	[tilespmem:s17+$0xBE70] =	vst v6;
	(pc) =	sbr.rel @p0 .LBB2_1-.Ltmp12, $4  }
0x22b: {  	[hbm4b:s6+s5] =	stream.linear.scatter [tilespmem:s15], [sflag:$0x2], $0xA000, $0x38;
	[tilespmem:$0x16200] =	vst v63  }
0x22c: {  	_ =	swait.ge [sflag:s8], $0xA000  }
0x22d: {  	[sflag:s8] =	ssyncset.done $0x0  }
0x22e: {  	[sflag:s8] =	ssyncadd.s32 $0xFFFF6000  }
0x22f: {  	_ =	sfence.sel $0x180000  }
0x230: {  	[bflag:$0x0] =	sbarrier.arrive $0xFFFF  }
0x231: {  	p0 =	sne.s32 s0, $0x0;
	_ =	strace $0x90000047  }
0x232: {  	s0 =	sadd.s32 @!p0 $0x100000, s3;
	[bflag:$0x2] =	sbarrier.arrive $0xFFFF  }
0x233: {  	[sflag:s0] =	ssyncadd.tile.s32 @!p0 $0x1;
	_ =	shalt  }
.Lfunc_end2:
_tile_overlayer_lowered:
.L_overlay_start_2:
0x234: {  	(tag) =	ssettag $0x2  }
0x235: {  	s0 =	rddreg [dreg:$0x0];
	s2 =	stileid.u32  }
0x236: {  	s1 =	rddreg [dreg:$0x1];
	p0 =	sne.s32 s2, $0x0  }
0x237: {  	s3 =	rddreg [dreg:$0x2];
	[bflag:$0x3] =	sbarrier.arrive $0xFFFF;
	s2 =	simm.s32 @!p0 $0x1C02  }
0x238: {  	[timem:s3], [sflag:s2] =	dma.local @!p0 [hbm:s0], s1  }
0x239: {  	s0 =	simm.s32 @!p0 $0x2  }
0x23a: {  	_ =	swait.ge @!p0 [sflag:s0], s1  }
0x23b: {  	s1 =	ssub.s32 @!p0 $0x0, s1;
	[sflag:s0] =	ssyncset.done @!p0 $0x0  }
0x23c: {  	[sflag:s0] =	ssyncadd.s32 @!p0 s1  }
0x23d: {  	[bflag:$0x3] =	sbarrier.arrive $0xFFFF  }
0x23e: {  	_ =	shalt  }

</sc_bundles>
